<compile_context>
chip_gen: v7x
topology: tpu7x:2x2x1
jax: 0.10.2.dev20260603
libtpu: 0.0.44.dev20260713+nightly
codegen_flags: <defaults>
</compile_context>

<pallas_src>
import jax
import jax.numpy as jnp
from jax import lax
from jax.experimental import pallas as pl
from jax.experimental.pallas import tpu as pltpu
from jax.experimental.pallas import tpu_sc as plsc

VOCAB = 100000
EMBED = 16
BATCH = 1024
BAG = 20

NUM_CORES = 2
NUM_SUBCORES = 16
NUM_WORKERS = NUM_CORES * NUM_SUBCORES
B_PER_W = BATCH // NUM_WORKERS

VT = 1408
NV = 71
TAIL = VOCAB - VT * NV
NSLOT = 8


def _pool_body(idx_hbm, table_hbm, out_hbm, idx_v, rows_v, pooled_v, sem):
    wid = lax.axis_index("s") * NUM_CORES + lax.axis_index("c")
    base = wid * B_PER_W
    pltpu.sync_copy(idx_hbm.at[pl.ds(base * BAG, B_PER_W * BAG)], idx_v)
    pltpu.async_copy(table_hbm.at[idx_v], rows_v, sem).wait()
    for i in range(B_PER_W):
        r = rows_v[i * BAG, :]
        for j in range(1, BAG):
            r = r + rows_v[i * BAG + j, :]
        pooled_v[i, :] = r * (1.0 / BAG)
    pltpu.sync_copy(pooled_v, out_hbm.at[pl.ds(base, B_PER_W)])


def _pool(idx_flat, emb_table):
    return pl.kernel(
        _pool_body,
        out_type=jax.ShapeDtypeStruct((BATCH, EMBED), jnp.float32),
        mesh=plsc.VectorSubcoreMesh(core_axis_name="c", subcore_axis_name="s"),
        scratch_types=[
            pltpu.VMEM((B_PER_W * BAG,), jnp.int32),
            pltpu.VMEM((B_PER_W * BAG, EMBED), jnp.float32),
            pltpu.VMEM((B_PER_W, EMBED), jnp.float32),
            pltpu.SemaphoreType.DMA,
        ],
        compiler_params=pltpu.CompilerParams(use_tc_tiling_on_sc=False),
    )(idx_flat, emb_table)


def _stripe_copy(acc, out_hbm, sems, slot, v):
    return pltpu.make_async_copy(
        acc.at[slot], out_hbm.at[:, pl.ds(v * VT, VT)], sems.at[slot])


def _proj_body(pooled_hbm, wt_hbm, b_hbm, out_hbm,
               pooled_v, wt_v, b_v, acc, acc_t, sems, sem_t, sem_in):
    in_cps = [
        pltpu.make_async_copy(pooled_hbm, pooled_v, sem_in.at[0]),
        pltpu.make_async_copy(wt_hbm, wt_v, sem_in.at[1]),
        pltpu.make_async_copy(b_hbm, b_v, sem_in.at[2]),
    ]
    for cp in in_cps:
        cp.start()
    for cp in in_cps:
        cp.wait()

    def step(v, carry):
        slot = lax.rem(v, NSLOT)
        col = pl.multiple_of(v * VT, 128)

        @pl.when(v >= NSLOT)
        def _():
            _stripe_copy(acc, out_hbm, sems, slot, v - NSLOT).wait()

        acc[slot] = (
            jnp.dot(pooled_v[...], wt_v[:, pl.ds(col, VT)],
                    preferred_element_type=jnp.float32)
            + b_v[:, pl.ds(col, VT)]
        )
        _stripe_copy(acc, out_hbm, sems, slot, v).start()
        return carry

    lax.fori_loop(0, NV, step, 0)

    acc_t[...] = (
        jnp.dot(pooled_v[...], wt_v[:, pl.ds(VT * NV, TAIL)],
                preferred_element_type=jnp.float32)
        + b_v[:, pl.ds(VT * NV, TAIL)]
    )
    tail_cp = pltpu.make_async_copy(
        acc_t, out_hbm.at[:, pl.ds(VT * NV, TAIL)], sem_t)
    tail_cp.start()
    for back in range(NSLOT):
        v = NV - 1 - back
        _stripe_copy(acc, out_hbm, sems, v % NSLOT, v).wait()
    tail_cp.wait()


_proj = pl.pallas_call(
    _proj_body,
    in_specs=[
        pl.BlockSpec(memory_space=pl.ANY),
        pl.BlockSpec(memory_space=pl.ANY),
        pl.BlockSpec(memory_space=pl.ANY),
    ],
    out_specs=pl.BlockSpec(memory_space=pl.ANY),
    out_shape=jax.ShapeDtypeStruct((BATCH, VOCAB), jnp.float32),
    scratch_shapes=[
        pltpu.VMEM((BATCH, EMBED), jnp.float32),
        pltpu.VMEM((EMBED, VOCAB), jnp.float32),
        pltpu.VMEM((1, VOCAB), jnp.float32),
        pltpu.VMEM((NSLOT, BATCH, VT), jnp.float32),
        pltpu.VMEM((BATCH, TAIL), jnp.float32),
        pltpu.SemaphoreType.DMA((NSLOT,)),
        pltpu.SemaphoreType.DMA,
        pltpu.SemaphoreType.DMA((3,)),
    ],
    compiler_params=pltpu.CompilerParams(
        vmem_limit_bytes=64 * 1024 * 1024,
    ),
)


def kernel(inputs, emb_table, W, b):
    idx_flat = inputs.reshape(-1).astype(jnp.int32)
    pooled = _pool(idx_flat, emb_table)
    return _proj(pooled, W.T, b.reshape(1, VOCAB))

# --- scband reference (transcript-rebuilt; emitter-appended) ---
"""Pipeline reference for scband-word2-vec-model-10230612099739 (READ-ONLY COPY).

The authoritative reference and input builder live on the scoring server;
editing this copy changes nothing except your own understanding.
"""

import jax, jax.numpy as jnp
import numpy as np

VOCAB = 100000
EMBED_DIM = 16
BATCH = 1024
BAG = 20

def setup_inputs(seed: int = 0) -> dict:
    key = jax.random.key(seed)
    k1, k2, k3, k4 = jax.random.split(key, 4)
    inputs = jax.random.randint(k1, (BATCH, BAG), 0, VOCAB, dtype=jnp.int64) if jax.config.jax_enable_x64 else jax.random.randint(k1, (BATCH, BAG), 0, VOCAB, dtype=jnp.int32)
    emb_table = jax.random.normal(k2, (VOCAB, EMBED_DIM), dtype=jnp.float32)
    # nn.Linear(embedding_dim, vocab_size): weight [vocab, embed_dim], bias [vocab]
    lim = 1.0 / np.sqrt(EMBED_DIM)
    W = jax.random.uniform(k3, (VOCAB, EMBED_DIM), dtype=jnp.float32, minval=-lim, maxval=lim)
    b = jax.random.uniform(k4, (VOCAB,), dtype=jnp.float32, minval=-lim, maxval=lim)
    return {"inputs": inputs, "emb_table": emb_table, "W": W, "b": b}

def reference(inputs, emb_table, W, b):
    # CBOW path (skip_gram=False)
    flat = inputs.reshape(-1)
    embedding_vectors = jnp.take(emb_table, flat, axis=0)
    embedding_vectors = embedding_vectors.reshape(BATCH, -1, EMBED_DIM)
    pooled = jnp.sum(embedding_vectors, axis=1) / BAG
    vocab_vectors = pooled @ W.T + b
    return vocab_vectors

if __name__ == "__main__":
    import jax
    _d = setup_inputs()
    print(jax.jit(kernel)(*tuple(_d.values())))

</pallas_src>

<mosaic_0001>
#map = affine_map<(d0, d1) -> (0)>
#map1 = affine_map<(d0, d1) -> (0, 0)>
module attributes {stable_mosaic.version = 14 : i64} {
  func.func @_pool_body(%arg0: i32, %arg1: i32, %arg2: memref<20480xi32, #tpu.memory_space<hbm>>, %arg3: memref<100000x16xf32, #tpu.memory_space<hbm>>, %arg4: memref<1024x16xf32, #tpu.memory_space<hbm>>, %arg5: memref<640xi32, #tpu.memory_space<vmem>>, %arg6: memref<640x16xf32, #tpu.memory_space<vmem>>, %arg7: memref<32x16xf32, #tpu.memory_space<vmem>>, %arg8: memref<!tpu.dma_semaphore, #tpu.memory_space<semaphore_mem>>) attributes {dimension_semantics = [#tpu.dimension_semantics<core_parallel>, #tpu.dimension_semantics<subcore_parallel>], iteration_bounds = array<i64: 2, 16>, scalar_prefetch = 0 : i64, scratch_operands = 4 : i64, tpu.core_type = #tpu.core_type<sc_vector_subcore>, window_params = [{transform_indices = #map}, {transform_indices = #map1}, {transform_indices = #map1}]} {
    %mul3A = arith.constant 2 : i32
    %mul3A_0 = arith.muli %arg1, %mul3A : i32
    %add3A = arith.addi %mul3A_0, %arg0 : i32
    %mul3A_1 = arith.constant 32 : i32
    %mul3A_2 = arith.muli %add3A, %mul3A_1 : i32
    %mul3A_3 = arith.constant 20 : i32
    %mul3A_4 = arith.muli %mul3A_2, %mul3A_3 : i32
    "tpu.region"() ({
      %run_scoped3A = tpu.sem_alloc : memref<!tpu.dma_semaphore, #tpu.memory_space<semaphore_mem>>
      %dma_start3A_4103 = tpu.memref_slice %arg2[%mul3A_4] : memref<20480xi32, #tpu.memory_space<hbm>> -> memref<640xi32, #tpu.memory_space<hbm>>
      %dma_start3A_4104 = tpu.memref_slice %arg2[%mul3A_4] : memref<20480xi32, #tpu.memory_space<hbm>> -> memref<640xi32, #tpu.memory_space<hbm>>
      tpu.enqueue_dma source(%dma_start3A_4104 : memref<640xi32, #tpu.memory_space<hbm>>) target(%arg5 : memref<640xi32, #tpu.memory_space<vmem>>) target_semaphore(%run_scoped3A : memref<!tpu.dma_semaphore, #tpu.memory_space<semaphore_mem>>)
      %dma_wait3A_4105 = tpu.memref_slice %arg2[%mul3A_4] : memref<20480xi32, #tpu.memory_space<hbm>> -> memref<640xi32, #tpu.memory_space<hbm>>
      %dma_wait3A_4106 = tpu.memref_slice %arg2[%mul3A_4] : memref<20480xi32, #tpu.memory_space<hbm>> -> memref<640xi32, #tpu.memory_space<hbm>>
      tpu.wait_dma2 semaphore(%run_scoped3A : memref<!tpu.dma_semaphore, #tpu.memory_space<semaphore_mem>>) src(%dma_wait3A_4106 : memref<640xi32, #tpu.memory_space<hbm>>) dst(%arg5 : memref<640xi32, #tpu.memory_space<vmem>>)
      tpu.yield
    }) : () -> ()
    %dma_start3A = arith.constant 0 : i32
    %dma_start3A_5 = arith.constant 0 : i32
    %dma_start3A_6 = tpu.memref_slice %arg3[%dma_start3A, %dma_start3A_5] : memref<100000x16xf32, #tpu.memory_space<hbm>> -> memref<100000x16xf32, #tpu.memory_space<hbm>>
    tpu.enqueue_indirect_dma source(%dma_start3A_6 : memref<100000x16xf32, #tpu.memory_space<hbm>>) target(%arg6 : memref<640x16xf32, #tpu.memory_space<vmem>>) offsets(%arg5 : memref<640xi32, #tpu.memory_space<vmem>>) semaphore(%arg8 : memref<!tpu.dma_semaphore, #tpu.memory_space<semaphore_mem>>)
    %dma_wait3A = arith.constant 0 : i32
    %dma_wait3A_7 = arith.constant 0 : i32
    %dma_wait3A_8 = tpu.memref_slice %arg3[%dma_wait3A, %dma_wait3A_7] : memref<100000x16xf32, #tpu.memory_space<hbm>> -> memref<100000x16xf32, #tpu.memory_space<hbm>>
    tpu.wait_indirect_dma semaphore(%arg8 : memref<!tpu.dma_semaphore, #tpu.memory_space<semaphore_mem>>) src(%dma_wait3A_8 : memref<100000x16xf32, #tpu.memory_space<hbm>>) dst(%arg6 : memref<640x16xf32, #tpu.memory_space<vmem>>)
    %get3A = arith.constant 0 : i32
    %get3A_9 = arith.index_cast %get3A : i32 to index
    %get3A_10 = arith.constant 0 : index
    %get3A_11 = tpu.vector_load %arg6[%get3A_9, %get3A_10] {strides = array<i32>} : memref<640x16xf32, #tpu.memory_space<vmem>>, vector<1x16xf32>,
    %get3A_12 = vector.shape_cast %get3A_11 : vector<1x16xf32> to vector<16xf32>
    %get3A_13 = arith.constant 1 : i32
    %get3A_14 = arith.index_cast %get3A_13 : i32 to index
    %get3A_15 = arith.constant 0 : index
    %get3A_16 = tpu.vector_load %arg6[%get3A_14, %get3A_15] {strides = array<i32>} : memref<640x16xf32, #tpu.memory_space<vmem>>, vector<1x16xf32>,
    %get3A_17 = vector.shape_cast %get3A_16 : vector<1x16xf32> to vector<16xf32>
    %add3A_18 = arith.addf %get3A_12, %get3A_17 : vector<16xf32>
    %get3A_19 = arith.constant 2 : i32
    %get3A_20 = arith.index_cast %get3A_19 : i32 to index
    %get3A_21 = arith.constant 0 : index
    %get3A_22 = tpu.vector_load %arg6[%get3A_20, %get3A_21] {strides = array<i32>} : memref<640x16xf32, #tpu.memory_space<vmem>>, vector<1x16xf32>,
    %get3A_23 = vector.shape_cast %get3A_22 : vector<1x16xf32> to vector<16xf32>
    %add3A_24 = arith.addf %add3A_18, %get3A_23 : vector<16xf32>
    %get3A_25 = arith.constant 3 : i32
    %get3A_26 = arith.index_cast %get3A_25 : i32 to index
    %get3A_27 = arith.constant 0 : index
    %get3A_28 = tpu.vector_load %arg6[%get3A_26, %get3A_27] {strides = array<i32>} : memref<640x16xf32, #tpu.memory_space<vmem>>, vector<1x16xf32>,
    %get3A_29 = vector.shape_cast %get3A_28 : vector<1x16xf32> to vector<16xf32>
    %add3A_30 = arith.addf %add3A_24, %get3A_29 : vector<16xf32>
    %get3A_31 = arith.constant 4 : i32
    %get3A_32 = arith.index_cast %get3A_31 : i32 to index
    %get3A_33 = arith.constant 0 : index
    %get3A_34 = tpu.vector_load %arg6[%get3A_32, %get3A_33] {strides = array<i32>} : memref<640x16xf32, #tpu.memory_space<vmem>>, vector<1x16xf32>,
    %get3A_35 = vector.shape_cast %get3A_34 : vector<1x16xf32> to vector<16xf32>
    %add3A_36 = arith.addf %add3A_30, %get3A_35 : vector<16xf32>
    %get3A_37 = arith.constant 5 : i32
    %get3A_38 = arith.index_cast %get3A_37 : i32 to index
    %get3A_39 = arith.constant 0 : index
    %get3A_40 = tpu.vector_load %arg6[%get3A_38, %get3A_39] {strides = array<i32>} : memref<640x16xf32, #tpu.memory_space<vmem>>, vector<1x16xf32>,
    %get3A_41 = vector.shape_cast %get3A_40 : vector<1x16xf32> to vector<16xf32>
    %add3A_42 = arith.addf %add3A_36, %get3A_41 : vector<16xf32>
    %get3A_43 = arith.constant 6 : i32
    %get3A_44 = arith.index_cast %get3A_43 : i32 to index
    %get3A_45 = arith.constant 0 : index
    %get3A_46 = tpu.vector_load %arg6[%get3A_44, %get3A_45] {strides = array<i32>} : memref<640x16xf32, #tpu.memory_space<vmem>>, vector<1x16xf32>,
    %get3A_47 = vector.shape_cast %get3A_46 : vector<1x16xf32> to vector<16xf32>
    %add3A_48 = arith.addf %add3A_42, %get3A_47 : vector<16xf32>
    %get3A_49 = arith.constant 7 : i32
    %get3A_50 = arith.index_cast %get3A_49 : i32 to index
    %get3A_51 = arith.constant 0 : index
    %get3A_52 = tpu.vector_load %arg6[%get3A_50, %get3A_51] {strides = array<i32>} : memref<640x16xf32, #tpu.memory_space<vmem>>, vector<1x16xf32>,
    %get3A_53 = vector.shape_cast %get3A_52 : vector<1x16xf32> to vector<16xf32>
    %add3A_54 = arith.addf %add3A_48, %get3A_53 : vector<16xf32>
    %get3A_55 = arith.constant 8 : i32
    %get3A_56 = arith.index_cast %get3A_55 : i32 to index
    %get3A_57 = arith.constant 0 : index
    %get3A_58 = tpu.vector_load %arg6[%get3A_56, %get3A_57] {strides = array<i32>} : memref<640x16xf32, #tpu.memory_space<vmem>>, vector<1x16xf32>,
    %get3A_59 = vector.shape_cast %get3A_58 : vector<1x16xf32> to vector<16xf32>
    %add3A_60 = arith.addf %add3A_54, %get3A_59 : vector<16xf32>
    %get3A_61 = arith.constant 9 : i32
    %get3A_62 = arith.index_cast %get3A_61 : i32 to index
    %get3A_63 = arith.constant 0 : index
    %get3A_64 = tpu.vector_load %arg6[%get3A_62, %get3A_63] {strides = array<i32>} : memref<640x16xf32, #tpu.memory_space<vmem>>, vector<1x16xf32>,
    %get3A_65 = vector.shape_cast %get3A_64 : vector<1x16xf32> to vector<16xf32>
    %add3A_66 = arith.addf %add3A_60, %get3A_65 : vector<16xf32>
    %get3A_67 = arith.constant 10 : i32
    %get3A_68 = arith.index_cast %get3A_67 : i32 to index
    %get3A_69 = arith.constant 0 : index
    %get3A_70 = tpu.vector_load %arg6[%get3A_68, %get3A_69] {strides = array<i32>} : memref<640x16xf32, #tpu.memory_space<vmem>>, vector<1x16xf32>,
    %get3A_71 = vector.shape_cast %get3A_70 : vector<1x16xf32> to vector<16xf32>
    %add3A_72 = arith.addf %add3A_66, %get3A_71 : vector<16xf32>
    %get3A_73 = arith.constant 11 : i32
    %get3A_74 = arith.index_cast %get3A_73 : i32 to index
    %get3A_75 = arith.constant 0 : index
    %get3A_76 = tpu.vector_load %arg6[%get3A_74, %get3A_75] {strides = array<i32>} : memref<640x16xf32, #tpu.memory_space<vmem>>, vector<1x16xf32>,
    %get3A_77 = vector.shape_cast %get3A_76 : vector<1x16xf32> to vector<16xf32>
    %add3A_78 = arith.addf %add3A_72, %get3A_77 : vector<16xf32>
    %get3A_79 = arith.constant 12 : i32
    %get3A_80 = arith.index_cast %get3A_79 : i32 to index
    %get3A_81 = arith.constant 0 : index
    %get3A_82 = tpu.vector_load %arg6[%get3A_80, %get3A_81] {strides = array<i32>} : memref<640x16xf32, #tpu.memory_space<vmem>>, vector<1x16xf32>,
    %get3A_83 = vector.shape_cast %get3A_82 : vector<1x16xf32> to vector<16xf32>
    %add3A_84 = arith.addf %add3A_78, %get3A_83 : vector<16xf32>
    %get3A_85 = arith.constant 13 : i32
    %get3A_86 = arith.index_cast %get3A_85 : i32 to index
    %get3A_87 = arith.constant 0 : index
    %get3A_88 = tpu.vector_load %arg6[%get3A_86, %get3A_87] {strides = array<i32>} : memref<640x16xf32, #tpu.memory_space<vmem>>, vector<1x16xf32>,
    %get3A_89 = vector.shape_cast %get3A_88 : vector<1x16xf32> to vector<16xf32>
    %add3A_90 = arith.addf %add3A_84, %get3A_89 : vector<16xf32>
    %get3A_91 = arith.constant 14 : i32
    %get3A_92 = arith.index_cast %get3A_91 : i32 to index
    %get3A_93 = arith.constant 0 : index
    %get3A_94 = tpu.vector_load %arg6[%get3A_92, %get3A_93] {strides = array<i32>} : memref<640x16xf32, #tpu.memory_space<vmem>>, vector<1x16xf32>,
    %get3A_95 = vector.shape_cast %get3A_94 : vector<1x16xf32> to vector<16xf32>
    %add3A_96 = arith.addf %add3A_90, %get3A_95 : vector<16xf32>
    %get3A_97 = arith.constant 15 : i32
    %get3A_98 = arith.index_cast %get3A_97 : i32 to index
    %get3A_99 = arith.constant 0 : index
    %get3A_100 = tpu.vector_load %arg6[%get3A_98, %get3A_99] {strides = array<i32>} : memref<640x16xf32, #tpu.memory_space<vmem>>, vector<1x16xf32>,
    %get3A_101 = vector.shape_cast %get3A_100 : vector<1x16xf32> to vector<16xf32>
    %add3A_102 = arith.addf %add3A_96, %get3A_101 : vector<16xf32>
    %get3A_103 = arith.constant 16 : i32
    %get3A_104 = arith.index_cast %get3A_103 : i32 to index
    %get3A_105 = arith.constant 0 : index
    %get3A_106 = tpu.vector_load %arg6[%get3A_104, %get3A_105] {strides = array<i32>} : memref<640x16xf32, #tpu.memory_space<vmem>>, vector<1x16xf32>,
    %get3A_107 = vector.shape_cast %get3A_106 : vector<1x16xf32> to vector<16xf32>
    %add3A_108 = arith.addf %add3A_102, %get3A_107 : vector<16xf32>
    %get3A_109 = arith.constant 17 : i32
    %get3A_110 = arith.index_cast %get3A_109 : i32 to index
    %get3A_111 = arith.constant 0 : index
    %get3A_112 = tpu.vector_load %arg6[%get3A_110, %get3A_111] {strides = array<i32>} : memref<640x16xf32, #tpu.memory_space<vmem>>, vector<1x16xf32>,
    %get3A_113 = vector.shape_cast %get3A_112 : vector<1x16xf32> to vector<16xf32>
    %add3A_114 = arith.addf %add3A_108, %get3A_113 : vector<16xf32>
    %get3A_115 = arith.constant 18 : i32
    %get3A_116 = arith.index_cast %get3A_115 : i32 to index
    %get3A_117 = arith.constant 0 : index
    %get3A_118 = tpu.vector_load %arg6[%get3A_116, %get3A_117] {strides = array<i32>} : memref<640x16xf32, #tpu.memory_space<vmem>>, vector<1x16xf32>,
    %get3A_119 = vector.shape_cast %get3A_118 : vector<1x16xf32> to vector<16xf32>
    %add3A_120 = arith.addf %add3A_114, %get3A_119 : vector<16xf32>
    %get3A_121 = arith.constant 19 : i32
    %get3A_122 = arith.index_cast %get3A_121 : i32 to index
    %get3A_123 = arith.constant 0 : index
    %get3A_124 = tpu.vector_load %arg6[%get3A_122, %get3A_123] {strides = array<i32>} : memref<640x16xf32, #tpu.memory_space<vmem>>, vector<1x16xf32>,
    %get3A_125 = vector.shape_cast %get3A_124 : vector<1x16xf32> to vector<16xf32>
    %add3A_126 = arith.addf %add3A_120, %get3A_125 : vector<16xf32>
    %mul3A_127 = arith.constant 5.000000e-02 : f32
    %mul3A_128 = vector.broadcast %mul3A_127 : f32 to vector<16xf32>
    %mul3A_129 = arith.mulf %add3A_126, %mul3A_128 : vector<16xf32>
    %swap3A = arith.constant 0 : i32
    %swap3A_130 = arith.index_cast %swap3A : i32 to index
    %swap3A_131 = arith.constant 0 : index
    %swap3A_132 = tpu.vector_load %arg7[%swap3A_130, %swap3A_131] {strides = array<i32>} : memref<32x16xf32, #tpu.memory_space<vmem>>, vector<1x16xf32>,
    %swap3A_133 = vector.shape_cast %swap3A_132 : vector<1x16xf32> to vector<16xf32>
    %swap3A_134 = vector.shape_cast %mul3A_129 : vector<16xf32> to vector<1x16xf32>
    tpu.vector_store %arg7[%swap3A_130, %swap3A_131], %swap3A_134 {strides = array<i32>} : memref<32x16xf32, #tpu.memory_space<vmem>>, vector<1x16xf32>,
    %get3A_135 = arith.constant 20 : i32
    %get3A_136 = arith.index_cast %get3A_135 : i32 to index
    %get3A_137 = arith.constant 0 : index
    %get3A_138 = tpu.vector_load %arg6[%get3A_136, %get3A_137] {strides = array<i32>} : memref<640x16xf32, #tpu.memory_space<vmem>>, vector<1x16xf32>,
    %get3A_139 = vector.shape_cast %get3A_138 : vector<1x16xf32> to vector<16xf32>
    %get3A_140 = arith.constant 21 : i32
    %get3A_141 = arith.index_cast %get3A_140 : i32 to index
    %get3A_142 = arith.constant 0 : index
    %get3A_143 = tpu.vector_load %arg6[%get3A_141, %get3A_142] {strides = array<i32>} : memref<640x16xf32, #tpu.memory_space<vmem>>, vector<1x16xf32>,
    %get3A_144 = vector.shape_cast %get3A_143 : vector<1x16xf32> to vector<16xf32>
    %add3A_145 = arith.addf %get3A_139, %get3A_144 : vector<16xf32>
    %get3A_146 = arith.constant 22 : i32
    %get3A_147 = arith.index_cast %get3A_146 : i32 to index
    %get3A_148 = arith.constant 0 : index
    %get3A_149 = tpu.vector_load %arg6[%get3A_147, %get3A_148] {strides = array<i32>} : memref<640x16xf32, #tpu.memory_space<vmem>>, vector<1x16xf32>,
    %get3A_150 = vector.shape_cast %get3A_149 : vector<1x16xf32> to vector<16xf32>
    %add3A_151 = arith.addf %add3A_145, %get3A_150 : vector<16xf32>
    %get3A_152 = arith.constant 23 : i32
    %get3A_153 = arith.index_cast %get3A_152 : i32 to index
    %get3A_154 = arith.constant 0 : index
    %get3A_155 = tpu.vector_load %arg6[%get3A_153, %get3A_154] {strides = array<i32>} : memref<640x16xf32, #tpu.memory_space<vmem>>, vector<1x16xf32>,
    %get3A_156 = vector.shape_cast %get3A_155 : vector<1x16xf32> to vector<16xf32>
    %add3A_157 = arith.addf %add3A_151, %get3A_156 : vector<16xf32>
    %get3A_158 = arith.constant 24 : i32
    %get3A_159 = arith.index_cast %get3A_158 : i32 to index
    %get3A_160 = arith.constant 0 : index
    %get3A_161 = tpu.vector_load %arg6[%get3A_159, %get3A_160] {strides = array<i32>} : memref<640x16xf32, #tpu.memory_space<vmem>>, vector<1x16xf32>,
    %get3A_162 = vector.shape_cast %get3A_161 : vector<1x16xf32> to vector<16xf32>
    %add3A_163 = arith.addf %add3A_157, %get3A_162 : vector<16xf32>
    %get3A_164 = arith.constant 25 : i32
    %get3A_165 = arith.index_cast %get3A_164 : i32 to index
    %get3A_166 = arith.constant 0 : index
    %get3A_167 = tpu.vector_load %arg6[%get3A_165, %get3A_166] {strides = array<i32>} : memref<640x16xf32, #tpu.memory_space<vmem>>, vector<1x16xf32>,
    %get3A_168 = vector.shape_cast %get3A_167 : vector<1x16xf32> to vector<16xf32>
    %add3A_169 = arith.addf %add3A_163, %get3A_168 : vector<16xf32>
    %get3A_170 = arith.constant 26 : i32
    %get3A_171 = arith.index_cast %get3A_170 : i32 to index
    %get3A_172 = arith.constant 0 : index
    %get3A_173 = tpu.vector_load %arg6[%get3A_171, %get3A_172] {strides = array<i32>} : memref<640x16xf32, #tpu.memory_space<vmem>>, vector<1x16xf32>,
    %get3A_174 = vector.shape_cast %get3A_173 : vector<1x16xf32> to vector<16xf32>
    %add3A_175 = arith.addf %add3A_169, %get3A_174 : vector<16xf32>
    %get3A_176 = arith.constant 27 : i32
    %get3A_177 = arith.index_cast %get3A_176 : i32 to index
    %get3A_178 = arith.constant 0 : index
    %get3A_179 = tpu.vector_load %arg6[%get3A_177, %get3A_178] {strides = array<i32>} : memref<640x16xf32, #tpu.memory_space<vmem>>, vector<1x16xf32>,
    %get3A_180 = vector.shape_cast %get3A_179 : vector<1x16xf32> to vector<16xf32>
    %add3A_181 = arith.addf %add3A_175, %get3A_180 : vector<16xf32>
    %get3A_182 = arith.constant 28 : i32
    %get3A_183 = arith.index_cast %get3A_182 : i32 to index
    %get3A_184 = arith.constant 0 : index
    %get3A_185 = tpu.vector_load %arg6[%get3A_183, %get3A_184] {strides = array<i32>} : memref<640x16xf32, #tpu.memory_space<vmem>>, vector<1x16xf32>,
    %get3A_186 = vector.shape_cast %get3A_185 : vector<1x16xf32> to vector<16xf32>
    %add3A_187 = arith.addf %add3A_181, %get3A_186 : vector<16xf32>
    %get3A_188 = arith.constant 29 : i32
    %get3A_189 = arith.index_cast %get3A_188 : i32 to index
    %get3A_190 = arith.constant 0 : index
    %get3A_191 = tpu.vector_load %arg6[%get3A_189, %get3A_190] {strides = array<i32>} : memref<640x16xf32, #tpu.memory_space<vmem>>, vector<1x16xf32>,
    %get3A_192 = vector.shape_cast %get3A_191 : vector<1x16xf32> to vector<16xf32>
    %add3A_193 = arith.addf %add3A_187, %get3A_192 : vector<16xf32>
    %get3A_194 = arith.constant 30 : i32
    %get3A_195 = arith.index_cast %get3A_194 : i32 to index
    %get3A_196 = arith.constant 0 : index
    %get3A_197 = tpu.vector_load %arg6[%get3A_195, %get3A_196] {strides = array<i32>} : memref<640x16xf32, #tpu.memory_space<vmem>>, vector<1x16xf32>,
    %get3A_198 = vector.shape_cast %get3A_197 : vector<1x16xf32> to vector<16xf32>
    %add3A_199 = arith.addf %add3A_193, %get3A_198 : vector<16xf32>
    %get3A_200 = arith.constant 31 : i32
    %get3A_201 = arith.index_cast %get3A_200 : i32 to index
    %get3A_202 = arith.constant 0 : index
    %get3A_203 = tpu.vector_load %arg6[%get3A_201, %get3A_202] {strides = array<i32>} : memref<640x16xf32, #tpu.memory_space<vmem>>, vector<1x16xf32>,
    %get3A_204 = vector.shape_cast %get3A_203 : vector<1x16xf32> to vector<16xf32>
    %add3A_205 = arith.addf %add3A_199, %get3A_204 : vector<16xf32>
    %get3A_206 = arith.constant 32 : i32
    %get3A_207 = arith.index_cast %get3A_206 : i32 to index
    %get3A_208 = arith.constant 0 : index
    %get3A_209 = tpu.vector_load %arg6[%get3A_207, %get3A_208] {strides = array<i32>} : memref<640x16xf32, #tpu.memory_space<vmem>>, vector<1x16xf32>,
    %get3A_210 = vector.shape_cast %get3A_209 : vector<1x16xf32> to vector<16xf32>
    %add3A_211 = arith.addf %add3A_205, %get3A_210 : vector<16xf32>
    %get3A_212 = arith.constant 33 : i32
    %get3A_213 = arith.index_cast %get3A_212 : i32 to index
    %get3A_214 = arith.constant 0 : index
    %get3A_215 = tpu.vector_load %arg6[%get3A_213, %get3A_214] {strides = array<i32>} : memref<640x16xf32, #tpu.memory_space<vmem>>, vector<1x16xf32>,
    %get3A_216 = vector.shape_cast %get3A_215 : vector<1x16xf32> to vector<16xf32>
    %add3A_217 = arith.addf %add3A_211, %get3A_216 : vector<16xf32>
    %get3A_218 = arith.constant 34 : i32
    %get3A_219 = arith.index_cast %get3A_218 : i32 to index
    %get3A_220 = arith.constant 0 : index
    %get3A_221 = tpu.vector_load %arg6[%get3A_219, %get3A_220] {strides = array<i32>} : memref<640x16xf32, #tpu.memory_space<vmem>>, vector<1x16xf32>,
    %get3A_222 = vector.shape_cast %get3A_221 : vector<1x16xf32> to vector<16xf32>
    %add3A_223 = arith.addf %add3A_217, %get3A_222 : vector<16xf32>
    %get3A_224 = arith.constant 35 : i32
    %get3A_225 = arith.index_cast %get3A_224 : i32 to index
    %get3A_226 = arith.constant 0 : index
    %get3A_227 = tpu.vector_load %arg6[%get3A_225, %get3A_226] {strides = array<i32>} : memref<640x16xf32, #tpu.memory_space<vmem>>, vector<1x16xf32>,
    %get3A_228 = vector.shape_cast %get3A_227 : vector<1x16xf32> to vector<16xf32>
    %add3A_229 = arith.addf %add3A_223, %get3A_228 : vector<16xf32>
    %get3A_230 = arith.constant 36 : i32
    %get3A_231 = arith.index_cast %get3A_230 : i32 to index
    %get3A_232 = arith.constant 0 : index
    %get3A_233 = tpu.vector_load %arg6[%get3A_231, %get3A_232] {strides = array<i32>} : memref<640x16xf32, #tpu.memory_space<vmem>>, vector<1x16xf32>,
    %get3A_234 = vector.shape_cast %get3A_233 : vector<1x16xf32> to vector<16xf32>
    %add3A_235 = arith.addf %add3A_229, %get3A_234 : vector<16xf32>
    %get3A_236 = arith.constant 37 : i32
    %get3A_237 = arith.index_cast %get3A_236 : i32 to index
    %get3A_238 = arith.constant 0 : index
    %get3A_239 = tpu.vector_load %arg6[%get3A_237, %get3A_238] {strides = array<i32>} : memref<640x16xf32, #tpu.memory_space<vmem>>, vector<1x16xf32>,
    %get3A_240 = vector.shape_cast %get3A_239 : vector<1x16xf32> to vector<16xf32>
    %add3A_241 = arith.addf %add3A_235, %get3A_240 : vector<16xf32>
    %get3A_242 = arith.constant 38 : i32
    %get3A_243 = arith.index_cast %get3A_242 : i32 to index
    %get3A_244 = arith.constant 0 : index
    %get3A_245 = tpu.vector_load %arg6[%get3A_243, %get3A_244] {strides = array<i32>} : memref<640x16xf32, #tpu.memory_space<vmem>>, vector<1x16xf32>,
    %get3A_246 = vector.shape_cast %get3A_245 : vector<1x16xf32> to vector<16xf32>
    %add3A_247 = arith.addf %add3A_241, %get3A_246 : vector<16xf32>
    %get3A_248 = arith.constant 39 : i32
    %get3A_249 = arith.index_cast %get3A_248 : i32 to index
    %get3A_250 = arith.constant 0 : index
    %get3A_251 = tpu.vector_load %arg6[%get3A_249, %get3A_250] {strides = array<i32>} : memref<640x16xf32, #tpu.memory_space<vmem>>, vector<1x16xf32>,
    %get3A_252 = vector.shape_cast %get3A_251 : vector<1x16xf32> to vector<16xf32>
    %add3A_253 = arith.addf %add3A_247, %get3A_252 : vector<16xf32>
    %mul3A_254 = arith.constant 5.000000e-02 : f32
    %mul3A_255 = vector.broadcast %mul3A_254 : f32 to vector<16xf32>
    %mul3A_256 = arith.mulf %add3A_253, %mul3A_255 : vector<16xf32>
    %swap3A_257 = arith.constant 1 : i32
    %swap3A_258 = arith.index_cast %swap3A_257 : i32 to index
    %swap3A_259 = arith.constant 0 : index
    %swap3A_260 = tpu.vector_load %arg7[%swap3A_258, %swap3A_259] {strides = array<i32>} : memref<32x16xf32, #tpu.memory_space<vmem>>, vector<1x16xf32>,
    %swap3A_261 = vector.shape_cast %swap3A_260 : vector<1x16xf32> to vector<16xf32>
    %swap3A_262 = vector.shape_cast %mul3A_256 : vector<16xf32> to vector<1x16xf32>
    tpu.vector_store %arg7[%swap3A_258, %swap3A_259], %swap3A_262 {strides = array<i32>} : memref<32x16xf32, #tpu.memory_space<vmem>>, vector<1x16xf32>,
    %get3A_263 = arith.constant 40 : i32
    %get3A_264 = arith.index_cast %get3A_263 : i32 to index
    %get3A_265 = arith.constant 0 : index
    %get3A_266 = tpu.vector_load %arg6[%get3A_264, %get3A_265] {strides = array<i32>} : memref<640x16xf32, #tpu.memory_space<vmem>>, vector<1x16xf32>,
    %get3A_267 = vector.shape_cast %get3A_266 : vector<1x16xf32> to vector<16xf32>
    %get3A_268 = arith.constant 41 : i32
    %get3A_269 = arith.index_cast %get3A_268 : i32 to index
    %get3A_270 = arith.constant 0 : index
    %get3A_271 = tpu.vector_load %arg6[%get3A_269, %get3A_270] {strides = array<i32>} : memref<640x16xf32, #tpu.memory_space<vmem>>, vector<1x16xf32>,
    %get3A_272 = vector.shape_cast %get3A_271 : vector<1x16xf32> to vector<16xf32>
    %add3A_273 = arith.addf %get3A_267, %get3A_272 : vector<16xf32>
    %get3A_274 = arith.constant 42 : i32
    %get3A_275 = arith.index_cast %get3A_274 : i32 to index
    %get3A_276 = arith.constant 0 : index
    %get3A_277 = tpu.vector_load %arg6[%get3A_275, %get3A_276] {strides = array<i32>} : memref<640x16xf32, #tpu.memory_space<vmem>>, vector<1x16xf32>,
    %get3A_278 = vector.shape_cast %get3A_277 : vector<1x16xf32> to vector<16xf32>
    %add3A_279 = arith.addf %add3A_273, %get3A_278 : vector<16xf32>
    %get3A_280 = arith.constant 43 : i32
    %get3A_281 = arith.index_cast %get3A_280 : i32 to index
    %get3A_282 = arith.constant 0 : index
    %get3A_283 = tpu.vector_load %arg6[%get3A_281, %get3A_282] {strides = array<i32>} : memref<640x16xf32, #tpu.memory_space<vmem>>, vector<1x16xf32>,
    %get3A_284 = vector.shape_cast %get3A_283 : vector<1x16xf32> to vector<16xf32>
    %add3A_285 = arith.addf %add3A_279, %get3A_284 : vector<16xf32>
    %get3A_286 = arith.constant 44 : i32
    %get3A_287 = arith.index_cast %get3A_286 : i32 to index
    %get3A_288 = arith.constant 0 : index
    %get3A_289 = tpu.vector_load %arg6[%get3A_287, %get3A_288] {strides = array<i32>} : memref<640x16xf32, #tpu.memory_space<vmem>>, vector<1x16xf32>,
    %get3A_290 = vector.shape_cast %get3A_289 : vector<1x16xf32> to vector<16xf32>
    %add3A_291 = arith.addf %add3A_285, %get3A_290 : vector<16xf32>
    %get3A_292 = arith.constant 45 : i32
    %get3A_293 = arith.index_cast %get3A_292 : i32 to index
    %get3A_294 = arith.constant 0 : index
    %get3A_295 = tpu.vector_load %arg6[%get3A_293, %get3A_294] {strides = array<i32>} : memref<640x16xf32, #tpu.memory_space<vmem>>, vector<1x16xf32>,
    %get3A_296 = vector.shape_cast %get3A_295 : vector<1x16xf32> to vector<16xf32>
    %add3A_297 = arith.addf %add3A_291, %get3A_296 : vector<16xf32>
    %get3A_298 = arith.constant 46 : i32
    %get3A_299 = arith.index_cast %get3A_298 : i32 to index
    %get3A_300 = arith.constant 0 : index
    %get3A_301 = tpu.vector_load %arg6[%get3A_299, %get3A_300] {strides = array<i32>} : memref<640x16xf32, #tpu.memory_space<vmem>>, vector<1x16xf32>,
    %get3A_302 = vector.shape_cast %get3A_301 : vector<1x16xf32> to vector<16xf32>
    %add3A_303 = arith.addf %add3A_297, %get3A_302 : vector<16xf32>
    %get3A_304 = arith.constant 47 : i32
    %get3A_305 = arith.index_cast %get3A_304 : i32 to index
    %get3A_306 = arith.constant 0 : index
    %get3A_307 = tpu.vector_load %arg6[%get3A_305, %get3A_306] {strides = array<i32>} : memref<640x16xf32, #tpu.memory_space<vmem>>, vector<1x16xf32>,
    %get3A_308 = vector.shape_cast %get3A_307 : vector<1x16xf32> to vector<16xf32>
    %add3A_309 = arith.addf %add3A_303, %get3A_308 : vector<16xf32>
    %get3A_310 = arith.constant 48 : i32
    %get3A_311 = arith.index_cast %get3A_310 : i32 to index
    %get3A_312 = arith.constant 0 : index
    %get3A_313 = tpu.vector_load %arg6[%get3A_311, %get3A_312] {strides = array<i32>} : memref<640x16xf32, #tpu.memory_space<vmem>>, vector<1x16xf32>,
    %get3A_314 = vector.shape_cast %get3A_313 : vector<1x16xf32> to vector<16xf32>
    %add3A_315 = arith.addf %add3A_309, %get3A_314 : vector<16xf32>
    %get3A_316 = arith.constant 49 : i32
    %get3A_317 = arith.index_cast %get3A_316 : i32 to index
    %get3A_318 = arith.constant 0 : index
    %get3A_319 = tpu.vector_load %arg6[%get3A_317, %get3A_318] {strides = array<i32>} : memref<640x16xf32, #tpu.memory_space<vmem>>, vector<1x16xf32>,
    %get3A_320 = vector.shape_cast %get3A_319 : vector<1x16xf32> to vector<16xf32>
    %add3A_321 = arith.addf %add3A_315, %get3A_320 : vector<16xf32>
    %get3A_322 = arith.constant 50 : i32
    %get3A_323 = arith.index_cast %get3A_322 : i32 to index
    %get3A_324 = arith.constant 0 : index
    %get3A_325 = tpu.vector_load %arg6[%get3A_323, %get3A_324] {strides = array<i32>} : memref<640x16xf32, #tpu.memory_space<vmem>>, vector<1x16xf32>,
    %get3A_326 = vector.shape_cast %get3A_325 : vector<1x16xf32> to vector<16xf32>
    %add3A_327 = arith.addf %add3A_321, %get3A_326 : vector<16xf32>
    %get3A_328 = arith.constant 51 : i32
    %get3A_329 = arith.index_cast %get3A_328 : i32 to index
    %get3A_330 = arith.constant 0 : index
    %get3A_331 = tpu.vector_load %arg6[%get3A_329, %get3A_330] {strides = array<i32>} : memref<640x16xf32, #tpu.memory_space<vmem>>, vector<1x16xf32>,
    %get3A_332 = vector.shape_cast %get3A_331 : vector<1x16xf32> to vector<16xf32>
    %add3A_333 = arith.addf %add3A_327, %get3A_332 : vector<16xf32>
    %get3A_334 = arith.constant 52 : i32
    %get3A_335 = arith.index_cast %get3A_334 : i32 to index
    %get3A_336 = arith.constant 0 : index
    %get3A_337 = tpu.vector_load %arg6[%get3A_335, %get3A_336] {strides = array<i32>} : memref<640x16xf32, #tpu.memory_space<vmem>>, vector<1x16xf32>,
    %get3A_338 = vector.shape_cast %get3A_337 : vector<1x16xf32> to vector<16xf32>
    %add3A_339 = arith.addf %add3A_333, %get3A_338 : vector<16xf32>
    %get3A_340 = arith.constant 53 : i32
    %get3A_341 = arith.index_cast %get3A_340 : i32 to index
    %get3A_342 = arith.constant 0 : index
    %get3A_343 = tpu.vector_load %arg6[%get3A_341, %get3A_342] {strides = array<i32>} : memref<640x16xf32, #tpu.memory_space<vmem>>, vector<1x16xf32>,
    %get3A_344 = vector.shape_cast %get3A_343 : vector<1x16xf32> to vector<16xf32>
    %add3A_345 = arith.addf %add3A_339, %get3A_344 : vector<16xf32>
    %get3A_346 = arith.constant 54 : i32
    %get3A_347 = arith.index_cast %get3A_346 : i32 to index
    %get3A_348 = arith.constant 0 : index
    %get3A_349 = tpu.vector_load %arg6[%get3A_347, %get3A_348] {strides = array<i32>} : memref<640x16xf32, #tpu.memory_space<vmem>>, vector<1x16xf32>,
    %get3A_350 = vector.shape_cast %get3A_349 : vector<1x16xf32> to vector<16xf32>
    %add3A_351 = arith.addf %add3A_345, %get3A_350 : vector<16xf32>
    %get3A_352 = arith.constant 55 : i32
    %get3A_353 = arith.index_cast %get3A_352 : i32 to index
    %get3A_354 = arith.constant 0 : index
    %get3A_355 = tpu.vector_load %arg6[%get3A_353, %get3A_354] {strides = array<i32>} : memref<640x16xf32, #tpu.memory_space<vmem>>, vector<1x16xf32>,
    %get3A_356 = vector.shape_cast %get3A_355 : vector<1x16xf32> to vector<16xf32>
    %add3A_357 = arith.addf %add3A_351, %get3A_356 : vector<16xf32>
    %get3A_358 = arith.constant 56 : i32
    %get3A_359 = arith.index_cast %get3A_358 : i32 to index
    %get3A_360 = arith.constant 0 : index
    %get3A_361 = tpu.vector_load %arg6[%get3A_359, %get3A_360] {strides = array<i32>} : memref<640x16xf32, #tpu.memory_space<vmem>>, vector<1x16xf32>,
    %get3A_362 = vector.shape_cast %get3A_361 : vector<1x16xf32> to vector<16xf32>
    %add3A_363 = arith.addf %add3A_357, %get3A_362 : vector<16xf32>
    %get3A_364 = arith.constant 57 : i32
    %get3A_365 = arith.index_cast %get3A_364 : i32 to index
    %get3A_366 = arith.constant 0 : index
    %get3A_367 = tpu.vector_load %arg6[%get3A_365, %get3A_366] {strides = array<i32>} : memref<640x16xf32, #tpu.memory_space<vmem>>, vector<1x16xf32>,
    %get3A_368 = vector.shape_cast %get3A_367 : vector<1x16xf32> to vector<16xf32>
    %add3A_369 = arith.addf %add3A_363, %get3A_368 : vector<16xf32>
    %get3A_370 = arith.constant 58 : i32
    %get3A_371 = arith.index_cast %get3A_370 : i32 to index
    %get3A_372 = arith.constant 0 : index
    %get3A_373 = tpu.vector_load %arg6[%get3A_371, %get3A_372] {strides = array<i32>} : memref<640x16xf32, #tpu.memory_space<vmem>>, vector<1x16xf32>,
    %get3A_374 = vector.shape_cast %get3A_373 : vector<1x16xf32> to vector<16xf32>
    %add3A_375 = arith.addf %add3A_369, %get3A_374 : vector<16xf32>
    %get3A_376 = arith.constant 59 : i32
    %get3A_377 = arith.index_cast %get3A_376 : i32 to index
    %get3A_378 = arith.constant 0 : index
    %get3A_379 = tpu.vector_load %arg6[%get3A_377, %get3A_378] {strides = array<i32>} : memref<640x16xf32, #tpu.memory_space<vmem>>, vector<1x16xf32>,
    %get3A_380 = vector.shape_cast %get3A_379 : vector<1x16xf32> to vector<16xf32>
    %add3A_381 = arith.addf %add3A_375, %get3A_380 : vector<16xf32>
    %mul3A_382 = arith.constant 5.000000e-02 : f32
    %mul3A_383 = vector.broadcast %mul3A_382 : f32 to vector<16xf32>
    %mul3A_384 = arith.mulf %add3A_381, %mul3A_383 : vector<16xf32>
    %swap3A_385 = arith.constant 2 : i32
    %swap3A_386 = arith.index_cast %swap3A_385 : i32 to index
    %swap3A_387 = arith.constant 0 : index
    %swap3A_388 = tpu.vector_load %arg7[%swap3A_386, %swap3A_387] {strides = array<i32>} : memref<32x16xf32, #tpu.memory_space<vmem>>, vector<1x16xf32>,
    %swap3A_389 = vector.shape_cast %swap3A_388 : vector<1x16xf32> to vector<16xf32>
    %swap3A_390 = vector.shape_cast %mul3A_384 : vector<16xf32> to vector<1x16xf32>
    tpu.vector_store %arg7[%swap3A_386, %swap3A_387], %swap3A_390 {strides = array<i32>} : memref<32x16xf32, #tpu.memory_space<vmem>>, vector<1x16xf32>,
    %get3A_391 = arith.constant 60 : i32
    %get3A_392 = arith.index_cast %get3A_391 : i32 to index
    %get3A_393 = arith.constant 0 : index
    %get3A_394 = tpu.vector_load %arg6[%get3A_392, %get3A_393] {strides = array<i32>} : memref<640x16xf32, #tpu.memory_space<vmem>>, vector<1x16xf32>,
    %get3A_395 = vector.shape_cast %get3A_394 : vector<1x16xf32> to vector<16xf32>
    %get3A_396 = arith.constant 61 : i32
    %get3A_397 = arith.index_cast %get3A_396 : i32 to index
    %get3A_398 = arith.constant 0 : index
    %get3A_399 = tpu.vector_load %arg6[%get3A_397, %get3A_398] {strides = array<i32>} : memref<640x16xf32, #tpu.memory_space<vmem>>, vector<1x16xf32>,
    %get3A_400 = vector.shape_cast %get3A_399 : vector<1x16xf32> to vector<16xf32>
    %add3A_401 = arith.addf %get3A_395, %get3A_400 : vector<16xf32>
    %get3A_402 = arith.constant 62 : i32
    %get3A_403 = arith.index_cast %get3A_402 : i32 to index
    %get3A_404 = arith.constant 0 : index
    %get3A_405 = tpu.vector_load %arg6[%get3A_403, %get3A_404] {strides = array<i32>} : memref<640x16xf32, #tpu.memory_space<vmem>>, vector<1x16xf32>,
    %get3A_406 = vector.shape_cast %get3A_405 : vector<1x16xf32> to vector<16xf32>
    %add3A_407 = arith.addf %add3A_401, %get3A_406 : vector<16xf32>
    %get3A_408 = arith.constant 63 : i32
    %get3A_409 = arith.index_cast %get3A_408 : i32 to index
    %get3A_410 = arith.constant 0 : index
    %get3A_411 = tpu.vector_load %arg6[%get3A_409, %get3A_410] {strides = array<i32>} : memref<640x16xf32, #tpu.memory_space<vmem>>, vector<1x16xf32>,
    %get3A_412 = vector.shape_cast %get3A_411 : vector<1x16xf32> to vector<16xf32>
    %add3A_413 = arith.addf %add3A_407, %get3A_412 : vector<16xf32>
    %get3A_414 = arith.constant 64 : i32
    %get3A_415 = arith.index_cast %get3A_414 : i32 to index
    %get3A_416 = arith.constant 0 : index
    %get3A_417 = tpu.vector_load %arg6[%get3A_415, %get3A_416] {strides = array<i32>} : memref<640x16xf32, #tpu.memory_space<vmem>>, vector<1x16xf32>,
    %get3A_418 = vector.shape_cast %get3A_417 : vector<1x16xf32> to vector<16xf32>
    %add3A_419 = arith.addf %add3A_413, %get3A_418 : vector<16xf32>
    %get3A_420 = arith.constant 65 : i32
    %get3A_421 = arith.index_cast %get3A_420 : i32 to index
    %get3A_422 = arith.constant 0 : index
    %get3A_423 = tpu.vector_load %arg6[%get3A_421, %get3A_422] {strides = array<i32>} : memref<640x16xf32, #tpu.memory_space<vmem>>, vector<1x16xf32>,
    %get3A_424 = vector.shape_cast %get3A_423 : vector<1x16xf32> to vector<16xf32>
    %add3A_425 = arith.addf %add3A_419, %get3A_424 : vector<16xf32>
    %get3A_426 = arith.constant 66 : i32
    %get3A_427 = arith.index_cast %get3A_426 : i32 to index
    %get3A_428 = arith.constant 0 : index
    %get3A_429 = tpu.vector_load %arg6[%get3A_427, %get3A_428] {strides = array<i32>} : memref<640x16xf32, #tpu.memory_space<vmem>>, vector<1x16xf32>,
    %get3A_430 = vector.shape_cast %get3A_429 : vector<1x16xf32> to vector<16xf32>
    %add3A_431 = arith.addf %add3A_425, %get3A_430 : vector<16xf32>
    %get3A_432 = arith.constant 67 : i32
    %get3A_433 = arith.index_cast %get3A_432 : i32 to index
    %get3A_434 = arith.constant 0 : index
    %get3A_435 = tpu.vector_load %arg6[%get3A_433, %get3A_434] {strides = array<i32>} : memref<640x16xf32, #tpu.memory_space<vmem>>, vector<1x16xf32>,
    %get3A_436 = vector.shape_cast %get3A_435 : vector<1x16xf32> to vector<16xf32>
    %add3A_437 = arith.addf %add3A_431, %get3A_436 : vector<16xf32>
    %get3A_438 = arith.constant 68 : i32
    %get3A_439 = arith.index_cast %get3A_438 : i32 to index
    %get3A_440 = arith.constant 0 : index
    %get3A_441 = tpu.vector_load %arg6[%get3A_439, %get3A_440] {strides = array<i32>} : memref<640x16xf32, #tpu.memory_space<vmem>>, vector<1x16xf32>,
    %get3A_442 = vector.shape_cast %get3A_441 : vector<1x16xf32> to vector<16xf32>
    %add3A_443 = arith.addf %add3A_437, %get3A_442 : vector<16xf32>
    %get3A_444 = arith.constant 69 : i32
    %get3A_445 = arith.index_cast %get3A_444 : i32 to index
    %get3A_446 = arith.constant 0 : index
    %get3A_447 = tpu.vector_load %arg6[%get3A_445, %get3A_446] {strides = array<i32>} : memref<640x16xf32, #tpu.memory_space<vmem>>, vector<1x16xf32>,
    %get3A_448 = vector.shape_cast %get3A_447 : vector<1x16xf32> to vector<16xf32>
    %add3A_449 = arith.addf %add3A_443, %get3A_448 : vector<16xf32>
    %get3A_450 = arith.constant 70 : i32
    %get3A_451 = arith.index_cast %get3A_450 : i32 to index
    %get3A_452 = arith.constant 0 : index
    %get3A_453 = tpu.vector_load %arg6[%get3A_451, %get3A_452] {strides = array<i32>} : memref<640x16xf32, #tpu.memory_space<vmem>>, vector<1x16xf32>,
    %get3A_454 = vector.shape_cast %get3A_453 : vector<1x16xf32> to vector<16xf32>
    %add3A_455 = arith.addf %add3A_449, %get3A_454 : vector<16xf32>
    %get3A_456 = arith.constant 71 : i32
    %get3A_457 = arith.index_cast %get3A_456 : i32 to index
    %get3A_458 = arith.constant 0 : index
    %get3A_459 = tpu.vector_load %arg6[%get3A_457, %get3A_458] {strides = array<i32>} : memref<640x16xf32, #tpu.memory_space<vmem>>, vector<1x16xf32>,
    %get3A_460 = vector.shape_cast %get3A_459 : vector<1x16xf32> to vector<16xf32>
    %add3A_461 = arith.addf %add3A_455, %get3A_460 : vector<16xf32>
    %get3A_462 = arith.constant 72 : i32
    %get3A_463 = arith.index_cast %get3A_462 : i32 to index
    %get3A_464 = arith.constant 0 : index
    %get3A_465 = tpu.vector_load %arg6[%get3A_463, %get3A_464] {strides = array<i32>} : memref<640x16xf32, #tpu.memory_space<vmem>>, vector<1x16xf32>,
    %get3A_466 = vector.shape_cast %get3A_465 : vector<1x16xf32> to vector<16xf32>
    %add3A_467 = arith.addf %add3A_461, %get3A_466 : vector<16xf32>
    %get3A_468 = arith.constant 73 : i32
    %get3A_469 = arith.index_cast %get3A_468 : i32 to index
    %get3A_470 = arith.constant 0 : index
    %get3A_471 = tpu.vector_load %arg6[%get3A_469, %get3A_470] {strides = array<i32>} : memref<640x16xf32, #tpu.memory_space<vmem>>, vector<1x16xf32>,
    %get3A_472 = vector.shape_cast %get3A_471 : vector<1x16xf32> to vector<16xf32>
    %add3A_473 = arith.addf %add3A_467, %get3A_472 : vector<16xf32>
    %get3A_474 = arith.constant 74 : i32
    %get3A_475 = arith.index_cast %get3A_474 : i32 to index
    %get3A_476 = arith.constant 0 : index
    %get3A_477 = tpu.vector_load %arg6[%get3A_475, %get3A_476] {strides = array<i32>} : memref<640x16xf32, #tpu.memory_space<vmem>>, vector<1x16xf32>,
    %get3A_478 = vector.shape_cast %get3A_477 : vector<1x16xf32> to vector<16xf32>
    %add3A_479 = arith.addf %add3A_473, %get3A_478 : vector<16xf32>
    %get3A_480 = arith.constant 75 : i32
    %get3A_481 = arith.index_cast %get3A_480 : i32 to index
    %get3A_482 = arith.constant 0 : index
    %get3A_483 = tpu.vector_load %arg6[%get3A_481, %get3A_482] {strides = array<i32>} : memref<640x16xf32, #tpu.memory_space<vmem>>, vector<1x16xf32>,
    %get3A_484 = vector.shape_cast %get3A_483 : vector<1x16xf32> to vector<16xf32>
    %add3A_485 = arith.addf %add3A_479, %get3A_484 : vector<16xf32>
    %get3A_486 = arith.constant 76 : i32
    %get3A_487 = arith.index_cast %get3A_486 : i32 to index
    %get3A_488 = arith.constant 0 : index
    %get3A_489 = tpu.vector_load %arg6[%get3A_487, %get3A_488] {strides = array<i32>} : memref<640x16xf32, #tpu.memory_space<vmem>>, vector<1x16xf32>,
    %get3A_490 = vector.shape_cast %get3A_489 : vector<1x16xf32> to vector<16xf32>
    %add3A_491 = arith.addf %add3A_485, %get3A_490 : vector<16xf32>
    %get3A_492 = arith.constant 77 : i32
    %get3A_493 = arith.index_cast %get3A_492 : i32 to index
    %get3A_494 = arith.constant 0 : index
    %get3A_495 = tpu.vector_load %arg6[%get3A_493, %get3A_494] {strides = array<i32>} : memref<640x16xf32, #tpu.memory_space<vmem>>, vector<1x16xf32>,
    %get3A_496 = vector.shape_cast %get3A_495 : vector<1x16xf32> to vector<16xf32>
    %add3A_497 = arith.addf %add3A_491, %get3A_496 : vector<16xf32>
    %get3A_498 = arith.constant 78 : i32
    %get3A_499 = arith.index_cast %get3A_498 : i32 to index
    %get3A_500 = arith.constant 0 : index
    %get3A_501 = tpu.vector_load %arg6[%get3A_499, %get3A_500] {strides = array<i32>} : memref<640x16xf32, #tpu.memory_space<vmem>>, vector<1x16xf32>,
    %get3A_502 = vector.shape_cast %get3A_501 : vector<1x16xf32> to vector<16xf32>
    %add3A_503 = arith.addf %add3A_497, %get3A_502 : vector<16xf32>
    %get3A_504 = arith.constant 79 : i32
    %get3A_505 = arith.index_cast %get3A_504 : i32 to index
    %get3A_506 = arith.constant 0 : index
    %get3A_507 = tpu.vector_load %arg6[%get3A_505, %get3A_506] {strides = array<i32>} : memref<640x16xf32, #tpu.memory_space<vmem>>, vector<1x16xf32>,
    %get3A_508 = vector.shape_cast %get3A_507 : vector<1x16xf32> to vector<16xf32>
    %add3A_509 = arith.addf %add3A_503, %get3A_508 : vector<16xf32>
    %mul3A_510 = arith.constant 5.000000e-02 : f32
    %mul3A_511 = vector.broadcast %mul3A_510 : f32 to vector<16xf32>
    %mul3A_512 = arith.mulf %add3A_509, %mul3A_511 : vector<16xf32>
    %swap3A_513 = arith.constant 3 : i32
    %swap3A_514 = arith.index_cast %swap3A_513 : i32 to index
    %swap3A_515 = arith.constant 0 : index
    %swap3A_516 = tpu.vector_load %arg7[%swap3A_514, %swap3A_515] {strides = array<i32>} : memref<32x16xf32, #tpu.memory_space<vmem>>, vector<1x16xf32>,
    %swap3A_517 = vector.shape_cast %swap3A_516 : vector<1x16xf32> to vector<16xf32>
    %swap3A_518 = vector.shape_cast %mul3A_512 : vector<16xf32> to vector<1x16xf32>
    tpu.vector_store %arg7[%swap3A_514, %swap3A_515], %swap3A_518 {strides = array<i32>} : memref<32x16xf32, #tpu.memory_space<vmem>>, vector<1x16xf32>,
    %get3A_519 = arith.constant 80 : i32
    %get3A_520 = arith.index_cast %get3A_519 : i32 to index
    %get3A_521 = arith.constant 0 : index
    %get3A_522 = tpu.vector_load %arg6[%get3A_520, %get3A_521] {strides = array<i32>} : memref<640x16xf32, #tpu.memory_space<vmem>>, vector<1x16xf32>,
    %get3A_523 = vector.shape_cast %get3A_522 : vector<1x16xf32> to vector<16xf32>
    %get3A_524 = arith.constant 81 : i32
    %get3A_525 = arith.index_cast %get3A_524 : i32 to index
    %get3A_526 = arith.constant 0 : index
    %get3A_527 = tpu.vector_load %arg6[%get3A_525, %get3A_526] {strides = array<i32>} : memref<640x16xf32, #tpu.memory_space<vmem>>, vector<1x16xf32>,
    %get3A_528 = vector.shape_cast %get3A_527 : vector<1x16xf32> to vector<16xf32>
    %add3A_529 = arith.addf %get3A_523, %get3A_528 : vector<16xf32>
    %get3A_530 = arith.constant 82 : i32
    %get3A_531 = arith.index_cast %get3A_530 : i32 to index
    %get3A_532 = arith.constant 0 : index
    %get3A_533 = tpu.vector_load %arg6[%get3A_531, %get3A_532] {strides = array<i32>} : memref<640x16xf32, #tpu.memory_space<vmem>>, vector<1x16xf32>,
    %get3A_534 = vector.shape_cast %get3A_533 : vector<1x16xf32> to vector<16xf32>
    %add3A_535 = arith.addf %add3A_529, %get3A_534 : vector<16xf32>
    %get3A_536 = arith.constant 83 : i32
    %get3A_537 = arith.index_cast %get3A_536 : i32 to index
    %get3A_538 = arith.constant 0 : index
    %get3A_539 = tpu.vector_load %arg6[%get3A_537, %get3A_538] {strides = array<i32>} : memref<640x16xf32, #tpu.memory_space<vmem>>, vector<1x16xf32>,
    %get3A_540 = vector.shape_cast %get3A_539 : vector<1x16xf32> to vector<16xf32>
    %add3A_541 = arith.addf %add3A_535, %get3A_540 : vector<16xf32>
    %get3A_542 = arith.constant 84 : i32
    %get3A_543 = arith.index_cast %get3A_542 : i32 to index
    %get3A_544 = arith.constant 0 : index
    %get3A_545 = tpu.vector_load %arg6[%get3A_543, %get3A_544] {strides = array<i32>} : memref<640x16xf32, #tpu.memory_space<vmem>>, vector<1x16xf32>,
    %get3A_546 = vector.shape_cast %get3A_545 : vector<1x16xf32> to vector<16xf32>
    %add3A_547 = arith.addf %add3A_541, %get3A_546 : vector<16xf32>
    %get3A_548 = arith.constant 85 : i32
    %get3A_549 = arith.index_cast %get3A_548 : i32 to index
    %get3A_550 = arith.constant 0 : index
    %get3A_551 = tpu.vector_load %arg6[%get3A_549, %get3A_550] {strides = array<i32>} : memref<640x16xf32, #tpu.memory_space<vmem>>, vector<1x16xf32>,
    %get3A_552 = vector.shape_cast %get3A_551 : vector<1x16xf32> to vector<16xf32>
    %add3A_553 = arith.addf %add3A_547, %get3A_552 : vector<16xf32>
    %get3A_554 = arith.constant 86 : i32
    %get3A_555 = arith.index_cast %get3A_554 : i32 to index
    %get3A_556 = arith.constant 0 : index
    %get3A_557 = tpu.vector_load %arg6[%get3A_555, %get3A_556] {strides = array<i32>} : memref<640x16xf32, #tpu.memory_space<vmem>>, vector<1x16xf32>,
    %get3A_558 = vector.shape_cast %get3A_557 : vector<1x16xf32> to vector<16xf32>
    %add3A_559 = arith.addf %add3A_553, %get3A_558 : vector<16xf32>
    %get3A_560 = arith.constant 87 : i32
    %get3A_561 = arith.index_cast %get3A_560 : i32 to index
    %get3A_562 = arith.constant 0 : index
    %get3A_563 = tpu.vector_load %arg6[%get3A_561, %get3A_562] {strides = array<i32>} : memref<640x16xf32, #tpu.memory_space<vmem>>, vector<1x16xf32>,
    %get3A_564 = vector.shape_cast %get3A_563 : vector<1x16xf32> to vector<16xf32>
    %add3A_565 = arith.addf %add3A_559, %get3A_564 : vector<16xf32>
    %get3A_566 = arith.constant 88 : i32
    %get3A_567 = arith.index_cast %get3A_566 : i32 to index
    %get3A_568 = arith.constant 0 : index
    %get3A_569 = tpu.vector_load %arg6[%get3A_567, %get3A_568] {strides = array<i32>} : memref<640x16xf32, #tpu.memory_space<vmem>>, vector<1x16xf32>,
    %get3A_570 = vector.shape_cast %get3A_569 : vector<1x16xf32> to vector<16xf32>
    %add3A_571 = arith.addf %add3A_565, %get3A_570 : vector<16xf32>
    %get3A_572 = arith.constant 89 : i32
    %get3A_573 = arith.index_cast %get3A_572 : i32 to index
    %get3A_574 = arith.constant 0 : index
    %get3A_575 = tpu.vector_load %arg6[%get3A_573, %get3A_574] {strides = array<i32>} : memref<640x16xf32, #tpu.memory_space<vmem>>, vector<1x16xf32>,
    %get3A_576 = vector.shape_cast %get3A_575 : vector<1x16xf32> to vector<16xf32>
    %add3A_577 = arith.addf %add3A_571, %get3A_576 : vector<16xf32>
    %get3A_578 = arith.constant 90 : i32
    %get3A_579 = arith.index_cast %get3A_578 : i32 to index
    %get3A_580 = arith.constant 0 : index
    %get3A_581 = tpu.vector_load %arg6[%get3A_579, %get3A_580] {strides = array<i32>} : memref<640x16xf32, #tpu.memory_space<vmem>>, vector<1x16xf32>,
    %get3A_582 = vector.shape_cast %get3A_581 : vector<1x16xf32> to vector<16xf32>
    %add3A_583 = arith.addf %add3A_577, %get3A_582 : vector<16xf32>
    %get3A_584 = arith.constant 91 : i32
    %get3A_585 = arith.index_cast %get3A_584 : i32 to index
    %get3A_586 = arith.constant 0 : index
    %get3A_587 = tpu.vector_load %arg6[%get3A_585, %get3A_586] {strides = array<i32>} : memref<640x16xf32, #tpu.memory_space<vmem>>, vector<1x16xf32>,
    %get3A_588 = vector.shape_cast %get3A_587 : vector<1x16xf32> to vector<16xf32>
    %add3A_589 = arith.addf %add3A_583, %get3A_588 : vector<16xf32>
    %get3A_590 = arith.constant 92 : i32
    %get3A_591 = arith.index_cast %get3A_590 : i32 to index
    %get3A_592 = arith.constant 0 : index
    %get3A_593 = tpu.vector_load %arg6[%get3A_591, %get3A_592] {strides = array<i32>} : memref<640x16xf32, #tpu.memory_space<vmem>>, vector<1x16xf32>,
    %get3A_594 = vector.shape_cast %get3A_593 : vector<1x16xf32> to vector<16xf32>
    %add3A_595 = arith.addf %add3A_589, %get3A_594 : vector<16xf32>
    %get3A_596 = arith.constant 93 : i32
    %get3A_597 = arith.index_cast %get3A_596 : i32 to index
    %get3A_598 = arith.constant 0 : index
    %get3A_599 = tpu.vector_load %arg6[%get3A_597, %get3A_598] {strides = array<i32>} : memref<640x16xf32, #tpu.memory_space<vmem>>, vector<1x16xf32>,
    %get3A_600 = vector.shape_cast %get3A_599 : vector<1x16xf32> to vector<16xf32>
    %add3A_601 = arith.addf %add3A_595, %get3A_600 : vector<16xf32>
    %get3A_602 = arith.constant 94 : i32
    %get3A_603 = arith.index_cast %get3A_602 : i32 to index
    %get3A_604 = arith.constant 0 : index
    %get3A_605 = tpu.vector_load %arg6[%get3A_603, %get3A_604] {strides = array<i32>} : memref<640x16xf32, #tpu.memory_space<vmem>>, vector<1x16xf32>,
    %get3A_606 = vector.shape_cast %get3A_605 : vector<1x16xf32> to vector<16xf32>
    %add3A_607 = arith.addf %add3A_601, %get3A_606 : vector<16xf32>
    %get3A_608 = arith.constant 95 : i32
    %get3A_609 = arith.index_cast %get3A_608 : i32 to index
    %get3A_610 = arith.constant 0 : index
    %get3A_611 = tpu.vector_load %arg6[%get3A_609, %get3A_610] {strides = array<i32>} : memref<640x16xf32, #tpu.memory_space<vmem>>, vector<1x16xf32>,
    %get3A_612 = vector.shape_cast %get3A_611 : vector<1x16xf32> to vector<16xf32>
    %add3A_613 = arith.addf %add3A_607, %get3A_612 : vector<16xf32>
    %get3A_614 = arith.constant 96 : i32
    %get3A_615 = arith.index_cast %get3A_614 : i32 to index
    %get3A_616 = arith.constant 0 : index
    %get3A_617 = tpu.vector_load %arg6[%get3A_615, %get3A_616] {strides = array<i32>} : memref<640x16xf32, #tpu.memory_space<vmem>>, vector<1x16xf32>,
    %get3A_618 = vector.shape_cast %get3A_617 : vector<1x16xf32> to vector<16xf32>
    %add3A_619 = arith.addf %add3A_613, %get3A_618 : vector<16xf32>
    %get3A_620 = arith.constant 97 : i32
    %get3A_621 = arith.index_cast %get3A_620 : i32 to index
    %get3A_622 = arith.constant 0 : index
    %get3A_623 = tpu.vector_load %arg6[%get3A_621, %get3A_622] {strides = array<i32>} : memref<640x16xf32, #tpu.memory_space<vmem>>, vector<1x16xf32>,
    %get3A_624 = vector.shape_cast %get3A_623 : vector<1x16xf32> to vector<16xf32>
    %add3A_625 = arith.addf %add3A_619, %get3A_624 : vector<16xf32>
    %get3A_626 = arith.constant 98 : i32
    %get3A_627 = arith.index_cast %get3A_626 : i32 to index
    %get3A_628 = arith.constant 0 : index
    %get3A_629 = tpu.vector_load %arg6[%get3A_627, %get3A_628] {strides = array<i32>} : memref<640x16xf32, #tpu.memory_space<vmem>>, vector<1x16xf32>,
    %get3A_630 = vector.shape_cast %get3A_629 : vector<1x16xf32> to vector<16xf32>
    %add3A_631 = arith.addf %add3A_625, %get3A_630 : vector<16xf32>
    %get3A_632 = arith.constant 99 : i32
    %get3A_633 = arith.index_cast %get3A_632 : i32 to index
    %get3A_634 = arith.constant 0 : index
    %get3A_635 = tpu.vector_load %arg6[%get3A_633, %get3A_634] {strides = array<i32>} : memref<640x16xf32, #tpu.memory_space<vmem>>, vector<1x16xf32>,
    %get3A_636 = vector.shape_cast %get3A_635 : vector<1x16xf32> to vector<16xf32>
    %add3A_637 = arith.addf %add3A_631, %get3A_636 : vector<16xf32>
    %mul3A_638 = arith.constant 5.000000e-02 : f32
    %mul3A_639 = vector.broadcast %mul3A_638 : f32 to vector<16xf32>
    %mul3A_640 = arith.mulf %add3A_637, %mul3A_639 : vector<16xf32>
    %swap3A_641 = arith.constant 4 : i32
    %swap3A_642 = arith.index_cast %swap3A_641 : i32 to index
    %swap3A_643 = arith.constant 0 : index
    %swap3A_644 = tpu.vector_load %arg7[%swap3A_642, %swap3A_643] {strides = array<i32>} : memref<32x16xf32, #tpu.memory_space<vmem>>, vector<1x16xf32>,
    %swap3A_645 = vector.shape_cast %swap3A_644 : vector<1x16xf32> to vector<16xf32>
    %swap3A_646 = vector.shape_cast %mul3A_640 : vector<16xf32> to vector<1x16xf32>
    tpu.vector_store %arg7[%swap3A_642, %swap3A_643], %swap3A_646 {strides = array<i32>} : memref<32x16xf32, #tpu.memory_space<vmem>>, vector<1x16xf32>,
    %get3A_647 = arith.constant 100 : i32
    %get3A_648 = arith.index_cast %get3A_647 : i32 to index
    %get3A_649 = arith.constant 0 : index
    %get3A_650 = tpu.vector_load %arg6[%get3A_648, %get3A_649] {strides = array<i32>} : memref<640x16xf32, #tpu.memory_space<vmem>>, vector<1x16xf32>,
    %get3A_651 = vector.shape_cast %get3A_650 : vector<1x16xf32> to vector<16xf32>
    %get3A_652 = arith.constant 101 : i32
    %get3A_653 = arith.index_cast %get3A_652 : i32 to index
    %get3A_654 = arith.constant 0 : index
    %get3A_655 = tpu.vector_load %arg6[%get3A_653, %get3A_654] {strides = array<i32>} : memref<640x16xf32, #tpu.memory_space<vmem>>, vector<1x16xf32>,
    %get3A_656 = vector.shape_cast %get3A_655 : vector<1x16xf32> to vector<16xf32>
    %add3A_657 = arith.addf %get3A_651, %get3A_656 : vector<16xf32>
    %get3A_658 = arith.constant 102 : i32
    %get3A_659 = arith.index_cast %get3A_658 : i32 to index
    %get3A_660 = arith.constant 0 : index
    %get3A_661 = tpu.vector_load %arg6[%get3A_659, %get3A_660] {strides = array<i32>} : memref<640x16xf32, #tpu.memory_space<vmem>>, vector<1x16xf32>,
    %get3A_662 = vector.shape_cast %get3A_661 : vector<1x16xf32> to vector<16xf32>
    %add3A_663 = arith.addf %add3A_657, %get3A_662 : vector<16xf32>
    %get3A_664 = arith.constant 103 : i32
    %get3A_665 = arith.index_cast %get3A_664 : i32 to index
    %get3A_666 = arith.constant 0 : index
    %get3A_667 = tpu.vector_load %arg6[%get3A_665, %get3A_666] {strides = array<i32>} : memref<640x16xf32, #tpu.memory_space<vmem>>, vector<1x16xf32>,
    %get3A_668 = vector.shape_cast %get3A_667 : vector<1x16xf32> to vector<16xf32>
    %add3A_669 = arith.addf %add3A_663, %get3A_668 : vector<16xf32>
    %get3A_670 = arith.constant 104 : i32
    %get3A_671 = arith.index_cast %get3A_670 : i32 to index
    %get3A_672 = arith.constant 0 : index
    %get3A_673 = tpu.vector_load %arg6[%get3A_671, %get3A_672] {strides = array<i32>} : memref<640x16xf32, #tpu.memory_space<vmem>>, vector<1x16xf32>,
    %get3A_674 = vector.shape_cast %get3A_673 : vector<1x16xf32> to vector<16xf32>
    %add3A_675 = arith.addf %add3A_669, %get3A_674 : vector<16xf32>
    %get3A_676 = arith.constant 105 : i32
    %get3A_677 = arith.index_cast %get3A_676 : i32 to index
    %get3A_678 = arith.constant 0 : index
    %get3A_679 = tpu.vector_load %arg6[%get3A_677, %get3A_678] {strides = array<i32>} : memref<640x16xf32, #tpu.memory_space<vmem>>, vector<1x16xf32>,
    %get3A_680 = vector.shape_cast %get3A_679 : vector<1x16xf32> to vector<16xf32>
    %add3A_681 = arith.addf %add3A_675, %get3A_680 : vector<16xf32>
    %get3A_682 = arith.constant 106 : i32
    %get3A_683 = arith.index_cast %get3A_682 : i32 to index
    %get3A_684 = arith.constant 0 : index
    %get3A_685 = tpu.vector_load %arg6[%get3A_683, %get3A_684] {strides = array<i32>} : memref<640x16xf32, #tpu.memory_space<vmem>>, vector<1x16xf32>,
    %get3A_686 = vector.shape_cast %get3A_685 : vector<1x16xf32> to vector<16xf32>
    %add3A_687 = arith.addf %add3A_681, %get3A_686 : vector<16xf32>
    %get3A_688 = arith.constant 107 : i32
    %get3A_689 = arith.index_cast %get3A_688 : i32 to index
    %get3A_690 = arith.constant 0 : index
    %get3A_691 = tpu.vector_load %arg6[%get3A_689, %get3A_690] {strides = array<i32>} : memref<640x16xf32, #tpu.memory_space<vmem>>, vector<1x16xf32>,
    %get3A_692 = vector.shape_cast %get3A_691 : vector<1x16xf32> to vector<16xf32>
    %add3A_693 = arith.addf %add3A_687, %get3A_692 : vector<16xf32>
    %get3A_694 = arith.constant 108 : i32
    %get3A_695 = arith.index_cast %get3A_694 : i32 to index
    %get3A_696 = arith.constant 0 : index
    %get3A_697 = tpu.vector_load %arg6[%get3A_695, %get3A_696] {strides = array<i32>} : memref<640x16xf32, #tpu.memory_space<vmem>>, vector<1x16xf32>,
    %get3A_698 = vector.shape_cast %get3A_697 : vector<1x16xf32> to vector<16xf32>
    %add3A_699 = arith.addf %add3A_693, %get3A_698 : vector<16xf32>
    %get3A_700 = arith.constant 109 : i32
    %get3A_701 = arith.index_cast %get3A_700 : i32 to index
    %get3A_702 = arith.constant 0 : index
    %get3A_703 = tpu.vector_load %arg6[%get3A_701, %get3A_702] {strides = array<i32>} : memref<640x16xf32, #tpu.memory_space<vmem>>, vector<1x16xf32>,
    %get3A_704 = vector.shape_cast %get3A_703 : vector<1x16xf32> to vector<16xf32>
    %add3A_705 = arith.addf %add3A_699, %get3A_704 : vector<16xf32>
    %get3A_706 = arith.constant 110 : i32
    %get3A_707 = arith.index_cast %get3A_706 : i32 to index
    %get3A_708 = arith.constant 0 : index
    %get3A_709 = tpu.vector_load %arg6[%get3A_707, %get3A_708] {strides = array<i32>} : memref<640x16xf32, #tpu.memory_space<vmem>>, vector<1x16xf32>,
    %get3A_710 = vector.shape_cast %get3A_709 : vector<1x16xf32> to vector<16xf32>
    %add3A_711 = arith.addf %add3A_705, %get3A_710 : vector<16xf32>
    %get3A_712 = arith.constant 111 : i32
    %get3A_713 = arith.index_cast %get3A_712 : i32 to index
    %get3A_714 = arith.constant 0 : index
    %get3A_715 = tpu.vector_load %arg6[%get3A_713, %get3A_714] {strides = array<i32>} : memref<640x16xf32, #tpu.memory_space<vmem>>, vector<1x16xf32>,
    %get3A_716 = vector.shape_cast %get3A_715 : vector<1x16xf32> to vector<16xf32>
    %add3A_717 = arith.addf %add3A_711, %get3A_716 : vector<16xf32>
    %get3A_718 = arith.constant 112 : i32
    %get3A_719 = arith.index_cast %get3A_718 : i32 to index
    %get3A_720 = arith.constant 0 : index
    %get3A_721 = tpu.vector_load %arg6[%get3A_719, %get3A_720] {strides = array<i32>} : memref<640x16xf32, #tpu.memory_space<vmem>>, vector<1x16xf32>,
    %get3A_722 = vector.shape_cast %get3A_721 : vector<1x16xf32> to vector<16xf32>
    %add3A_723 = arith.addf %add3A_717, %get3A_722 : vector<16xf32>
    %get3A_724 = arith.constant 113 : i32
    %get3A_725 = arith.index_cast %get3A_724 : i32 to index
    %get3A_726 = arith.constant 0 : index
    %get3A_727 = tpu.vector_load %arg6[%get3A_725, %get3A_726] {strides = array<i32>} : memref<640x16xf32, #tpu.memory_space<vmem>>, vector<1x16xf32>,
    %get3A_728 = vector.shape_cast %get3A_727 : vector<1x16xf32> to vector<16xf32>
    %add3A_729 = arith.addf %add3A_723, %get3A_728 : vector<16xf32>
    %get3A_730 = arith.constant 114 : i32
    %get3A_731 = arith.index_cast %get3A_730 : i32 to index
    %get3A_732 = arith.constant 0 : index
    %get3A_733 = tpu.vector_load %arg6[%get3A_731, %get3A_732] {strides = array<i32>} : memref<640x16xf32, #tpu.memory_space<vmem>>, vector<1x16xf32>,
    %get3A_734 = vector.shape_cast %get3A_733 : vector<1x16xf32> to vector<16xf32>
    %add3A_735 = arith.addf %add3A_729, %get3A_734 : vector<16xf32>
    %get3A_736 = arith.constant 115 : i32
    %get3A_737 = arith.index_cast %get3A_736 : i32 to index
    %get3A_738 = arith.constant 0 : index
    %get3A_739 = tpu.vector_load %arg6[%get3A_737, %get3A_738] {strides = array<i32>} : memref<640x16xf32, #tpu.memory_space<vmem>>, vector<1x16xf32>,
    %get3A_740 = vector.shape_cast %get3A_739 : vector<1x16xf32> to vector<16xf32>
    %add3A_741 = arith.addf %add3A_735, %get3A_740 : vector<16xf32>
    %get3A_742 = arith.constant 116 : i32
    %get3A_743 = arith.index_cast %get3A_742 : i32 to index
    %get3A_744 = arith.constant 0 : index
    %get3A_745 = tpu.vector_load %arg6[%get3A_743, %get3A_744] {strides = array<i32>} : memref<640x16xf32, #tpu.memory_space<vmem>>, vector<1x16xf32>,
    %get3A_746 = vector.shape_cast %get3A_745 : vector<1x16xf32> to vector<16xf32>
    %add3A_747 = arith.addf %add3A_741, %get3A_746 : vector<16xf32>
    %get3A_748 = arith.constant 117 : i32
    %get3A_749 = arith.index_cast %get3A_748 : i32 to index
    %get3A_750 = arith.constant 0 : index
    %get3A_751 = tpu.vector_load %arg6[%get3A_749, %get3A_750] {strides = array<i32>} : memref<640x16xf32, #tpu.memory_space<vmem>>, vector<1x16xf32>,
    %get3A_752 = vector.shape_cast %get3A_751 : vector<1x16xf32> to vector<16xf32>
    %add3A_753 = arith.addf %add3A_747, %get3A_752 : vector<16xf32>
    %get3A_754 = arith.constant 118 : i32
    %get3A_755 = arith.index_cast %get3A_754 : i32 to index
    %get3A_756 = arith.constant 0 : index
    %get3A_757 = tpu.vector_load %arg6[%get3A_755, %get3A_756] {strides = array<i32>} : memref<640x16xf32, #tpu.memory_space<vmem>>, vector<1x16xf32>,
    %get3A_758 = vector.shape_cast %get3A_757 : vector<1x16xf32> to vector<16xf32>
    %add3A_759 = arith.addf %add3A_753, %get3A_758 : vector<16xf32>
    %get3A_760 = arith.constant 119 : i32
    %get3A_761 = arith.index_cast %get3A_760 : i32 to index
    %get3A_762 = arith.constant 0 : index
    %get3A_763 = tpu.vector_load %arg6[%get3A_761, %get3A_762] {strides = array<i32>} : memref<640x16xf32, #tpu.memory_space<vmem>>, vector<1x16xf32>,
    %get3A_764 = vector.shape_cast %get3A_763 : vector<1x16xf32> to vector<16xf32>
    %add3A_765 = arith.addf %add3A_759, %get3A_764 : vector<16xf32>
    %mul3A_766 = arith.constant 5.000000e-02 : f32
    %mul3A_767 = vector.broadcast %mul3A_766 : f32 to vector<16xf32>
    %mul3A_768 = arith.mulf %add3A_765, %mul3A_767 : vector<16xf32>
    %swap3A_769 = arith.constant 5 : i32
    %swap3A_770 = arith.index_cast %swap3A_769 : i32 to index
    %swap3A_771 = arith.constant 0 : index
    %swap3A_772 = tpu.vector_load %arg7[%swap3A_770, %swap3A_771] {strides = array<i32>} : memref<32x16xf32, #tpu.memory_space<vmem>>, vector<1x16xf32>,
    %swap3A_773 = vector.shape_cast %swap3A_772 : vector<1x16xf32> to vector<16xf32>
    %swap3A_774 = vector.shape_cast %mul3A_768 : vector<16xf32> to vector<1x16xf32>
    tpu.vector_store %arg7[%swap3A_770, %swap3A_771], %swap3A_774 {strides = array<i32>} : memref<32x16xf32, #tpu.memory_space<vmem>>, vector<1x16xf32>,
    %get3A_775 = arith.constant 120 : i32
    %get3A_776 = arith.index_cast %get3A_775 : i32 to index
    %get3A_777 = arith.constant 0 : index
    %get3A_778 = tpu.vector_load %arg6[%get3A_776, %get3A_777] {strides = array<i32>} : memref<640x16xf32, #tpu.memory_space<vmem>>, vector<1x16xf32>,
    %get3A_779 = vector.shape_cast %get3A_778 : vector<1x16xf32> to vector<16xf32>
    %get3A_780 = arith.constant 121 : i32
    %get3A_781 = arith.index_cast %get3A_780 : i32 to index
    %get3A_782 = arith.constant 0 : index
    %get3A_783 = tpu.vector_load %arg6[%get3A_781, %get3A_782] {strides = array<i32>} : memref<640x16xf32, #tpu.memory_space<vmem>>, vector<1x16xf32>,
    %get3A_784 = vector.shape_cast %get3A_783 : vector<1x16xf32> to vector<16xf32>
    %add3A_785 = arith.addf %get3A_779, %get3A_784 : vector<16xf32>
    %get3A_786 = arith.constant 122 : i32
    %get3A_787 = arith.index_cast %get3A_786 : i32 to index
    %get3A_788 = arith.constant 0 : index
    %get3A_789 = tpu.vector_load %arg6[%get3A_787, %get3A_788] {strides = array<i32>} : memref<640x16xf32, #tpu.memory_space<vmem>>, vector<1x16xf32>,
    %get3A_790 = vector.shape_cast %get3A_789 : vector<1x16xf32> to vector<16xf32>
    %add3A_791 = arith.addf %add3A_785, %get3A_790 : vector<16xf32>
    %get3A_792 = arith.constant 123 : i32
    %get3A_793 = arith.index_cast %get3A_792 : i32 to index
    %get3A_794 = arith.constant 0 : index
    %get3A_795 = tpu.vector_load %arg6[%get3A_793, %get3A_794] {strides = array<i32>} : memref<640x16xf32, #tpu.memory_space<vmem>>, vector<1x16xf32>,
    %get3A_796 = vector.shape_cast %get3A_795 : vector<1x16xf32> to vector<16xf32>
    %add3A_797 = arith.addf %add3A_791, %get3A_796 : vector<16xf32>
    %get3A_798 = arith.constant 124 : i32
    %get3A_799 = arith.index_cast %get3A_798 : i32 to index
    %get3A_800 = arith.constant 0 : index
    %get3A_801 = tpu.vector_load %arg6[%get3A_799, %get3A_800] {strides = array<i32>} : memref<640x16xf32, #tpu.memory_space<vmem>>, vector<1x16xf32>,
    %get3A_802 = vector.shape_cast %get3A_801 : vector<1x16xf32> to vector<16xf32>
    %add3A_803 = arith.addf %add3A_797, %get3A_802 : vector<16xf32>
    %get3A_804 = arith.constant 125 : i32
    %get3A_805 = arith.index_cast %get3A_804 : i32 to index
    %get3A_806 = arith.constant 0 : index
    %get3A_807 = tpu.vector_load %arg6[%get3A_805, %get3A_806] {strides = array<i32>} : memref<640x16xf32, #tpu.memory_space<vmem>>, vector<1x16xf32>,
    %get3A_808 = vector.shape_cast %get3A_807 : vector<1x16xf32> to vector<16xf32>
    %add3A_809 = arith.addf %add3A_803, %get3A_808 : vector<16xf32>
    %get3A_810 = arith.constant 126 : i32
    %get3A_811 = arith.index_cast %get3A_810 : i32 to index
    %get3A_812 = arith.constant 0 : index
    %get3A_813 = tpu.vector_load %arg6[%get3A_811, %get3A_812] {strides = array<i32>} : memref<640x16xf32, #tpu.memory_space<vmem>>, vector<1x16xf32>,
    %get3A_814 = vector.shape_cast %get3A_813 : vector<1x16xf32> to vector<16xf32>
    %add3A_815 = arith.addf %add3A_809, %get3A_814 : vector<16xf32>
    %get3A_816 = arith.constant 127 : i32
    %get3A_817 = arith.index_cast %get3A_816 : i32 to index
    %get3A_818 = arith.constant 0 : index
    %get3A_819 = tpu.vector_load %arg6[%get3A_817, %get3A_818] {strides = array<i32>} : memref<640x16xf32, #tpu.memory_space<vmem>>, vector<1x16xf32>,
    %get3A_820 = vector.shape_cast %get3A_819 : vector<1x16xf32> to vector<16xf32>
    %add3A_821 = arith.addf %add3A_815, %get3A_820 : vector<16xf32>
    %get3A_822 = arith.constant 128 : i32
    %get3A_823 = arith.index_cast %get3A_822 : i32 to index
    %get3A_824 = arith.constant 0 : index
    %get3A_825 = tpu.vector_load %arg6[%get3A_823, %get3A_824] {strides = array<i32>} : memref<640x16xf32, #tpu.memory_space<vmem>>, vector<1x16xf32>,
    %get3A_826 = vector.shape_cast %get3A_825 : vector<1x16xf32> to vector<16xf32>
    %add3A_827 = arith.addf %add3A_821, %get3A_826 : vector<16xf32>
    %get3A_828 = arith.constant 129 : i32
    %get3A_829 = arith.index_cast %get3A_828 : i32 to index
    %get3A_830 = arith.constant 0 : index
    %get3A_831 = tpu.vector_load %arg6[%get3A_829, %get3A_830] {strides = array<i32>} : memref<640x16xf32, #tpu.memory_space<vmem>>, vector<1x16xf32>,
    %get3A_832 = vector.shape_cast %get3A_831 : vector<1x16xf32> to vector<16xf32>
    %add3A_833 = arith.addf %add3A_827, %get3A_832 : vector<16xf32>
    %get3A_834 = arith.constant 130 : i32
    %get3A_835 = arith.index_cast %get3A_834 : i32 to index
    %get3A_836 = arith.constant 0 : index
    %get3A_837 = tpu.vector_load %arg6[%get3A_835, %get3A_836] {strides = array<i32>} : memref<640x16xf32, #tpu.memory_space<vmem>>, vector<1x16xf32>,
    %get3A_838 = vector.shape_cast %get3A_837 : vector<1x16xf32> to vector<16xf32>
    %add3A_839 = arith.addf %add3A_833, %get3A_838 : vector<16xf32>
    %get3A_840 = arith.constant 131 : i32
    %get3A_841 = arith.index_cast %get3A_840 : i32 to index
    %get3A_842 = arith.constant 0 : index
    %get3A_843 = tpu.vector_load %arg6[%get3A_841, %get3A_842] {strides = array<i32>} : memref<640x16xf32, #tpu.memory_space<vmem>>, vector<1x16xf32>,
    %get3A_844 = vector.shape_cast %get3A_843 : vector<1x16xf32> to vector<16xf32>
    %add3A_845 = arith.addf %add3A_839, %get3A_844 : vector<16xf32>
    %get3A_846 = arith.constant 132 : i32
    %get3A_847 = arith.index_cast %get3A_846 : i32 to index
    %get3A_848 = arith.constant 0 : index
    %get3A_849 = tpu.vector_load %arg6[%get3A_847, %get3A_848] {strides = array<i32>} : memref<640x16xf32, #tpu.memory_space<vmem>>, vector<1x16xf32>,
    %get3A_850 = vector.shape_cast %get3A_849 : vector<1x16xf32> to vector<16xf32>
    %add3A_851 = arith.addf %add3A_845, %get3A_850 : vector<16xf32>
    %get3A_852 = arith.constant 133 : i32
    %get3A_853 = arith.index_cast %get3A_852 : i32 to index
    %get3A_854 = arith.constant 0 : index
    %get3A_855 = tpu.vector_load %arg6[%get3A_853, %get3A_854] {strides = array<i32>} : memref<640x16xf32, #tpu.memory_space<vmem>>, vector<1x16xf32>,
    %get3A_856 = vector.shape_cast %get3A_855 : vector<1x16xf32> to vector<16xf32>
    %add3A_857 = arith.addf %add3A_851, %get3A_856 : vector<16xf32>
    %get3A_858 = arith.constant 134 : i32
    %get3A_859 = arith.index_cast %get3A_858 : i32 to index
    %get3A_860 = arith.constant 0 : index
    %get3A_861 = tpu.vector_load %arg6[%get3A_859, %get3A_860] {strides = array<i32>} : memref<640x16xf32, #tpu.memory_space<vmem>>, vector<1x16xf32>,
    %get3A_862 = vector.shape_cast %get3A_861 : vector<1x16xf32> to vector<16xf32>
    %add3A_863 = arith.addf %add3A_857, %get3A_862 : vector<16xf32>
    %get3A_864 = arith.constant 135 : i32
    %get3A_865 = arith.index_cast %get3A_864 : i32 to index
    %get3A_866 = arith.constant 0 : index
    %get3A_867 = tpu.vector_load %arg6[%get3A_865, %get3A_866] {strides = array<i32>} : memref<640x16xf32, #tpu.memory_space<vmem>>, vector<1x16xf32>,
    %get3A_868 = vector.shape_cast %get3A_867 : vector<1x16xf32> to vector<16xf32>
    %add3A_869 = arith.addf %add3A_863, %get3A_868 : vector<16xf32>
    %get3A_870 = arith.constant 136 : i32
    %get3A_871 = arith.index_cast %get3A_870 : i32 to index
    %get3A_872 = arith.constant 0 : index
    %get3A_873 = tpu.vector_load %arg6[%get3A_871, %get3A_872] {strides = array<i32>} : memref<640x16xf32, #tpu.memory_space<vmem>>, vector<1x16xf32>,
    %get3A_874 = vector.shape_cast %get3A_873 : vector<1x16xf32> to vector<16xf32>
    %add3A_875 = arith.addf %add3A_869, %get3A_874 : vector<16xf32>
    %get3A_876 = arith.constant 137 : i32
    %get3A_877 = arith.index_cast %get3A_876 : i32 to index
    %get3A_878 = arith.constant 0 : index
    %get3A_879 = tpu.vector_load %arg6[%get3A_877, %get3A_878] {strides = array<i32>} : memref<640x16xf32, #tpu.memory_space<vmem>>, vector<1x16xf32>,
    %get3A_880 = vector.shape_cast %get3A_879 : vector<1x16xf32> to vector<16xf32>
    %add3A_881 = arith.addf %add3A_875, %get3A_880 : vector<16xf32>
    %get3A_882 = arith.constant 138 : i32
    %get3A_883 = arith.index_cast %get3A_882 : i32 to index
    %get3A_884 = arith.constant 0 : index
    %get3A_885 = tpu.vector_load %arg6[%get3A_883, %get3A_884] {strides = array<i32>} : memref<640x16xf32, #tpu.memory_space<vmem>>, vector<1x16xf32>,
    %get3A_886 = vector.shape_cast %get3A_885 : vector<1x16xf32> to vector<16xf32>
    %add3A_887 = arith.addf %add3A_881, %get3A_886 : vector<16xf32>
    %get3A_888 = arith.constant 139 : i32
    %get3A_889 = arith.index_cast %get3A_888 : i32 to index
    %get3A_890 = arith.constant 0 : index
    %get3A_891 = tpu.vector_load %arg6[%get3A_889, %get3A_890] {strides = array<i32>} : memref<640x16xf32, #tpu.memory_space<vmem>>, vector<1x16xf32>,
    %get3A_892 = vector.shape_cast %get3A_891 : vector<1x16xf32> to vector<16xf32>
    %add3A_893 = arith.addf %add3A_887, %get3A_892 : vector<16xf32>
    %mul3A_894 = arith.constant 5.000000e-02 : f32
    %mul3A_895 = vector.broadcast %mul3A_894 : f32 to vector<16xf32>
    %mul3A_896 = arith.mulf %add3A_893, %mul3A_895 : vector<16xf32>
    %swap3A_897 = arith.constant 6 : i32
    %swap3A_898 = arith.index_cast %swap3A_897 : i32 to index
    %swap3A_899 = arith.constant 0 : index
    %swap3A_900 = tpu.vector_load %arg7[%swap3A_898, %swap3A_899] {strides = array<i32>} : memref<32x16xf32, #tpu.memory_space<vmem>>, vector<1x16xf32>,
    %swap3A_901 = vector.shape_cast %swap3A_900 : vector<1x16xf32> to vector<16xf32>
    %swap3A_902 = vector.shape_cast %mul3A_896 : vector<16xf32> to vector<1x16xf32>
    tpu.vector_store %arg7[%swap3A_898, %swap3A_899], %swap3A_902 {strides = array<i32>} : memref<32x16xf32, #tpu.memory_space<vmem>>, vector<1x16xf32>,
    %get3A_903 = arith.constant 140 : i32
    %get3A_904 = arith.index_cast %get3A_903 : i32 to index
    %get3A_905 = arith.constant 0 : index
    %get3A_906 = tpu.vector_load %arg6[%get3A_904, %get3A_905] {strides = array<i32>} : memref<640x16xf32, #tpu.memory_space<vmem>>, vector<1x16xf32>,
    %get3A_907 = vector.shape_cast %get3A_906 : vector<1x16xf32> to vector<16xf32>
    %get3A_908 = arith.constant 141 : i32
    %get3A_909 = arith.index_cast %get3A_908 : i32 to index
    %get3A_910 = arith.constant 0 : index
    %get3A_911 = tpu.vector_load %arg6[%get3A_909, %get3A_910] {strides = array<i32>} : memref<640x16xf32, #tpu.memory_space<vmem>>, vector<1x16xf32>,
    %get3A_912 = vector.shape_cast %get3A_911 : vector<1x16xf32> to vector<16xf32>
    %add3A_913 = arith.addf %get3A_907, %get3A_912 : vector<16xf32>
    %get3A_914 = arith.constant 142 : i32
    %get3A_915 = arith.index_cast %get3A_914 : i32 to index
    %get3A_916 = arith.constant 0 : index
    %get3A_917 = tpu.vector_load %arg6[%get3A_915, %get3A_916] {strides = array<i32>} : memref<640x16xf32, #tpu.memory_space<vmem>>, vector<1x16xf32>,
    %get3A_918 = vector.shape_cast %get3A_917 : vector<1x16xf32> to vector<16xf32>
    %add3A_919 = arith.addf %add3A_913, %get3A_918 : vector<16xf32>
    %get3A_920 = arith.constant 143 : i32
    %get3A_921 = arith.index_cast %get3A_920 : i32 to index
    %get3A_922 = arith.constant 0 : index
    %get3A_923 = tpu.vector_load %arg6[%get3A_921, %get3A_922] {strides = array<i32>} : memref<640x16xf32, #tpu.memory_space<vmem>>, vector<1x16xf32>,
    %get3A_924 = vector.shape_cast %get3A_923 : vector<1x16xf32> to vector<16xf32>
    %add3A_925 = arith.addf %add3A_919, %get3A_924 : vector<16xf32>
    %get3A_926 = arith.constant 144 : i32
    %get3A_927 = arith.index_cast %get3A_926 : i32 to index
    %get3A_928 = arith.constant 0 : index
    %get3A_929 = tpu.vector_load %arg6[%get3A_927, %get3A_928] {strides = array<i32>} : memref<640x16xf32, #tpu.memory_space<vmem>>, vector<1x16xf32>,
    %get3A_930 = vector.shape_cast %get3A_929 : vector<1x16xf32> to vector<16xf32>
    %add3A_931 = arith.addf %add3A_925, %get3A_930 : vector<16xf32>
    %get3A_932 = arith.constant 145 : i32
    %get3A_933 = arith.index_cast %get3A_932 : i32 to index
    %get3A_934 = arith.constant 0 : index
    %get3A_935 = tpu.vector_load %arg6[%get3A_933, %get3A_934] {strides = array<i32>} : memref<640x16xf32, #tpu.memory_space<vmem>>, vector<1x16xf32>,
    %get3A_936 = vector.shape_cast %get3A_935 : vector<1x16xf32> to vector<16xf32>
    %add3A_937 = arith.addf %add3A_931, %get3A_936 : vector<16xf32>
    %get3A_938 = arith.constant 146 : i32
    %get3A_939 = arith.index_cast %get3A_938 : i32 to index
    %get3A_940 = arith.constant 0 : index
    %get3A_941 = tpu.vector_load %arg6[%get3A_939, %get3A_940] {strides = array<i32>} : memref<640x16xf32, #tpu.memory_space<vmem>>, vector<1x16xf32>,
    %get3A_942 = vector.shape_cast %get3A_941 : vector<1x16xf32> to vector<16xf32>
    %add3A_943 = arith.addf %add3A_937, %get3A_942 : vector<16xf32>
    %get3A_944 = arith.constant 147 : i32
    %get3A_945 = arith.index_cast %get3A_944 : i32 to index
    %get3A_946 = arith.constant 0 : index
    %get3A_947 = tpu.vector_load %arg6[%get3A_945, %get3A_946] {strides = array<i32>} : memref<640x16xf32, #tpu.memory_space<vmem>>, vector<1x16xf32>,
    %get3A_948 = vector.shape_cast %get3A_947 : vector<1x16xf32> to vector<16xf32>
    %add3A_949 = arith.addf %add3A_943, %get3A_948 : vector<16xf32>
    %get3A_950 = arith.constant 148 : i32
    %get3A_951 = arith.index_cast %get3A_950 : i32 to index
    %get3A_952 = arith.constant 0 : index
    %get3A_953 = tpu.vector_load %arg6[%get3A_951, %get3A_952] {strides = array<i32>} : memref<640x16xf32, #tpu.memory_space<vmem>>, vector<1x16xf32>,
    %get3A_954 = vector.shape_cast %get3A_953 : vector<1x16xf32> to vector<16xf32>
    %add3A_955 = arith.addf %add3A_949, %get3A_954 : vector<16xf32>
    %get3A_956 = arith.constant 149 : i32
    %get3A_957 = arith.index_cast %get3A_956 : i32 to index
    %get3A_958 = arith.constant 0 : index
    %get3A_959 = tpu.vector_load %arg6[%get3A_957, %get3A_958] {strides = array<i32>} : memref<640x16xf32, #tpu.memory_space<vmem>>, vector<1x16xf32>,
    %get3A_960 = vector.shape_cast %get3A_959 : vector<1x16xf32> to vector<16xf32>
    %add3A_961 = arith.addf %add3A_955, %get3A_960 : vector<16xf32>
    %get3A_962 = arith.constant 150 : i32
    %get3A_963 = arith.index_cast %get3A_962 : i32 to index
    %get3A_964 = arith.constant 0 : index
    %get3A_965 = tpu.vector_load %arg6[%get3A_963, %get3A_964] {strides = array<i32>} : memref<640x16xf32, #tpu.memory_space<vmem>>, vector<1x16xf32>,
    %get3A_966 = vector.shape_cast %get3A_965 : vector<1x16xf32> to vector<16xf32>
    %add3A_967 = arith.addf %add3A_961, %get3A_966 : vector<16xf32>
    %get3A_968 = arith.constant 151 : i32
    %get3A_969 = arith.index_cast %get3A_968 : i32 to index
    %get3A_970 = arith.constant 0 : index
    %get3A_971 = tpu.vector_load %arg6[%get3A_969, %get3A_970] {strides = array<i32>} : memref<640x16xf32, #tpu.memory_space<vmem>>, vector<1x16xf32>,
    %get3A_972 = vector.shape_cast %get3A_971 : vector<1x16xf32> to vector<16xf32>
    %add3A_973 = arith.addf %add3A_967, %get3A_972 : vector<16xf32>
    %get3A_974 = arith.constant 152 : i32
    %get3A_975 = arith.index_cast %get3A_974 : i32 to index
    %get3A_976 = arith.constant 0 : index
    %get3A_977 = tpu.vector_load %arg6[%get3A_975, %get3A_976] {strides = array<i32>} : memref<640x16xf32, #tpu.memory_space<vmem>>, vector<1x16xf32>,
    %get3A_978 = vector.shape_cast %get3A_977 : vector<1x16xf32> to vector<16xf32>
    %add3A_979 = arith.addf %add3A_973, %get3A_978 : vector<16xf32>
    %get3A_980 = arith.constant 153 : i32
    %get3A_981 = arith.index_cast %get3A_980 : i32 to index
    %get3A_982 = arith.constant 0 : index
    %get3A_983 = tpu.vector_load %arg6[%get3A_981, %get3A_982] {strides = array<i32>} : memref<640x16xf32, #tpu.memory_space<vmem>>, vector<1x16xf32>,
    %get3A_984 = vector.shape_cast %get3A_983 : vector<1x16xf32> to vector<16xf32>
    %add3A_985 = arith.addf %add3A_979, %get3A_984 : vector<16xf32>
    %get3A_986 = arith.constant 154 : i32
    %get3A_987 = arith.index_cast %get3A_986 : i32 to index
    %get3A_988 = arith.constant 0 : index
    %get3A_989 = tpu.vector_load %arg6[%get3A_987, %get3A_988] {strides = array<i32>} : memref<640x16xf32, #tpu.memory_space<vmem>>, vector<1x16xf32>,
    %get3A_990 = vector.shape_cast %get3A_989 : vector<1x16xf32> to vector<16xf32>
    %add3A_991 = arith.addf %add3A_985, %get3A_990 : vector<16xf32>
    %get3A_992 = arith.constant 155 : i32
    %get3A_993 = arith.index_cast %get3A_992 : i32 to index
    %get3A_994 = arith.constant 0 : index
    %get3A_995 = tpu.vector_load %arg6[%get3A_993, %get3A_994] {strides = array<i32>} : memref<640x16xf32, #tpu.memory_space<vmem>>, vector<1x16xf32>,
    %get3A_996 = vector.shape_cast %get3A_995 : vector<1x16xf32> to vector<16xf32>
    %add3A_997 = arith.addf %add3A_991, %get3A_996 : vector<16xf32>
    %get3A_998 = arith.constant 156 : i32
    %get3A_999 = arith.index_cast %get3A_998 : i32 to index
    %get3A_1000 = arith.constant 0 : index
    %get3A_1001 = tpu.vector_load %arg6[%get3A_999, %get3A_1000] {strides = array<i32>} : memref<640x16xf32, #tpu.memory_space<vmem>>, vector<1x16xf32>,
    %get3A_1002 = vector.shape_cast %get3A_1001 : vector<1x16xf32> to vector<16xf32>
    %add3A_1003 = arith.addf %add3A_997, %get3A_1002 : vector<16xf32>
    %get3A_1004 = arith.constant 157 : i32
    %get3A_1005 = arith.index_cast %get3A_1004 : i32 to index
    %get3A_1006 = arith.constant 0 : index
    %get3A_1007 = tpu.vector_load %arg6[%get3A_1005, %get3A_1006] {strides = array<i32>} : memref<640x16xf32, #tpu.memory_space<vmem>>, vector<1x16xf32>,
    %get3A_1008 = vector.shape_cast %get3A_1007 : vector<1x16xf32> to vector<16xf32>
    %add3A_1009 = arith.addf %add3A_1003, %get3A_1008 : vector<16xf32>
    %get3A_1010 = arith.constant 158 : i32
    %get3A_1011 = arith.index_cast %get3A_1010 : i32 to index
    %get3A_1012 = arith.constant 0 : index
    %get3A_1013 = tpu.vector_load %arg6[%get3A_1011, %get3A_1012] {strides = array<i32>} : memref<640x16xf32, #tpu.memory_space<vmem>>, vector<1x16xf32>,
    %get3A_1014 = vector.shape_cast %get3A_1013 : vector<1x16xf32> to vector<16xf32>
    %add3A_1015 = arith.addf %add3A_1009, %get3A_1014 : vector<16xf32>
    %get3A_1016 = arith.constant 159 : i32
    %get3A_1017 = arith.index_cast %get3A_1016 : i32 to index
    %get3A_1018 = arith.constant 0 : index
    %get3A_1019 = tpu.vector_load %arg6[%get3A_1017, %get3A_1018] {strides = array<i32>} : memref<640x16xf32, #tpu.memory_space<vmem>>, vector<1x16xf32>,
    %get3A_1020 = vector.shape_cast %get3A_1019 : vector<1x16xf32> to vector<16xf32>
    %add3A_1021 = arith.addf %add3A_1015, %get3A_1020 : vector<16xf32>
    %mul3A_1022 = arith.constant 5.000000e-02 : f32
    %mul3A_1023 = vector.broadcast %mul3A_1022 : f32 to vector<16xf32>
    %mul3A_1024 = arith.mulf %add3A_1021, %mul3A_1023 : vector<16xf32>
    %swap3A_1025 = arith.constant 7 : i32
    %swap3A_1026 = arith.index_cast %swap3A_1025 : i32 to index
    %swap3A_1027 = arith.constant 0 : index
    %swap3A_1028 = tpu.vector_load %arg7[%swap3A_1026, %swap3A_1027] {strides = array<i32>} : memref<32x16xf32, #tpu.memory_space<vmem>>, vector<1x16xf32>,
    %swap3A_1029 = vector.shape_cast %swap3A_1028 : vector<1x16xf32> to vector<16xf32>
    %swap3A_1030 = vector.shape_cast %mul3A_1024 : vector<16xf32> to vector<1x16xf32>
    tpu.vector_store %arg7[%swap3A_1026, %swap3A_1027], %swap3A_1030 {strides = array<i32>} : memref<32x16xf32, #tpu.memory_space<vmem>>, vector<1x16xf32>,
    %get3A_1031 = arith.constant 160 : i32
    %get3A_1032 = arith.index_cast %get3A_1031 : i32 to index
    %get3A_1033 = arith.constant 0 : index
    %get3A_1034 = tpu.vector_load %arg6[%get3A_1032, %get3A_1033] {strides = array<i32>} : memref<640x16xf32, #tpu.memory_space<vmem>>, vector<1x16xf32>,
    %get3A_1035 = vector.shape_cast %get3A_1034 : vector<1x16xf32> to vector<16xf32>
    %get3A_1036 = arith.constant 161 : i32
    %get3A_1037 = arith.index_cast %get3A_1036 : i32 to index
    %get3A_1038 = arith.constant 0 : index
    %get3A_1039 = tpu.vector_load %arg6[%get3A_1037, %get3A_1038] {strides = array<i32>} : memref<640x16xf32, #tpu.memory_space<vmem>>, vector<1x16xf32>,
    %get3A_1040 = vector.shape_cast %get3A_1039 : vector<1x16xf32> to vector<16xf32>
    %add3A_1041 = arith.addf %get3A_1035, %get3A_1040 : vector<16xf32>
    %get3A_1042 = arith.constant 162 : i32
    %get3A_1043 = arith.index_cast %get3A_1042 : i32 to index
    %get3A_1044 = arith.constant 0 : index
    %get3A_1045 = tpu.vector_load %arg6[%get3A_1043, %get3A_1044] {strides = array<i32>} : memref<640x16xf32, #tpu.memory_space<vmem>>, vector<1x16xf32>,
    %get3A_1046 = vector.shape_cast %get3A_1045 : vector<1x16xf32> to vector<16xf32>
    %add3A_1047 = arith.addf %add3A_1041, %get3A_1046 : vector<16xf32>
    %get3A_1048 = arith.constant 163 : i32
    %get3A_1049 = arith.index_cast %get3A_1048 : i32 to index
    %get3A_1050 = arith.constant 0 : index
    %get3A_1051 = tpu.vector_load %arg6[%get3A_1049, %get3A_1050] {strides = array<i32>} : memref<640x16xf32, #tpu.memory_space<vmem>>, vector<1x16xf32>,
    %get3A_1052 = vector.shape_cast %get3A_1051 : vector<1x16xf32> to vector<16xf32>
    %add3A_1053 = arith.addf %add3A_1047, %get3A_1052 : vector<16xf32>
    %get3A_1054 = arith.constant 164 : i32
    %get3A_1055 = arith.index_cast %get3A_1054 : i32 to index
    %get3A_1056 = arith.constant 0 : index
    %get3A_1057 = tpu.vector_load %arg6[%get3A_1055, %get3A_1056] {strides = array<i32>} : memref<640x16xf32, #tpu.memory_space<vmem>>, vector<1x16xf32>,
    %get3A_1058 = vector.shape_cast %get3A_1057 : vector<1x16xf32> to vector<16xf32>
    %add3A_1059 = arith.addf %add3A_1053, %get3A_1058 : vector<16xf32>
    %get3A_1060 = arith.constant 165 : i32
    %get3A_1061 = arith.index_cast %get3A_1060 : i32 to index
    %get3A_1062 = arith.constant 0 : index
    %get3A_1063 = tpu.vector_load %arg6[%get3A_1061, %get3A_1062] {strides = array<i32>} : memref<640x16xf32, #tpu.memory_space<vmem>>, vector<1x16xf32>,
    %get3A_1064 = vector.shape_cast %get3A_1063 : vector<1x16xf32> to vector<16xf32>
    %add3A_1065 = arith.addf %add3A_1059, %get3A_1064 : vector<16xf32>
    %get3A_1066 = arith.constant 166 : i32
    %get3A_1067 = arith.index_cast %get3A_1066 : i32 to index
    %get3A_1068 = arith.constant 0 : index
    %get3A_1069 = tpu.vector_load %arg6[%get3A_1067, %get3A_1068] {strides = array<i32>} : memref<640x16xf32, #tpu.memory_space<vmem>>, vector<1x16xf32>,
    %get3A_1070 = vector.shape_cast %get3A_1069 : vector<1x16xf32> to vector<16xf32>
    %add3A_1071 = arith.addf %add3A_1065, %get3A_1070 : vector<16xf32>
    %get3A_1072 = arith.constant 167 : i32
    %get3A_1073 = arith.index_cast %get3A_1072 : i32 to index
    %get3A_1074 = arith.constant 0 : index
    %get3A_1075 = tpu.vector_load %arg6[%get3A_1073, %get3A_1074] {strides = array<i32>} : memref<640x16xf32, #tpu.memory_space<vmem>>, vector<1x16xf32>,
    %get3A_1076 = vector.shape_cast %get3A_1075 : vector<1x16xf32> to vector<16xf32>
    %add3A_1077 = arith.addf %add3A_1071, %get3A_1076 : vector<16xf32>
    %get3A_1078 = arith.constant 168 : i32
    %get3A_1079 = arith.index_cast %get3A_1078 : i32 to index
    %get3A_1080 = arith.constant 0 : index
    %get3A_1081 = tpu.vector_load %arg6[%get3A_1079, %get3A_1080] {strides = array<i32>} : memref<640x16xf32, #tpu.memory_space<vmem>>, vector<1x16xf32>,
    %get3A_1082 = vector.shape_cast %get3A_1081 : vector<1x16xf32> to vector<16xf32>
    %add3A_1083 = arith.addf %add3A_1077, %get3A_1082 : vector<16xf32>
    %get3A_1084 = arith.constant 169 : i32
    %get3A_1085 = arith.index_cast %get3A_1084 : i32 to index
    %get3A_1086 = arith.constant 0 : index
    %get3A_1087 = tpu.vector_load %arg6[%get3A_1085, %get3A_1086] {strides = array<i32>} : memref<640x16xf32, #tpu.memory_space<vmem>>, vector<1x16xf32>,
    %get3A_1088 = vector.shape_cast %get3A_1087 : vector<1x16xf32> to vector<16xf32>
    %add3A_1089 = arith.addf %add3A_1083, %get3A_1088 : vector<16xf32>
    %get3A_1090 = arith.constant 170 : i32
    %get3A_1091 = arith.index_cast %get3A_1090 : i32 to index
    %get3A_1092 = arith.constant 0 : index
    %get3A_1093 = tpu.vector_load %arg6[%get3A_1091, %get3A_1092] {strides = array<i32>} : memref<640x16xf32, #tpu.memory_space<vmem>>, vector<1x16xf32>,
    %get3A_1094 = vector.shape_cast %get3A_1093 : vector<1x16xf32> to vector<16xf32>
    %add3A_1095 = arith.addf %add3A_1089, %get3A_1094 : vector<16xf32>
    %get3A_1096 = arith.constant 171 : i32
    %get3A_1097 = arith.index_cast %get3A_1096 : i32 to index
    %get3A_1098 = arith.constant 0 : index
    %get3A_1099 = tpu.vector_load %arg6[%get3A_1097, %get3A_1098] {strides = array<i32>} : memref<640x16xf32, #tpu.memory_space<vmem>>, vector<1x16xf32>,
    %get3A_1100 = vector.shape_cast %get3A_1099 : vector<1x16xf32> to vector<16xf32>
    %add3A_1101 = arith.addf %add3A_1095, %get3A_1100 : vector<16xf32>
    %get3A_1102 = arith.constant 172 : i32
    %get3A_1103 = arith.index_cast %get3A_1102 : i32 to index
    %get3A_1104 = arith.constant 0 : index
    %get3A_1105 = tpu.vector_load %arg6[%get3A_1103, %get3A_1104] {strides = array<i32>} : memref<640x16xf32, #tpu.memory_space<vmem>>, vector<1x16xf32>,
    %get3A_1106 = vector.shape_cast %get3A_1105 : vector<1x16xf32> to vector<16xf32>
    %add3A_1107 = arith.addf %add3A_1101, %get3A_1106 : vector<16xf32>
    %get3A_1108 = arith.constant 173 : i32
    %get3A_1109 = arith.index_cast %get3A_1108 : i32 to index
    %get3A_1110 = arith.constant 0 : index
    %get3A_1111 = tpu.vector_load %arg6[%get3A_1109, %get3A_1110] {strides = array<i32>} : memref<640x16xf32, #tpu.memory_space<vmem>>, vector<1x16xf32>,
    %get3A_1112 = vector.shape_cast %get3A_1111 : vector<1x16xf32> to vector<16xf32>
    %add3A_1113 = arith.addf %add3A_1107, %get3A_1112 : vector<16xf32>
    %get3A_1114 = arith.constant 174 : i32
    %get3A_1115 = arith.index_cast %get3A_1114 : i32 to index
    %get3A_1116 = arith.constant 0 : index
    %get3A_1117 = tpu.vector_load %arg6[%get3A_1115, %get3A_1116] {strides = array<i32>} : memref<640x16xf32, #tpu.memory_space<vmem>>, vector<1x16xf32>,
    %get3A_1118 = vector.shape_cast %get3A_1117 : vector<1x16xf32> to vector<16xf32>
    %add3A_1119 = arith.addf %add3A_1113, %get3A_1118 : vector<16xf32>
    %get3A_1120 = arith.constant 175 : i32
    %get3A_1121 = arith.index_cast %get3A_1120 : i32 to index
    %get3A_1122 = arith.constant 0 : index
    %get3A_1123 = tpu.vector_load %arg6[%get3A_1121, %get3A_1122] {strides = array<i32>} : memref<640x16xf32, #tpu.memory_space<vmem>>, vector<1x16xf32>,
    %get3A_1124 = vector.shape_cast %get3A_1123 : vector<1x16xf32> to vector<16xf32>
    %add3A_1125 = arith.addf %add3A_1119, %get3A_1124 : vector<16xf32>
    %get3A_1126 = arith.constant 176 : i32
    %get3A_1127 = arith.index_cast %get3A_1126 : i32 to index
    %get3A_1128 = arith.constant 0 : index
    %get3A_1129 = tpu.vector_load %arg6[%get3A_1127, %get3A_1128] {strides = array<i32>} : memref<640x16xf32, #tpu.memory_space<vmem>>, vector<1x16xf32>,
    %get3A_1130 = vector.shape_cast %get3A_1129 : vector<1x16xf32> to vector<16xf32>
    %add3A_1131 = arith.addf %add3A_1125, %get3A_1130 : vector<16xf32>
    %get3A_1132 = arith.constant 177 : i32
    %get3A_1133 = arith.index_cast %get3A_1132 : i32 to index
    %get3A_1134 = arith.constant 0 : index
    %get3A_1135 = tpu.vector_load %arg6[%get3A_1133, %get3A_1134] {strides = array<i32>} : memref<640x16xf32, #tpu.memory_space<vmem>>, vector<1x16xf32>,
    %get3A_1136 = vector.shape_cast %get3A_1135 : vector<1x16xf32> to vector<16xf32>
    %add3A_1137 = arith.addf %add3A_1131, %get3A_1136 : vector<16xf32>
    %get3A_1138 = arith.constant 178 : i32
    %get3A_1139 = arith.index_cast %get3A_1138 : i32 to index
    %get3A_1140 = arith.constant 0 : index
    %get3A_1141 = tpu.vector_load %arg6[%get3A_1139, %get3A_1140] {strides = array<i32>} : memref<640x16xf32, #tpu.memory_space<vmem>>, vector<1x16xf32>,
    %get3A_1142 = vector.shape_cast %get3A_1141 : vector<1x16xf32> to vector<16xf32>
    %add3A_1143 = arith.addf %add3A_1137, %get3A_1142 : vector<16xf32>
    %get3A_1144 = arith.constant 179 : i32
    %get3A_1145 = arith.index_cast %get3A_1144 : i32 to index
    %get3A_1146 = arith.constant 0 : index
    %get3A_1147 = tpu.vector_load %arg6[%get3A_1145, %get3A_1146] {strides = array<i32>} : memref<640x16xf32, #tpu.memory_space<vmem>>, vector<1x16xf32>,
    %get3A_1148 = vector.shape_cast %get3A_1147 : vector<1x16xf32> to vector<16xf32>
    %add3A_1149 = arith.addf %add3A_1143, %get3A_1148 : vector<16xf32>
    %mul3A_1150 = arith.constant 5.000000e-02 : f32
    %mul3A_1151 = vector.broadcast %mul3A_1150 : f32 to vector<16xf32>
    %mul3A_1152 = arith.mulf %add3A_1149, %mul3A_1151 : vector<16xf32>
    %swap3A_1153 = arith.constant 8 : i32
    %swap3A_1154 = arith.index_cast %swap3A_1153 : i32 to index
    %swap3A_1155 = arith.constant 0 : index
    %swap3A_1156 = tpu.vector_load %arg7[%swap3A_1154, %swap3A_1155] {strides = array<i32>} : memref<32x16xf32, #tpu.memory_space<vmem>>, vector<1x16xf32>,
    %swap3A_1157 = vector.shape_cast %swap3A_1156 : vector<1x16xf32> to vector<16xf32>
    %swap3A_1158 = vector.shape_cast %mul3A_1152 : vector<16xf32> to vector<1x16xf32>
    tpu.vector_store %arg7[%swap3A_1154, %swap3A_1155], %swap3A_1158 {strides = array<i32>} : memref<32x16xf32, #tpu.memory_space<vmem>>, vector<1x16xf32>,
    %get3A_1159 = arith.constant 180 : i32
    %get3A_1160 = arith.index_cast %get3A_1159 : i32 to index
    %get3A_1161 = arith.constant 0 : index
    %get3A_1162 = tpu.vector_load %arg6[%get3A_1160, %get3A_1161] {strides = array<i32>} : memref<640x16xf32, #tpu.memory_space<vmem>>, vector<1x16xf32>,
    %get3A_1163 = vector.shape_cast %get3A_1162 : vector<1x16xf32> to vector<16xf32>
    %get3A_1164 = arith.constant 181 : i32
    %get3A_1165 = arith.index_cast %get3A_1164 : i32 to index
    %get3A_1166 = arith.constant 0 : index
    %get3A_1167 = tpu.vector_load %arg6[%get3A_1165, %get3A_1166] {strides = array<i32>} : memref<640x16xf32, #tpu.memory_space<vmem>>, vector<1x16xf32>,
    %get3A_1168 = vector.shape_cast %get3A_1167 : vector<1x16xf32> to vector<16xf32>
    %add3A_1169 = arith.addf %get3A_1163, %get3A_1168 : vector<16xf32>
    %get3A_1170 = arith.constant 182 : i32
    %get3A_1171 = arith.index_cast %get3A_1170 : i32 to index
    %get3A_1172 = arith.constant 0 : index
    %get3A_1173 = tpu.vector_load %arg6[%get3A_1171, %get3A_1172] {strides = array<i32>} : memref<640x16xf32, #tpu.memory_space<vmem>>, vector<1x16xf32>,
    %get3A_1174 = vector.shape_cast %get3A_1173 : vector<1x16xf32> to vector<16xf32>
    %add3A_1175 = arith.addf %add3A_1169, %get3A_1174 : vector<16xf32>
    %get3A_1176 = arith.constant 183 : i32
    %get3A_1177 = arith.index_cast %get3A_1176 : i32 to index
    %get3A_1178 = arith.constant 0 : index
    %get3A_1179 = tpu.vector_load %arg6[%get3A_1177, %get3A_1178] {strides = array<i32>} : memref<640x16xf32, #tpu.memory_space<vmem>>, vector<1x16xf32>,
    %get3A_1180 = vector.shape_cast %get3A_1179 : vector<1x16xf32> to vector<16xf32>
    %add3A_1181 = arith.addf %add3A_1175, %get3A_1180 : vector<16xf32>
    %get3A_1182 = arith.constant 184 : i32
    %get3A_1183 = arith.index_cast %get3A_1182 : i32 to index
    %get3A_1184 = arith.constant 0 : index
    %get3A_1185 = tpu.vector_load %arg6[%get3A_1183, %get3A_1184] {strides = array<i32>} : memref<640x16xf32, #tpu.memory_space<vmem>>, vector<1x16xf32>,
    %get3A_1186 = vector.shape_cast %get3A_1185 : vector<1x16xf32> to vector<16xf32>
    %add3A_1187 = arith.addf %add3A_1181, %get3A_1186 : vector<16xf32>
    %get3A_1188 = arith.constant 185 : i32
    %get3A_1189 = arith.index_cast %get3A_1188 : i32 to index
    %get3A_1190 = arith.constant 0 : index
    %get3A_1191 = tpu.vector_load %arg6[%get3A_1189, %get3A_1190] {strides = array<i32>} : memref<640x16xf32, #tpu.memory_space<vmem>>, vector<1x16xf32>,
    %get3A_1192 = vector.shape_cast %get3A_1191 : vector<1x16xf32> to vector<16xf32>
    %add3A_1193 = arith.addf %add3A_1187, %get3A_1192 : vector<16xf32>
    %get3A_1194 = arith.constant 186 : i32
    %get3A_1195 = arith.index_cast %get3A_1194 : i32 to index
    %get3A_1196 = arith.constant 0 : index
    %get3A_1197 = tpu.vector_load %arg6[%get3A_1195, %get3A_1196] {strides = array<i32>} : memref<640x16xf32, #tpu.memory_space<vmem>>, vector<1x16xf32>,
    %get3A_1198 = vector.shape_cast %get3A_1197 : vector<1x16xf32> to vector<16xf32>
    %add3A_1199 = arith.addf %add3A_1193, %get3A_1198 : vector<16xf32>
    %get3A_1200 = arith.constant 187 : i32
    %get3A_1201 = arith.index_cast %get3A_1200 : i32 to index
    %get3A_1202 = arith.constant 0 : index
    %get3A_1203 = tpu.vector_load %arg6[%get3A_1201, %get3A_1202] {strides = array<i32>} : memref<640x16xf32, #tpu.memory_space<vmem>>, vector<1x16xf32>,
    %get3A_1204 = vector.shape_cast %get3A_1203 : vector<1x16xf32> to vector<16xf32>
    %add3A_1205 = arith.addf %add3A_1199, %get3A_1204 : vector<16xf32>
    %get3A_1206 = arith.constant 188 : i32
    %get3A_1207 = arith.index_cast %get3A_1206 : i32 to index
    %get3A_1208 = arith.constant 0 : index
    %get3A_1209 = tpu.vector_load %arg6[%get3A_1207, %get3A_1208] {strides = array<i32>} : memref<640x16xf32, #tpu.memory_space<vmem>>, vector<1x16xf32>,
    %get3A_1210 = vector.shape_cast %get3A_1209 : vector<1x16xf32> to vector<16xf32>
    %add3A_1211 = arith.addf %add3A_1205, %get3A_1210 : vector<16xf32>
    %get3A_1212 = arith.constant 189 : i32
    %get3A_1213 = arith.index_cast %get3A_1212 : i32 to index
    %get3A_1214 = arith.constant 0 : index
    %get3A_1215 = tpu.vector_load %arg6[%get3A_1213, %get3A_1214] {strides = array<i32>} : memref<640x16xf32, #tpu.memory_space<vmem>>, vector<1x16xf32>,
    %get3A_1216 = vector.shape_cast %get3A_1215 : vector<1x16xf32> to vector<16xf32>
    %add3A_1217 = arith.addf %add3A_1211, %get3A_1216 : vector<16xf32>
    %get3A_1218 = arith.constant 190 : i32
    %get3A_1219 = arith.index_cast %get3A_1218 : i32 to index
    %get3A_1220 = arith.constant 0 : index
    %get3A_1221 = tpu.vector_load %arg6[%get3A_1219, %get3A_1220] {strides = array<i32>} : memref<640x16xf32, #tpu.memory_space<vmem>>, vector<1x16xf32>,
    %get3A_1222 = vector.shape_cast %get3A_1221 : vector<1x16xf32> to vector<16xf32>
    %add3A_1223 = arith.addf %add3A_1217, %get3A_1222 : vector<16xf32>
    %get3A_1224 = arith.constant 191 : i32
    %get3A_1225 = arith.index_cast %get3A_1224 : i32 to index
    %get3A_1226 = arith.constant 0 : index
    %get3A_1227 = tpu.vector_load %arg6[%get3A_1225, %get3A_1226] {strides = array<i32>} : memref<640x16xf32, #tpu.memory_space<vmem>>, vector<1x16xf32>,
    %get3A_1228 = vector.shape_cast %get3A_1227 : vector<1x16xf32> to vector<16xf32>
    %add3A_1229 = arith.addf %add3A_1223, %get3A_1228 : vector<16xf32>
    %get3A_1230 = arith.constant 192 : i32
    %get3A_1231 = arith.index_cast %get3A_1230 : i32 to index
    %get3A_1232 = arith.constant 0 : index
    %get3A_1233 = tpu.vector_load %arg6[%get3A_1231, %get3A_1232] {strides = array<i32>} : memref<640x16xf32, #tpu.memory_space<vmem>>, vector<1x16xf32>,
    %get3A_1234 = vector.shape_cast %get3A_1233 : vector<1x16xf32> to vector<16xf32>
    %add3A_1235 = arith.addf %add3A_1229, %get3A_1234 : vector<16xf32>
    %get3A_1236 = arith.constant 193 : i32
    %get3A_1237 = arith.index_cast %get3A_1236 : i32 to index
    %get3A_1238 = arith.constant 0 : index
    %get3A_1239 = tpu.vector_load %arg6[%get3A_1237, %get3A_1238] {strides = array<i32>} : memref<640x16xf32, #tpu.memory_space<vmem>>, vector<1x16xf32>,
    %get3A_1240 = vector.shape_cast %get3A_1239 : vector<1x16xf32> to vector<16xf32>
    %add3A_1241 = arith.addf %add3A_1235, %get3A_1240 : vector<16xf32>
    %get3A_1242 = arith.constant 194 : i32
    %get3A_1243 = arith.index_cast %get3A_1242 : i32 to index
    %get3A_1244 = arith.constant 0 : index
    %get3A_1245 = tpu.vector_load %arg6[%get3A_1243, %get3A_1244] {strides = array<i32>} : memref<640x16xf32, #tpu.memory_space<vmem>>, vector<1x16xf32>,
    %get3A_1246 = vector.shape_cast %get3A_1245 : vector<1x16xf32> to vector<16xf32>
    %add3A_1247 = arith.addf %add3A_1241, %get3A_1246 : vector<16xf32>
    %get3A_1248 = arith.constant 195 : i32
    %get3A_1249 = arith.index_cast %get3A_1248 : i32 to index
    %get3A_1250 = arith.constant 0 : index
    %get3A_1251 = tpu.vector_load %arg6[%get3A_1249, %get3A_1250] {strides = array<i32>} : memref<640x16xf32, #tpu.memory_space<vmem>>, vector<1x16xf32>,
    %get3A_1252 = vector.shape_cast %get3A_1251 : vector<1x16xf32> to vector<16xf32>
    %add3A_1253 = arith.addf %add3A_1247, %get3A_1252 : vector<16xf32>
    %get3A_1254 = arith.constant 196 : i32
    %get3A_1255 = arith.index_cast %get3A_1254 : i32 to index
    %get3A_1256 = arith.constant 0 : index
    %get3A_1257 = tpu.vector_load %arg6[%get3A_1255, %get3A_1256] {strides = array<i32>} : memref<640x16xf32, #tpu.memory_space<vmem>>, vector<1x16xf32>,
    %get3A_1258 = vector.shape_cast %get3A_1257 : vector<1x16xf32> to vector<16xf32>
    %add3A_1259 = arith.addf %add3A_1253, %get3A_1258 : vector<16xf32>
    %get3A_1260 = arith.constant 197 : i32
    %get3A_1261 = arith.index_cast %get3A_1260 : i32 to index
    %get3A_1262 = arith.constant 0 : index
    %get3A_1263 = tpu.vector_load %arg6[%get3A_1261, %get3A_1262] {strides = array<i32>} : memref<640x16xf32, #tpu.memory_space<vmem>>, vector<1x16xf32>,
    %get3A_1264 = vector.shape_cast %get3A_1263 : vector<1x16xf32> to vector<16xf32>
    %add3A_1265 = arith.addf %add3A_1259, %get3A_1264 : vector<16xf32>
    %get3A_1266 = arith.constant 198 : i32
    %get3A_1267 = arith.index_cast %get3A_1266 : i32 to index
    %get3A_1268 = arith.constant 0 : index
    %get3A_1269 = tpu.vector_load %arg6[%get3A_1267, %get3A_1268] {strides = array<i32>} : memref<640x16xf32, #tpu.memory_space<vmem>>, vector<1x16xf32>,
    %get3A_1270 = vector.shape_cast %get3A_1269 : vector<1x16xf32> to vector<16xf32>
    %add3A_1271 = arith.addf %add3A_1265, %get3A_1270 : vector<16xf32>
    %get3A_1272 = arith.constant 199 : i32
    %get3A_1273 = arith.index_cast %get3A_1272 : i32 to index
    %get3A_1274 = arith.constant 0 : index
    %get3A_1275 = tpu.vector_load %arg6[%get3A_1273, %get3A_1274] {strides = array<i32>} : memref<640x16xf32, #tpu.memory_space<vmem>>, vector<1x16xf32>,
    %get3A_1276 = vector.shape_cast %get3A_1275 : vector<1x16xf32> to vector<16xf32>
    %add3A_1277 = arith.addf %add3A_1271, %get3A_1276 : vector<16xf32>
    %mul3A_1278 = arith.constant 5.000000e-02 : f32
    %mul3A_1279 = vector.broadcast %mul3A_1278 : f32 to vector<16xf32>
    %mul3A_1280 = arith.mulf %add3A_1277, %mul3A_1279 : vector<16xf32>
    %swap3A_1281 = arith.constant 9 : i32
    %swap3A_1282 = arith.index_cast %swap3A_1281 : i32 to index
    %swap3A_1283 = arith.constant 0 : index
    %swap3A_1284 = tpu.vector_load %arg7[%swap3A_1282, %swap3A_1283] {strides = array<i32>} : memref<32x16xf32, #tpu.memory_space<vmem>>, vector<1x16xf32>,
    %swap3A_1285 = vector.shape_cast %swap3A_1284 : vector<1x16xf32> to vector<16xf32>
    %swap3A_1286 = vector.shape_cast %mul3A_1280 : vector<16xf32> to vector<1x16xf32>
    tpu.vector_store %arg7[%swap3A_1282, %swap3A_1283], %swap3A_1286 {strides = array<i32>} : memref<32x16xf32, #tpu.memory_space<vmem>>, vector<1x16xf32>,
    %get3A_1287 = arith.constant 200 : i32
    %get3A_1288 = arith.index_cast %get3A_1287 : i32 to index
    %get3A_1289 = arith.constant 0 : index
    %get3A_1290 = tpu.vector_load %arg6[%get3A_1288, %get3A_1289] {strides = array<i32>} : memref<640x16xf32, #tpu.memory_space<vmem>>, vector<1x16xf32>,
    %get3A_1291 = vector.shape_cast %get3A_1290 : vector<1x16xf32> to vector<16xf32>
    %get3A_1292 = arith.constant 201 : i32
    %get3A_1293 = arith.index_cast %get3A_1292 : i32 to index
    %get3A_1294 = arith.constant 0 : index
    %get3A_1295 = tpu.vector_load %arg6[%get3A_1293, %get3A_1294] {strides = array<i32>} : memref<640x16xf32, #tpu.memory_space<vmem>>, vector<1x16xf32>,
    %get3A_1296 = vector.shape_cast %get3A_1295 : vector<1x16xf32> to vector<16xf32>
    %add3A_1297 = arith.addf %get3A_1291, %get3A_1296 : vector<16xf32>
    %get3A_1298 = arith.constant 202 : i32
    %get3A_1299 = arith.index_cast %get3A_1298 : i32 to index
    %get3A_1300 = arith.constant 0 : index
    %get3A_1301 = tpu.vector_load %arg6[%get3A_1299, %get3A_1300] {strides = array<i32>} : memref<640x16xf32, #tpu.memory_space<vmem>>, vector<1x16xf32>,
    %get3A_1302 = vector.shape_cast %get3A_1301 : vector<1x16xf32> to vector<16xf32>
    %add3A_1303 = arith.addf %add3A_1297, %get3A_1302 : vector<16xf32>
    %get3A_1304 = arith.constant 203 : i32
    %get3A_1305 = arith.index_cast %get3A_1304 : i32 to index
    %get3A_1306 = arith.constant 0 : index
    %get3A_1307 = tpu.vector_load %arg6[%get3A_1305, %get3A_1306] {strides = array<i32>} : memref<640x16xf32, #tpu.memory_space<vmem>>, vector<1x16xf32>,
    %get3A_1308 = vector.shape_cast %get3A_1307 : vector<1x16xf32> to vector<16xf32>
    %add3A_1309 = arith.addf %add3A_1303, %get3A_1308 : vector<16xf32>
    %get3A_1310 = arith.constant 204 : i32
    %get3A_1311 = arith.index_cast %get3A_1310 : i32 to index
    %get3A_1312 = arith.constant 0 : index
    %get3A_1313 = tpu.vector_load %arg6[%get3A_1311, %get3A_1312] {strides = array<i32>} : memref<640x16xf32, #tpu.memory_space<vmem>>, vector<1x16xf32>,
    %get3A_1314 = vector.shape_cast %get3A_1313 : vector<1x16xf32> to vector<16xf32>
    %add3A_1315 = arith.addf %add3A_1309, %get3A_1314 : vector<16xf32>
    %get3A_1316 = arith.constant 205 : i32
    %get3A_1317 = arith.index_cast %get3A_1316 : i32 to index
    %get3A_1318 = arith.constant 0 : index
    %get3A_1319 = tpu.vector_load %arg6[%get3A_1317, %get3A_1318] {strides = array<i32>} : memref<640x16xf32, #tpu.memory_space<vmem>>, vector<1x16xf32>,
    %get3A_1320 = vector.shape_cast %get3A_1319 : vector<1x16xf32> to vector<16xf32>
    %add3A_1321 = arith.addf %add3A_1315, %get3A_1320 : vector<16xf32>
    %get3A_1322 = arith.constant 206 : i32
    %get3A_1323 = arith.index_cast %get3A_1322 : i32 to index
    %get3A_1324 = arith.constant 0 : index
    %get3A_1325 = tpu.vector_load %arg6[%get3A_1323, %get3A_1324] {strides = array<i32>} : memref<640x16xf32, #tpu.memory_space<vmem>>, vector<1x16xf32>,
    %get3A_1326 = vector.shape_cast %get3A_1325 : vector<1x16xf32> to vector<16xf32>
    %add3A_1327 = arith.addf %add3A_1321, %get3A_1326 : vector<16xf32>
    %get3A_1328 = arith.constant 207 : i32
    %get3A_1329 = arith.index_cast %get3A_1328 : i32 to index
    %get3A_1330 = arith.constant 0 : index
    %get3A_1331 = tpu.vector_load %arg6[%get3A_1329, %get3A_1330] {strides = array<i32>} : memref<640x16xf32, #tpu.memory_space<vmem>>, vector<1x16xf32>,
    %get3A_1332 = vector.shape_cast %get3A_1331 : vector<1x16xf32> to vector<16xf32>
    %add3A_1333 = arith.addf %add3A_1327, %get3A_1332 : vector<16xf32>
    %get3A_1334 = arith.constant 208 : i32
    %get3A_1335 = arith.index_cast %get3A_1334 : i32 to index
    %get3A_1336 = arith.constant 0 : index
    %get3A_1337 = tpu.vector_load %arg6[%get3A_1335, %get3A_1336] {strides = array<i32>} : memref<640x16xf32, #tpu.memory_space<vmem>>, vector<1x16xf32>,
    %get3A_1338 = vector.shape_cast %get3A_1337 : vector<1x16xf32> to vector<16xf32>
    %add3A_1339 = arith.addf %add3A_1333, %get3A_1338 : vector<16xf32>
    %get3A_1340 = arith.constant 209 : i32
    %get3A_1341 = arith.index_cast %get3A_1340 : i32 to index
    %get3A_1342 = arith.constant 0 : index
    %get3A_1343 = tpu.vector_load %arg6[%get3A_1341, %get3A_1342] {strides = array<i32>} : memref<640x16xf32, #tpu.memory_space<vmem>>, vector<1x16xf32>,
    %get3A_1344 = vector.shape_cast %get3A_1343 : vector<1x16xf32> to vector<16xf32>
    %add3A_1345 = arith.addf %add3A_1339, %get3A_1344 : vector<16xf32>
    %get3A_1346 = arith.constant 210 : i32
    %get3A_1347 = arith.index_cast %get3A_1346 : i32 to index
    %get3A_1348 = arith.constant 0 : index
    %get3A_1349 = tpu.vector_load %arg6[%get3A_1347, %get3A_1348] {strides = array<i32>} : memref<640x16xf32, #tpu.memory_space<vmem>>, vector<1x16xf32>,
    %get3A_1350 = vector.shape_cast %get3A_1349 : vector<1x16xf32> to vector<16xf32>
    %add3A_1351 = arith.addf %add3A_1345, %get3A_1350 : vector<16xf32>
    %get3A_1352 = arith.constant 211 : i32
    %get3A_1353 = arith.index_cast %get3A_1352 : i32 to index
    %get3A_1354 = arith.constant 0 : index
    %get3A_1355 = tpu.vector_load %arg6[%get3A_1353, %get3A_1354] {strides = array<i32>} : memref<640x16xf32, #tpu.memory_space<vmem>>, vector<1x16xf32>,
    %get3A_1356 = vector.shape_cast %get3A_1355 : vector<1x16xf32> to vector<16xf32>
    %add3A_1357 = arith.addf %add3A_1351, %get3A_1356 : vector<16xf32>
    %get3A_1358 = arith.constant 212 : i32
    %get3A_1359 = arith.index_cast %get3A_1358 : i32 to index
    %get3A_1360 = arith.constant 0 : index
    %get3A_1361 = tpu.vector_load %arg6[%get3A_1359, %get3A_1360] {strides = array<i32>} : memref<640x16xf32, #tpu.memory_space<vmem>>, vector<1x16xf32>,
    %get3A_1362 = vector.shape_cast %get3A_1361 : vector<1x16xf32> to vector<16xf32>
    %add3A_1363 = arith.addf %add3A_1357, %get3A_1362 : vector<16xf32>
    %get3A_1364 = arith.constant 213 : i32
    %get3A_1365 = arith.index_cast %get3A_1364 : i32 to index
    %get3A_1366 = arith.constant 0 : index
    %get3A_1367 = tpu.vector_load %arg6[%get3A_1365, %get3A_1366] {strides = array<i32>} : memref<640x16xf32, #tpu.memory_space<vmem>>, vector<1x16xf32>,
    %get3A_1368 = vector.shape_cast %get3A_1367 : vector<1x16xf32> to vector<16xf32>
    %add3A_1369 = arith.addf %add3A_1363, %get3A_1368 : vector<16xf32>
    %get3A_1370 = arith.constant 214 : i32
    %get3A_1371 = arith.index_cast %get3A_1370 : i32 to index
    %get3A_1372 = arith.constant 0 : index
    %get3A_1373 = tpu.vector_load %arg6[%get3A_1371, %get3A_1372] {strides = array<i32>} : memref<640x16xf32, #tpu.memory_space<vmem>>, vector<1x16xf32>,
    %get3A_1374 = vector.shape_cast %get3A_1373 : vector<1x16xf32> to vector<16xf32>
    %add3A_1375 = arith.addf %add3A_1369, %get3A_1374 : vector<16xf32>
    %get3A_1376 = arith.constant 215 : i32
    %get3A_1377 = arith.index_cast %get3A_1376 : i32 to index
    %get3A_1378 = arith.constant 0 : index
    %get3A_1379 = tpu.vector_load %arg6[%get3A_1377, %get3A_1378] {strides = array<i32>} : memref<640x16xf32, #tpu.memory_space<vmem>>, vector<1x16xf32>,
    %get3A_1380 = vector.shape_cast %get3A_1379 : vector<1x16xf32> to vector<16xf32>
    %add3A_1381 = arith.addf %add3A_1375, %get3A_1380 : vector<16xf32>
    %get3A_1382 = arith.constant 216 : i32
    %get3A_1383 = arith.index_cast %get3A_1382 : i32 to index
    %get3A_1384 = arith.constant 0 : index
    %get3A_1385 = tpu.vector_load %arg6[%get3A_1383, %get3A_1384] {strides = array<i32>} : memref<640x16xf32, #tpu.memory_space<vmem>>, vector<1x16xf32>,
    %get3A_1386 = vector.shape_cast %get3A_1385 : vector<1x16xf32> to vector<16xf32>
    %add3A_1387 = arith.addf %add3A_1381, %get3A_1386 : vector<16xf32>
    %get3A_1388 = arith.constant 217 : i32
    %get3A_1389 = arith.index_cast %get3A_1388 : i32 to index
    %get3A_1390 = arith.constant 0 : index
    %get3A_1391 = tpu.vector_load %arg6[%get3A_1389, %get3A_1390] {strides = array<i32>} : memref<640x16xf32, #tpu.memory_space<vmem>>, vector<1x16xf32>,
    %get3A_1392 = vector.shape_cast %get3A_1391 : vector<1x16xf32> to vector<16xf32>
    %add3A_1393 = arith.addf %add3A_1387, %get3A_1392 : vector<16xf32>
    %get3A_1394 = arith.constant 218 : i32
    %get3A_1395 = arith.index_cast %get3A_1394 : i32 to index
    %get3A_1396 = arith.constant 0 : index
    %get3A_1397 = tpu.vector_load %arg6[%get3A_1395, %get3A_1396] {strides = array<i32>} : memref<640x16xf32, #tpu.memory_space<vmem>>, vector<1x16xf32>,
    %get3A_1398 = vector.shape_cast %get3A_1397 : vector<1x16xf32> to vector<16xf32>
    %add3A_1399 = arith.addf %add3A_1393, %get3A_1398 : vector<16xf32>
    %get3A_1400 = arith.constant 219 : i32
    %get3A_1401 = arith.index_cast %get3A_1400 : i32 to index
    %get3A_1402 = arith.constant 0 : index
    %get3A_1403 = tpu.vector_load %arg6[%get3A_1401, %get3A_1402] {strides = array<i32>} : memref<640x16xf32, #tpu.memory_space<vmem>>, vector<1x16xf32>,
    %get3A_1404 = vector.shape_cast %get3A_1403 : vector<1x16xf32> to vector<16xf32>
    %add3A_1405 = arith.addf %add3A_1399, %get3A_1404 : vector<16xf32>
    %mul3A_1406 = arith.constant 5.000000e-02 : f32
    %mul3A_1407 = vector.broadcast %mul3A_1406 : f32 to vector<16xf32>
    %mul3A_1408 = arith.mulf %add3A_1405, %mul3A_1407 : vector<16xf32>
    %swap3A_1409 = arith.constant 10 : i32
    %swap3A_1410 = arith.index_cast %swap3A_1409 : i32 to index
    %swap3A_1411 = arith.constant 0 : index
    %swap3A_1412 = tpu.vector_load %arg7[%swap3A_1410, %swap3A_1411] {strides = array<i32>} : memref<32x16xf32, #tpu.memory_space<vmem>>, vector<1x16xf32>,
    %swap3A_1413 = vector.shape_cast %swap3A_1412 : vector<1x16xf32> to vector<16xf32>
    %swap3A_1414 = vector.shape_cast %mul3A_1408 : vector<16xf32> to vector<1x16xf32>
    tpu.vector_store %arg7[%swap3A_1410, %swap3A_1411], %swap3A_1414 {strides = array<i32>} : memref<32x16xf32, #tpu.memory_space<vmem>>, vector<1x16xf32>,
    %get3A_1415 = arith.constant 220 : i32
    %get3A_1416 = arith.index_cast %get3A_1415 : i32 to index
    %get3A_1417 = arith.constant 0 : index
    %get3A_1418 = tpu.vector_load %arg6[%get3A_1416, %get3A_1417] {strides = array<i32>} : memref<640x16xf32, #tpu.memory_space<vmem>>, vector<1x16xf32>,
    %get3A_1419 = vector.shape_cast %get3A_1418 : vector<1x16xf32> to vector<16xf32>
    %get3A_1420 = arith.constant 221 : i32
    %get3A_1421 = arith.index_cast %get3A_1420 : i32 to index
    %get3A_1422 = arith.constant 0 : index
    %get3A_1423 = tpu.vector_load %arg6[%get3A_1421, %get3A_1422] {strides = array<i32>} : memref<640x16xf32, #tpu.memory_space<vmem>>, vector<1x16xf32>,
    %get3A_1424 = vector.shape_cast %get3A_1423 : vector<1x16xf32> to vector<16xf32>
    %add3A_1425 = arith.addf %get3A_1419, %get3A_1424 : vector<16xf32>
    %get3A_1426 = arith.constant 222 : i32
    %get3A_1427 = arith.index_cast %get3A_1426 : i32 to index
    %get3A_1428 = arith.constant 0 : index
    %get3A_1429 = tpu.vector_load %arg6[%get3A_1427, %get3A_1428] {strides = array<i32>} : memref<640x16xf32, #tpu.memory_space<vmem>>, vector<1x16xf32>,
    %get3A_1430 = vector.shape_cast %get3A_1429 : vector<1x16xf32> to vector<16xf32>
    %add3A_1431 = arith.addf %add3A_1425, %get3A_1430 : vector<16xf32>
    %get3A_1432 = arith.constant 223 : i32
    %get3A_1433 = arith.index_cast %get3A_1432 : i32 to index
    %get3A_1434 = arith.constant 0 : index
    %get3A_1435 = tpu.vector_load %arg6[%get3A_1433, %get3A_1434] {strides = array<i32>} : memref<640x16xf32, #tpu.memory_space<vmem>>, vector<1x16xf32>,
    %get3A_1436 = vector.shape_cast %get3A_1435 : vector<1x16xf32> to vector<16xf32>
    %add3A_1437 = arith.addf %add3A_1431, %get3A_1436 : vector<16xf32>
    %get3A_1438 = arith.constant 224 : i32
    %get3A_1439 = arith.index_cast %get3A_1438 : i32 to index
    %get3A_1440 = arith.constant 0 : index
    %get3A_1441 = tpu.vector_load %arg6[%get3A_1439, %get3A_1440] {strides = array<i32>} : memref<640x16xf32, #tpu.memory_space<vmem>>, vector<1x16xf32>,
    %get3A_1442 = vector.shape_cast %get3A_1441 : vector<1x16xf32> to vector<16xf32>
    %add3A_1443 = arith.addf %add3A_1437, %get3A_1442 : vector<16xf32>
    %get3A_1444 = arith.constant 225 : i32
    %get3A_1445 = arith.index_cast %get3A_1444 : i32 to index
    %get3A_1446 = arith.constant 0 : index
    %get3A_1447 = tpu.vector_load %arg6[%get3A_1445, %get3A_1446] {strides = array<i32>} : memref<640x16xf32, #tpu.memory_space<vmem>>, vector<1x16xf32>,
    %get3A_1448 = vector.shape_cast %get3A_1447 : vector<1x16xf32> to vector<16xf32>
    %add3A_1449 = arith.addf %add3A_1443, %get3A_1448 : vector<16xf32>
    %get3A_1450 = arith.constant 226 : i32
    %get3A_1451 = arith.index_cast %get3A_1450 : i32 to index
    %get3A_1452 = arith.constant 0 : index
    %get3A_1453 = tpu.vector_load %arg6[%get3A_1451, %get3A_1452] {strides = array<i32>} : memref<640x16xf32, #tpu.memory_space<vmem>>, vector<1x16xf32>,
    %get3A_1454 = vector.shape_cast %get3A_1453 : vector<1x16xf32> to vector<16xf32>
    %add3A_1455 = arith.addf %add3A_1449, %get3A_1454 : vector<16xf32>
    %get3A_1456 = arith.constant 227 : i32
    %get3A_1457 = arith.index_cast %get3A_1456 : i32 to index
    %get3A_1458 = arith.constant 0 : index
    %get3A_1459 = tpu.vector_load %arg6[%get3A_1457, %get3A_1458] {strides = array<i32>} : memref<640x16xf32, #tpu.memory_space<vmem>>, vector<1x16xf32>,
    %get3A_1460 = vector.shape_cast %get3A_1459 : vector<1x16xf32> to vector<16xf32>
    %add3A_1461 = arith.addf %add3A_1455, %get3A_1460 : vector<16xf32>
    %get3A_1462 = arith.constant 228 : i32
    %get3A_1463 = arith.index_cast %get3A_1462 : i32 to index
    %get3A_1464 = arith.constant 0 : index
    %get3A_1465 = tpu.vector_load %arg6[%get3A_1463, %get3A_1464] {strides = array<i32>} : memref<640x16xf32, #tpu.memory_space<vmem>>, vector<1x16xf32>,
    %get3A_1466 = vector.shape_cast %get3A_1465 : vector<1x16xf32> to vector<16xf32>
    %add3A_1467 = arith.addf %add3A_1461, %get3A_1466 : vector<16xf32>
    %get3A_1468 = arith.constant 229 : i32
    %get3A_1469 = arith.index_cast %get3A_1468 : i32 to index
    %get3A_1470 = arith.constant 0 : index
    %get3A_1471 = tpu.vector_load %arg6[%get3A_1469, %get3A_1470] {strides = array<i32>} : memref<640x16xf32, #tpu.memory_space<vmem>>, vector<1x16xf32>,
    %get3A_1472 = vector.shape_cast %get3A_1471 : vector<1x16xf32> to vector<16xf32>
    %add3A_1473 = arith.addf %add3A_1467, %get3A_1472 : vector<16xf32>
    %get3A_1474 = arith.constant 230 : i32
    %get3A_1475 = arith.index_cast %get3A_1474 : i32 to index
    %get3A_1476 = arith.constant 0 : index
    %get3A_1477 = tpu.vector_load %arg6[%get3A_1475, %get3A_1476] {strides = array<i32>} : memref<640x16xf32, #tpu.memory_space<vmem>>, vector<1x16xf32>,
    %get3A_1478 = vector.shape_cast %get3A_1477 : vector<1x16xf32> to vector<16xf32>
    %add3A_1479 = arith.addf %add3A_1473, %get3A_1478 : vector<16xf32>
    %get3A_1480 = arith.constant 231 : i32
    %get3A_1481 = arith.index_cast %get3A_1480 : i32 to index
    %get3A_1482 = arith.constant 0 : index
    %get3A_1483 = tpu.vector_load %arg6[%get3A_1481, %get3A_1482] {strides = array<i32>} : memref<640x16xf32, #tpu.memory_space<vmem>>, vector<1x16xf32>,
    %get3A_1484 = vector.shape_cast %get3A_1483 : vector<1x16xf32> to vector<16xf32>
    %add3A_1485 = arith.addf %add3A_1479, %get3A_1484 : vector<16xf32>
    %get3A_1486 = arith.constant 232 : i32
    %get3A_1487 = arith.index_cast %get3A_1486 : i32 to index
    %get3A_1488 = arith.constant 0 : index
    %get3A_1489 = tpu.vector_load %arg6[%get3A_1487, %get3A_1488] {strides = array<i32>} : memref<640x16xf32, #tpu.memory_space<vmem>>, vector<1x16xf32>,
    %get3A_1490 = vector.shape_cast %get3A_1489 : vector<1x16xf32> to vector<16xf32>
    %add3A_1491 = arith.addf %add3A_1485, %get3A_1490 : vector<16xf32>
    %get3A_1492 = arith.constant 233 : i32
    %get3A_1493 = arith.index_cast %get3A_1492 : i32 to index
    %get3A_1494 = arith.constant 0 : index
    %get3A_1495 = tpu.vector_load %arg6[%get3A_1493, %get3A_1494] {strides = array<i32>} : memref<640x16xf32, #tpu.memory_space<vmem>>, vector<1x16xf32>,
    %get3A_1496 = vector.shape_cast %get3A_1495 : vector<1x16xf32> to vector<16xf32>
    %add3A_1497 = arith.addf %add3A_1491, %get3A_1496 : vector<16xf32>
    %get3A_1498 = arith.constant 234 : i32
    %get3A_1499 = arith.index_cast %get3A_1498 : i32 to index
    %get3A_1500 = arith.constant 0 : index
    %get3A_1501 = tpu.vector_load %arg6[%get3A_1499, %get3A_1500] {strides = array<i32>} : memref<640x16xf32, #tpu.memory_space<vmem>>, vector<1x16xf32>,
    %get3A_1502 = vector.shape_cast %get3A_1501 : vector<1x16xf32> to vector<16xf32>
    %add3A_1503 = arith.addf %add3A_1497, %get3A_1502 : vector<16xf32>
    %get3A_1504 = arith.constant 235 : i32
    %get3A_1505 = arith.index_cast %get3A_1504 : i32 to index
    %get3A_1506 = arith.constant 0 : index
    %get3A_1507 = tpu.vector_load %arg6[%get3A_1505, %get3A_1506] {strides = array<i32>} : memref<640x16xf32, #tpu.memory_space<vmem>>, vector<1x16xf32>,
    %get3A_1508 = vector.shape_cast %get3A_1507 : vector<1x16xf32> to vector<16xf32>
    %add3A_1509 = arith.addf %add3A_1503, %get3A_1508 : vector<16xf32>
    %get3A_1510 = arith.constant 236 : i32
    %get3A_1511 = arith.index_cast %get3A_1510 : i32 to index
    %get3A_1512 = arith.constant 0 : index
    %get3A_1513 = tpu.vector_load %arg6[%get3A_1511, %get3A_1512] {strides = array<i32>} : memref<640x16xf32, #tpu.memory_space<vmem>>, vector<1x16xf32>,
    %get3A_1514 = vector.shape_cast %get3A_1513 : vector<1x16xf32> to vector<16xf32>
    %add3A_1515 = arith.addf %add3A_1509, %get3A_1514 : vector<16xf32>
    %get3A_1516 = arith.constant 237 : i32
    %get3A_1517 = arith.index_cast %get3A_1516 : i32 to index
    %get3A_1518 = arith.constant 0 : index
    %get3A_1519 = tpu.vector_load %arg6[%get3A_1517, %get3A_1518] {strides = array<i32>} : memref<640x16xf32, #tpu.memory_space<vmem>>, vector<1x16xf32>,
    %get3A_1520 = vector.shape_cast %get3A_1519 : vector<1x16xf32> to vector<16xf32>
    %add3A_1521 = arith.addf %add3A_1515, %get3A_1520 : vector<16xf32>
    %get3A_1522 = arith.constant 238 : i32
    %get3A_1523 = arith.index_cast %get3A_1522 : i32 to index
    %get3A_1524 = arith.constant 0 : index
    %get3A_1525 = tpu.vector_load %arg6[%get3A_1523, %get3A_1524] {strides = array<i32>} : memref<640x16xf32, #tpu.memory_space<vmem>>, vector<1x16xf32>,
    %get3A_1526 = vector.shape_cast %get3A_1525 : vector<1x16xf32> to vector<16xf32>
    %add3A_1527 = arith.addf %add3A_1521, %get3A_1526 : vector<16xf32>
    %get3A_1528 = arith.constant 239 : i32
    %get3A_1529 = arith.index_cast %get3A_1528 : i32 to index
    %get3A_1530 = arith.constant 0 : index
    %get3A_1531 = tpu.vector_load %arg6[%get3A_1529, %get3A_1530] {strides = array<i32>} : memref<640x16xf32, #tpu.memory_space<vmem>>, vector<1x16xf32>,
    %get3A_1532 = vector.shape_cast %get3A_1531 : vector<1x16xf32> to vector<16xf32>
    %add3A_1533 = arith.addf %add3A_1527, %get3A_1532 : vector<16xf32>
    %mul3A_1534 = arith.constant 5.000000e-02 : f32
    %mul3A_1535 = vector.broadcast %mul3A_1534 : f32 to vector<16xf32>
    %mul3A_1536 = arith.mulf %add3A_1533, %mul3A_1535 : vector<16xf32>
    %swap3A_1537 = arith.constant 11 : i32
    %swap3A_1538 = arith.index_cast %swap3A_1537 : i32 to index
    %swap3A_1539 = arith.constant 0 : index
    %swap3A_1540 = tpu.vector_load %arg7[%swap3A_1538, %swap3A_1539] {strides = array<i32>} : memref<32x16xf32, #tpu.memory_space<vmem>>, vector<1x16xf32>,
    %swap3A_1541 = vector.shape_cast %swap3A_1540 : vector<1x16xf32> to vector<16xf32>
    %swap3A_1542 = vector.shape_cast %mul3A_1536 : vector<16xf32> to vector<1x16xf32>
    tpu.vector_store %arg7[%swap3A_1538, %swap3A_1539], %swap3A_1542 {strides = array<i32>} : memref<32x16xf32, #tpu.memory_space<vmem>>, vector<1x16xf32>,
    %get3A_1543 = arith.constant 240 : i32
    %get3A_1544 = arith.index_cast %get3A_1543 : i32 to index
    %get3A_1545 = arith.constant 0 : index
    %get3A_1546 = tpu.vector_load %arg6[%get3A_1544, %get3A_1545] {strides = array<i32>} : memref<640x16xf32, #tpu.memory_space<vmem>>, vector<1x16xf32>,
    %get3A_1547 = vector.shape_cast %get3A_1546 : vector<1x16xf32> to vector<16xf32>
    %get3A_1548 = arith.constant 241 : i32
    %get3A_1549 = arith.index_cast %get3A_1548 : i32 to index
    %get3A_1550 = arith.constant 0 : index
    %get3A_1551 = tpu.vector_load %arg6[%get3A_1549, %get3A_1550] {strides = array<i32>} : memref<640x16xf32, #tpu.memory_space<vmem>>, vector<1x16xf32>,
    %get3A_1552 = vector.shape_cast %get3A_1551 : vector<1x16xf32> to vector<16xf32>
    %add3A_1553 = arith.addf %get3A_1547, %get3A_1552 : vector<16xf32>
    %get3A_1554 = arith.constant 242 : i32
    %get3A_1555 = arith.index_cast %get3A_1554 : i32 to index
    %get3A_1556 = arith.constant 0 : index
    %get3A_1557 = tpu.vector_load %arg6[%get3A_1555, %get3A_1556] {strides = array<i32>} : memref<640x16xf32, #tpu.memory_space<vmem>>, vector<1x16xf32>,
    %get3A_1558 = vector.shape_cast %get3A_1557 : vector<1x16xf32> to vector<16xf32>
    %add3A_1559 = arith.addf %add3A_1553, %get3A_1558 : vector<16xf32>
    %get3A_1560 = arith.constant 243 : i32
    %get3A_1561 = arith.index_cast %get3A_1560 : i32 to index
    %get3A_1562 = arith.constant 0 : index
    %get3A_1563 = tpu.vector_load %arg6[%get3A_1561, %get3A_1562] {strides = array<i32>} : memref<640x16xf32, #tpu.memory_space<vmem>>, vector<1x16xf32>,
    %get3A_1564 = vector.shape_cast %get3A_1563 : vector<1x16xf32> to vector<16xf32>
    %add3A_1565 = arith.addf %add3A_1559, %get3A_1564 : vector<16xf32>
    %get3A_1566 = arith.constant 244 : i32
    %get3A_1567 = arith.index_cast %get3A_1566 : i32 to index
    %get3A_1568 = arith.constant 0 : index
    %get3A_1569 = tpu.vector_load %arg6[%get3A_1567, %get3A_1568] {strides = array<i32>} : memref<640x16xf32, #tpu.memory_space<vmem>>, vector<1x16xf32>,
    %get3A_1570 = vector.shape_cast %get3A_1569 : vector<1x16xf32> to vector<16xf32>
    %add3A_1571 = arith.addf %add3A_1565, %get3A_1570 : vector<16xf32>
    %get3A_1572 = arith.constant 245 : i32
    %get3A_1573 = arith.index_cast %get3A_1572 : i32 to index
    %get3A_1574 = arith.constant 0 : index
    %get3A_1575 = tpu.vector_load %arg6[%get3A_1573, %get3A_1574] {strides = array<i32>} : memref<640x16xf32, #tpu.memory_space<vmem>>, vector<1x16xf32>,
    %get3A_1576 = vector.shape_cast %get3A_1575 : vector<1x16xf32> to vector<16xf32>
    %add3A_1577 = arith.addf %add3A_1571, %get3A_1576 : vector<16xf32>
    %get3A_1578 = arith.constant 246 : i32
    %get3A_1579 = arith.index_cast %get3A_1578 : i32 to index
    %get3A_1580 = arith.constant 0 : index
    %get3A_1581 = tpu.vector_load %arg6[%get3A_1579, %get3A_1580] {strides = array<i32>} : memref<640x16xf32, #tpu.memory_space<vmem>>, vector<1x16xf32>,
    %get3A_1582 = vector.shape_cast %get3A_1581 : vector<1x16xf32> to vector<16xf32>
    %add3A_1583 = arith.addf %add3A_1577, %get3A_1582 : vector<16xf32>
    %get3A_1584 = arith.constant 247 : i32
    %get3A_1585 = arith.index_cast %get3A_1584 : i32 to index
    %get3A_1586 = arith.constant 0 : index
    %get3A_1587 = tpu.vector_load %arg6[%get3A_1585, %get3A_1586] {strides = array<i32>} : memref<640x16xf32, #tpu.memory_space<vmem>>, vector<1x16xf32>,
    %get3A_1588 = vector.shape_cast %get3A_1587 : vector<1x16xf32> to vector<16xf32>
    %add3A_1589 = arith.addf %add3A_1583, %get3A_1588 : vector<16xf32>
    %get3A_1590 = arith.constant 248 : i32
    %get3A_1591 = arith.index_cast %get3A_1590 : i32 to index
    %get3A_1592 = arith.constant 0 : index
    %get3A_1593 = tpu.vector_load %arg6[%get3A_1591, %get3A_1592] {strides = array<i32>} : memref<640x16xf32, #tpu.memory_space<vmem>>, vector<1x16xf32>,
    %get3A_1594 = vector.shape_cast %get3A_1593 : vector<1x16xf32> to vector<16xf32>
    %add3A_1595 = arith.addf %add3A_1589, %get3A_1594 : vector<16xf32>
    %get3A_1596 = arith.constant 249 : i32
    %get3A_1597 = arith.index_cast %get3A_1596 : i32 to index
    %get3A_1598 = arith.constant 0 : index
    %get3A_1599 = tpu.vector_load %arg6[%get3A_1597, %get3A_1598] {strides = array<i32>} : memref<640x16xf32, #tpu.memory_space<vmem>>, vector<1x16xf32>,
    %get3A_1600 = vector.shape_cast %get3A_1599 : vector<1x16xf32> to vector<16xf32>
    %add3A_1601 = arith.addf %add3A_1595, %get3A_1600 : vector<16xf32>
    %get3A_1602 = arith.constant 250 : i32
    %get3A_1603 = arith.index_cast %get3A_1602 : i32 to index
    %get3A_1604 = arith.constant 0 : index
    %get3A_1605 = tpu.vector_load %arg6[%get3A_1603, %get3A_1604] {strides = array<i32>} : memref<640x16xf32, #tpu.memory_space<vmem>>, vector<1x16xf32>,
    %get3A_1606 = vector.shape_cast %get3A_1605 : vector<1x16xf32> to vector<16xf32>
    %add3A_1607 = arith.addf %add3A_1601, %get3A_1606 : vector<16xf32>
    %get3A_1608 = arith.constant 251 : i32
    %get3A_1609 = arith.index_cast %get3A_1608 : i32 to index
    %get3A_1610 = arith.constant 0 : index
    %get3A_1611 = tpu.vector_load %arg6[%get3A_1609, %get3A_1610] {strides = array<i32>} : memref<640x16xf32, #tpu.memory_space<vmem>>, vector<1x16xf32>,
    %get3A_1612 = vector.shape_cast %get3A_1611 : vector<1x16xf32> to vector<16xf32>
    %add3A_1613 = arith.addf %add3A_1607, %get3A_1612 : vector<16xf32>
    %get3A_1614 = arith.constant 252 : i32
    %get3A_1615 = arith.index_cast %get3A_1614 : i32 to index
    %get3A_1616 = arith.constant 0 : index
    %get3A_1617 = tpu.vector_load %arg6[%get3A_1615, %get3A_1616] {strides = array<i32>} : memref<640x16xf32, #tpu.memory_space<vmem>>, vector<1x16xf32>,
    %get3A_1618 = vector.shape_cast %get3A_1617 : vector<1x16xf32> to vector<16xf32>
    %add3A_1619 = arith.addf %add3A_1613, %get3A_1618 : vector<16xf32>
    %get3A_1620 = arith.constant 253 : i32
    %get3A_1621 = arith.index_cast %get3A_1620 : i32 to index
    %get3A_1622 = arith.constant 0 : index
    %get3A_1623 = tpu.vector_load %arg6[%get3A_1621, %get3A_1622] {strides = array<i32>} : memref<640x16xf32, #tpu.memory_space<vmem>>, vector<1x16xf32>,
    %get3A_1624 = vector.shape_cast %get3A_1623 : vector<1x16xf32> to vector<16xf32>
    %add3A_1625 = arith.addf %add3A_1619, %get3A_1624 : vector<16xf32>
    %get3A_1626 = arith.constant 254 : i32
    %get3A_1627 = arith.index_cast %get3A_1626 : i32 to index
    %get3A_1628 = arith.constant 0 : index
    %get3A_1629 = tpu.vector_load %arg6[%get3A_1627, %get3A_1628] {strides = array<i32>} : memref<640x16xf32, #tpu.memory_space<vmem>>, vector<1x16xf32>,
    %get3A_1630 = vector.shape_cast %get3A_1629 : vector<1x16xf32> to vector<16xf32>
    %add3A_1631 = arith.addf %add3A_1625, %get3A_1630 : vector<16xf32>
    %get3A_1632 = arith.constant 255 : i32
    %get3A_1633 = arith.index_cast %get3A_1632 : i32 to index
    %get3A_1634 = arith.constant 0 : index
    %get3A_1635 = tpu.vector_load %arg6[%get3A_1633, %get3A_1634] {strides = array<i32>} : memref<640x16xf32, #tpu.memory_space<vmem>>, vector<1x16xf32>,
    %get3A_1636 = vector.shape_cast %get3A_1635 : vector<1x16xf32> to vector<16xf32>
    %add3A_1637 = arith.addf %add3A_1631, %get3A_1636 : vector<16xf32>
    %get3A_1638 = arith.constant 256 : i32
    %get3A_1639 = arith.index_cast %get3A_1638 : i32 to index
    %get3A_1640 = arith.constant 0 : index
    %get3A_1641 = tpu.vector_load %arg6[%get3A_1639, %get3A_1640] {strides = array<i32>} : memref<640x16xf32, #tpu.memory_space<vmem>>, vector<1x16xf32>,
    %get3A_1642 = vector.shape_cast %get3A_1641 : vector<1x16xf32> to vector<16xf32>
    %add3A_1643 = arith.addf %add3A_1637, %get3A_1642 : vector<16xf32>
    %get3A_1644 = arith.constant 257 : i32
    %get3A_1645 = arith.index_cast %get3A_1644 : i32 to index
    %get3A_1646 = arith.constant 0 : index
    %get3A_1647 = tpu.vector_load %arg6[%get3A_1645, %get3A_1646] {strides = array<i32>} : memref<640x16xf32, #tpu.memory_space<vmem>>, vector<1x16xf32>,
    %get3A_1648 = vector.shape_cast %get3A_1647 : vector<1x16xf32> to vector<16xf32>
    %add3A_1649 = arith.addf %add3A_1643, %get3A_1648 : vector<16xf32>
    %get3A_1650 = arith.constant 258 : i32
    %get3A_1651 = arith.index_cast %get3A_1650 : i32 to index
    %get3A_1652 = arith.constant 0 : index
    %get3A_1653 = tpu.vector_load %arg6[%get3A_1651, %get3A_1652] {strides = array<i32>} : memref<640x16xf32, #tpu.memory_space<vmem>>, vector<1x16xf32>,
    %get3A_1654 = vector.shape_cast %get3A_1653 : vector<1x16xf32> to vector<16xf32>
    %add3A_1655 = arith.addf %add3A_1649, %get3A_1654 : vector<16xf32>
    %get3A_1656 = arith.constant 259 : i32
    %get3A_1657 = arith.index_cast %get3A_1656 : i32 to index
    %get3A_1658 = arith.constant 0 : index
    %get3A_1659 = tpu.vector_load %arg6[%get3A_1657, %get3A_1658] {strides = array<i32>} : memref<640x16xf32, #tpu.memory_space<vmem>>, vector<1x16xf32>,
    %get3A_1660 = vector.shape_cast %get3A_1659 : vector<1x16xf32> to vector<16xf32>
    %add3A_1661 = arith.addf %add3A_1655, %get3A_1660 : vector<16xf32>
    %mul3A_1662 = arith.constant 5.000000e-02 : f32
    %mul3A_1663 = vector.broadcast %mul3A_1662 : f32 to vector<16xf32>
    %mul3A_1664 = arith.mulf %add3A_1661, %mul3A_1663 : vector<16xf32>
    %swap3A_1665 = arith.constant 12 : i32
    %swap3A_1666 = arith.index_cast %swap3A_1665 : i32 to index
    %swap3A_1667 = arith.constant 0 : index
    %swap3A_1668 = tpu.vector_load %arg7[%swap3A_1666, %swap3A_1667] {strides = array<i32>} : memref<32x16xf32, #tpu.memory_space<vmem>>, vector<1x16xf32>,
    %swap3A_1669 = vector.shape_cast %swap3A_1668 : vector<1x16xf32> to vector<16xf32>
    %swap3A_1670 = vector.shape_cast %mul3A_1664 : vector<16xf32> to vector<1x16xf32>
    tpu.vector_store %arg7[%swap3A_1666, %swap3A_1667], %swap3A_1670 {strides = array<i32>} : memref<32x16xf32, #tpu.memory_space<vmem>>, vector<1x16xf32>,
    %get3A_1671 = arith.constant 260 : i32
    %get3A_1672 = arith.index_cast %get3A_1671 : i32 to index
    %get3A_1673 = arith.constant 0 : index
    %get3A_1674 = tpu.vector_load %arg6[%get3A_1672, %get3A_1673] {strides = array<i32>} : memref<640x16xf32, #tpu.memory_space<vmem>>, vector<1x16xf32>,
    %get3A_1675 = vector.shape_cast %get3A_1674 : vector<1x16xf32> to vector<16xf32>
    %get3A_1676 = arith.constant 261 : i32
    %get3A_1677 = arith.index_cast %get3A_1676 : i32 to index
    %get3A_1678 = arith.constant 0 : index
    %get3A_1679 = tpu.vector_load %arg6[%get3A_1677, %get3A_1678] {strides = array<i32>} : memref<640x16xf32, #tpu.memory_space<vmem>>, vector<1x16xf32>,
    %get3A_1680 = vector.shape_cast %get3A_1679 : vector<1x16xf32> to vector<16xf32>
    %add3A_1681 = arith.addf %get3A_1675, %get3A_1680 : vector<16xf32>
    %get3A_1682 = arith.constant 262 : i32
    %get3A_1683 = arith.index_cast %get3A_1682 : i32 to index
    %get3A_1684 = arith.constant 0 : index
    %get3A_1685 = tpu.vector_load %arg6[%get3A_1683, %get3A_1684] {strides = array<i32>} : memref<640x16xf32, #tpu.memory_space<vmem>>, vector<1x16xf32>,
    %get3A_1686 = vector.shape_cast %get3A_1685 : vector<1x16xf32> to vector<16xf32>
    %add3A_1687 = arith.addf %add3A_1681, %get3A_1686 : vector<16xf32>
    %get3A_1688 = arith.constant 263 : i32
    %get3A_1689 = arith.index_cast %get3A_1688 : i32 to index
    %get3A_1690 = arith.constant 0 : index
    %get3A_1691 = tpu.vector_load %arg6[%get3A_1689, %get3A_1690] {strides = array<i32>} : memref<640x16xf32, #tpu.memory_space<vmem>>, vector<1x16xf32>,
    %get3A_1692 = vector.shape_cast %get3A_1691 : vector<1x16xf32> to vector<16xf32>
    %add3A_1693 = arith.addf %add3A_1687, %get3A_1692 : vector<16xf32>
    %get3A_1694 = arith.constant 264 : i32
    %get3A_1695 = arith.index_cast %get3A_1694 : i32 to index
    %get3A_1696 = arith.constant 0 : index
    %get3A_1697 = tpu.vector_load %arg6[%get3A_1695, %get3A_1696] {strides = array<i32>} : memref<640x16xf32, #tpu.memory_space<vmem>>, vector<1x16xf32>,
    %get3A_1698 = vector.shape_cast %get3A_1697 : vector<1x16xf32> to vector<16xf32>
    %add3A_1699 = arith.addf %add3A_1693, %get3A_1698 : vector<16xf32>
    %get3A_1700 = arith.constant 265 : i32
    %get3A_1701 = arith.index_cast %get3A_1700 : i32 to index
    %get3A_1702 = arith.constant 0 : index
    %get3A_1703 = tpu.vector_load %arg6[%get3A_1701, %get3A_1702] {strides = array<i32>} : memref<640x16xf32, #tpu.memory_space<vmem>>, vector<1x16xf32>,
    %get3A_1704 = vector.shape_cast %get3A_1703 : vector<1x16xf32> to vector<16xf32>
    %add3A_1705 = arith.addf %add3A_1699, %get3A_1704 : vector<16xf32>
    %get3A_1706 = arith.constant 266 : i32
    %get3A_1707 = arith.index_cast %get3A_1706 : i32 to index
    %get3A_1708 = arith.constant 0 : index
    %get3A_1709 = tpu.vector_load %arg6[%get3A_1707, %get3A_1708] {strides = array<i32>} : memref<640x16xf32, #tpu.memory_space<vmem>>, vector<1x16xf32>,
    %get3A_1710 = vector.shape_cast %get3A_1709 : vector<1x16xf32> to vector<16xf32>
    %add3A_1711 = arith.addf %add3A_1705, %get3A_1710 : vector<16xf32>
    %get3A_1712 = arith.constant 267 : i32
    %get3A_1713 = arith.index_cast %get3A_1712 : i32 to index
    %get3A_1714 = arith.constant 0 : index
    %get3A_1715 = tpu.vector_load %arg6[%get3A_1713, %get3A_1714] {strides = array<i32>} : memref<640x16xf32, #tpu.memory_space<vmem>>, vector<1x16xf32>,
    %get3A_1716 = vector.shape_cast %get3A_1715 : vector<1x16xf32> to vector<16xf32>
    %add3A_1717 = arith.addf %add3A_1711, %get3A_1716 : vector<16xf32>
    %get3A_1718 = arith.constant 268 : i32
    %get3A_1719 = arith.index_cast %get3A_1718 : i32 to index
    %get3A_1720 = arith.constant 0 : index
    %get3A_1721 = tpu.vector_load %arg6[%get3A_1719, %get3A_1720] {strides = array<i32>} : memref<640x16xf32, #tpu.memory_space<vmem>>, vector<1x16xf32>,
    %get3A_1722 = vector.shape_cast %get3A_1721 : vector<1x16xf32> to vector<16xf32>
    %add3A_1723 = arith.addf %add3A_1717, %get3A_1722 : vector<16xf32>
    %get3A_1724 = arith.constant 269 : i32
    %get3A_1725 = arith.index_cast %get3A_1724 : i32 to index
    %get3A_1726 = arith.constant 0 : index
    %get3A_1727 = tpu.vector_load %arg6[%get3A_1725, %get3A_1726] {strides = array<i32>} : memref<640x16xf32, #tpu.memory_space<vmem>>, vector<1x16xf32>,
    %get3A_1728 = vector.shape_cast %get3A_1727 : vector<1x16xf32> to vector<16xf32>
    %add3A_1729 = arith.addf %add3A_1723, %get3A_1728 : vector<16xf32>
    %get3A_1730 = arith.constant 270 : i32
    %get3A_1731 = arith.index_cast %get3A_1730 : i32 to index
    %get3A_1732 = arith.constant 0 : index
    %get3A_1733 = tpu.vector_load %arg6[%get3A_1731, %get3A_1732] {strides = array<i32>} : memref<640x16xf32, #tpu.memory_space<vmem>>, vector<1x16xf32>,
    %get3A_1734 = vector.shape_cast %get3A_1733 : vector<1x16xf32> to vector<16xf32>
    %add3A_1735 = arith.addf %add3A_1729, %get3A_1734 : vector<16xf32>
    %get3A_1736 = arith.constant 271 : i32
    %get3A_1737 = arith.index_cast %get3A_1736 : i32 to index
    %get3A_1738 = arith.constant 0 : index
    %get3A_1739 = tpu.vector_load %arg6[%get3A_1737, %get3A_1738] {strides = array<i32>} : memref<640x16xf32, #tpu.memory_space<vmem>>, vector<1x16xf32>,
    %get3A_1740 = vector.shape_cast %get3A_1739 : vector<1x16xf32> to vector<16xf32>
    %add3A_1741 = arith.addf %add3A_1735, %get3A_1740 : vector<16xf32>
    %get3A_1742 = arith.constant 272 : i32
    %get3A_1743 = arith.index_cast %get3A_1742 : i32 to index
    %get3A_1744 = arith.constant 0 : index
    %get3A_1745 = tpu.vector_load %arg6[%get3A_1743, %get3A_1744] {strides = array<i32>} : memref<640x16xf32, #tpu.memory_space<vmem>>, vector<1x16xf32>,
    %get3A_1746 = vector.shape_cast %get3A_1745 : vector<1x16xf32> to vector<16xf32>
    %add3A_1747 = arith.addf %add3A_1741, %get3A_1746 : vector<16xf32>
    %get3A_1748 = arith.constant 273 : i32
    %get3A_1749 = arith.index_cast %get3A_1748 : i32 to index
    %get3A_1750 = arith.constant 0 : index
    %get3A_1751 = tpu.vector_load %arg6[%get3A_1749, %get3A_1750] {strides = array<i32>} : memref<640x16xf32, #tpu.memory_space<vmem>>, vector<1x16xf32>,
    %get3A_1752 = vector.shape_cast %get3A_1751 : vector<1x16xf32> to vector<16xf32>
    %add3A_1753 = arith.addf %add3A_1747, %get3A_1752 : vector<16xf32>
    %get3A_1754 = arith.constant 274 : i32
    %get3A_1755 = arith.index_cast %get3A_1754 : i32 to index
    %get3A_1756 = arith.constant 0 : index
    %get3A_1757 = tpu.vector_load %arg6[%get3A_1755, %get3A_1756] {strides = array<i32>} : memref<640x16xf32, #tpu.memory_space<vmem>>, vector<1x16xf32>,
    %get3A_1758 = vector.shape_cast %get3A_1757 : vector<1x16xf32> to vector<16xf32>
    %add3A_1759 = arith.addf %add3A_1753, %get3A_1758 : vector<16xf32>
    %get3A_1760 = arith.constant 275 : i32
    %get3A_1761 = arith.index_cast %get3A_1760 : i32 to index
    %get3A_1762 = arith.constant 0 : index
    %get3A_1763 = tpu.vector_load %arg6[%get3A_1761, %get3A_1762] {strides = array<i32>} : memref<640x16xf32, #tpu.memory_space<vmem>>, vector<1x16xf32>,
    %get3A_1764 = vector.shape_cast %get3A_1763 : vector<1x16xf32> to vector<16xf32>
    %add3A_1765 = arith.addf %add3A_1759, %get3A_1764 : vector<16xf32>
    %get3A_1766 = arith.constant 276 : i32
    %get3A_1767 = arith.index_cast %get3A_1766 : i32 to index
    %get3A_1768 = arith.constant 0 : index
    %get3A_1769 = tpu.vector_load %arg6[%get3A_1767, %get3A_1768] {strides = array<i32>} : memref<640x16xf32, #tpu.memory_space<vmem>>, vector<1x16xf32>,
    %get3A_1770 = vector.shape_cast %get3A_1769 : vector<1x16xf32> to vector<16xf32>
    %add3A_1771 = arith.addf %add3A_1765, %get3A_1770 : vector<16xf32>
    %get3A_1772 = arith.constant 277 : i32
    %get3A_1773 = arith.index_cast %get3A_1772 : i32 to index
    %get3A_1774 = arith.constant 0 : index
    %get3A_1775 = tpu.vector_load %arg6[%get3A_1773, %get3A_1774] {strides = array<i32>} : memref<640x16xf32, #tpu.memory_space<vmem>>, vector<1x16xf32>,
    %get3A_1776 = vector.shape_cast %get3A_1775 : vector<1x16xf32> to vector<16xf32>
    %add3A_1777 = arith.addf %add3A_1771, %get3A_1776 : vector<16xf32>
    %get3A_1778 = arith.constant 278 : i32
    %get3A_1779 = arith.index_cast %get3A_1778 : i32 to index
    %get3A_1780 = arith.constant 0 : index
    %get3A_1781 = tpu.vector_load %arg6[%get3A_1779, %get3A_1780] {strides = array<i32>} : memref<640x16xf32, #tpu.memory_space<vmem>>, vector<1x16xf32>,
    %get3A_1782 = vector.shape_cast %get3A_1781 : vector<1x16xf32> to vector<16xf32>
    %add3A_1783 = arith.addf %add3A_1777, %get3A_1782 : vector<16xf32>
    %get3A_1784 = arith.constant 279 : i32
    %get3A_1785 = arith.index_cast %get3A_1784 : i32 to index
    %get3A_1786 = arith.constant 0 : index
    %get3A_1787 = tpu.vector_load %arg6[%get3A_1785, %get3A_1786] {strides = array<i32>} : memref<640x16xf32, #tpu.memory_space<vmem>>, vector<1x16xf32>,
    %get3A_1788 = vector.shape_cast %get3A_1787 : vector<1x16xf32> to vector<16xf32>
    %add3A_1789 = arith.addf %add3A_1783, %get3A_1788 : vector<16xf32>
    %mul3A_1790 = arith.constant 5.000000e-02 : f32
    %mul3A_1791 = vector.broadcast %mul3A_1790 : f32 to vector<16xf32>
    %mul3A_1792 = arith.mulf %add3A_1789, %mul3A_1791 : vector<16xf32>
    %swap3A_1793 = arith.constant 13 : i32
    %swap3A_1794 = arith.index_cast %swap3A_1793 : i32 to index
    %swap3A_1795 = arith.constant 0 : index
    %swap3A_1796 = tpu.vector_load %arg7[%swap3A_1794, %swap3A_1795] {strides = array<i32>} : memref<32x16xf32, #tpu.memory_space<vmem>>, vector<1x16xf32>,
    %swap3A_1797 = vector.shape_cast %swap3A_1796 : vector<1x16xf32> to vector<16xf32>
    %swap3A_1798 = vector.shape_cast %mul3A_1792 : vector<16xf32> to vector<1x16xf32>
    tpu.vector_store %arg7[%swap3A_1794, %swap3A_1795], %swap3A_1798 {strides = array<i32>} : memref<32x16xf32, #tpu.memory_space<vmem>>, vector<1x16xf32>,
    %get3A_1799 = arith.constant 280 : i32
    %get3A_1800 = arith.index_cast %get3A_1799 : i32 to index
    %get3A_1801 = arith.constant 0 : index
    %get3A_1802 = tpu.vector_load %arg6[%get3A_1800, %get3A_1801] {strides = array<i32>} : memref<640x16xf32, #tpu.memory_space<vmem>>, vector<1x16xf32>,
    %get3A_1803 = vector.shape_cast %get3A_1802 : vector<1x16xf32> to vector<16xf32>
    %get3A_1804 = arith.constant 281 : i32
    %get3A_1805 = arith.index_cast %get3A_1804 : i32 to index
    %get3A_1806 = arith.constant 0 : index
    %get3A_1807 = tpu.vector_load %arg6[%get3A_1805, %get3A_1806] {strides = array<i32>} : memref<640x16xf32, #tpu.memory_space<vmem>>, vector<1x16xf32>,
    %get3A_1808 = vector.shape_cast %get3A_1807 : vector<1x16xf32> to vector<16xf32>
    %add3A_1809 = arith.addf %get3A_1803, %get3A_1808 : vector<16xf32>
    %get3A_1810 = arith.constant 282 : i32
    %get3A_1811 = arith.index_cast %get3A_1810 : i32 to index
    %get3A_1812 = arith.constant 0 : index
    %get3A_1813 = tpu.vector_load %arg6[%get3A_1811, %get3A_1812] {strides = array<i32>} : memref<640x16xf32, #tpu.memory_space<vmem>>, vector<1x16xf32>,
    %get3A_1814 = vector.shape_cast %get3A_1813 : vector<1x16xf32> to vector<16xf32>
    %add3A_1815 = arith.addf %add3A_1809, %get3A_1814 : vector<16xf32>
    %get3A_1816 = arith.constant 283 : i32
    %get3A_1817 = arith.index_cast %get3A_1816 : i32 to index
    %get3A_1818 = arith.constant 0 : index
    %get3A_1819 = tpu.vector_load %arg6[%get3A_1817, %get3A_1818] {strides = array<i32>} : memref<640x16xf32, #tpu.memory_space<vmem>>, vector<1x16xf32>,
    %get3A_1820 = vector.shape_cast %get3A_1819 : vector<1x16xf32> to vector<16xf32>
    %add3A_1821 = arith.addf %add3A_1815, %get3A_1820 : vector<16xf32>
    %get3A_1822 = arith.constant 284 : i32
    %get3A_1823 = arith.index_cast %get3A_1822 : i32 to index
    %get3A_1824 = arith.constant 0 : index
    %get3A_1825 = tpu.vector_load %arg6[%get3A_1823, %get3A_1824] {strides = array<i32>} : memref<640x16xf32, #tpu.memory_space<vmem>>, vector<1x16xf32>,
    %get3A_1826 = vector.shape_cast %get3A_1825 : vector<1x16xf32> to vector<16xf32>
    %add3A_1827 = arith.addf %add3A_1821, %get3A_1826 : vector<16xf32>
    %get3A_1828 = arith.constant 285 : i32
    %get3A_1829 = arith.index_cast %get3A_1828 : i32 to index
    %get3A_1830 = arith.constant 0 : index
    %get3A_1831 = tpu.vector_load %arg6[%get3A_1829, %get3A_1830] {strides = array<i32>} : memref<640x16xf32, #tpu.memory_space<vmem>>, vector<1x16xf32>,
    %get3A_1832 = vector.shape_cast %get3A_1831 : vector<1x16xf32> to vector<16xf32>
    %add3A_1833 = arith.addf %add3A_1827, %get3A_1832 : vector<16xf32>
    %get3A_1834 = arith.constant 286 : i32
    %get3A_1835 = arith.index_cast %get3A_1834 : i32 to index
    %get3A_1836 = arith.constant 0 : index
    %get3A_1837 = tpu.vector_load %arg6[%get3A_1835, %get3A_1836] {strides = array<i32>} : memref<640x16xf32, #tpu.memory_space<vmem>>, vector<1x16xf32>,
    %get3A_1838 = vector.shape_cast %get3A_1837 : vector<1x16xf32> to vector<16xf32>
    %add3A_1839 = arith.addf %add3A_1833, %get3A_1838 : vector<16xf32>
    %get3A_1840 = arith.constant 287 : i32
    %get3A_1841 = arith.index_cast %get3A_1840 : i32 to index
    %get3A_1842 = arith.constant 0 : index
    %get3A_1843 = tpu.vector_load %arg6[%get3A_1841, %get3A_1842] {strides = array<i32>} : memref<640x16xf32, #tpu.memory_space<vmem>>, vector<1x16xf32>,
    %get3A_1844 = vector.shape_cast %get3A_1843 : vector<1x16xf32> to vector<16xf32>
    %add3A_1845 = arith.addf %add3A_1839, %get3A_1844 : vector<16xf32>
    %get3A_1846 = arith.constant 288 : i32
    %get3A_1847 = arith.index_cast %get3A_1846 : i32 to index
    %get3A_1848 = arith.constant 0 : index
    %get3A_1849 = tpu.vector_load %arg6[%get3A_1847, %get3A_1848] {strides = array<i32>} : memref<640x16xf32, #tpu.memory_space<vmem>>, vector<1x16xf32>,
    %get3A_1850 = vector.shape_cast %get3A_1849 : vector<1x16xf32> to vector<16xf32>
    %add3A_1851 = arith.addf %add3A_1845, %get3A_1850 : vector<16xf32>
    %get3A_1852 = arith.constant 289 : i32
    %get3A_1853 = arith.index_cast %get3A_1852 : i32 to index
    %get3A_1854 = arith.constant 0 : index
    %get3A_1855 = tpu.vector_load %arg6[%get3A_1853, %get3A_1854] {strides = array<i32>} : memref<640x16xf32, #tpu.memory_space<vmem>>, vector<1x16xf32>,
    %get3A_1856 = vector.shape_cast %get3A_1855 : vector<1x16xf32> to vector<16xf32>
    %add3A_1857 = arith.addf %add3A_1851, %get3A_1856 : vector<16xf32>
    %get3A_1858 = arith.constant 290 : i32
    %get3A_1859 = arith.index_cast %get3A_1858 : i32 to index
    %get3A_1860 = arith.constant 0 : index
    %get3A_1861 = tpu.vector_load %arg6[%get3A_1859, %get3A_1860] {strides = array<i32>} : memref<640x16xf32, #tpu.memory_space<vmem>>, vector<1x16xf32>,
    %get3A_1862 = vector.shape_cast %get3A_1861 : vector<1x16xf32> to vector<16xf32>
    %add3A_1863 = arith.addf %add3A_1857, %get3A_1862 : vector<16xf32>
    %get3A_1864 = arith.constant 291 : i32
    %get3A_1865 = arith.index_cast %get3A_1864 : i32 to index
    %get3A_1866 = arith.constant 0 : index
    %get3A_1867 = tpu.vector_load %arg6[%get3A_1865, %get3A_1866] {strides = array<i32>} : memref<640x16xf32, #tpu.memory_space<vmem>>, vector<1x16xf32>,
    %get3A_1868 = vector.shape_cast %get3A_1867 : vector<1x16xf32> to vector<16xf32>
    %add3A_1869 = arith.addf %add3A_1863, %get3A_1868 : vector<16xf32>
    %get3A_1870 = arith.constant 292 : i32
    %get3A_1871 = arith.index_cast %get3A_1870 : i32 to index
    %get3A_1872 = arith.constant 0 : index
    %get3A_1873 = tpu.vector_load %arg6[%get3A_1871, %get3A_1872] {strides = array<i32>} : memref<640x16xf32, #tpu.memory_space<vmem>>, vector<1x16xf32>,
    %get3A_1874 = vector.shape_cast %get3A_1873 : vector<1x16xf32> to vector<16xf32>
    %add3A_1875 = arith.addf %add3A_1869, %get3A_1874 : vector<16xf32>
    %get3A_1876 = arith.constant 293 : i32
    %get3A_1877 = arith.index_cast %get3A_1876 : i32 to index
    %get3A_1878 = arith.constant 0 : index
    %get3A_1879 = tpu.vector_load %arg6[%get3A_1877, %get3A_1878] {strides = array<i32>} : memref<640x16xf32, #tpu.memory_space<vmem>>, vector<1x16xf32>,
    %get3A_1880 = vector.shape_cast %get3A_1879 : vector<1x16xf32> to vector<16xf32>
    %add3A_1881 = arith.addf %add3A_1875, %get3A_1880 : vector<16xf32>
    %get3A_1882 = arith.constant 294 : i32
    %get3A_1883 = arith.index_cast %get3A_1882 : i32 to index
    %get3A_1884 = arith.constant 0 : index
    %get3A_1885 = tpu.vector_load %arg6[%get3A_1883, %get3A_1884] {strides = array<i32>} : memref<640x16xf32, #tpu.memory_space<vmem>>, vector<1x16xf32>,
    %get3A_1886 = vector.shape_cast %get3A_1885 : vector<1x16xf32> to vector<16xf32>
    %add3A_1887 = arith.addf %add3A_1881, %get3A_1886 : vector<16xf32>
    %get3A_1888 = arith.constant 295 : i32
    %get3A_1889 = arith.index_cast %get3A_1888 : i32 to index
    %get3A_1890 = arith.constant 0 : index
    %get3A_1891 = tpu.vector_load %arg6[%get3A_1889, %get3A_1890] {strides = array<i32>} : memref<640x16xf32, #tpu.memory_space<vmem>>, vector<1x16xf32>,
    %get3A_1892 = vector.shape_cast %get3A_1891 : vector<1x16xf32> to vector<16xf32>
    %add3A_1893 = arith.addf %add3A_1887, %get3A_1892 : vector<16xf32>
    %get3A_1894 = arith.constant 296 : i32
    %get3A_1895 = arith.index_cast %get3A_1894 : i32 to index
    %get3A_1896 = arith.constant 0 : index
    %get3A_1897 = tpu.vector_load %arg6[%get3A_1895, %get3A_1896] {strides = array<i32>} : memref<640x16xf32, #tpu.memory_space<vmem>>, vector<1x16xf32>,
    %get3A_1898 = vector.shape_cast %get3A_1897 : vector<1x16xf32> to vector<16xf32>
    %add3A_1899 = arith.addf %add3A_1893, %get3A_1898 : vector<16xf32>
    %get3A_1900 = arith.constant 297 : i32
    %get3A_1901 = arith.index_cast %get3A_1900 : i32 to index
    %get3A_1902 = arith.constant 0 : index
    %get3A_1903 = tpu.vector_load %arg6[%get3A_1901, %get3A_1902] {strides = array<i32>} : memref<640x16xf32, #tpu.memory_space<vmem>>, vector<1x16xf32>,
    %get3A_1904 = vector.shape_cast %get3A_1903 : vector<1x16xf32> to vector<16xf32>
    %add3A_1905 = arith.addf %add3A_1899, %get3A_1904 : vector<16xf32>
    %get3A_1906 = arith.constant 298 : i32
    %get3A_1907 = arith.index_cast %get3A_1906 : i32 to index
    %get3A_1908 = arith.constant 0 : index
    %get3A_1909 = tpu.vector_load %arg6[%get3A_1907, %get3A_1908] {strides = array<i32>} : memref<640x16xf32, #tpu.memory_space<vmem>>, vector<1x16xf32>,
    %get3A_1910 = vector.shape_cast %get3A_1909 : vector<1x16xf32> to vector<16xf32>
    %add3A_1911 = arith.addf %add3A_1905, %get3A_1910 : vector<16xf32>
    %get3A_1912 = arith.constant 299 : i32
    %get3A_1913 = arith.index_cast %get3A_1912 : i32 to index
    %get3A_1914 = arith.constant 0 : index
    %get3A_1915 = tpu.vector_load %arg6[%get3A_1913, %get3A_1914] {strides = array<i32>} : memref<640x16xf32, #tpu.memory_space<vmem>>, vector<1x16xf32>,
    %get3A_1916 = vector.shape_cast %get3A_1915 : vector<1x16xf32> to vector<16xf32>
    %add3A_1917 = arith.addf %add3A_1911, %get3A_1916 : vector<16xf32>
    %mul3A_1918 = arith.constant 5.000000e-02 : f32
    %mul3A_1919 = vector.broadcast %mul3A_1918 : f32 to vector<16xf32>
    %mul3A_1920 = arith.mulf %add3A_1917, %mul3A_1919 : vector<16xf32>
    %swap3A_1921 = arith.constant 14 : i32
    %swap3A_1922 = arith.index_cast %swap3A_1921 : i32 to index
    %swap3A_1923 = arith.constant 0 : index
    %swap3A_1924 = tpu.vector_load %arg7[%swap3A_1922, %swap3A_1923] {strides = array<i32>} : memref<32x16xf32, #tpu.memory_space<vmem>>, vector<1x16xf32>,
    %swap3A_1925 = vector.shape_cast %swap3A_1924 : vector<1x16xf32> to vector<16xf32>
    %swap3A_1926 = vector.shape_cast %mul3A_1920 : vector<16xf32> to vector<1x16xf32>
    tpu.vector_store %arg7[%swap3A_1922, %swap3A_1923], %swap3A_1926 {strides = array<i32>} : memref<32x16xf32, #tpu.memory_space<vmem>>, vector<1x16xf32>,
    %get3A_1927 = arith.constant 300 : i32
    %get3A_1928 = arith.index_cast %get3A_1927 : i32 to index
    %get3A_1929 = arith.constant 0 : index
    %get3A_1930 = tpu.vector_load %arg6[%get3A_1928, %get3A_1929] {strides = array<i32>} : memref<640x16xf32, #tpu.memory_space<vmem>>, vector<1x16xf32>,
    %get3A_1931 = vector.shape_cast %get3A_1930 : vector<1x16xf32> to vector<16xf32>
    %get3A_1932 = arith.constant 301 : i32
    %get3A_1933 = arith.index_cast %get3A_1932 : i32 to index
    %get3A_1934 = arith.constant 0 : index
    %get3A_1935 = tpu.vector_load %arg6[%get3A_1933, %get3A_1934] {strides = array<i32>} : memref<640x16xf32, #tpu.memory_space<vmem>>, vector<1x16xf32>,
    %get3A_1936 = vector.shape_cast %get3A_1935 : vector<1x16xf32> to vector<16xf32>
    %add3A_1937 = arith.addf %get3A_1931, %get3A_1936 : vector<16xf32>
    %get3A_1938 = arith.constant 302 : i32
    %get3A_1939 = arith.index_cast %get3A_1938 : i32 to index
    %get3A_1940 = arith.constant 0 : index
    %get3A_1941 = tpu.vector_load %arg6[%get3A_1939, %get3A_1940] {strides = array<i32>} : memref<640x16xf32, #tpu.memory_space<vmem>>, vector<1x16xf32>,
    %get3A_1942 = vector.shape_cast %get3A_1941 : vector<1x16xf32> to vector<16xf32>
    %add3A_1943 = arith.addf %add3A_1937, %get3A_1942 : vector<16xf32>
    %get3A_1944 = arith.constant 303 : i32
    %get3A_1945 = arith.index_cast %get3A_1944 : i32 to index
    %get3A_1946 = arith.constant 0 : index
    %get3A_1947 = tpu.vector_load %arg6[%get3A_1945, %get3A_1946] {strides = array<i32>} : memref<640x16xf32, #tpu.memory_space<vmem>>, vector<1x16xf32>,
    %get3A_1948 = vector.shape_cast %get3A_1947 : vector<1x16xf32> to vector<16xf32>
    %add3A_1949 = arith.addf %add3A_1943, %get3A_1948 : vector<16xf32>
    %get3A_1950 = arith.constant 304 : i32
    %get3A_1951 = arith.index_cast %get3A_1950 : i32 to index
    %get3A_1952 = arith.constant 0 : index
    %get3A_1953 = tpu.vector_load %arg6[%get3A_1951, %get3A_1952] {strides = array<i32>} : memref<640x16xf32, #tpu.memory_space<vmem>>, vector<1x16xf32>,
    %get3A_1954 = vector.shape_cast %get3A_1953 : vector<1x16xf32> to vector<16xf32>
    %add3A_1955 = arith.addf %add3A_1949, %get3A_1954 : vector<16xf32>
    %get3A_1956 = arith.constant 305 : i32
    %get3A_1957 = arith.index_cast %get3A_1956 : i32 to index
    %get3A_1958 = arith.constant 0 : index
    %get3A_1959 = tpu.vector_load %arg6[%get3A_1957, %get3A_1958] {strides = array<i32>} : memref<640x16xf32, #tpu.memory_space<vmem>>, vector<1x16xf32>,
    %get3A_1960 = vector.shape_cast %get3A_1959 : vector<1x16xf32> to vector<16xf32>
    %add3A_1961 = arith.addf %add3A_1955, %get3A_1960 : vector<16xf32>
    %get3A_1962 = arith.constant 306 : i32
    %get3A_1963 = arith.index_cast %get3A_1962 : i32 to index
    %get3A_1964 = arith.constant 0 : index
    %get3A_1965 = tpu.vector_load %arg6[%get3A_1963, %get3A_1964] {strides = array<i32>} : memref<640x16xf32, #tpu.memory_space<vmem>>, vector<1x16xf32>,
    %get3A_1966 = vector.shape_cast %get3A_1965 : vector<1x16xf32> to vector<16xf32>
    %add3A_1967 = arith.addf %add3A_1961, %get3A_1966 : vector<16xf32>
    %get3A_1968 = arith.constant 307 : i32
    %get3A_1969 = arith.index_cast %get3A_1968 : i32 to index
    %get3A_1970 = arith.constant 0 : index
    %get3A_1971 = tpu.vector_load %arg6[%get3A_1969, %get3A_1970] {strides = array<i32>} : memref<640x16xf32, #tpu.memory_space<vmem>>, vector<1x16xf32>,
    %get3A_1972 = vector.shape_cast %get3A_1971 : vector<1x16xf32> to vector<16xf32>
    %add3A_1973 = arith.addf %add3A_1967, %get3A_1972 : vector<16xf32>
    %get3A_1974 = arith.constant 308 : i32
    %get3A_1975 = arith.index_cast %get3A_1974 : i32 to index
    %get3A_1976 = arith.constant 0 : index
    %get3A_1977 = tpu.vector_load %arg6[%get3A_1975, %get3A_1976] {strides = array<i32>} : memref<640x16xf32, #tpu.memory_space<vmem>>, vector<1x16xf32>,
    %get3A_1978 = vector.shape_cast %get3A_1977 : vector<1x16xf32> to vector<16xf32>
    %add3A_1979 = arith.addf %add3A_1973, %get3A_1978 : vector<16xf32>
    %get3A_1980 = arith.constant 309 : i32
    %get3A_1981 = arith.index_cast %get3A_1980 : i32 to index
    %get3A_1982 = arith.constant 0 : index
    %get3A_1983 = tpu.vector_load %arg6[%get3A_1981, %get3A_1982] {strides = array<i32>} : memref<640x16xf32, #tpu.memory_space<vmem>>, vector<1x16xf32>,
    %get3A_1984 = vector.shape_cast %get3A_1983 : vector<1x16xf32> to vector<16xf32>
    %add3A_1985 = arith.addf %add3A_1979, %get3A_1984 : vector<16xf32>
    %get3A_1986 = arith.constant 310 : i32
    %get3A_1987 = arith.index_cast %get3A_1986 : i32 to index
    %get3A_1988 = arith.constant 0 : index
    %get3A_1989 = tpu.vector_load %arg6[%get3A_1987, %get3A_1988] {strides = array<i32>} : memref<640x16xf32, #tpu.memory_space<vmem>>, vector<1x16xf32>,
    %get3A_1990 = vector.shape_cast %get3A_1989 : vector<1x16xf32> to vector<16xf32>
    %add3A_1991 = arith.addf %add3A_1985, %get3A_1990 : vector<16xf32>
    %get3A_1992 = arith.constant 311 : i32
    %get3A_1993 = arith.index_cast %get3A_1992 : i32 to index
    %get3A_1994 = arith.constant 0 : index
    %get3A_1995 = tpu.vector_load %arg6[%get3A_1993, %get3A_1994] {strides = array<i32>} : memref<640x16xf32, #tpu.memory_space<vmem>>, vector<1x16xf32>,
    %get3A_1996 = vector.shape_cast %get3A_1995 : vector<1x16xf32> to vector<16xf32>
    %add3A_1997 = arith.addf %add3A_1991, %get3A_1996 : vector<16xf32>
    %get3A_1998 = arith.constant 312 : i32
    %get3A_1999 = arith.index_cast %get3A_1998 : i32 to index
    %get3A_2000 = arith.constant 0 : index
    %get3A_2001 = tpu.vector_load %arg6[%get3A_1999, %get3A_2000] {strides = array<i32>} : memref<640x16xf32, #tpu.memory_space<vmem>>, vector<1x16xf32>,
    %get3A_2002 = vector.shape_cast %get3A_2001 : vector<1x16xf32> to vector<16xf32>
    %add3A_2003 = arith.addf %add3A_1997, %get3A_2002 : vector<16xf32>
    %get3A_2004 = arith.constant 313 : i32
    %get3A_2005 = arith.index_cast %get3A_2004 : i32 to index
    %get3A_2006 = arith.constant 0 : index
    %get3A_2007 = tpu.vector_load %arg6[%get3A_2005, %get3A_2006] {strides = array<i32>} : memref<640x16xf32, #tpu.memory_space<vmem>>, vector<1x16xf32>,
    %get3A_2008 = vector.shape_cast %get3A_2007 : vector<1x16xf32> to vector<16xf32>
    %add3A_2009 = arith.addf %add3A_2003, %get3A_2008 : vector<16xf32>
    %get3A_2010 = arith.constant 314 : i32
    %get3A_2011 = arith.index_cast %get3A_2010 : i32 to index
    %get3A_2012 = arith.constant 0 : index
    %get3A_2013 = tpu.vector_load %arg6[%get3A_2011, %get3A_2012] {strides = array<i32>} : memref<640x16xf32, #tpu.memory_space<vmem>>, vector<1x16xf32>,
    %get3A_2014 = vector.shape_cast %get3A_2013 : vector<1x16xf32> to vector<16xf32>
    %add3A_2015 = arith.addf %add3A_2009, %get3A_2014 : vector<16xf32>
    %get3A_2016 = arith.constant 315 : i32
    %get3A_2017 = arith.index_cast %get3A_2016 : i32 to index
    %get3A_2018 = arith.constant 0 : index
    %get3A_2019 = tpu.vector_load %arg6[%get3A_2017, %get3A_2018] {strides = array<i32>} : memref<640x16xf32, #tpu.memory_space<vmem>>, vector<1x16xf32>,
    %get3A_2020 = vector.shape_cast %get3A_2019 : vector<1x16xf32> to vector<16xf32>
    %add3A_2021 = arith.addf %add3A_2015, %get3A_2020 : vector<16xf32>
    %get3A_2022 = arith.constant 316 : i32
    %get3A_2023 = arith.index_cast %get3A_2022 : i32 to index
    %get3A_2024 = arith.constant 0 : index
    %get3A_2025 = tpu.vector_load %arg6[%get3A_2023, %get3A_2024] {strides = array<i32>} : memref<640x16xf32, #tpu.memory_space<vmem>>, vector<1x16xf32>,
    %get3A_2026 = vector.shape_cast %get3A_2025 : vector<1x16xf32> to vector<16xf32>
    %add3A_2027 = arith.addf %add3A_2021, %get3A_2026 : vector<16xf32>
    %get3A_2028 = arith.constant 317 : i32
    %get3A_2029 = arith.index_cast %get3A_2028 : i32 to index
    %get3A_2030 = arith.constant 0 : index
    %get3A_2031 = tpu.vector_load %arg6[%get3A_2029, %get3A_2030] {strides = array<i32>} : memref<640x16xf32, #tpu.memory_space<vmem>>, vector<1x16xf32>,
    %get3A_2032 = vector.shape_cast %get3A_2031 : vector<1x16xf32> to vector<16xf32>
    %add3A_2033 = arith.addf %add3A_2027, %get3A_2032 : vector<16xf32>
    %get3A_2034 = arith.constant 318 : i32
    %get3A_2035 = arith.index_cast %get3A_2034 : i32 to index
    %get3A_2036 = arith.constant 0 : index
    %get3A_2037 = tpu.vector_load %arg6[%get3A_2035, %get3A_2036] {strides = array<i32>} : memref<640x16xf32, #tpu.memory_space<vmem>>, vector<1x16xf32>,
    %get3A_2038 = vector.shape_cast %get3A_2037 : vector<1x16xf32> to vector<16xf32>
    %add3A_2039 = arith.addf %add3A_2033, %get3A_2038 : vector<16xf32>
    %get3A_2040 = arith.constant 319 : i32
    %get3A_2041 = arith.index_cast %get3A_2040 : i32 to index
    %get3A_2042 = arith.constant 0 : index
    %get3A_2043 = tpu.vector_load %arg6[%get3A_2041, %get3A_2042] {strides = array<i32>} : memref<640x16xf32, #tpu.memory_space<vmem>>, vector<1x16xf32>,
    %get3A_2044 = vector.shape_cast %get3A_2043 : vector<1x16xf32> to vector<16xf32>
    %add3A_2045 = arith.addf %add3A_2039, %get3A_2044 : vector<16xf32>
    %mul3A_2046 = arith.constant 5.000000e-02 : f32
    %mul3A_2047 = vector.broadcast %mul3A_2046 : f32 to vector<16xf32>
    %mul3A_2048 = arith.mulf %add3A_2045, %mul3A_2047 : vector<16xf32>
    %swap3A_2049 = arith.constant 15 : i32
    %swap3A_2050 = arith.index_cast %swap3A_2049 : i32 to index
    %swap3A_2051 = arith.constant 0 : index
    %swap3A_2052 = tpu.vector_load %arg7[%swap3A_2050, %swap3A_2051] {strides = array<i32>} : memref<32x16xf32, #tpu.memory_space<vmem>>, vector<1x16xf32>,
    %swap3A_2053 = vector.shape_cast %swap3A_2052 : vector<1x16xf32> to vector<16xf32>
    %swap3A_2054 = vector.shape_cast %mul3A_2048 : vector<16xf32> to vector<1x16xf32>
    tpu.vector_store %arg7[%swap3A_2050, %swap3A_2051], %swap3A_2054 {strides = array<i32>} : memref<32x16xf32, #tpu.memory_space<vmem>>, vector<1x16xf32>,
    %get3A_2055 = arith.constant 320 : i32
    %get3A_2056 = arith.index_cast %get3A_2055 : i32 to index
    %get3A_2057 = arith.constant 0 : index
    %get3A_2058 = tpu.vector_load %arg6[%get3A_2056, %get3A_2057] {strides = array<i32>} : memref<640x16xf32, #tpu.memory_space<vmem>>, vector<1x16xf32>,
    %get3A_2059 = vector.shape_cast %get3A_2058 : vector<1x16xf32> to vector<16xf32>
    %get3A_2060 = arith.constant 321 : i32
    %get3A_2061 = arith.index_cast %get3A_2060 : i32 to index
    %get3A_2062 = arith.constant 0 : index
    %get3A_2063 = tpu.vector_load %arg6[%get3A_2061, %get3A_2062] {strides = array<i32>} : memref<640x16xf32, #tpu.memory_space<vmem>>, vector<1x16xf32>,
    %get3A_2064 = vector.shape_cast %get3A_2063 : vector<1x16xf32> to vector<16xf32>
    %add3A_2065 = arith.addf %get3A_2059, %get3A_2064 : vector<16xf32>
    %get3A_2066 = arith.constant 322 : i32
    %get3A_2067 = arith.index_cast %get3A_2066 : i32 to index
    %get3A_2068 = arith.constant 0 : index
    %get3A_2069 = tpu.vector_load %arg6[%get3A_2067, %get3A_2068] {strides = array<i32>} : memref<640x16xf32, #tpu.memory_space<vmem>>, vector<1x16xf32>,
    %get3A_2070 = vector.shape_cast %get3A_2069 : vector<1x16xf32> to vector<16xf32>
    %add3A_2071 = arith.addf %add3A_2065, %get3A_2070 : vector<16xf32>
    %get3A_2072 = arith.constant 323 : i32
    %get3A_2073 = arith.index_cast %get3A_2072 : i32 to index
    %get3A_2074 = arith.constant 0 : index
    %get3A_2075 = tpu.vector_load %arg6[%get3A_2073, %get3A_2074] {strides = array<i32>} : memref<640x16xf32, #tpu.memory_space<vmem>>, vector<1x16xf32>,
    %get3A_2076 = vector.shape_cast %get3A_2075 : vector<1x16xf32> to vector<16xf32>
    %add3A_2077 = arith.addf %add3A_2071, %get3A_2076 : vector<16xf32>
    %get3A_2078 = arith.constant 324 : i32
    %get3A_2079 = arith.index_cast %get3A_2078 : i32 to index
    %get3A_2080 = arith.constant 0 : index
    %get3A_2081 = tpu.vector_load %arg6[%get3A_2079, %get3A_2080] {strides = array<i32>} : memref<640x16xf32, #tpu.memory_space<vmem>>, vector<1x16xf32>,
    %get3A_2082 = vector.shape_cast %get3A_2081 : vector<1x16xf32> to vector<16xf32>
    %add3A_2083 = arith.addf %add3A_2077, %get3A_2082 : vector<16xf32>
    %get3A_2084 = arith.constant 325 : i32
    %get3A_2085 = arith.index_cast %get3A_2084 : i32 to index
    %get3A_2086 = arith.constant 0 : index
    %get3A_2087 = tpu.vector_load %arg6[%get3A_2085, %get3A_2086] {strides = array<i32>} : memref<640x16xf32, #tpu.memory_space<vmem>>, vector<1x16xf32>,
    %get3A_2088 = vector.shape_cast %get3A_2087 : vector<1x16xf32> to vector<16xf32>
    %add3A_2089 = arith.addf %add3A_2083, %get3A_2088 : vector<16xf32>
    %get3A_2090 = arith.constant 326 : i32
    %get3A_2091 = arith.index_cast %get3A_2090 : i32 to index
    %get3A_2092 = arith.constant 0 : index
    %get3A_2093 = tpu.vector_load %arg6[%get3A_2091, %get3A_2092] {strides = array<i32>} : memref<640x16xf32, #tpu.memory_space<vmem>>, vector<1x16xf32>,
    %get3A_2094 = vector.shape_cast %get3A_2093 : vector<1x16xf32> to vector<16xf32>
    %add3A_2095 = arith.addf %add3A_2089, %get3A_2094 : vector<16xf32>
    %get3A_2096 = arith.constant 327 : i32
    %get3A_2097 = arith.index_cast %get3A_2096 : i32 to index
    %get3A_2098 = arith.constant 0 : index
    %get3A_2099 = tpu.vector_load %arg6[%get3A_2097, %get3A_2098] {strides = array<i32>} : memref<640x16xf32, #tpu.memory_space<vmem>>, vector<1x16xf32>,
    %get3A_2100 = vector.shape_cast %get3A_2099 : vector<1x16xf32> to vector<16xf32>
    %add3A_2101 = arith.addf %add3A_2095, %get3A_2100 : vector<16xf32>
    %get3A_2102 = arith.constant 328 : i32
    %get3A_2103 = arith.index_cast %get3A_2102 : i32 to index
    %get3A_2104 = arith.constant 0 : index
    %get3A_2105 = tpu.vector_load %arg6[%get3A_2103, %get3A_2104] {strides = array<i32>} : memref<640x16xf32, #tpu.memory_space<vmem>>, vector<1x16xf32>,
    %get3A_2106 = vector.shape_cast %get3A_2105 : vector<1x16xf32> to vector<16xf32>
    %add3A_2107 = arith.addf %add3A_2101, %get3A_2106 : vector<16xf32>
    %get3A_2108 = arith.constant 329 : i32
    %get3A_2109 = arith.index_cast %get3A_2108 : i32 to index
    %get3A_2110 = arith.constant 0 : index
    %get3A_2111 = tpu.vector_load %arg6[%get3A_2109, %get3A_2110] {strides = array<i32>} : memref<640x16xf32, #tpu.memory_space<vmem>>, vector<1x16xf32>,
    %get3A_2112 = vector.shape_cast %get3A_2111 : vector<1x16xf32> to vector<16xf32>
    %add3A_2113 = arith.addf %add3A_2107, %get3A_2112 : vector<16xf32>
    %get3A_2114 = arith.constant 330 : i32
    %get3A_2115 = arith.index_cast %get3A_2114 : i32 to index
    %get3A_2116 = arith.constant 0 : index
    %get3A_2117 = tpu.vector_load %arg6[%get3A_2115, %get3A_2116] {strides = array<i32>} : memref<640x16xf32, #tpu.memory_space<vmem>>, vector<1x16xf32>,
    %get3A_2118 = vector.shape_cast %get3A_2117 : vector<1x16xf32> to vector<16xf32>
    %add3A_2119 = arith.addf %add3A_2113, %get3A_2118 : vector<16xf32>
    %get3A_2120 = arith.constant 331 : i32
    %get3A_2121 = arith.index_cast %get3A_2120 : i32 to index
    %get3A_2122 = arith.constant 0 : index
    %get3A_2123 = tpu.vector_load %arg6[%get3A_2121, %get3A_2122] {strides = array<i32>} : memref<640x16xf32, #tpu.memory_space<vmem>>, vector<1x16xf32>,
    %get3A_2124 = vector.shape_cast %get3A_2123 : vector<1x16xf32> to vector<16xf32>
    %add3A_2125 = arith.addf %add3A_2119, %get3A_2124 : vector<16xf32>
    %get3A_2126 = arith.constant 332 : i32
    %get3A_2127 = arith.index_cast %get3A_2126 : i32 to index
    %get3A_2128 = arith.constant 0 : index
    %get3A_2129 = tpu.vector_load %arg6[%get3A_2127, %get3A_2128] {strides = array<i32>} : memref<640x16xf32, #tpu.memory_space<vmem>>, vector<1x16xf32>,
    %get3A_2130 = vector.shape_cast %get3A_2129 : vector<1x16xf32> to vector<16xf32>
    %add3A_2131 = arith.addf %add3A_2125, %get3A_2130 : vector<16xf32>
    %get3A_2132 = arith.constant 333 : i32
    %get3A_2133 = arith.index_cast %get3A_2132 : i32 to index
    %get3A_2134 = arith.constant 0 : index
    %get3A_2135 = tpu.vector_load %arg6[%get3A_2133, %get3A_2134] {strides = array<i32>} : memref<640x16xf32, #tpu.memory_space<vmem>>, vector<1x16xf32>,
    %get3A_2136 = vector.shape_cast %get3A_2135 : vector<1x16xf32> to vector<16xf32>
    %add3A_2137 = arith.addf %add3A_2131, %get3A_2136 : vector<16xf32>
    %get3A_2138 = arith.constant 334 : i32
    %get3A_2139 = arith.index_cast %get3A_2138 : i32 to index
    %get3A_2140 = arith.constant 0 : index
    %get3A_2141 = tpu.vector_load %arg6[%get3A_2139, %get3A_2140] {strides = array<i32>} : memref<640x16xf32, #tpu.memory_space<vmem>>, vector<1x16xf32>,
    %get3A_2142 = vector.shape_cast %get3A_2141 : vector<1x16xf32> to vector<16xf32>
    %add3A_2143 = arith.addf %add3A_2137, %get3A_2142 : vector<16xf32>
    %get3A_2144 = arith.constant 335 : i32
    %get3A_2145 = arith.index_cast %get3A_2144 : i32 to index
    %get3A_2146 = arith.constant 0 : index
    %get3A_2147 = tpu.vector_load %arg6[%get3A_2145, %get3A_2146] {strides = array<i32>} : memref<640x16xf32, #tpu.memory_space<vmem>>, vector<1x16xf32>,
    %get3A_2148 = vector.shape_cast %get3A_2147 : vector<1x16xf32> to vector<16xf32>
    %add3A_2149 = arith.addf %add3A_2143, %get3A_2148 : vector<16xf32>
    %get3A_2150 = arith.constant 336 : i32
    %get3A_2151 = arith.index_cast %get3A_2150 : i32 to index
    %get3A_2152 = arith.constant 0 : index
    %get3A_2153 = tpu.vector_load %arg6[%get3A_2151, %get3A_2152] {strides = array<i32>} : memref<640x16xf32, #tpu.memory_space<vmem>>, vector<1x16xf32>,
    %get3A_2154 = vector.shape_cast %get3A_2153 : vector<1x16xf32> to vector<16xf32>
    %add3A_2155 = arith.addf %add3A_2149, %get3A_2154 : vector<16xf32>
    %get3A_2156 = arith.constant 337 : i32
    %get3A_2157 = arith.index_cast %get3A_2156 : i32 to index
    %get3A_2158 = arith.constant 0 : index
    %get3A_2159 = tpu.vector_load %arg6[%get3A_2157, %get3A_2158] {strides = array<i32>} : memref<640x16xf32, #tpu.memory_space<vmem>>, vector<1x16xf32>,
    %get3A_2160 = vector.shape_cast %get3A_2159 : vector<1x16xf32> to vector<16xf32>
    %add3A_2161 = arith.addf %add3A_2155, %get3A_2160 : vector<16xf32>
    %get3A_2162 = arith.constant 338 : i32
    %get3A_2163 = arith.index_cast %get3A_2162 : i32 to index
    %get3A_2164 = arith.constant 0 : index
    %get3A_2165 = tpu.vector_load %arg6[%get3A_2163, %get3A_2164] {strides = array<i32>} : memref<640x16xf32, #tpu.memory_space<vmem>>, vector<1x16xf32>,
    %get3A_2166 = vector.shape_cast %get3A_2165 : vector<1x16xf32> to vector<16xf32>
    %add3A_2167 = arith.addf %add3A_2161, %get3A_2166 : vector<16xf32>
    %get3A_2168 = arith.constant 339 : i32
    %get3A_2169 = arith.index_cast %get3A_2168 : i32 to index
    %get3A_2170 = arith.constant 0 : index
    %get3A_2171 = tpu.vector_load %arg6[%get3A_2169, %get3A_2170] {strides = array<i32>} : memref<640x16xf32, #tpu.memory_space<vmem>>, vector<1x16xf32>,
    %get3A_2172 = vector.shape_cast %get3A_2171 : vector<1x16xf32> to vector<16xf32>
    %add3A_2173 = arith.addf %add3A_2167, %get3A_2172 : vector<16xf32>
    %mul3A_2174 = arith.constant 5.000000e-02 : f32
    %mul3A_2175 = vector.broadcast %mul3A_2174 : f32 to vector<16xf32>
    %mul3A_2176 = arith.mulf %add3A_2173, %mul3A_2175 : vector<16xf32>
    %swap3A_2177 = arith.constant 16 : i32
    %swap3A_2178 = arith.index_cast %swap3A_2177 : i32 to index
    %swap3A_2179 = arith.constant 0 : index
    %swap3A_2180 = tpu.vector_load %arg7[%swap3A_2178, %swap3A_2179] {strides = array<i32>} : memref<32x16xf32, #tpu.memory_space<vmem>>, vector<1x16xf32>,
    %swap3A_2181 = vector.shape_cast %swap3A_2180 : vector<1x16xf32> to vector<16xf32>
    %swap3A_2182 = vector.shape_cast %mul3A_2176 : vector<16xf32> to vector<1x16xf32>
    tpu.vector_store %arg7[%swap3A_2178, %swap3A_2179], %swap3A_2182 {strides = array<i32>} : memref<32x16xf32, #tpu.memory_space<vmem>>, vector<1x16xf32>,
    %get3A_2183 = arith.constant 340 : i32
    %get3A_2184 = arith.index_cast %get3A_2183 : i32 to index
    %get3A_2185 = arith.constant 0 : index
    %get3A_2186 = tpu.vector_load %arg6[%get3A_2184, %get3A_2185] {strides = array<i32>} : memref<640x16xf32, #tpu.memory_space<vmem>>, vector<1x16xf32>,
    %get3A_2187 = vector.shape_cast %get3A_2186 : vector<1x16xf32> to vector<16xf32>
    %get3A_2188 = arith.constant 341 : i32
    %get3A_2189 = arith.index_cast %get3A_2188 : i32 to index
    %get3A_2190 = arith.constant 0 : index
    %get3A_2191 = tpu.vector_load %arg6[%get3A_2189, %get3A_2190] {strides = array<i32>} : memref<640x16xf32, #tpu.memory_space<vmem>>, vector<1x16xf32>,
    %get3A_2192 = vector.shape_cast %get3A_2191 : vector<1x16xf32> to vector<16xf32>
    %add3A_2193 = arith.addf %get3A_2187, %get3A_2192 : vector<16xf32>
    %get3A_2194 = arith.constant 342 : i32
    %get3A_2195 = arith.index_cast %get3A_2194 : i32 to index
    %get3A_2196 = arith.constant 0 : index
    %get3A_2197 = tpu.vector_load %arg6[%get3A_2195, %get3A_2196] {strides = array<i32>} : memref<640x16xf32, #tpu.memory_space<vmem>>, vector<1x16xf32>,
    %get3A_2198 = vector.shape_cast %get3A_2197 : vector<1x16xf32> to vector<16xf32>
    %add3A_2199 = arith.addf %add3A_2193, %get3A_2198 : vector<16xf32>
    %get3A_2200 = arith.constant 343 : i32
    %get3A_2201 = arith.index_cast %get3A_2200 : i32 to index
    %get3A_2202 = arith.constant 0 : index
    %get3A_2203 = tpu.vector_load %arg6[%get3A_2201, %get3A_2202] {strides = array<i32>} : memref<640x16xf32, #tpu.memory_space<vmem>>, vector<1x16xf32>,
    %get3A_2204 = vector.shape_cast %get3A_2203 : vector<1x16xf32> to vector<16xf32>
    %add3A_2205 = arith.addf %add3A_2199, %get3A_2204 : vector<16xf32>
    %get3A_2206 = arith.constant 344 : i32
    %get3A_2207 = arith.index_cast %get3A_2206 : i32 to index
    %get3A_2208 = arith.constant 0 : index
    %get3A_2209 = tpu.vector_load %arg6[%get3A_2207, %get3A_2208] {strides = array<i32>} : memref<640x16xf32, #tpu.memory_space<vmem>>, vector<1x16xf32>,
    %get3A_2210 = vector.shape_cast %get3A_2209 : vector<1x16xf32> to vector<16xf32>
    %add3A_2211 = arith.addf %add3A_2205, %get3A_2210 : vector<16xf32>
    %get3A_2212 = arith.constant 345 : i32
    %get3A_2213 = arith.index_cast %get3A_2212 : i32 to index
    %get3A_2214 = arith.constant 0 : index
    %get3A_2215 = tpu.vector_load %arg6[%get3A_2213, %get3A_2214] {strides = array<i32>} : memref<640x16xf32, #tpu.memory_space<vmem>>, vector<1x16xf32>,
    %get3A_2216 = vector.shape_cast %get3A_2215 : vector<1x16xf32> to vector<16xf32>
    %add3A_2217 = arith.addf %add3A_2211, %get3A_2216 : vector<16xf32>
    %get3A_2218 = arith.constant 346 : i32
    %get3A_2219 = arith.index_cast %get3A_2218 : i32 to index
    %get3A_2220 = arith.constant 0 : index
    %get3A_2221 = tpu.vector_load %arg6[%get3A_2219, %get3A_2220] {strides = array<i32>} : memref<640x16xf32, #tpu.memory_space<vmem>>, vector<1x16xf32>,
    %get3A_2222 = vector.shape_cast %get3A_2221 : vector<1x16xf32> to vector<16xf32>
    %add3A_2223 = arith.addf %add3A_2217, %get3A_2222 : vector<16xf32>
    %get3A_2224 = arith.constant 347 : i32
    %get3A_2225 = arith.index_cast %get3A_2224 : i32 to index
    %get3A_2226 = arith.constant 0 : index
    %get3A_2227 = tpu.vector_load %arg6[%get3A_2225, %get3A_2226] {strides = array<i32>} : memref<640x16xf32, #tpu.memory_space<vmem>>, vector<1x16xf32>,
    %get3A_2228 = vector.shape_cast %get3A_2227 : vector<1x16xf32> to vector<16xf32>
    %add3A_2229 = arith.addf %add3A_2223, %get3A_2228 : vector<16xf32>
    %get3A_2230 = arith.constant 348 : i32
    %get3A_2231 = arith.index_cast %get3A_2230 : i32 to index
    %get3A_2232 = arith.constant 0 : index
    %get3A_2233 = tpu.vector_load %arg6[%get3A_2231, %get3A_2232] {strides = array<i32>} : memref<640x16xf32, #tpu.memory_space<vmem>>, vector<1x16xf32>,
    %get3A_2234 = vector.shape_cast %get3A_2233 : vector<1x16xf32> to vector<16xf32>
    %add3A_2235 = arith.addf %add3A_2229, %get3A_2234 : vector<16xf32>
    %get3A_2236 = arith.constant 349 : i32
    %get3A_2237 = arith.index_cast %get3A_2236 : i32 to index
    %get3A_2238 = arith.constant 0 : index
    %get3A_2239 = tpu.vector_load %arg6[%get3A_2237, %get3A_2238] {strides = array<i32>} : memref<640x16xf32, #tpu.memory_space<vmem>>, vector<1x16xf32>,
    %get3A_2240 = vector.shape_cast %get3A_2239 : vector<1x16xf32> to vector<16xf32>
    %add3A_2241 = arith.addf %add3A_2235, %get3A_2240 : vector<16xf32>
    %get3A_2242 = arith.constant 350 : i32
    %get3A_2243 = arith.index_cast %get3A_2242 : i32 to index
    %get3A_2244 = arith.constant 0 : index
    %get3A_2245 = tpu.vector_load %arg6[%get3A_2243, %get3A_2244] {strides = array<i32>} : memref<640x16xf32, #tpu.memory_space<vmem>>, vector<1x16xf32>,
    %get3A_2246 = vector.shape_cast %get3A_2245 : vector<1x16xf32> to vector<16xf32>
    %add3A_2247 = arith.addf %add3A_2241, %get3A_2246 : vector<16xf32>
    %get3A_2248 = arith.constant 351 : i32
    %get3A_2249 = arith.index_cast %get3A_2248 : i32 to index
    %get3A_2250 = arith.constant 0 : index
    %get3A_2251 = tpu.vector_load %arg6[%get3A_2249, %get3A_2250] {strides = array<i32>} : memref<640x16xf32, #tpu.memory_space<vmem>>, vector<1x16xf32>,
    %get3A_2252 = vector.shape_cast %get3A_2251 : vector<1x16xf32> to vector<16xf32>
    %add3A_2253 = arith.addf %add3A_2247, %get3A_2252 : vector<16xf32>
    %get3A_2254 = arith.constant 352 : i32
    %get3A_2255 = arith.index_cast %get3A_2254 : i32 to index
    %get3A_2256 = arith.constant 0 : index
    %get3A_2257 = tpu.vector_load %arg6[%get3A_2255, %get3A_2256] {strides = array<i32>} : memref<640x16xf32, #tpu.memory_space<vmem>>, vector<1x16xf32>,
    %get3A_2258 = vector.shape_cast %get3A_2257 : vector<1x16xf32> to vector<16xf32>
    %add3A_2259 = arith.addf %add3A_2253, %get3A_2258 : vector<16xf32>
    %get3A_2260 = arith.constant 353 : i32
    %get3A_2261 = arith.index_cast %get3A_2260 : i32 to index
    %get3A_2262 = arith.constant 0 : index
    %get3A_2263 = tpu.vector_load %arg6[%get3A_2261, %get3A_2262] {strides = array<i32>} : memref<640x16xf32, #tpu.memory_space<vmem>>, vector<1x16xf32>,
    %get3A_2264 = vector.shape_cast %get3A_2263 : vector<1x16xf32> to vector<16xf32>
    %add3A_2265 = arith.addf %add3A_2259, %get3A_2264 : vector<16xf32>
    %get3A_2266 = arith.constant 354 : i32
    %get3A_2267 = arith.index_cast %get3A_2266 : i32 to index
    %get3A_2268 = arith.constant 0 : index
    %get3A_2269 = tpu.vector_load %arg6[%get3A_2267, %get3A_2268] {strides = array<i32>} : memref<640x16xf32, #tpu.memory_space<vmem>>, vector<1x16xf32>,
    %get3A_2270 = vector.shape_cast %get3A_2269 : vector<1x16xf32> to vector<16xf32>
    %add3A_2271 = arith.addf %add3A_2265, %get3A_2270 : vector<16xf32>
    %get3A_2272 = arith.constant 355 : i32
    %get3A_2273 = arith.index_cast %get3A_2272 : i32 to index
    %get3A_2274 = arith.constant 0 : index
    %get3A_2275 = tpu.vector_load %arg6[%get3A_2273, %get3A_2274] {strides = array<i32>} : memref<640x16xf32, #tpu.memory_space<vmem>>, vector<1x16xf32>,
    %get3A_2276 = vector.shape_cast %get3A_2275 : vector<1x16xf32> to vector<16xf32>
    %add3A_2277 = arith.addf %add3A_2271, %get3A_2276 : vector<16xf32>
    %get3A_2278 = arith.constant 356 : i32
    %get3A_2279 = arith.index_cast %get3A_2278 : i32 to index
    %get3A_2280 = arith.constant 0 : index
    %get3A_2281 = tpu.vector_load %arg6[%get3A_2279, %get3A_2280] {strides = array<i32>} : memref<640x16xf32, #tpu.memory_space<vmem>>, vector<1x16xf32>,
    %get3A_2282 = vector.shape_cast %get3A_2281 : vector<1x16xf32> to vector<16xf32>
    %add3A_2283 = arith.addf %add3A_2277, %get3A_2282 : vector<16xf32>
    %get3A_2284 = arith.constant 357 : i32
    %get3A_2285 = arith.index_cast %get3A_2284 : i32 to index
    %get3A_2286 = arith.constant 0 : index
    %get3A_2287 = tpu.vector_load %arg6[%get3A_2285, %get3A_2286] {strides = array<i32>} : memref<640x16xf32, #tpu.memory_space<vmem>>, vector<1x16xf32>,
    %get3A_2288 = vector.shape_cast %get3A_2287 : vector<1x16xf32> to vector<16xf32>
    %add3A_2289 = arith.addf %add3A_2283, %get3A_2288 : vector<16xf32>
    %get3A_2290 = arith.constant 358 : i32
    %get3A_2291 = arith.index_cast %get3A_2290 : i32 to index
    %get3A_2292 = arith.constant 0 : index
    %get3A_2293 = tpu.vector_load %arg6[%get3A_2291, %get3A_2292] {strides = array<i32>} : memref<640x16xf32, #tpu.memory_space<vmem>>, vector<1x16xf32>,
    %get3A_2294 = vector.shape_cast %get3A_2293 : vector<1x16xf32> to vector<16xf32>
    %add3A_2295 = arith.addf %add3A_2289, %get3A_2294 : vector<16xf32>
    %get3A_2296 = arith.constant 359 : i32
    %get3A_2297 = arith.index_cast %get3A_2296 : i32 to index
    %get3A_2298 = arith.constant 0 : index
    %get3A_2299 = tpu.vector_load %arg6[%get3A_2297, %get3A_2298] {strides = array<i32>} : memref<640x16xf32, #tpu.memory_space<vmem>>, vector<1x16xf32>,
    %get3A_2300 = vector.shape_cast %get3A_2299 : vector<1x16xf32> to vector<16xf32>
    %add3A_2301 = arith.addf %add3A_2295, %get3A_2300 : vector<16xf32>
    %mul3A_2302 = arith.constant 5.000000e-02 : f32
    %mul3A_2303 = vector.broadcast %mul3A_2302 : f32 to vector<16xf32>
    %mul3A_2304 = arith.mulf %add3A_2301, %mul3A_2303 : vector<16xf32>
    %swap3A_2305 = arith.constant 17 : i32
    %swap3A_2306 = arith.index_cast %swap3A_2305 : i32 to index
    %swap3A_2307 = arith.constant 0 : index
    %swap3A_2308 = tpu.vector_load %arg7[%swap3A_2306, %swap3A_2307] {strides = array<i32>} : memref<32x16xf32, #tpu.memory_space<vmem>>, vector<1x16xf32>,
    %swap3A_2309 = vector.shape_cast %swap3A_2308 : vector<1x16xf32> to vector<16xf32>
    %swap3A_2310 = vector.shape_cast %mul3A_2304 : vector<16xf32> to vector<1x16xf32>
    tpu.vector_store %arg7[%swap3A_2306, %swap3A_2307], %swap3A_2310 {strides = array<i32>} : memref<32x16xf32, #tpu.memory_space<vmem>>, vector<1x16xf32>,
    %get3A_2311 = arith.constant 360 : i32
    %get3A_2312 = arith.index_cast %get3A_2311 : i32 to index
    %get3A_2313 = arith.constant 0 : index
    %get3A_2314 = tpu.vector_load %arg6[%get3A_2312, %get3A_2313] {strides = array<i32>} : memref<640x16xf32, #tpu.memory_space<vmem>>, vector<1x16xf32>,
    %get3A_2315 = vector.shape_cast %get3A_2314 : vector<1x16xf32> to vector<16xf32>
    %get3A_2316 = arith.constant 361 : i32
    %get3A_2317 = arith.index_cast %get3A_2316 : i32 to index
    %get3A_2318 = arith.constant 0 : index
    %get3A_2319 = tpu.vector_load %arg6[%get3A_2317, %get3A_2318] {strides = array<i32>} : memref<640x16xf32, #tpu.memory_space<vmem>>, vector<1x16xf32>,
    %get3A_2320 = vector.shape_cast %get3A_2319 : vector<1x16xf32> to vector<16xf32>
    %add3A_2321 = arith.addf %get3A_2315, %get3A_2320 : vector<16xf32>
    %get3A_2322 = arith.constant 362 : i32
    %get3A_2323 = arith.index_cast %get3A_2322 : i32 to index
    %get3A_2324 = arith.constant 0 : index
    %get3A_2325 = tpu.vector_load %arg6[%get3A_2323, %get3A_2324] {strides = array<i32>} : memref<640x16xf32, #tpu.memory_space<vmem>>, vector<1x16xf32>,
    %get3A_2326 = vector.shape_cast %get3A_2325 : vector<1x16xf32> to vector<16xf32>
    %add3A_2327 = arith.addf %add3A_2321, %get3A_2326 : vector<16xf32>
    %get3A_2328 = arith.constant 363 : i32
    %get3A_2329 = arith.index_cast %get3A_2328 : i32 to index
    %get3A_2330 = arith.constant 0 : index
    %get3A_2331 = tpu.vector_load %arg6[%get3A_2329, %get3A_2330] {strides = array<i32>} : memref<640x16xf32, #tpu.memory_space<vmem>>, vector<1x16xf32>,
    %get3A_2332 = vector.shape_cast %get3A_2331 : vector<1x16xf32> to vector<16xf32>
    %add3A_2333 = arith.addf %add3A_2327, %get3A_2332 : vector<16xf32>
    %get3A_2334 = arith.constant 364 : i32
    %get3A_2335 = arith.index_cast %get3A_2334 : i32 to index
    %get3A_2336 = arith.constant 0 : index
    %get3A_2337 = tpu.vector_load %arg6[%get3A_2335, %get3A_2336] {strides = array<i32>} : memref<640x16xf32, #tpu.memory_space<vmem>>, vector<1x16xf32>,
    %get3A_2338 = vector.shape_cast %get3A_2337 : vector<1x16xf32> to vector<16xf32>
    %add3A_2339 = arith.addf %add3A_2333, %get3A_2338 : vector<16xf32>
    %get3A_2340 = arith.constant 365 : i32
    %get3A_2341 = arith.index_cast %get3A_2340 : i32 to index
    %get3A_2342 = arith.constant 0 : index
    %get3A_2343 = tpu.vector_load %arg6[%get3A_2341, %get3A_2342] {strides = array<i32>} : memref<640x16xf32, #tpu.memory_space<vmem>>, vector<1x16xf32>,
    %get3A_2344 = vector.shape_cast %get3A_2343 : vector<1x16xf32> to vector<16xf32>
    %add3A_2345 = arith.addf %add3A_2339, %get3A_2344 : vector<16xf32>
    %get3A_2346 = arith.constant 366 : i32
    %get3A_2347 = arith.index_cast %get3A_2346 : i32 to index
    %get3A_2348 = arith.constant 0 : index
    %get3A_2349 = tpu.vector_load %arg6[%get3A_2347, %get3A_2348] {strides = array<i32>} : memref<640x16xf32, #tpu.memory_space<vmem>>, vector<1x16xf32>,
    %get3A_2350 = vector.shape_cast %get3A_2349 : vector<1x16xf32> to vector<16xf32>
    %add3A_2351 = arith.addf %add3A_2345, %get3A_2350 : vector<16xf32>
    %get3A_2352 = arith.constant 367 : i32
    %get3A_2353 = arith.index_cast %get3A_2352 : i32 to index
    %get3A_2354 = arith.constant 0 : index
    %get3A_2355 = tpu.vector_load %arg6[%get3A_2353, %get3A_2354] {strides = array<i32>} : memref<640x16xf32, #tpu.memory_space<vmem>>, vector<1x16xf32>,
    %get3A_2356 = vector.shape_cast %get3A_2355 : vector<1x16xf32> to vector<16xf32>
    %add3A_2357 = arith.addf %add3A_2351, %get3A_2356 : vector<16xf32>
    %get3A_2358 = arith.constant 368 : i32
    %get3A_2359 = arith.index_cast %get3A_2358 : i32 to index
    %get3A_2360 = arith.constant 0 : index
    %get3A_2361 = tpu.vector_load %arg6[%get3A_2359, %get3A_2360] {strides = array<i32>} : memref<640x16xf32, #tpu.memory_space<vmem>>, vector<1x16xf32>,
    %get3A_2362 = vector.shape_cast %get3A_2361 : vector<1x16xf32> to vector<16xf32>
    %add3A_2363 = arith.addf %add3A_2357, %get3A_2362 : vector<16xf32>
    %get3A_2364 = arith.constant 369 : i32
    %get3A_2365 = arith.index_cast %get3A_2364 : i32 to index
    %get3A_2366 = arith.constant 0 : index
    %get3A_2367 = tpu.vector_load %arg6[%get3A_2365, %get3A_2366] {strides = array<i32>} : memref<640x16xf32, #tpu.memory_space<vmem>>, vector<1x16xf32>,
    %get3A_2368 = vector.shape_cast %get3A_2367 : vector<1x16xf32> to vector<16xf32>
    %add3A_2369 = arith.addf %add3A_2363, %get3A_2368 : vector<16xf32>
    %get3A_2370 = arith.constant 370 : i32
    %get3A_2371 = arith.index_cast %get3A_2370 : i32 to index
    %get3A_2372 = arith.constant 0 : index
    %get3A_2373 = tpu.vector_load %arg6[%get3A_2371, %get3A_2372] {strides = array<i32>} : memref<640x16xf32, #tpu.memory_space<vmem>>, vector<1x16xf32>,
    %get3A_2374 = vector.shape_cast %get3A_2373 : vector<1x16xf32> to vector<16xf32>
    %add3A_2375 = arith.addf %add3A_2369, %get3A_2374 : vector<16xf32>
    %get3A_2376 = arith.constant 371 : i32
    %get3A_2377 = arith.index_cast %get3A_2376 : i32 to index
    %get3A_2378 = arith.constant 0 : index
    %get3A_2379 = tpu.vector_load %arg6[%get3A_2377, %get3A_2378] {strides = array<i32>} : memref<640x16xf32, #tpu.memory_space<vmem>>, vector<1x16xf32>,
    %get3A_2380 = vector.shape_cast %get3A_2379 : vector<1x16xf32> to vector<16xf32>
    %add3A_2381 = arith.addf %add3A_2375, %get3A_2380 : vector<16xf32>
    %get3A_2382 = arith.constant 372 : i32
    %get3A_2383 = arith.index_cast %get3A_2382 : i32 to index
    %get3A_2384 = arith.constant 0 : index
    %get3A_2385 = tpu.vector_load %arg6[%get3A_2383, %get3A_2384] {strides = array<i32>} : memref<640x16xf32, #tpu.memory_space<vmem>>, vector<1x16xf32>,
    %get3A_2386 = vector.shape_cast %get3A_2385 : vector<1x16xf32> to vector<16xf32>
    %add3A_2387 = arith.addf %add3A_2381, %get3A_2386 : vector<16xf32>
    %get3A_2388 = arith.constant 373 : i32
    %get3A_2389 = arith.index_cast %get3A_2388 : i32 to index
    %get3A_2390 = arith.constant 0 : index
    %get3A_2391 = tpu.vector_load %arg6[%get3A_2389, %get3A_2390] {strides = array<i32>} : memref<640x16xf32, #tpu.memory_space<vmem>>, vector<1x16xf32>,
    %get3A_2392 = vector.shape_cast %get3A_2391 : vector<1x16xf32> to vector<16xf32>
    %add3A_2393 = arith.addf %add3A_2387, %get3A_2392 : vector<16xf32>
    %get3A_2394 = arith.constant 374 : i32
    %get3A_2395 = arith.index_cast %get3A_2394 : i32 to index
    %get3A_2396 = arith.constant 0 : index
    %get3A_2397 = tpu.vector_load %arg6[%get3A_2395, %get3A_2396] {strides = array<i32>} : memref<640x16xf32, #tpu.memory_space<vmem>>, vector<1x16xf32>,
    %get3A_2398 = vector.shape_cast %get3A_2397 : vector<1x16xf32> to vector<16xf32>
    %add3A_2399 = arith.addf %add3A_2393, %get3A_2398 : vector<16xf32>
    %get3A_2400 = arith.constant 375 : i32
    %get3A_2401 = arith.index_cast %get3A_2400 : i32 to index
    %get3A_2402 = arith.constant 0 : index
    %get3A_2403 = tpu.vector_load %arg6[%get3A_2401, %get3A_2402] {strides = array<i32>} : memref<640x16xf32, #tpu.memory_space<vmem>>, vector<1x16xf32>,
    %get3A_2404 = vector.shape_cast %get3A_2403 : vector<1x16xf32> to vector<16xf32>
    %add3A_2405 = arith.addf %add3A_2399, %get3A_2404 : vector<16xf32>
    %get3A_2406 = arith.constant 376 : i32
    %get3A_2407 = arith.index_cast %get3A_2406 : i32 to index
    %get3A_2408 = arith.constant 0 : index
    %get3A_2409 = tpu.vector_load %arg6[%get3A_2407, %get3A_2408] {strides = array<i32>} : memref<640x16xf32, #tpu.memory_space<vmem>>, vector<1x16xf32>,
    %get3A_2410 = vector.shape_cast %get3A_2409 : vector<1x16xf32> to vector<16xf32>
    %add3A_2411 = arith.addf %add3A_2405, %get3A_2410 : vector<16xf32>
    %get3A_2412 = arith.constant 377 : i32
    %get3A_2413 = arith.index_cast %get3A_2412 : i32 to index
    %get3A_2414 = arith.constant 0 : index
    %get3A_2415 = tpu.vector_load %arg6[%get3A_2413, %get3A_2414] {strides = array<i32>} : memref<640x16xf32, #tpu.memory_space<vmem>>, vector<1x16xf32>,
    %get3A_2416 = vector.shape_cast %get3A_2415 : vector<1x16xf32> to vector<16xf32>
    %add3A_2417 = arith.addf %add3A_2411, %get3A_2416 : vector<16xf32>
    %get3A_2418 = arith.constant 378 : i32
    %get3A_2419 = arith.index_cast %get3A_2418 : i32 to index
    %get3A_2420 = arith.constant 0 : index
    %get3A_2421 = tpu.vector_load %arg6[%get3A_2419, %get3A_2420] {strides = array<i32>} : memref<640x16xf32, #tpu.memory_space<vmem>>, vector<1x16xf32>,
    %get3A_2422 = vector.shape_cast %get3A_2421 : vector<1x16xf32> to vector<16xf32>
    %add3A_2423 = arith.addf %add3A_2417, %get3A_2422 : vector<16xf32>
    %get3A_2424 = arith.constant 379 : i32
    %get3A_2425 = arith.index_cast %get3A_2424 : i32 to index
    %get3A_2426 = arith.constant 0 : index
    %get3A_2427 = tpu.vector_load %arg6[%get3A_2425, %get3A_2426] {strides = array<i32>} : memref<640x16xf32, #tpu.memory_space<vmem>>, vector<1x16xf32>,
    %get3A_2428 = vector.shape_cast %get3A_2427 : vector<1x16xf32> to vector<16xf32>
    %add3A_2429 = arith.addf %add3A_2423, %get3A_2428 : vector<16xf32>
    %mul3A_2430 = arith.constant 5.000000e-02 : f32
    %mul3A_2431 = vector.broadcast %mul3A_2430 : f32 to vector<16xf32>
    %mul3A_2432 = arith.mulf %add3A_2429, %mul3A_2431 : vector<16xf32>
    %swap3A_2433 = arith.constant 18 : i32
    %swap3A_2434 = arith.index_cast %swap3A_2433 : i32 to index
    %swap3A_2435 = arith.constant 0 : index
    %swap3A_2436 = tpu.vector_load %arg7[%swap3A_2434, %swap3A_2435] {strides = array<i32>} : memref<32x16xf32, #tpu.memory_space<vmem>>, vector<1x16xf32>,
    %swap3A_2437 = vector.shape_cast %swap3A_2436 : vector<1x16xf32> to vector<16xf32>
    %swap3A_2438 = vector.shape_cast %mul3A_2432 : vector<16xf32> to vector<1x16xf32>
    tpu.vector_store %arg7[%swap3A_2434, %swap3A_2435], %swap3A_2438 {strides = array<i32>} : memref<32x16xf32, #tpu.memory_space<vmem>>, vector<1x16xf32>,
    %get3A_2439 = arith.constant 380 : i32
    %get3A_2440 = arith.index_cast %get3A_2439 : i32 to index
    %get3A_2441 = arith.constant 0 : index
    %get3A_2442 = tpu.vector_load %arg6[%get3A_2440, %get3A_2441] {strides = array<i32>} : memref<640x16xf32, #tpu.memory_space<vmem>>, vector<1x16xf32>,
    %get3A_2443 = vector.shape_cast %get3A_2442 : vector<1x16xf32> to vector<16xf32>
    %get3A_2444 = arith.constant 381 : i32
    %get3A_2445 = arith.index_cast %get3A_2444 : i32 to index
    %get3A_2446 = arith.constant 0 : index
    %get3A_2447 = tpu.vector_load %arg6[%get3A_2445, %get3A_2446] {strides = array<i32>} : memref<640x16xf32, #tpu.memory_space<vmem>>, vector<1x16xf32>,
    %get3A_2448 = vector.shape_cast %get3A_2447 : vector<1x16xf32> to vector<16xf32>
    %add3A_2449 = arith.addf %get3A_2443, %get3A_2448 : vector<16xf32>
    %get3A_2450 = arith.constant 382 : i32
    %get3A_2451 = arith.index_cast %get3A_2450 : i32 to index
    %get3A_2452 = arith.constant 0 : index
    %get3A_2453 = tpu.vector_load %arg6[%get3A_2451, %get3A_2452] {strides = array<i32>} : memref<640x16xf32, #tpu.memory_space<vmem>>, vector<1x16xf32>,
    %get3A_2454 = vector.shape_cast %get3A_2453 : vector<1x16xf32> to vector<16xf32>
    %add3A_2455 = arith.addf %add3A_2449, %get3A_2454 : vector<16xf32>
    %get3A_2456 = arith.constant 383 : i32
    %get3A_2457 = arith.index_cast %get3A_2456 : i32 to index
    %get3A_2458 = arith.constant 0 : index
    %get3A_2459 = tpu.vector_load %arg6[%get3A_2457, %get3A_2458] {strides = array<i32>} : memref<640x16xf32, #tpu.memory_space<vmem>>, vector<1x16xf32>,
    %get3A_2460 = vector.shape_cast %get3A_2459 : vector<1x16xf32> to vector<16xf32>
    %add3A_2461 = arith.addf %add3A_2455, %get3A_2460 : vector<16xf32>
    %get3A_2462 = arith.constant 384 : i32
    %get3A_2463 = arith.index_cast %get3A_2462 : i32 to index
    %get3A_2464 = arith.constant 0 : index
    %get3A_2465 = tpu.vector_load %arg6[%get3A_2463, %get3A_2464] {strides = array<i32>} : memref<640x16xf32, #tpu.memory_space<vmem>>, vector<1x16xf32>,
    %get3A_2466 = vector.shape_cast %get3A_2465 : vector<1x16xf32> to vector<16xf32>
    %add3A_2467 = arith.addf %add3A_2461, %get3A_2466 : vector<16xf32>
    %get3A_2468 = arith.constant 385 : i32
    %get3A_2469 = arith.index_cast %get3A_2468 : i32 to index
    %get3A_2470 = arith.constant 0 : index
    %get3A_2471 = tpu.vector_load %arg6[%get3A_2469, %get3A_2470] {strides = array<i32>} : memref<640x16xf32, #tpu.memory_space<vmem>>, vector<1x16xf32>,
    %get3A_2472 = vector.shape_cast %get3A_2471 : vector<1x16xf32> to vector<16xf32>
    %add3A_2473 = arith.addf %add3A_2467, %get3A_2472 : vector<16xf32>
    %get3A_2474 = arith.constant 386 : i32
    %get3A_2475 = arith.index_cast %get3A_2474 : i32 to index
    %get3A_2476 = arith.constant 0 : index
    %get3A_2477 = tpu.vector_load %arg6[%get3A_2475, %get3A_2476] {strides = array<i32>} : memref<640x16xf32, #tpu.memory_space<vmem>>, vector<1x16xf32>,
    %get3A_2478 = vector.shape_cast %get3A_2477 : vector<1x16xf32> to vector<16xf32>
    %add3A_2479 = arith.addf %add3A_2473, %get3A_2478 : vector<16xf32>
    %get3A_2480 = arith.constant 387 : i32
    %get3A_2481 = arith.index_cast %get3A_2480 : i32 to index
    %get3A_2482 = arith.constant 0 : index
    %get3A_2483 = tpu.vector_load %arg6[%get3A_2481, %get3A_2482] {strides = array<i32>} : memref<640x16xf32, #tpu.memory_space<vmem>>, vector<1x16xf32>,
    %get3A_2484 = vector.shape_cast %get3A_2483 : vector<1x16xf32> to vector<16xf32>
    %add3A_2485 = arith.addf %add3A_2479, %get3A_2484 : vector<16xf32>
    %get3A_2486 = arith.constant 388 : i32
    %get3A_2487 = arith.index_cast %get3A_2486 : i32 to index
    %get3A_2488 = arith.constant 0 : index
    %get3A_2489 = tpu.vector_load %arg6[%get3A_2487, %get3A_2488] {strides = array<i32>} : memref<640x16xf32, #tpu.memory_space<vmem>>, vector<1x16xf32>,
    %get3A_2490 = vector.shape_cast %get3A_2489 : vector<1x16xf32> to vector<16xf32>
    %add3A_2491 = arith.addf %add3A_2485, %get3A_2490 : vector<16xf32>
    %get3A_2492 = arith.constant 389 : i32
    %get3A_2493 = arith.index_cast %get3A_2492 : i32 to index
    %get3A_2494 = arith.constant 0 : index
    %get3A_2495 = tpu.vector_load %arg6[%get3A_2493, %get3A_2494] {strides = array<i32>} : memref<640x16xf32, #tpu.memory_space<vmem>>, vector<1x16xf32>,
    %get3A_2496 = vector.shape_cast %get3A_2495 : vector<1x16xf32> to vector<16xf32>
    %add3A_2497 = arith.addf %add3A_2491, %get3A_2496 : vector<16xf32>
    %get3A_2498 = arith.constant 390 : i32
    %get3A_2499 = arith.index_cast %get3A_2498 : i32 to index
    %get3A_2500 = arith.constant 0 : index
    %get3A_2501 = tpu.vector_load %arg6[%get3A_2499, %get3A_2500] {strides = array<i32>} : memref<640x16xf32, #tpu.memory_space<vmem>>, vector<1x16xf32>,
    %get3A_2502 = vector.shape_cast %get3A_2501 : vector<1x16xf32> to vector<16xf32>
    %add3A_2503 = arith.addf %add3A_2497, %get3A_2502 : vector<16xf32>
    %get3A_2504 = arith.constant 391 : i32
    %get3A_2505 = arith.index_cast %get3A_2504 : i32 to index
    %get3A_2506 = arith.constant 0 : index
    %get3A_2507 = tpu.vector_load %arg6[%get3A_2505, %get3A_2506] {strides = array<i32>} : memref<640x16xf32, #tpu.memory_space<vmem>>, vector<1x16xf32>,
    %get3A_2508 = vector.shape_cast %get3A_2507 : vector<1x16xf32> to vector<16xf32>
    %add3A_2509 = arith.addf %add3A_2503, %get3A_2508 : vector<16xf32>
    %get3A_2510 = arith.constant 392 : i32
    %get3A_2511 = arith.index_cast %get3A_2510 : i32 to index
    %get3A_2512 = arith.constant 0 : index
    %get3A_2513 = tpu.vector_load %arg6[%get3A_2511, %get3A_2512] {strides = array<i32>} : memref<640x16xf32, #tpu.memory_space<vmem>>, vector<1x16xf32>,
    %get3A_2514 = vector.shape_cast %get3A_2513 : vector<1x16xf32> to vector<16xf32>
    %add3A_2515 = arith.addf %add3A_2509, %get3A_2514 : vector<16xf32>
    %get3A_2516 = arith.constant 393 : i32
    %get3A_2517 = arith.index_cast %get3A_2516 : i32 to index
    %get3A_2518 = arith.constant 0 : index
    %get3A_2519 = tpu.vector_load %arg6[%get3A_2517, %get3A_2518] {strides = array<i32>} : memref<640x16xf32, #tpu.memory_space<vmem>>, vector<1x16xf32>,
    %get3A_2520 = vector.shape_cast %get3A_2519 : vector<1x16xf32> to vector<16xf32>
    %add3A_2521 = arith.addf %add3A_2515, %get3A_2520 : vector<16xf32>
    %get3A_2522 = arith.constant 394 : i32
    %get3A_2523 = arith.index_cast %get3A_2522 : i32 to index
    %get3A_2524 = arith.constant 0 : index
    %get3A_2525 = tpu.vector_load %arg6[%get3A_2523, %get3A_2524] {strides = array<i32>} : memref<640x16xf32, #tpu.memory_space<vmem>>, vector<1x16xf32>,
    %get3A_2526 = vector.shape_cast %get3A_2525 : vector<1x16xf32> to vector<16xf32>
    %add3A_2527 = arith.addf %add3A_2521, %get3A_2526 : vector<16xf32>
    %get3A_2528 = arith.constant 395 : i32
    %get3A_2529 = arith.index_cast %get3A_2528 : i32 to index
    %get3A_2530 = arith.constant 0 : index
    %get3A_2531 = tpu.vector_load %arg6[%get3A_2529, %get3A_2530] {strides = array<i32>} : memref<640x16xf32, #tpu.memory_space<vmem>>, vector<1x16xf32>,
    %get3A_2532 = vector.shape_cast %get3A_2531 : vector<1x16xf32> to vector<16xf32>
    %add3A_2533 = arith.addf %add3A_2527, %get3A_2532 : vector<16xf32>
    %get3A_2534 = arith.constant 396 : i32
    %get3A_2535 = arith.index_cast %get3A_2534 : i32 to index
    %get3A_2536 = arith.constant 0 : index
    %get3A_2537 = tpu.vector_load %arg6[%get3A_2535, %get3A_2536] {strides = array<i32>} : memref<640x16xf32, #tpu.memory_space<vmem>>, vector<1x16xf32>,
    %get3A_2538 = vector.shape_cast %get3A_2537 : vector<1x16xf32> to vector<16xf32>
    %add3A_2539 = arith.addf %add3A_2533, %get3A_2538 : vector<16xf32>
    %get3A_2540 = arith.constant 397 : i32
    %get3A_2541 = arith.index_cast %get3A_2540 : i32 to index
    %get3A_2542 = arith.constant 0 : index
    %get3A_2543 = tpu.vector_load %arg6[%get3A_2541, %get3A_2542] {strides = array<i32>} : memref<640x16xf32, #tpu.memory_space<vmem>>, vector<1x16xf32>,
    %get3A_2544 = vector.shape_cast %get3A_2543 : vector<1x16xf32> to vector<16xf32>
    %add3A_2545 = arith.addf %add3A_2539, %get3A_2544 : vector<16xf32>
    %get3A_2546 = arith.constant 398 : i32
    %get3A_2547 = arith.index_cast %get3A_2546 : i32 to index
    %get3A_2548 = arith.constant 0 : index
    %get3A_2549 = tpu.vector_load %arg6[%get3A_2547, %get3A_2548] {strides = array<i32>} : memref<640x16xf32, #tpu.memory_space<vmem>>, vector<1x16xf32>,
    %get3A_2550 = vector.shape_cast %get3A_2549 : vector<1x16xf32> to vector<16xf32>
    %add3A_2551 = arith.addf %add3A_2545, %get3A_2550 : vector<16xf32>
    %get3A_2552 = arith.constant 399 : i32
    %get3A_2553 = arith.index_cast %get3A_2552 : i32 to index
    %get3A_2554 = arith.constant 0 : index
    %get3A_2555 = tpu.vector_load %arg6[%get3A_2553, %get3A_2554] {strides = array<i32>} : memref<640x16xf32, #tpu.memory_space<vmem>>, vector<1x16xf32>,
    %get3A_2556 = vector.shape_cast %get3A_2555 : vector<1x16xf32> to vector<16xf32>
    %add3A_2557 = arith.addf %add3A_2551, %get3A_2556 : vector<16xf32>
    %mul3A_2558 = arith.constant 5.000000e-02 : f32
    %mul3A_2559 = vector.broadcast %mul3A_2558 : f32 to vector<16xf32>
    %mul3A_2560 = arith.mulf %add3A_2557, %mul3A_2559 : vector<16xf32>
    %swap3A_2561 = arith.constant 19 : i32
    %swap3A_2562 = arith.index_cast %swap3A_2561 : i32 to index
    %swap3A_2563 = arith.constant 0 : index
    %swap3A_2564 = tpu.vector_load %arg7[%swap3A_2562, %swap3A_2563] {strides = array<i32>} : memref<32x16xf32, #tpu.memory_space<vmem>>, vector<1x16xf32>,
    %swap3A_2565 = vector.shape_cast %swap3A_2564 : vector<1x16xf32> to vector<16xf32>
    %swap3A_2566 = vector.shape_cast %mul3A_2560 : vector<16xf32> to vector<1x16xf32>
    tpu.vector_store %arg7[%swap3A_2562, %swap3A_2563], %swap3A_2566 {strides = array<i32>} : memref<32x16xf32, #tpu.memory_space<vmem>>, vector<1x16xf32>,
    %get3A_2567 = arith.constant 400 : i32
    %get3A_2568 = arith.index_cast %get3A_2567 : i32 to index
    %get3A_2569 = arith.constant 0 : index
    %get3A_2570 = tpu.vector_load %arg6[%get3A_2568, %get3A_2569] {strides = array<i32>} : memref<640x16xf32, #tpu.memory_space<vmem>>, vector<1x16xf32>,
    %get3A_2571 = vector.shape_cast %get3A_2570 : vector<1x16xf32> to vector<16xf32>
    %get3A_2572 = arith.constant 401 : i32
    %get3A_2573 = arith.index_cast %get3A_2572 : i32 to index
    %get3A_2574 = arith.constant 0 : index
    %get3A_2575 = tpu.vector_load %arg6[%get3A_2573, %get3A_2574] {strides = array<i32>} : memref<640x16xf32, #tpu.memory_space<vmem>>, vector<1x16xf32>,
    %get3A_2576 = vector.shape_cast %get3A_2575 : vector<1x16xf32> to vector<16xf32>
    %add3A_2577 = arith.addf %get3A_2571, %get3A_2576 : vector<16xf32>
    %get3A_2578 = arith.constant 402 : i32
    %get3A_2579 = arith.index_cast %get3A_2578 : i32 to index
    %get3A_2580 = arith.constant 0 : index
    %get3A_2581 = tpu.vector_load %arg6[%get3A_2579, %get3A_2580] {strides = array<i32>} : memref<640x16xf32, #tpu.memory_space<vmem>>, vector<1x16xf32>,
    %get3A_2582 = vector.shape_cast %get3A_2581 : vector<1x16xf32> to vector<16xf32>
    %add3A_2583 = arith.addf %add3A_2577, %get3A_2582 : vector<16xf32>
    %get3A_2584 = arith.constant 403 : i32
    %get3A_2585 = arith.index_cast %get3A_2584 : i32 to index
    %get3A_2586 = arith.constant 0 : index
    %get3A_2587 = tpu.vector_load %arg6[%get3A_2585, %get3A_2586] {strides = array<i32>} : memref<640x16xf32, #tpu.memory_space<vmem>>, vector<1x16xf32>,
    %get3A_2588 = vector.shape_cast %get3A_2587 : vector<1x16xf32> to vector<16xf32>
    %add3A_2589 = arith.addf %add3A_2583, %get3A_2588 : vector<16xf32>
    %get3A_2590 = arith.constant 404 : i32
    %get3A_2591 = arith.index_cast %get3A_2590 : i32 to index
    %get3A_2592 = arith.constant 0 : index
    %get3A_2593 = tpu.vector_load %arg6[%get3A_2591, %get3A_2592] {strides = array<i32>} : memref<640x16xf32, #tpu.memory_space<vmem>>, vector<1x16xf32>,
    %get3A_2594 = vector.shape_cast %get3A_2593 : vector<1x16xf32> to vector<16xf32>
    %add3A_2595 = arith.addf %add3A_2589, %get3A_2594 : vector<16xf32>
    %get3A_2596 = arith.constant 405 : i32
    %get3A_2597 = arith.index_cast %get3A_2596 : i32 to index
    %get3A_2598 = arith.constant 0 : index
    %get3A_2599 = tpu.vector_load %arg6[%get3A_2597, %get3A_2598] {strides = array<i32>} : memref<640x16xf32, #tpu.memory_space<vmem>>, vector<1x16xf32>,
    %get3A_2600 = vector.shape_cast %get3A_2599 : vector<1x16xf32> to vector<16xf32>
    %add3A_2601 = arith.addf %add3A_2595, %get3A_2600 : vector<16xf32>
    %get3A_2602 = arith.constant 406 : i32
    %get3A_2603 = arith.index_cast %get3A_2602 : i32 to index
    %get3A_2604 = arith.constant 0 : index
    %get3A_2605 = tpu.vector_load %arg6[%get3A_2603, %get3A_2604] {strides = array<i32>} : memref<640x16xf32, #tpu.memory_space<vmem>>, vector<1x16xf32>,
    %get3A_2606 = vector.shape_cast %get3A_2605 : vector<1x16xf32> to vector<16xf32>
    %add3A_2607 = arith.addf %add3A_2601, %get3A_2606 : vector<16xf32>
    %get3A_2608 = arith.constant 407 : i32
    %get3A_2609 = arith.index_cast %get3A_2608 : i32 to index
    %get3A_2610 = arith.constant 0 : index
    %get3A_2611 = tpu.vector_load %arg6[%get3A_2609, %get3A_2610] {strides = array<i32>} : memref<640x16xf32, #tpu.memory_space<vmem>>, vector<1x16xf32>,
    %get3A_2612 = vector.shape_cast %get3A_2611 : vector<1x16xf32> to vector<16xf32>
    %add3A_2613 = arith.addf %add3A_2607, %get3A_2612 : vector<16xf32>
    %get3A_2614 = arith.constant 408 : i32
    %get3A_2615 = arith.index_cast %get3A_2614 : i32 to index
    %get3A_2616 = arith.constant 0 : index
    %get3A_2617 = tpu.vector_load %arg6[%get3A_2615, %get3A_2616] {strides = array<i32>} : memref<640x16xf32, #tpu.memory_space<vmem>>, vector<1x16xf32>,
    %get3A_2618 = vector.shape_cast %get3A_2617 : vector<1x16xf32> to vector<16xf32>
    %add3A_2619 = arith.addf %add3A_2613, %get3A_2618 : vector<16xf32>
    %get3A_2620 = arith.constant 409 : i32
    %get3A_2621 = arith.index_cast %get3A_2620 : i32 to index
    %get3A_2622 = arith.constant 0 : index
    %get3A_2623 = tpu.vector_load %arg6[%get3A_2621, %get3A_2622] {strides = array<i32>} : memref<640x16xf32, #tpu.memory_space<vmem>>, vector<1x16xf32>,
    %get3A_2624 = vector.shape_cast %get3A_2623 : vector<1x16xf32> to vector<16xf32>
    %add3A_2625 = arith.addf %add3A_2619, %get3A_2624 : vector<16xf32>
    %get3A_2626 = arith.constant 410 : i32
    %get3A_2627 = arith.index_cast %get3A_2626 : i32 to index
    %get3A_2628 = arith.constant 0 : index
    %get3A_2629 = tpu.vector_load %arg6[%get3A_2627, %get3A_2628] {strides = array<i32>} : memref<640x16xf32, #tpu.memory_space<vmem>>, vector<1x16xf32>,
    %get3A_2630 = vector.shape_cast %get3A_2629 : vector<1x16xf32> to vector<16xf32>
    %add3A_2631 = arith.addf %add3A_2625, %get3A_2630 : vector<16xf32>
    %get3A_2632 = arith.constant 411 : i32
    %get3A_2633 = arith.index_cast %get3A_2632 : i32 to index
    %get3A_2634 = arith.constant 0 : index
    %get3A_2635 = tpu.vector_load %arg6[%get3A_2633, %get3A_2634] {strides = array<i32>} : memref<640x16xf32, #tpu.memory_space<vmem>>, vector<1x16xf32>,
    %get3A_2636 = vector.shape_cast %get3A_2635 : vector<1x16xf32> to vector<16xf32>
    %add3A_2637 = arith.addf %add3A_2631, %get3A_2636 : vector<16xf32>
    %get3A_2638 = arith.constant 412 : i32
    %get3A_2639 = arith.index_cast %get3A_2638 : i32 to index
    %get3A_2640 = arith.constant 0 : index
    %get3A_2641 = tpu.vector_load %arg6[%get3A_2639, %get3A_2640] {strides = array<i32>} : memref<640x16xf32, #tpu.memory_space<vmem>>, vector<1x16xf32>,
    %get3A_2642 = vector.shape_cast %get3A_2641 : vector<1x16xf32> to vector<16xf32>
    %add3A_2643 = arith.addf %add3A_2637, %get3A_2642 : vector<16xf32>
    %get3A_2644 = arith.constant 413 : i32
    %get3A_2645 = arith.index_cast %get3A_2644 : i32 to index
    %get3A_2646 = arith.constant 0 : index
    %get3A_2647 = tpu.vector_load %arg6[%get3A_2645, %get3A_2646] {strides = array<i32>} : memref<640x16xf32, #tpu.memory_space<vmem>>, vector<1x16xf32>,
    %get3A_2648 = vector.shape_cast %get3A_2647 : vector<1x16xf32> to vector<16xf32>
    %add3A_2649 = arith.addf %add3A_2643, %get3A_2648 : vector<16xf32>
    %get3A_2650 = arith.constant 414 : i32
    %get3A_2651 = arith.index_cast %get3A_2650 : i32 to index
    %get3A_2652 = arith.constant 0 : index
    %get3A_2653 = tpu.vector_load %arg6[%get3A_2651, %get3A_2652] {strides = array<i32>} : memref<640x16xf32, #tpu.memory_space<vmem>>, vector<1x16xf32>,
    %get3A_2654 = vector.shape_cast %get3A_2653 : vector<1x16xf32> to vector<16xf32>
    %add3A_2655 = arith.addf %add3A_2649, %get3A_2654 : vector<16xf32>
    %get3A_2656 = arith.constant 415 : i32
    %get3A_2657 = arith.index_cast %get3A_2656 : i32 to index
    %get3A_2658 = arith.constant 0 : index
    %get3A_2659 = tpu.vector_load %arg6[%get3A_2657, %get3A_2658] {strides = array<i32>} : memref<640x16xf32, #tpu.memory_space<vmem>>, vector<1x16xf32>,
    %get3A_2660 = vector.shape_cast %get3A_2659 : vector<1x16xf32> to vector<16xf32>
    %add3A_2661 = arith.addf %add3A_2655, %get3A_2660 : vector<16xf32>
    %get3A_2662 = arith.constant 416 : i32
    %get3A_2663 = arith.index_cast %get3A_2662 : i32 to index
    %get3A_2664 = arith.constant 0 : index
    %get3A_2665 = tpu.vector_load %arg6[%get3A_2663, %get3A_2664] {strides = array<i32>} : memref<640x16xf32, #tpu.memory_space<vmem>>, vector<1x16xf32>,
    %get3A_2666 = vector.shape_cast %get3A_2665 : vector<1x16xf32> to vector<16xf32>
    %add3A_2667 = arith.addf %add3A_2661, %get3A_2666 : vector<16xf32>
    %get3A_2668 = arith.constant 417 : i32
    %get3A_2669 = arith.index_cast %get3A_2668 : i32 to index
    %get3A_2670 = arith.constant 0 : index
    %get3A_2671 = tpu.vector_load %arg6[%get3A_2669, %get3A_2670] {strides = array<i32>} : memref<640x16xf32, #tpu.memory_space<vmem>>, vector<1x16xf32>,
    %get3A_2672 = vector.shape_cast %get3A_2671 : vector<1x16xf32> to vector<16xf32>
    %add3A_2673 = arith.addf %add3A_2667, %get3A_2672 : vector<16xf32>
    %get3A_2674 = arith.constant 418 : i32
    %get3A_2675 = arith.index_cast %get3A_2674 : i32 to index
    %get3A_2676 = arith.constant 0 : index
    %get3A_2677 = tpu.vector_load %arg6[%get3A_2675, %get3A_2676] {strides = array<i32>} : memref<640x16xf32, #tpu.memory_space<vmem>>, vector<1x16xf32>,
    %get3A_2678 = vector.shape_cast %get3A_2677 : vector<1x16xf32> to vector<16xf32>
    %add3A_2679 = arith.addf %add3A_2673, %get3A_2678 : vector<16xf32>
    %get3A_2680 = arith.constant 419 : i32
    %get3A_2681 = arith.index_cast %get3A_2680 : i32 to index
    %get3A_2682 = arith.constant 0 : index
    %get3A_2683 = tpu.vector_load %arg6[%get3A_2681, %get3A_2682] {strides = array<i32>} : memref<640x16xf32, #tpu.memory_space<vmem>>, vector<1x16xf32>,
    %get3A_2684 = vector.shape_cast %get3A_2683 : vector<1x16xf32> to vector<16xf32>
    %add3A_2685 = arith.addf %add3A_2679, %get3A_2684 : vector<16xf32>
    %mul3A_2686 = arith.constant 5.000000e-02 : f32
    %mul3A_2687 = vector.broadcast %mul3A_2686 : f32 to vector<16xf32>
    %mul3A_2688 = arith.mulf %add3A_2685, %mul3A_2687 : vector<16xf32>
    %swap3A_2689 = arith.constant 20 : i32
    %swap3A_2690 = arith.index_cast %swap3A_2689 : i32 to index
    %swap3A_2691 = arith.constant 0 : index
    %swap3A_2692 = tpu.vector_load %arg7[%swap3A_2690, %swap3A_2691] {strides = array<i32>} : memref<32x16xf32, #tpu.memory_space<vmem>>, vector<1x16xf32>,
    %swap3A_2693 = vector.shape_cast %swap3A_2692 : vector<1x16xf32> to vector<16xf32>
    %swap3A_2694 = vector.shape_cast %mul3A_2688 : vector<16xf32> to vector<1x16xf32>
    tpu.vector_store %arg7[%swap3A_2690, %swap3A_2691], %swap3A_2694 {strides = array<i32>} : memref<32x16xf32, #tpu.memory_space<vmem>>, vector<1x16xf32>,
    %get3A_2695 = arith.constant 420 : i32
    %get3A_2696 = arith.index_cast %get3A_2695 : i32 to index
    %get3A_2697 = arith.constant 0 : index
    %get3A_2698 = tpu.vector_load %arg6[%get3A_2696, %get3A_2697] {strides = array<i32>} : memref<640x16xf32, #tpu.memory_space<vmem>>, vector<1x16xf32>,
    %get3A_2699 = vector.shape_cast %get3A_2698 : vector<1x16xf32> to vector<16xf32>
    %get3A_2700 = arith.constant 421 : i32
    %get3A_2701 = arith.index_cast %get3A_2700 : i32 to index
    %get3A_2702 = arith.constant 0 : index
    %get3A_2703 = tpu.vector_load %arg6[%get3A_2701, %get3A_2702] {strides = array<i32>} : memref<640x16xf32, #tpu.memory_space<vmem>>, vector<1x16xf32>,
    %get3A_2704 = vector.shape_cast %get3A_2703 : vector<1x16xf32> to vector<16xf32>
    %add3A_2705 = arith.addf %get3A_2699, %get3A_2704 : vector<16xf32>
    %get3A_2706 = arith.constant 422 : i32
    %get3A_2707 = arith.index_cast %get3A_2706 : i32 to index
    %get3A_2708 = arith.constant 0 : index
    %get3A_2709 = tpu.vector_load %arg6[%get3A_2707, %get3A_2708] {strides = array<i32>} : memref<640x16xf32, #tpu.memory_space<vmem>>, vector<1x16xf32>,
    %get3A_2710 = vector.shape_cast %get3A_2709 : vector<1x16xf32> to vector<16xf32>
    %add3A_2711 = arith.addf %add3A_2705, %get3A_2710 : vector<16xf32>
    %get3A_2712 = arith.constant 423 : i32
    %get3A_2713 = arith.index_cast %get3A_2712 : i32 to index
    %get3A_2714 = arith.constant 0 : index
    %get3A_2715 = tpu.vector_load %arg6[%get3A_2713, %get3A_2714] {strides = array<i32>} : memref<640x16xf32, #tpu.memory_space<vmem>>, vector<1x16xf32>,
    %get3A_2716 = vector.shape_cast %get3A_2715 : vector<1x16xf32> to vector<16xf32>
    %add3A_2717 = arith.addf %add3A_2711, %get3A_2716 : vector<16xf32>
    %get3A_2718 = arith.constant 424 : i32
    %get3A_2719 = arith.index_cast %get3A_2718 : i32 to index
    %get3A_2720 = arith.constant 0 : index
    %get3A_2721 = tpu.vector_load %arg6[%get3A_2719, %get3A_2720] {strides = array<i32>} : memref<640x16xf32, #tpu.memory_space<vmem>>, vector<1x16xf32>,
    %get3A_2722 = vector.shape_cast %get3A_2721 : vector<1x16xf32> to vector<16xf32>
    %add3A_2723 = arith.addf %add3A_2717, %get3A_2722 : vector<16xf32>
    %get3A_2724 = arith.constant 425 : i32
    %get3A_2725 = arith.index_cast %get3A_2724 : i32 to index
    %get3A_2726 = arith.constant 0 : index
    %get3A_2727 = tpu.vector_load %arg6[%get3A_2725, %get3A_2726] {strides = array<i32>} : memref<640x16xf32, #tpu.memory_space<vmem>>, vector<1x16xf32>,
    %get3A_2728 = vector.shape_cast %get3A_2727 : vector<1x16xf32> to vector<16xf32>
    %add3A_2729 = arith.addf %add3A_2723, %get3A_2728 : vector<16xf32>
    %get3A_2730 = arith.constant 426 : i32
    %get3A_2731 = arith.index_cast %get3A_2730 : i32 to index
    %get3A_2732 = arith.constant 0 : index
    %get3A_2733 = tpu.vector_load %arg6[%get3A_2731, %get3A_2732] {strides = array<i32>} : memref<640x16xf32, #tpu.memory_space<vmem>>, vector<1x16xf32>,
    %get3A_2734 = vector.shape_cast %get3A_2733 : vector<1x16xf32> to vector<16xf32>
    %add3A_2735 = arith.addf %add3A_2729, %get3A_2734 : vector<16xf32>
    %get3A_2736 = arith.constant 427 : i32
    %get3A_2737 = arith.index_cast %get3A_2736 : i32 to index
    %get3A_2738 = arith.constant 0 : index
    %get3A_2739 = tpu.vector_load %arg6[%get3A_2737, %get3A_2738] {strides = array<i32>} : memref<640x16xf32, #tpu.memory_space<vmem>>, vector<1x16xf32>,
    %get3A_2740 = vector.shape_cast %get3A_2739 : vector<1x16xf32> to vector<16xf32>
    %add3A_2741 = arith.addf %add3A_2735, %get3A_2740 : vector<16xf32>
    %get3A_2742 = arith.constant 428 : i32
    %get3A_2743 = arith.index_cast %get3A_2742 : i32 to index
    %get3A_2744 = arith.constant 0 : index
    %get3A_2745 = tpu.vector_load %arg6[%get3A_2743, %get3A_2744] {strides = array<i32>} : memref<640x16xf32, #tpu.memory_space<vmem>>, vector<1x16xf32>,
    %get3A_2746 = vector.shape_cast %get3A_2745 : vector<1x16xf32> to vector<16xf32>
    %add3A_2747 = arith.addf %add3A_2741, %get3A_2746 : vector<16xf32>
    %get3A_2748 = arith.constant 429 : i32
    %get3A_2749 = arith.index_cast %get3A_2748 : i32 to index
    %get3A_2750 = arith.constant 0 : index
    %get3A_2751 = tpu.vector_load %arg6[%get3A_2749, %get3A_2750] {strides = array<i32>} : memref<640x16xf32, #tpu.memory_space<vmem>>, vector<1x16xf32>,
    %get3A_2752 = vector.shape_cast %get3A_2751 : vector<1x16xf32> to vector<16xf32>
    %add3A_2753 = arith.addf %add3A_2747, %get3A_2752 : vector<16xf32>
    %get3A_2754 = arith.constant 430 : i32
    %get3A_2755 = arith.index_cast %get3A_2754 : i32 to index
    %get3A_2756 = arith.constant 0 : index
    %get3A_2757 = tpu.vector_load %arg6[%get3A_2755, %get3A_2756] {strides = array<i32>} : memref<640x16xf32, #tpu.memory_space<vmem>>, vector<1x16xf32>,
    %get3A_2758 = vector.shape_cast %get3A_2757 : vector<1x16xf32> to vector<16xf32>
    %add3A_2759 = arith.addf %add3A_2753, %get3A_2758 : vector<16xf32>
    %get3A_2760 = arith.constant 431 : i32
    %get3A_2761 = arith.index_cast %get3A_2760 : i32 to index
    %get3A_2762 = arith.constant 0 : index
    %get3A_2763 = tpu.vector_load %arg6[%get3A_2761, %get3A_2762] {strides = array<i32>} : memref<640x16xf32, #tpu.memory_space<vmem>>, vector<1x16xf32>,
    %get3A_2764 = vector.shape_cast %get3A_2763 : vector<1x16xf32> to vector<16xf32>
    %add3A_2765 = arith.addf %add3A_2759, %get3A_2764 : vector<16xf32>
    %get3A_2766 = arith.constant 432 : i32
    %get3A_2767 = arith.index_cast %get3A_2766 : i32 to index
    %get3A_2768 = arith.constant 0 : index
    %get3A_2769 = tpu.vector_load %arg6[%get3A_2767, %get3A_2768] {strides = array<i32>} : memref<640x16xf32, #tpu.memory_space<vmem>>, vector<1x16xf32>,
    %get3A_2770 = vector.shape_cast %get3A_2769 : vector<1x16xf32> to vector<16xf32>
    %add3A_2771 = arith.addf %add3A_2765, %get3A_2770 : vector<16xf32>
    %get3A_2772 = arith.constant 433 : i32
    %get3A_2773 = arith.index_cast %get3A_2772 : i32 to index
    %get3A_2774 = arith.constant 0 : index
    %get3A_2775 = tpu.vector_load %arg6[%get3A_2773, %get3A_2774] {strides = array<i32>} : memref<640x16xf32, #tpu.memory_space<vmem>>, vector<1x16xf32>,
    %get3A_2776 = vector.shape_cast %get3A_2775 : vector<1x16xf32> to vector<16xf32>
    %add3A_2777 = arith.addf %add3A_2771, %get3A_2776 : vector<16xf32>
    %get3A_2778 = arith.constant 434 : i32
    %get3A_2779 = arith.index_cast %get3A_2778 : i32 to index
    %get3A_2780 = arith.constant 0 : index
    %get3A_2781 = tpu.vector_load %arg6[%get3A_2779, %get3A_2780] {strides = array<i32>} : memref<640x16xf32, #tpu.memory_space<vmem>>, vector<1x16xf32>,
    %get3A_2782 = vector.shape_cast %get3A_2781 : vector<1x16xf32> to vector<16xf32>
    %add3A_2783 = arith.addf %add3A_2777, %get3A_2782 : vector<16xf32>
    %get3A_2784 = arith.constant 435 : i32
    %get3A_2785 = arith.index_cast %get3A_2784 : i32 to index
    %get3A_2786 = arith.constant 0 : index
    %get3A_2787 = tpu.vector_load %arg6[%get3A_2785, %get3A_2786] {strides = array<i32>} : memref<640x16xf32, #tpu.memory_space<vmem>>, vector<1x16xf32>,
    %get3A_2788 = vector.shape_cast %get3A_2787 : vector<1x16xf32> to vector<16xf32>
    %add3A_2789 = arith.addf %add3A_2783, %get3A_2788 : vector<16xf32>
    %get3A_2790 = arith.constant 436 : i32
    %get3A_2791 = arith.index_cast %get3A_2790 : i32 to index
    %get3A_2792 = arith.constant 0 : index
    %get3A_2793 = tpu.vector_load %arg6[%get3A_2791, %get3A_2792] {strides = array<i32>} : memref<640x16xf32, #tpu.memory_space<vmem>>, vector<1x16xf32>,
    %get3A_2794 = vector.shape_cast %get3A_2793 : vector<1x16xf32> to vector<16xf32>
    %add3A_2795 = arith.addf %add3A_2789, %get3A_2794 : vector<16xf32>
    %get3A_2796 = arith.constant 437 : i32
    %get3A_2797 = arith.index_cast %get3A_2796 : i32 to index
    %get3A_2798 = arith.constant 0 : index
    %get3A_2799 = tpu.vector_load %arg6[%get3A_2797, %get3A_2798] {strides = array<i32>} : memref<640x16xf32, #tpu.memory_space<vmem>>, vector<1x16xf32>,
    %get3A_2800 = vector.shape_cast %get3A_2799 : vector<1x16xf32> to vector<16xf32>
    %add3A_2801 = arith.addf %add3A_2795, %get3A_2800 : vector<16xf32>
    %get3A_2802 = arith.constant 438 : i32
    %get3A_2803 = arith.index_cast %get3A_2802 : i32 to index
    %get3A_2804 = arith.constant 0 : index
    %get3A_2805 = tpu.vector_load %arg6[%get3A_2803, %get3A_2804] {strides = array<i32>} : memref<640x16xf32, #tpu.memory_space<vmem>>, vector<1x16xf32>,
    %get3A_2806 = vector.shape_cast %get3A_2805 : vector<1x16xf32> to vector<16xf32>
    %add3A_2807 = arith.addf %add3A_2801, %get3A_2806 : vector<16xf32>
    %get3A_2808 = arith.constant 439 : i32
    %get3A_2809 = arith.index_cast %get3A_2808 : i32 to index
    %get3A_2810 = arith.constant 0 : index
    %get3A_2811 = tpu.vector_load %arg6[%get3A_2809, %get3A_2810] {strides = array<i32>} : memref<640x16xf32, #tpu.memory_space<vmem>>, vector<1x16xf32>,
    %get3A_2812 = vector.shape_cast %get3A_2811 : vector<1x16xf32> to vector<16xf32>
    %add3A_2813 = arith.addf %add3A_2807, %get3A_2812 : vector<16xf32>
    %mul3A_2814 = arith.constant 5.000000e-02 : f32
    %mul3A_2815 = vector.broadcast %mul3A_2814 : f32 to vector<16xf32>
    %mul3A_2816 = arith.mulf %add3A_2813, %mul3A_2815 : vector<16xf32>
    %swap3A_2817 = arith.constant 21 : i32
    %swap3A_2818 = arith.index_cast %swap3A_2817 : i32 to index
    %swap3A_2819 = arith.constant 0 : index
    %swap3A_2820 = tpu.vector_load %arg7[%swap3A_2818, %swap3A_2819] {strides = array<i32>} : memref<32x16xf32, #tpu.memory_space<vmem>>, vector<1x16xf32>,
    %swap3A_2821 = vector.shape_cast %swap3A_2820 : vector<1x16xf32> to vector<16xf32>
    %swap3A_2822 = vector.shape_cast %mul3A_2816 : vector<16xf32> to vector<1x16xf32>
    tpu.vector_store %arg7[%swap3A_2818, %swap3A_2819], %swap3A_2822 {strides = array<i32>} : memref<32x16xf32, #tpu.memory_space<vmem>>, vector<1x16xf32>,
    %get3A_2823 = arith.constant 440 : i32
    %get3A_2824 = arith.index_cast %get3A_2823 : i32 to index
    %get3A_2825 = arith.constant 0 : index
    %get3A_2826 = tpu.vector_load %arg6[%get3A_2824, %get3A_2825] {strides = array<i32>} : memref<640x16xf32, #tpu.memory_space<vmem>>, vector<1x16xf32>,
    %get3A_2827 = vector.shape_cast %get3A_2826 : vector<1x16xf32> to vector<16xf32>
    %get3A_2828 = arith.constant 441 : i32
    %get3A_2829 = arith.index_cast %get3A_2828 : i32 to index
    %get3A_2830 = arith.constant 0 : index
    %get3A_2831 = tpu.vector_load %arg6[%get3A_2829, %get3A_2830] {strides = array<i32>} : memref<640x16xf32, #tpu.memory_space<vmem>>, vector<1x16xf32>,
    %get3A_2832 = vector.shape_cast %get3A_2831 : vector<1x16xf32> to vector<16xf32>
    %add3A_2833 = arith.addf %get3A_2827, %get3A_2832 : vector<16xf32>
    %get3A_2834 = arith.constant 442 : i32
    %get3A_2835 = arith.index_cast %get3A_2834 : i32 to index
    %get3A_2836 = arith.constant 0 : index
    %get3A_2837 = tpu.vector_load %arg6[%get3A_2835, %get3A_2836] {strides = array<i32>} : memref<640x16xf32, #tpu.memory_space<vmem>>, vector<1x16xf32>,
    %get3A_2838 = vector.shape_cast %get3A_2837 : vector<1x16xf32> to vector<16xf32>
    %add3A_2839 = arith.addf %add3A_2833, %get3A_2838 : vector<16xf32>
    %get3A_2840 = arith.constant 443 : i32
    %get3A_2841 = arith.index_cast %get3A_2840 : i32 to index
    %get3A_2842 = arith.constant 0 : index
    %get3A_2843 = tpu.vector_load %arg6[%get3A_2841, %get3A_2842] {strides = array<i32>} : memref<640x16xf32, #tpu.memory_space<vmem>>, vector<1x16xf32>,
    %get3A_2844 = vector.shape_cast %get3A_2843 : vector<1x16xf32> to vector<16xf32>
    %add3A_2845 = arith.addf %add3A_2839, %get3A_2844 : vector<16xf32>
    %get3A_2846 = arith.constant 444 : i32
    %get3A_2847 = arith.index_cast %get3A_2846 : i32 to index
    %get3A_2848 = arith.constant 0 : index
    %get3A_2849 = tpu.vector_load %arg6[%get3A_2847, %get3A_2848] {strides = array<i32>} : memref<640x16xf32, #tpu.memory_space<vmem>>, vector<1x16xf32>,
    %get3A_2850 = vector.shape_cast %get3A_2849 : vector<1x16xf32> to vector<16xf32>
    %add3A_2851 = arith.addf %add3A_2845, %get3A_2850 : vector<16xf32>
    %get3A_2852 = arith.constant 445 : i32
    %get3A_2853 = arith.index_cast %get3A_2852 : i32 to index
    %get3A_2854 = arith.constant 0 : index
    %get3A_2855 = tpu.vector_load %arg6[%get3A_2853, %get3A_2854] {strides = array<i32>} : memref<640x16xf32, #tpu.memory_space<vmem>>, vector<1x16xf32>,
    %get3A_2856 = vector.shape_cast %get3A_2855 : vector<1x16xf32> to vector<16xf32>
    %add3A_2857 = arith.addf %add3A_2851, %get3A_2856 : vector<16xf32>
    %get3A_2858 = arith.constant 446 : i32
    %get3A_2859 = arith.index_cast %get3A_2858 : i32 to index
    %get3A_2860 = arith.constant 0 : index
    %get3A_2861 = tpu.vector_load %arg6[%get3A_2859, %get3A_2860] {strides = array<i32>} : memref<640x16xf32, #tpu.memory_space<vmem>>, vector<1x16xf32>,
    %get3A_2862 = vector.shape_cast %get3A_2861 : vector<1x16xf32> to vector<16xf32>
    %add3A_2863 = arith.addf %add3A_2857, %get3A_2862 : vector<16xf32>
    %get3A_2864 = arith.constant 447 : i32
    %get3A_2865 = arith.index_cast %get3A_2864 : i32 to index
    %get3A_2866 = arith.constant 0 : index
    %get3A_2867 = tpu.vector_load %arg6[%get3A_2865, %get3A_2866] {strides = array<i32>} : memref<640x16xf32, #tpu.memory_space<vmem>>, vector<1x16xf32>,
    %get3A_2868 = vector.shape_cast %get3A_2867 : vector<1x16xf32> to vector<16xf32>
    %add3A_2869 = arith.addf %add3A_2863, %get3A_2868 : vector<16xf32>
    %get3A_2870 = arith.constant 448 : i32
    %get3A_2871 = arith.index_cast %get3A_2870 : i32 to index
    %get3A_2872 = arith.constant 0 : index
    %get3A_2873 = tpu.vector_load %arg6[%get3A_2871, %get3A_2872] {strides = array<i32>} : memref<640x16xf32, #tpu.memory_space<vmem>>, vector<1x16xf32>,
    %get3A_2874 = vector.shape_cast %get3A_2873 : vector<1x16xf32> to vector<16xf32>
    %add3A_2875 = arith.addf %add3A_2869, %get3A_2874 : vector<16xf32>
    %get3A_2876 = arith.constant 449 : i32
    %get3A_2877 = arith.index_cast %get3A_2876 : i32 to index
    %get3A_2878 = arith.constant 0 : index
    %get3A_2879 = tpu.vector_load %arg6[%get3A_2877, %get3A_2878] {strides = array<i32>} : memref<640x16xf32, #tpu.memory_space<vmem>>, vector<1x16xf32>,
    %get3A_2880 = vector.shape_cast %get3A_2879 : vector<1x16xf32> to vector<16xf32>
    %add3A_2881 = arith.addf %add3A_2875, %get3A_2880 : vector<16xf32>
    %get3A_2882 = arith.constant 450 : i32
    %get3A_2883 = arith.index_cast %get3A_2882 : i32 to index
    %get3A_2884 = arith.constant 0 : index
    %get3A_2885 = tpu.vector_load %arg6[%get3A_2883, %get3A_2884] {strides = array<i32>} : memref<640x16xf32, #tpu.memory_space<vmem>>, vector<1x16xf32>,
    %get3A_2886 = vector.shape_cast %get3A_2885 : vector<1x16xf32> to vector<16xf32>
    %add3A_2887 = arith.addf %add3A_2881, %get3A_2886 : vector<16xf32>
    %get3A_2888 = arith.constant 451 : i32
    %get3A_2889 = arith.index_cast %get3A_2888 : i32 to index
    %get3A_2890 = arith.constant 0 : index
    %get3A_2891 = tpu.vector_load %arg6[%get3A_2889, %get3A_2890] {strides = array<i32>} : memref<640x16xf32, #tpu.memory_space<vmem>>, vector<1x16xf32>,
    %get3A_2892 = vector.shape_cast %get3A_2891 : vector<1x16xf32> to vector<16xf32>
    %add3A_2893 = arith.addf %add3A_2887, %get3A_2892 : vector<16xf32>
    %get3A_2894 = arith.constant 452 : i32
    %get3A_2895 = arith.index_cast %get3A_2894 : i32 to index
    %get3A_2896 = arith.constant 0 : index
    %get3A_2897 = tpu.vector_load %arg6[%get3A_2895, %get3A_2896] {strides = array<i32>} : memref<640x16xf32, #tpu.memory_space<vmem>>, vector<1x16xf32>,
    %get3A_2898 = vector.shape_cast %get3A_2897 : vector<1x16xf32> to vector<16xf32>
    %add3A_2899 = arith.addf %add3A_2893, %get3A_2898 : vector<16xf32>
    %get3A_2900 = arith.constant 453 : i32
    %get3A_2901 = arith.index_cast %get3A_2900 : i32 to index
    %get3A_2902 = arith.constant 0 : index
    %get3A_2903 = tpu.vector_load %arg6[%get3A_2901, %get3A_2902] {strides = array<i32>} : memref<640x16xf32, #tpu.memory_space<vmem>>, vector<1x16xf32>,
    %get3A_2904 = vector.shape_cast %get3A_2903 : vector<1x16xf32> to vector<16xf32>
    %add3A_2905 = arith.addf %add3A_2899, %get3A_2904 : vector<16xf32>
    %get3A_2906 = arith.constant 454 : i32
    %get3A_2907 = arith.index_cast %get3A_2906 : i32 to index
    %get3A_2908 = arith.constant 0 : index
    %get3A_2909 = tpu.vector_load %arg6[%get3A_2907, %get3A_2908] {strides = array<i32>} : memref<640x16xf32, #tpu.memory_space<vmem>>, vector<1x16xf32>,
    %get3A_2910 = vector.shape_cast %get3A_2909 : vector<1x16xf32> to vector<16xf32>
    %add3A_2911 = arith.addf %add3A_2905, %get3A_2910 : vector<16xf32>
    %get3A_2912 = arith.constant 455 : i32
    %get3A_2913 = arith.index_cast %get3A_2912 : i32 to index
    %get3A_2914 = arith.constant 0 : index
    %get3A_2915 = tpu.vector_load %arg6[%get3A_2913, %get3A_2914] {strides = array<i32>} : memref<640x16xf32, #tpu.memory_space<vmem>>, vector<1x16xf32>,
    %get3A_2916 = vector.shape_cast %get3A_2915 : vector<1x16xf32> to vector<16xf32>
    %add3A_2917 = arith.addf %add3A_2911, %get3A_2916 : vector<16xf32>
    %get3A_2918 = arith.constant 456 : i32
    %get3A_2919 = arith.index_cast %get3A_2918 : i32 to index
    %get3A_2920 = arith.constant 0 : index
    %get3A_2921 = tpu.vector_load %arg6[%get3A_2919, %get3A_2920] {strides = array<i32>} : memref<640x16xf32, #tpu.memory_space<vmem>>, vector<1x16xf32>,
    %get3A_2922 = vector.shape_cast %get3A_2921 : vector<1x16xf32> to vector<16xf32>
    %add3A_2923 = arith.addf %add3A_2917, %get3A_2922 : vector<16xf32>
    %get3A_2924 = arith.constant 457 : i32
    %get3A_2925 = arith.index_cast %get3A_2924 : i32 to index
    %get3A_2926 = arith.constant 0 : index
    %get3A_2927 = tpu.vector_load %arg6[%get3A_2925, %get3A_2926] {strides = array<i32>} : memref<640x16xf32, #tpu.memory_space<vmem>>, vector<1x16xf32>,
    %get3A_2928 = vector.shape_cast %get3A_2927 : vector<1x16xf32> to vector<16xf32>
    %add3A_2929 = arith.addf %add3A_2923, %get3A_2928 : vector<16xf32>
    %get3A_2930 = arith.constant 458 : i32
    %get3A_2931 = arith.index_cast %get3A_2930 : i32 to index
    %get3A_2932 = arith.constant 0 : index
    %get3A_2933 = tpu.vector_load %arg6[%get3A_2931, %get3A_2932] {strides = array<i32>} : memref<640x16xf32, #tpu.memory_space<vmem>>, vector<1x16xf32>,
    %get3A_2934 = vector.shape_cast %get3A_2933 : vector<1x16xf32> to vector<16xf32>
    %add3A_2935 = arith.addf %add3A_2929, %get3A_2934 : vector<16xf32>
    %get3A_2936 = arith.constant 459 : i32
    %get3A_2937 = arith.index_cast %get3A_2936 : i32 to index
    %get3A_2938 = arith.constant 0 : index
    %get3A_2939 = tpu.vector_load %arg6[%get3A_2937, %get3A_2938] {strides = array<i32>} : memref<640x16xf32, #tpu.memory_space<vmem>>, vector<1x16xf32>,
    %get3A_2940 = vector.shape_cast %get3A_2939 : vector<1x16xf32> to vector<16xf32>
    %add3A_2941 = arith.addf %add3A_2935, %get3A_2940 : vector<16xf32>
    %mul3A_2942 = arith.constant 5.000000e-02 : f32
    %mul3A_2943 = vector.broadcast %mul3A_2942 : f32 to vector<16xf32>
    %mul3A_2944 = arith.mulf %add3A_2941, %mul3A_2943 : vector<16xf32>
    %swap3A_2945 = arith.constant 22 : i32
    %swap3A_2946 = arith.index_cast %swap3A_2945 : i32 to index
    %swap3A_2947 = arith.constant 0 : index
    %swap3A_2948 = tpu.vector_load %arg7[%swap3A_2946, %swap3A_2947] {strides = array<i32>} : memref<32x16xf32, #tpu.memory_space<vmem>>, vector<1x16xf32>,
    %swap3A_2949 = vector.shape_cast %swap3A_2948 : vector<1x16xf32> to vector<16xf32>
    %swap3A_2950 = vector.shape_cast %mul3A_2944 : vector<16xf32> to vector<1x16xf32>
    tpu.vector_store %arg7[%swap3A_2946, %swap3A_2947], %swap3A_2950 {strides = array<i32>} : memref<32x16xf32, #tpu.memory_space<vmem>>, vector<1x16xf32>,
    %get3A_2951 = arith.constant 460 : i32
    %get3A_2952 = arith.index_cast %get3A_2951 : i32 to index
    %get3A_2953 = arith.constant 0 : index
    %get3A_2954 = tpu.vector_load %arg6[%get3A_2952, %get3A_2953] {strides = array<i32>} : memref<640x16xf32, #tpu.memory_space<vmem>>, vector<1x16xf32>,
    %get3A_2955 = vector.shape_cast %get3A_2954 : vector<1x16xf32> to vector<16xf32>
    %get3A_2956 = arith.constant 461 : i32
    %get3A_2957 = arith.index_cast %get3A_2956 : i32 to index
    %get3A_2958 = arith.constant 0 : index
    %get3A_2959 = tpu.vector_load %arg6[%get3A_2957, %get3A_2958] {strides = array<i32>} : memref<640x16xf32, #tpu.memory_space<vmem>>, vector<1x16xf32>,
    %get3A_2960 = vector.shape_cast %get3A_2959 : vector<1x16xf32> to vector<16xf32>
    %add3A_2961 = arith.addf %get3A_2955, %get3A_2960 : vector<16xf32>
    %get3A_2962 = arith.constant 462 : i32
    %get3A_2963 = arith.index_cast %get3A_2962 : i32 to index
    %get3A_2964 = arith.constant 0 : index
    %get3A_2965 = tpu.vector_load %arg6[%get3A_2963, %get3A_2964] {strides = array<i32>} : memref<640x16xf32, #tpu.memory_space<vmem>>, vector<1x16xf32>,
    %get3A_2966 = vector.shape_cast %get3A_2965 : vector<1x16xf32> to vector<16xf32>
    %add3A_2967 = arith.addf %add3A_2961, %get3A_2966 : vector<16xf32>
    %get3A_2968 = arith.constant 463 : i32
    %get3A_2969 = arith.index_cast %get3A_2968 : i32 to index
    %get3A_2970 = arith.constant 0 : index
    %get3A_2971 = tpu.vector_load %arg6[%get3A_2969, %get3A_2970] {strides = array<i32>} : memref<640x16xf32, #tpu.memory_space<vmem>>, vector<1x16xf32>,
    %get3A_2972 = vector.shape_cast %get3A_2971 : vector<1x16xf32> to vector<16xf32>
    %add3A_2973 = arith.addf %add3A_2967, %get3A_2972 : vector<16xf32>
    %get3A_2974 = arith.constant 464 : i32
    %get3A_2975 = arith.index_cast %get3A_2974 : i32 to index
    %get3A_2976 = arith.constant 0 : index
    %get3A_2977 = tpu.vector_load %arg6[%get3A_2975, %get3A_2976] {strides = array<i32>} : memref<640x16xf32, #tpu.memory_space<vmem>>, vector<1x16xf32>,
    %get3A_2978 = vector.shape_cast %get3A_2977 : vector<1x16xf32> to vector<16xf32>
    %add3A_2979 = arith.addf %add3A_2973, %get3A_2978 : vector<16xf32>
    %get3A_2980 = arith.constant 465 : i32
    %get3A_2981 = arith.index_cast %get3A_2980 : i32 to index
    %get3A_2982 = arith.constant 0 : index
    %get3A_2983 = tpu.vector_load %arg6[%get3A_2981, %get3A_2982] {strides = array<i32>} : memref<640x16xf32, #tpu.memory_space<vmem>>, vector<1x16xf32>,
    %get3A_2984 = vector.shape_cast %get3A_2983 : vector<1x16xf32> to vector<16xf32>
    %add3A_2985 = arith.addf %add3A_2979, %get3A_2984 : vector<16xf32>
    %get3A_2986 = arith.constant 466 : i32
    %get3A_2987 = arith.index_cast %get3A_2986 : i32 to index
    %get3A_2988 = arith.constant 0 : index
    %get3A_2989 = tpu.vector_load %arg6[%get3A_2987, %get3A_2988] {strides = array<i32>} : memref<640x16xf32, #tpu.memory_space<vmem>>, vector<1x16xf32>,
    %get3A_2990 = vector.shape_cast %get3A_2989 : vector<1x16xf32> to vector<16xf32>
    %add3A_2991 = arith.addf %add3A_2985, %get3A_2990 : vector<16xf32>
    %get3A_2992 = arith.constant 467 : i32
    %get3A_2993 = arith.index_cast %get3A_2992 : i32 to index
    %get3A_2994 = arith.constant 0 : index
    %get3A_2995 = tpu.vector_load %arg6[%get3A_2993, %get3A_2994] {strides = array<i32>} : memref<640x16xf32, #tpu.memory_space<vmem>>, vector<1x16xf32>,
    %get3A_2996 = vector.shape_cast %get3A_2995 : vector<1x16xf32> to vector<16xf32>
    %add3A_2997 = arith.addf %add3A_2991, %get3A_2996 : vector<16xf32>
    %get3A_2998 = arith.constant 468 : i32
    %get3A_2999 = arith.index_cast %get3A_2998 : i32 to index
    %get3A_3000 = arith.constant 0 : index
    %get3A_3001 = tpu.vector_load %arg6[%get3A_2999, %get3A_3000] {strides = array<i32>} : memref<640x16xf32, #tpu.memory_space<vmem>>, vector<1x16xf32>,
    %get3A_3002 = vector.shape_cast %get3A_3001 : vector<1x16xf32> to vector<16xf32>
    %add3A_3003 = arith.addf %add3A_2997, %get3A_3002 : vector<16xf32>
    %get3A_3004 = arith.constant 469 : i32
    %get3A_3005 = arith.index_cast %get3A_3004 : i32 to index
    %get3A_3006 = arith.constant 0 : index
    %get3A_3007 = tpu.vector_load %arg6[%get3A_3005, %get3A_3006] {strides = array<i32>} : memref<640x16xf32, #tpu.memory_space<vmem>>, vector<1x16xf32>,
    %get3A_3008 = vector.shape_cast %get3A_3007 : vector<1x16xf32> to vector<16xf32>
    %add3A_3009 = arith.addf %add3A_3003, %get3A_3008 : vector<16xf32>
    %get3A_3010 = arith.constant 470 : i32
    %get3A_3011 = arith.index_cast %get3A_3010 : i32 to index
    %get3A_3012 = arith.constant 0 : index
    %get3A_3013 = tpu.vector_load %arg6[%get3A_3011, %get3A_3012] {strides = array<i32>} : memref<640x16xf32, #tpu.memory_space<vmem>>, vector<1x16xf32>,
    %get3A_3014 = vector.shape_cast %get3A_3013 : vector<1x16xf32> to vector<16xf32>
    %add3A_3015 = arith.addf %add3A_3009, %get3A_3014 : vector<16xf32>
    %get3A_3016 = arith.constant 471 : i32
    %get3A_3017 = arith.index_cast %get3A_3016 : i32 to index
    %get3A_3018 = arith.constant 0 : index
    %get3A_3019 = tpu.vector_load %arg6[%get3A_3017, %get3A_3018] {strides = array<i32>} : memref<640x16xf32, #tpu.memory_space<vmem>>, vector<1x16xf32>,
    %get3A_3020 = vector.shape_cast %get3A_3019 : vector<1x16xf32> to vector<16xf32>
    %add3A_3021 = arith.addf %add3A_3015, %get3A_3020 : vector<16xf32>
    %get3A_3022 = arith.constant 472 : i32
    %get3A_3023 = arith.index_cast %get3A_3022 : i32 to index
    %get3A_3024 = arith.constant 0 : index
    %get3A_3025 = tpu.vector_load %arg6[%get3A_3023, %get3A_3024] {strides = array<i32>} : memref<640x16xf32, #tpu.memory_space<vmem>>, vector<1x16xf32>,
    %get3A_3026 = vector.shape_cast %get3A_3025 : vector<1x16xf32> to vector<16xf32>
    %add3A_3027 = arith.addf %add3A_3021, %get3A_3026 : vector<16xf32>
    %get3A_3028 = arith.constant 473 : i32
    %get3A_3029 = arith.index_cast %get3A_3028 : i32 to index
    %get3A_3030 = arith.constant 0 : index
    %get3A_3031 = tpu.vector_load %arg6[%get3A_3029, %get3A_3030] {strides = array<i32>} : memref<640x16xf32, #tpu.memory_space<vmem>>, vector<1x16xf32>,
    %get3A_3032 = vector.shape_cast %get3A_3031 : vector<1x16xf32> to vector<16xf32>
    %add3A_3033 = arith.addf %add3A_3027, %get3A_3032 : vector<16xf32>
    %get3A_3034 = arith.constant 474 : i32
    %get3A_3035 = arith.index_cast %get3A_3034 : i32 to index
    %get3A_3036 = arith.constant 0 : index
    %get3A_3037 = tpu.vector_load %arg6[%get3A_3035, %get3A_3036] {strides = array<i32>} : memref<640x16xf32, #tpu.memory_space<vmem>>, vector<1x16xf32>,
    %get3A_3038 = vector.shape_cast %get3A_3037 : vector<1x16xf32> to vector<16xf32>
    %add3A_3039 = arith.addf %add3A_3033, %get3A_3038 : vector<16xf32>
    %get3A_3040 = arith.constant 475 : i32
    %get3A_3041 = arith.index_cast %get3A_3040 : i32 to index
    %get3A_3042 = arith.constant 0 : index
    %get3A_3043 = tpu.vector_load %arg6[%get3A_3041, %get3A_3042] {strides = array<i32>} : memref<640x16xf32, #tpu.memory_space<vmem>>, vector<1x16xf32>,
    %get3A_3044 = vector.shape_cast %get3A_3043 : vector<1x16xf32> to vector<16xf32>
    %add3A_3045 = arith.addf %add3A_3039, %get3A_3044 : vector<16xf32>
    %get3A_3046 = arith.constant 476 : i32
    %get3A_3047 = arith.index_cast %get3A_3046 : i32 to index
    %get3A_3048 = arith.constant 0 : index
    %get3A_3049 = tpu.vector_load %arg6[%get3A_3047, %get3A_3048] {strides = array<i32>} : memref<640x16xf32, #tpu.memory_space<vmem>>, vector<1x16xf32>,
    %get3A_3050 = vector.shape_cast %get3A_3049 : vector<1x16xf32> to vector<16xf32>
    %add3A_3051 = arith.addf %add3A_3045, %get3A_3050 : vector<16xf32>
    %get3A_3052 = arith.constant 477 : i32
    %get3A_3053 = arith.index_cast %get3A_3052 : i32 to index
    %get3A_3054 = arith.constant 0 : index
    %get3A_3055 = tpu.vector_load %arg6[%get3A_3053, %get3A_3054] {strides = array<i32>} : memref<640x16xf32, #tpu.memory_space<vmem>>, vector<1x16xf32>,
    %get3A_3056 = vector.shape_cast %get3A_3055 : vector<1x16xf32> to vector<16xf32>
    %add3A_3057 = arith.addf %add3A_3051, %get3A_3056 : vector<16xf32>
    %get3A_3058 = arith.constant 478 : i32
    %get3A_3059 = arith.index_cast %get3A_3058 : i32 to index
    %get3A_3060 = arith.constant 0 : index
    %get3A_3061 = tpu.vector_load %arg6[%get3A_3059, %get3A_3060] {strides = array<i32>} : memref<640x16xf32, #tpu.memory_space<vmem>>, vector<1x16xf32>,
    %get3A_3062 = vector.shape_cast %get3A_3061 : vector<1x16xf32> to vector<16xf32>
    %add3A_3063 = arith.addf %add3A_3057, %get3A_3062 : vector<16xf32>
    %get3A_3064 = arith.constant 479 : i32
    %get3A_3065 = arith.index_cast %get3A_3064 : i32 to index
    %get3A_3066 = arith.constant 0 : index
    %get3A_3067 = tpu.vector_load %arg6[%get3A_3065, %get3A_3066] {strides = array<i32>} : memref<640x16xf32, #tpu.memory_space<vmem>>, vector<1x16xf32>,
    %get3A_3068 = vector.shape_cast %get3A_3067 : vector<1x16xf32> to vector<16xf32>
    %add3A_3069 = arith.addf %add3A_3063, %get3A_3068 : vector<16xf32>
    %mul3A_3070 = arith.constant 5.000000e-02 : f32
    %mul3A_3071 = vector.broadcast %mul3A_3070 : f32 to vector<16xf32>
    %mul3A_3072 = arith.mulf %add3A_3069, %mul3A_3071 : vector<16xf32>
    %swap3A_3073 = arith.constant 23 : i32
    %swap3A_3074 = arith.index_cast %swap3A_3073 : i32 to index
    %swap3A_3075 = arith.constant 0 : index
    %swap3A_3076 = tpu.vector_load %arg7[%swap3A_3074, %swap3A_3075] {strides = array<i32>} : memref<32x16xf32, #tpu.memory_space<vmem>>, vector<1x16xf32>,
    %swap3A_3077 = vector.shape_cast %swap3A_3076 : vector<1x16xf32> to vector<16xf32>
    %swap3A_3078 = vector.shape_cast %mul3A_3072 : vector<16xf32> to vector<1x16xf32>
    tpu.vector_store %arg7[%swap3A_3074, %swap3A_3075], %swap3A_3078 {strides = array<i32>} : memref<32x16xf32, #tpu.memory_space<vmem>>, vector<1x16xf32>,
    %get3A_3079 = arith.constant 480 : i32
    %get3A_3080 = arith.index_cast %get3A_3079 : i32 to index
    %get3A_3081 = arith.constant 0 : index
    %get3A_3082 = tpu.vector_load %arg6[%get3A_3080, %get3A_3081] {strides = array<i32>} : memref<640x16xf32, #tpu.memory_space<vmem>>, vector<1x16xf32>,
    %get3A_3083 = vector.shape_cast %get3A_3082 : vector<1x16xf32> to vector<16xf32>
    %get3A_3084 = arith.constant 481 : i32
    %get3A_3085 = arith.index_cast %get3A_3084 : i32 to index
    %get3A_3086 = arith.constant 0 : index
    %get3A_3087 = tpu.vector_load %arg6[%get3A_3085, %get3A_3086] {strides = array<i32>} : memref<640x16xf32, #tpu.memory_space<vmem>>, vector<1x16xf32>,
    %get3A_3088 = vector.shape_cast %get3A_3087 : vector<1x16xf32> to vector<16xf32>
    %add3A_3089 = arith.addf %get3A_3083, %get3A_3088 : vector<16xf32>
    %get3A_3090 = arith.constant 482 : i32
    %get3A_3091 = arith.index_cast %get3A_3090 : i32 to index
    %get3A_3092 = arith.constant 0 : index
    %get3A_3093 = tpu.vector_load %arg6[%get3A_3091, %get3A_3092] {strides = array<i32>} : memref<640x16xf32, #tpu.memory_space<vmem>>, vector<1x16xf32>,
    %get3A_3094 = vector.shape_cast %get3A_3093 : vector<1x16xf32> to vector<16xf32>
    %add3A_3095 = arith.addf %add3A_3089, %get3A_3094 : vector<16xf32>
    %get3A_3096 = arith.constant 483 : i32
    %get3A_3097 = arith.index_cast %get3A_3096 : i32 to index
    %get3A_3098 = arith.constant 0 : index
    %get3A_3099 = tpu.vector_load %arg6[%get3A_3097, %get3A_3098] {strides = array<i32>} : memref<640x16xf32, #tpu.memory_space<vmem>>, vector<1x16xf32>,
    %get3A_3100 = vector.shape_cast %get3A_3099 : vector<1x16xf32> to vector<16xf32>
    %add3A_3101 = arith.addf %add3A_3095, %get3A_3100 : vector<16xf32>
    %get3A_3102 = arith.constant 484 : i32
    %get3A_3103 = arith.index_cast %get3A_3102 : i32 to index
    %get3A_3104 = arith.constant 0 : index
    %get3A_3105 = tpu.vector_load %arg6[%get3A_3103, %get3A_3104] {strides = array<i32>} : memref<640x16xf32, #tpu.memory_space<vmem>>, vector<1x16xf32>,
    %get3A_3106 = vector.shape_cast %get3A_3105 : vector<1x16xf32> to vector<16xf32>
    %add3A_3107 = arith.addf %add3A_3101, %get3A_3106 : vector<16xf32>
    %get3A_3108 = arith.constant 485 : i32
    %get3A_3109 = arith.index_cast %get3A_3108 : i32 to index
    %get3A_3110 = arith.constant 0 : index
    %get3A_3111 = tpu.vector_load %arg6[%get3A_3109, %get3A_3110] {strides = array<i32>} : memref<640x16xf32, #tpu.memory_space<vmem>>, vector<1x16xf32>,
    %get3A_3112 = vector.shape_cast %get3A_3111 : vector<1x16xf32> to vector<16xf32>
    %add3A_3113 = arith.addf %add3A_3107, %get3A_3112 : vector<16xf32>
    %get3A_3114 = arith.constant 486 : i32
    %get3A_3115 = arith.index_cast %get3A_3114 : i32 to index
    %get3A_3116 = arith.constant 0 : index
    %get3A_3117 = tpu.vector_load %arg6[%get3A_3115, %get3A_3116] {strides = array<i32>} : memref<640x16xf32, #tpu.memory_space<vmem>>, vector<1x16xf32>,
    %get3A_3118 = vector.shape_cast %get3A_3117 : vector<1x16xf32> to vector<16xf32>
    %add3A_3119 = arith.addf %add3A_3113, %get3A_3118 : vector<16xf32>
    %get3A_3120 = arith.constant 487 : i32
    %get3A_3121 = arith.index_cast %get3A_3120 : i32 to index
    %get3A_3122 = arith.constant 0 : index
    %get3A_3123 = tpu.vector_load %arg6[%get3A_3121, %get3A_3122] {strides = array<i32>} : memref<640x16xf32, #tpu.memory_space<vmem>>, vector<1x16xf32>,
    %get3A_3124 = vector.shape_cast %get3A_3123 : vector<1x16xf32> to vector<16xf32>
    %add3A_3125 = arith.addf %add3A_3119, %get3A_3124 : vector<16xf32>
    %get3A_3126 = arith.constant 488 : i32
    %get3A_3127 = arith.index_cast %get3A_3126 : i32 to index
    %get3A_3128 = arith.constant 0 : index
    %get3A_3129 = tpu.vector_load %arg6[%get3A_3127, %get3A_3128] {strides = array<i32>} : memref<640x16xf32, #tpu.memory_space<vmem>>, vector<1x16xf32>,
    %get3A_3130 = vector.shape_cast %get3A_3129 : vector<1x16xf32> to vector<16xf32>
    %add3A_3131 = arith.addf %add3A_3125, %get3A_3130 : vector<16xf32>
    %get3A_3132 = arith.constant 489 : i32
    %get3A_3133 = arith.index_cast %get3A_3132 : i32 to index
    %get3A_3134 = arith.constant 0 : index
    %get3A_3135 = tpu.vector_load %arg6[%get3A_3133, %get3A_3134] {strides = array<i32>} : memref<640x16xf32, #tpu.memory_space<vmem>>, vector<1x16xf32>,
    %get3A_3136 = vector.shape_cast %get3A_3135 : vector<1x16xf32> to vector<16xf32>
    %add3A_3137 = arith.addf %add3A_3131, %get3A_3136 : vector<16xf32>
    %get3A_3138 = arith.constant 490 : i32
    %get3A_3139 = arith.index_cast %get3A_3138 : i32 to index
    %get3A_3140 = arith.constant 0 : index
    %get3A_3141 = tpu.vector_load %arg6[%get3A_3139, %get3A_3140] {strides = array<i32>} : memref<640x16xf32, #tpu.memory_space<vmem>>, vector<1x16xf32>,
    %get3A_3142 = vector.shape_cast %get3A_3141 : vector<1x16xf32> to vector<16xf32>
    %add3A_3143 = arith.addf %add3A_3137, %get3A_3142 : vector<16xf32>
    %get3A_3144 = arith.constant 491 : i32
    %get3A_3145 = arith.index_cast %get3A_3144 : i32 to index
    %get3A_3146 = arith.constant 0 : index
    %get3A_3147 = tpu.vector_load %arg6[%get3A_3145, %get3A_3146] {strides = array<i32>} : memref<640x16xf32, #tpu.memory_space<vmem>>, vector<1x16xf32>,
    %get3A_3148 = vector.shape_cast %get3A_3147 : vector<1x16xf32> to vector<16xf32>
    %add3A_3149 = arith.addf %add3A_3143, %get3A_3148 : vector<16xf32>
    %get3A_3150 = arith.constant 492 : i32
    %get3A_3151 = arith.index_cast %get3A_3150 : i32 to index
    %get3A_3152 = arith.constant 0 : index
    %get3A_3153 = tpu.vector_load %arg6[%get3A_3151, %get3A_3152] {strides = array<i32>} : memref<640x16xf32, #tpu.memory_space<vmem>>, vector<1x16xf32>,
    %get3A_3154 = vector.shape_cast %get3A_3153 : vector<1x16xf32> to vector<16xf32>
    %add3A_3155 = arith.addf %add3A_3149, %get3A_3154 : vector<16xf32>
    %get3A_3156 = arith.constant 493 : i32
    %get3A_3157 = arith.index_cast %get3A_3156 : i32 to index
    %get3A_3158 = arith.constant 0 : index
    %get3A_3159 = tpu.vector_load %arg6[%get3A_3157, %get3A_3158] {strides = array<i32>} : memref<640x16xf32, #tpu.memory_space<vmem>>, vector<1x16xf32>,
    %get3A_3160 = vector.shape_cast %get3A_3159 : vector<1x16xf32> to vector<16xf32>
    %add3A_3161 = arith.addf %add3A_3155, %get3A_3160 : vector<16xf32>
    %get3A_3162 = arith.constant 494 : i32
    %get3A_3163 = arith.index_cast %get3A_3162 : i32 to index
    %get3A_3164 = arith.constant 0 : index
    %get3A_3165 = tpu.vector_load %arg6[%get3A_3163, %get3A_3164] {strides = array<i32>} : memref<640x16xf32, #tpu.memory_space<vmem>>, vector<1x16xf32>,
    %get3A_3166 = vector.shape_cast %get3A_3165 : vector<1x16xf32> to vector<16xf32>
    %add3A_3167 = arith.addf %add3A_3161, %get3A_3166 : vector<16xf32>
    %get3A_3168 = arith.constant 495 : i32
    %get3A_3169 = arith.index_cast %get3A_3168 : i32 to index
    %get3A_3170 = arith.constant 0 : index
    %get3A_3171 = tpu.vector_load %arg6[%get3A_3169, %get3A_3170] {strides = array<i32>} : memref<640x16xf32, #tpu.memory_space<vmem>>, vector<1x16xf32>,
    %get3A_3172 = vector.shape_cast %get3A_3171 : vector<1x16xf32> to vector<16xf32>
    %add3A_3173 = arith.addf %add3A_3167, %get3A_3172 : vector<16xf32>
    %get3A_3174 = arith.constant 496 : i32
    %get3A_3175 = arith.index_cast %get3A_3174 : i32 to index
    %get3A_3176 = arith.constant 0 : index
    %get3A_3177 = tpu.vector_load %arg6[%get3A_3175, %get3A_3176] {strides = array<i32>} : memref<640x16xf32, #tpu.memory_space<vmem>>, vector<1x16xf32>,
    %get3A_3178 = vector.shape_cast %get3A_3177 : vector<1x16xf32> to vector<16xf32>
    %add3A_3179 = arith.addf %add3A_3173, %get3A_3178 : vector<16xf32>
    %get3A_3180 = arith.constant 497 : i32
    %get3A_3181 = arith.index_cast %get3A_3180 : i32 to index
    %get3A_3182 = arith.constant 0 : index
    %get3A_3183 = tpu.vector_load %arg6[%get3A_3181, %get3A_3182] {strides = array<i32>} : memref<640x16xf32, #tpu.memory_space<vmem>>, vector<1x16xf32>,
    %get3A_3184 = vector.shape_cast %get3A_3183 : vector<1x16xf32> to vector<16xf32>
    %add3A_3185 = arith.addf %add3A_3179, %get3A_3184 : vector<16xf32>
    %get3A_3186 = arith.constant 498 : i32
    %get3A_3187 = arith.index_cast %get3A_3186 : i32 to index
    %get3A_3188 = arith.constant 0 : index
    %get3A_3189 = tpu.vector_load %arg6[%get3A_3187, %get3A_3188] {strides = array<i32>} : memref<640x16xf32, #tpu.memory_space<vmem>>, vector<1x16xf32>,
    %get3A_3190 = vector.shape_cast %get3A_3189 : vector<1x16xf32> to vector<16xf32>
    %add3A_3191 = arith.addf %add3A_3185, %get3A_3190 : vector<16xf32>
    %get3A_3192 = arith.constant 499 : i32
    %get3A_3193 = arith.index_cast %get3A_3192 : i32 to index
    %get3A_3194 = arith.constant 0 : index
    %get3A_3195 = tpu.vector_load %arg6[%get3A_3193, %get3A_3194] {strides = array<i32>} : memref<640x16xf32, #tpu.memory_space<vmem>>, vector<1x16xf32>,
    %get3A_3196 = vector.shape_cast %get3A_3195 : vector<1x16xf32> to vector<16xf32>
    %add3A_3197 = arith.addf %add3A_3191, %get3A_3196 : vector<16xf32>
    %mul3A_3198 = arith.constant 5.000000e-02 : f32
    %mul3A_3199 = vector.broadcast %mul3A_3198 : f32 to vector<16xf32>
    %mul3A_3200 = arith.mulf %add3A_3197, %mul3A_3199 : vector<16xf32>
    %swap3A_3201 = arith.constant 24 : i32
    %swap3A_3202 = arith.index_cast %swap3A_3201 : i32 to index
    %swap3A_3203 = arith.constant 0 : index
    %swap3A_3204 = tpu.vector_load %arg7[%swap3A_3202, %swap3A_3203] {strides = array<i32>} : memref<32x16xf32, #tpu.memory_space<vmem>>, vector<1x16xf32>,
    %swap3A_3205 = vector.shape_cast %swap3A_3204 : vector<1x16xf32> to vector<16xf32>
    %swap3A_3206 = vector.shape_cast %mul3A_3200 : vector<16xf32> to vector<1x16xf32>
    tpu.vector_store %arg7[%swap3A_3202, %swap3A_3203], %swap3A_3206 {strides = array<i32>} : memref<32x16xf32, #tpu.memory_space<vmem>>, vector<1x16xf32>,
    %get3A_3207 = arith.constant 500 : i32
    %get3A_3208 = arith.index_cast %get3A_3207 : i32 to index
    %get3A_3209 = arith.constant 0 : index
    %get3A_3210 = tpu.vector_load %arg6[%get3A_3208, %get3A_3209] {strides = array<i32>} : memref<640x16xf32, #tpu.memory_space<vmem>>, vector<1x16xf32>,
    %get3A_3211 = vector.shape_cast %get3A_3210 : vector<1x16xf32> to vector<16xf32>
    %get3A_3212 = arith.constant 501 : i32
    %get3A_3213 = arith.index_cast %get3A_3212 : i32 to index
    %get3A_3214 = arith.constant 0 : index
    %get3A_3215 = tpu.vector_load %arg6[%get3A_3213, %get3A_3214] {strides = array<i32>} : memref<640x16xf32, #tpu.memory_space<vmem>>, vector<1x16xf32>,
    %get3A_3216 = vector.shape_cast %get3A_3215 : vector<1x16xf32> to vector<16xf32>
    %add3A_3217 = arith.addf %get3A_3211, %get3A_3216 : vector<16xf32>
    %get3A_3218 = arith.constant 502 : i32
    %get3A_3219 = arith.index_cast %get3A_3218 : i32 to index
    %get3A_3220 = arith.constant 0 : index
    %get3A_3221 = tpu.vector_load %arg6[%get3A_3219, %get3A_3220] {strides = array<i32>} : memref<640x16xf32, #tpu.memory_space<vmem>>, vector<1x16xf32>,
    %get3A_3222 = vector.shape_cast %get3A_3221 : vector<1x16xf32> to vector<16xf32>
    %add3A_3223 = arith.addf %add3A_3217, %get3A_3222 : vector<16xf32>
    %get3A_3224 = arith.constant 503 : i32
    %get3A_3225 = arith.index_cast %get3A_3224 : i32 to index
    %get3A_3226 = arith.constant 0 : index
    %get3A_3227 = tpu.vector_load %arg6[%get3A_3225, %get3A_3226] {strides = array<i32>} : memref<640x16xf32, #tpu.memory_space<vmem>>, vector<1x16xf32>,
    %get3A_3228 = vector.shape_cast %get3A_3227 : vector<1x16xf32> to vector<16xf32>
    %add3A_3229 = arith.addf %add3A_3223, %get3A_3228 : vector<16xf32>
    %get3A_3230 = arith.constant 504 : i32
    %get3A_3231 = arith.index_cast %get3A_3230 : i32 to index
    %get3A_3232 = arith.constant 0 : index
    %get3A_3233 = tpu.vector_load %arg6[%get3A_3231, %get3A_3232] {strides = array<i32>} : memref<640x16xf32, #tpu.memory_space<vmem>>, vector<1x16xf32>,
    %get3A_3234 = vector.shape_cast %get3A_3233 : vector<1x16xf32> to vector<16xf32>
    %add3A_3235 = arith.addf %add3A_3229, %get3A_3234 : vector<16xf32>
    %get3A_3236 = arith.constant 505 : i32
    %get3A_3237 = arith.index_cast %get3A_3236 : i32 to index
    %get3A_3238 = arith.constant 0 : index
    %get3A_3239 = tpu.vector_load %arg6[%get3A_3237, %get3A_3238] {strides = array<i32>} : memref<640x16xf32, #tpu.memory_space<vmem>>, vector<1x16xf32>,
    %get3A_3240 = vector.shape_cast %get3A_3239 : vector<1x16xf32> to vector<16xf32>
    %add3A_3241 = arith.addf %add3A_3235, %get3A_3240 : vector<16xf32>
    %get3A_3242 = arith.constant 506 : i32
    %get3A_3243 = arith.index_cast %get3A_3242 : i32 to index
    %get3A_3244 = arith.constant 0 : index
    %get3A_3245 = tpu.vector_load %arg6[%get3A_3243, %get3A_3244] {strides = array<i32>} : memref<640x16xf32, #tpu.memory_space<vmem>>, vector<1x16xf32>,
    %get3A_3246 = vector.shape_cast %get3A_3245 : vector<1x16xf32> to vector<16xf32>
    %add3A_3247 = arith.addf %add3A_3241, %get3A_3246 : vector<16xf32>
    %get3A_3248 = arith.constant 507 : i32
    %get3A_3249 = arith.index_cast %get3A_3248 : i32 to index
    %get3A_3250 = arith.constant 0 : index
    %get3A_3251 = tpu.vector_load %arg6[%get3A_3249, %get3A_3250] {strides = array<i32>} : memref<640x16xf32, #tpu.memory_space<vmem>>, vector<1x16xf32>,
    %get3A_3252 = vector.shape_cast %get3A_3251 : vector<1x16xf32> to vector<16xf32>
    %add3A_3253 = arith.addf %add3A_3247, %get3A_3252 : vector<16xf32>
    %get3A_3254 = arith.constant 508 : i32
    %get3A_3255 = arith.index_cast %get3A_3254 : i32 to index
    %get3A_3256 = arith.constant 0 : index
    %get3A_3257 = tpu.vector_load %arg6[%get3A_3255, %get3A_3256] {strides = array<i32>} : memref<640x16xf32, #tpu.memory_space<vmem>>, vector<1x16xf32>,
    %get3A_3258 = vector.shape_cast %get3A_3257 : vector<1x16xf32> to vector<16xf32>
    %add3A_3259 = arith.addf %add3A_3253, %get3A_3258 : vector<16xf32>
    %get3A_3260 = arith.constant 509 : i32
    %get3A_3261 = arith.index_cast %get3A_3260 : i32 to index
    %get3A_3262 = arith.constant 0 : index
    %get3A_3263 = tpu.vector_load %arg6[%get3A_3261, %get3A_3262] {strides = array<i32>} : memref<640x16xf32, #tpu.memory_space<vmem>>, vector<1x16xf32>,
    %get3A_3264 = vector.shape_cast %get3A_3263 : vector<1x16xf32> to vector<16xf32>
    %add3A_3265 = arith.addf %add3A_3259, %get3A_3264 : vector<16xf32>
    %get3A_3266 = arith.constant 510 : i32
    %get3A_3267 = arith.index_cast %get3A_3266 : i32 to index
    %get3A_3268 = arith.constant 0 : index
    %get3A_3269 = tpu.vector_load %arg6[%get3A_3267, %get3A_3268] {strides = array<i32>} : memref<640x16xf32, #tpu.memory_space<vmem>>, vector<1x16xf32>,
    %get3A_3270 = vector.shape_cast %get3A_3269 : vector<1x16xf32> to vector<16xf32>
    %add3A_3271 = arith.addf %add3A_3265, %get3A_3270 : vector<16xf32>
    %get3A_3272 = arith.constant 511 : i32
    %get3A_3273 = arith.index_cast %get3A_3272 : i32 to index
    %get3A_3274 = arith.constant 0 : index
    %get3A_3275 = tpu.vector_load %arg6[%get3A_3273, %get3A_3274] {strides = array<i32>} : memref<640x16xf32, #tpu.memory_space<vmem>>, vector<1x16xf32>,
    %get3A_3276 = vector.shape_cast %get3A_3275 : vector<1x16xf32> to vector<16xf32>
    %add3A_3277 = arith.addf %add3A_3271, %get3A_3276 : vector<16xf32>
    %get3A_3278 = arith.constant 512 : i32
    %get3A_3279 = arith.index_cast %get3A_3278 : i32 to index
    %get3A_3280 = arith.constant 0 : index
    %get3A_3281 = tpu.vector_load %arg6[%get3A_3279, %get3A_3280] {strides = array<i32>} : memref<640x16xf32, #tpu.memory_space<vmem>>, vector<1x16xf32>,
    %get3A_3282 = vector.shape_cast %get3A_3281 : vector<1x16xf32> to vector<16xf32>
    %add3A_3283 = arith.addf %add3A_3277, %get3A_3282 : vector<16xf32>
    %get3A_3284 = arith.constant 513 : i32
    %get3A_3285 = arith.index_cast %get3A_3284 : i32 to index
    %get3A_3286 = arith.constant 0 : index
    %get3A_3287 = tpu.vector_load %arg6[%get3A_3285, %get3A_3286] {strides = array<i32>} : memref<640x16xf32, #tpu.memory_space<vmem>>, vector<1x16xf32>,
    %get3A_3288 = vector.shape_cast %get3A_3287 : vector<1x16xf32> to vector<16xf32>
    %add3A_3289 = arith.addf %add3A_3283, %get3A_3288 : vector<16xf32>
    %get3A_3290 = arith.constant 514 : i32
    %get3A_3291 = arith.index_cast %get3A_3290 : i32 to index
    %get3A_3292 = arith.constant 0 : index
    %get3A_3293 = tpu.vector_load %arg6[%get3A_3291, %get3A_3292] {strides = array<i32>} : memref<640x16xf32, #tpu.memory_space<vmem>>, vector<1x16xf32>,
    %get3A_3294 = vector.shape_cast %get3A_3293 : vector<1x16xf32> to vector<16xf32>
    %add3A_3295 = arith.addf %add3A_3289, %get3A_3294 : vector<16xf32>
    %get3A_3296 = arith.constant 515 : i32
    %get3A_3297 = arith.index_cast %get3A_3296 : i32 to index
    %get3A_3298 = arith.constant 0 : index
    %get3A_3299 = tpu.vector_load %arg6[%get3A_3297, %get3A_3298] {strides = array<i32>} : memref<640x16xf32, #tpu.memory_space<vmem>>, vector<1x16xf32>,
    %get3A_3300 = vector.shape_cast %get3A_3299 : vector<1x16xf32> to vector<16xf32>
    %add3A_3301 = arith.addf %add3A_3295, %get3A_3300 : vector<16xf32>
    %get3A_3302 = arith.constant 516 : i32
    %get3A_3303 = arith.index_cast %get3A_3302 : i32 to index
    %get3A_3304 = arith.constant 0 : index
    %get3A_3305 = tpu.vector_load %arg6[%get3A_3303, %get3A_3304] {strides = array<i32>} : memref<640x16xf32, #tpu.memory_space<vmem>>, vector<1x16xf32>,
    %get3A_3306 = vector.shape_cast %get3A_3305 : vector<1x16xf32> to vector<16xf32>
    %add3A_3307 = arith.addf %add3A_3301, %get3A_3306 : vector<16xf32>
    %get3A_3308 = arith.constant 517 : i32
    %get3A_3309 = arith.index_cast %get3A_3308 : i32 to index
    %get3A_3310 = arith.constant 0 : index
    %get3A_3311 = tpu.vector_load %arg6[%get3A_3309, %get3A_3310] {strides = array<i32>} : memref<640x16xf32, #tpu.memory_space<vmem>>, vector<1x16xf32>,
    %get3A_3312 = vector.shape_cast %get3A_3311 : vector<1x16xf32> to vector<16xf32>
    %add3A_3313 = arith.addf %add3A_3307, %get3A_3312 : vector<16xf32>
    %get3A_3314 = arith.constant 518 : i32
    %get3A_3315 = arith.index_cast %get3A_3314 : i32 to index
    %get3A_3316 = arith.constant 0 : index
    %get3A_3317 = tpu.vector_load %arg6[%get3A_3315, %get3A_3316] {strides = array<i32>} : memref<640x16xf32, #tpu.memory_space<vmem>>, vector<1x16xf32>,
    %get3A_3318 = vector.shape_cast %get3A_3317 : vector<1x16xf32> to vector<16xf32>
    %add3A_3319 = arith.addf %add3A_3313, %get3A_3318 : vector<16xf32>
    %get3A_3320 = arith.constant 519 : i32
    %get3A_3321 = arith.index_cast %get3A_3320 : i32 to index
    %get3A_3322 = arith.constant 0 : index
    %get3A_3323 = tpu.vector_load %arg6[%get3A_3321, %get3A_3322] {strides = array<i32>} : memref<640x16xf32, #tpu.memory_space<vmem>>, vector<1x16xf32>,
    %get3A_3324 = vector.shape_cast %get3A_3323 : vector<1x16xf32> to vector<16xf32>
    %add3A_3325 = arith.addf %add3A_3319, %get3A_3324 : vector<16xf32>
    %mul3A_3326 = arith.constant 5.000000e-02 : f32
    %mul3A_3327 = vector.broadcast %mul3A_3326 : f32 to vector<16xf32>
    %mul3A_3328 = arith.mulf %add3A_3325, %mul3A_3327 : vector<16xf32>
    %swap3A_3329 = arith.constant 25 : i32
    %swap3A_3330 = arith.index_cast %swap3A_3329 : i32 to index
    %swap3A_3331 = arith.constant 0 : index
    %swap3A_3332 = tpu.vector_load %arg7[%swap3A_3330, %swap3A_3331] {strides = array<i32>} : memref<32x16xf32, #tpu.memory_space<vmem>>, vector<1x16xf32>,
    %swap3A_3333 = vector.shape_cast %swap3A_3332 : vector<1x16xf32> to vector<16xf32>
    %swap3A_3334 = vector.shape_cast %mul3A_3328 : vector<16xf32> to vector<1x16xf32>
    tpu.vector_store %arg7[%swap3A_3330, %swap3A_3331], %swap3A_3334 {strides = array<i32>} : memref<32x16xf32, #tpu.memory_space<vmem>>, vector<1x16xf32>,
    %get3A_3335 = arith.constant 520 : i32
    %get3A_3336 = arith.index_cast %get3A_3335 : i32 to index
    %get3A_3337 = arith.constant 0 : index
    %get3A_3338 = tpu.vector_load %arg6[%get3A_3336, %get3A_3337] {strides = array<i32>} : memref<640x16xf32, #tpu.memory_space<vmem>>, vector<1x16xf32>,
    %get3A_3339 = vector.shape_cast %get3A_3338 : vector<1x16xf32> to vector<16xf32>
    %get3A_3340 = arith.constant 521 : i32
    %get3A_3341 = arith.index_cast %get3A_3340 : i32 to index
    %get3A_3342 = arith.constant 0 : index
    %get3A_3343 = tpu.vector_load %arg6[%get3A_3341, %get3A_3342] {strides = array<i32>} : memref<640x16xf32, #tpu.memory_space<vmem>>, vector<1x16xf32>,
    %get3A_3344 = vector.shape_cast %get3A_3343 : vector<1x16xf32> to vector<16xf32>
    %add3A_3345 = arith.addf %get3A_3339, %get3A_3344 : vector<16xf32>
    %get3A_3346 = arith.constant 522 : i32
    %get3A_3347 = arith.index_cast %get3A_3346 : i32 to index
    %get3A_3348 = arith.constant 0 : index
    %get3A_3349 = tpu.vector_load %arg6[%get3A_3347, %get3A_3348] {strides = array<i32>} : memref<640x16xf32, #tpu.memory_space<vmem>>, vector<1x16xf32>,
    %get3A_3350 = vector.shape_cast %get3A_3349 : vector<1x16xf32> to vector<16xf32>
    %add3A_3351 = arith.addf %add3A_3345, %get3A_3350 : vector<16xf32>
    %get3A_3352 = arith.constant 523 : i32
    %get3A_3353 = arith.index_cast %get3A_3352 : i32 to index
    %get3A_3354 = arith.constant 0 : index
    %get3A_3355 = tpu.vector_load %arg6[%get3A_3353, %get3A_3354] {strides = array<i32>} : memref<640x16xf32, #tpu.memory_space<vmem>>, vector<1x16xf32>,
    %get3A_3356 = vector.shape_cast %get3A_3355 : vector<1x16xf32> to vector<16xf32>
    %add3A_3357 = arith.addf %add3A_3351, %get3A_3356 : vector<16xf32>
    %get3A_3358 = arith.constant 524 : i32
    %get3A_3359 = arith.index_cast %get3A_3358 : i32 to index
    %get3A_3360 = arith.constant 0 : index
    %get3A_3361 = tpu.vector_load %arg6[%get3A_3359, %get3A_3360] {strides = array<i32>} : memref<640x16xf32, #tpu.memory_space<vmem>>, vector<1x16xf32>,
    %get3A_3362 = vector.shape_cast %get3A_3361 : vector<1x16xf32> to vector<16xf32>
    %add3A_3363 = arith.addf %add3A_3357, %get3A_3362 : vector<16xf32>
    %get3A_3364 = arith.constant 525 : i32
    %get3A_3365 = arith.index_cast %get3A_3364 : i32 to index
    %get3A_3366 = arith.constant 0 : index
    %get3A_3367 = tpu.vector_load %arg6[%get3A_3365, %get3A_3366] {strides = array<i32>} : memref<640x16xf32, #tpu.memory_space<vmem>>, vector<1x16xf32>,
    %get3A_3368 = vector.shape_cast %get3A_3367 : vector<1x16xf32> to vector<16xf32>
    %add3A_3369 = arith.addf %add3A_3363, %get3A_3368 : vector<16xf32>
    %get3A_3370 = arith.constant 526 : i32
    %get3A_3371 = arith.index_cast %get3A_3370 : i32 to index
    %get3A_3372 = arith.constant 0 : index
    %get3A_3373 = tpu.vector_load %arg6[%get3A_3371, %get3A_3372] {strides = array<i32>} : memref<640x16xf32, #tpu.memory_space<vmem>>, vector<1x16xf32>,
    %get3A_3374 = vector.shape_cast %get3A_3373 : vector<1x16xf32> to vector<16xf32>
    %add3A_3375 = arith.addf %add3A_3369, %get3A_3374 : vector<16xf32>
    %get3A_3376 = arith.constant 527 : i32
    %get3A_3377 = arith.index_cast %get3A_3376 : i32 to index
    %get3A_3378 = arith.constant 0 : index
    %get3A_3379 = tpu.vector_load %arg6[%get3A_3377, %get3A_3378] {strides = array<i32>} : memref<640x16xf32, #tpu.memory_space<vmem>>, vector<1x16xf32>,
    %get3A_3380 = vector.shape_cast %get3A_3379 : vector<1x16xf32> to vector<16xf32>
    %add3A_3381 = arith.addf %add3A_3375, %get3A_3380 : vector<16xf32>
    %get3A_3382 = arith.constant 528 : i32
    %get3A_3383 = arith.index_cast %get3A_3382 : i32 to index
    %get3A_3384 = arith.constant 0 : index
    %get3A_3385 = tpu.vector_load %arg6[%get3A_3383, %get3A_3384] {strides = array<i32>} : memref<640x16xf32, #tpu.memory_space<vmem>>, vector<1x16xf32>,
    %get3A_3386 = vector.shape_cast %get3A_3385 : vector<1x16xf32> to vector<16xf32>
    %add3A_3387 = arith.addf %add3A_3381, %get3A_3386 : vector<16xf32>
    %get3A_3388 = arith.constant 529 : i32
    %get3A_3389 = arith.index_cast %get3A_3388 : i32 to index
    %get3A_3390 = arith.constant 0 : index
    %get3A_3391 = tpu.vector_load %arg6[%get3A_3389, %get3A_3390] {strides = array<i32>} : memref<640x16xf32, #tpu.memory_space<vmem>>, vector<1x16xf32>,
    %get3A_3392 = vector.shape_cast %get3A_3391 : vector<1x16xf32> to vector<16xf32>
    %add3A_3393 = arith.addf %add3A_3387, %get3A_3392 : vector<16xf32>
    %get3A_3394 = arith.constant 530 : i32
    %get3A_3395 = arith.index_cast %get3A_3394 : i32 to index
    %get3A_3396 = arith.constant 0 : index
    %get3A_3397 = tpu.vector_load %arg6[%get3A_3395, %get3A_3396] {strides = array<i32>} : memref<640x16xf32, #tpu.memory_space<vmem>>, vector<1x16xf32>,
    %get3A_3398 = vector.shape_cast %get3A_3397 : vector<1x16xf32> to vector<16xf32>
    %add3A_3399 = arith.addf %add3A_3393, %get3A_3398 : vector<16xf32>
    %get3A_3400 = arith.constant 531 : i32
    %get3A_3401 = arith.index_cast %get3A_3400 : i32 to index
    %get3A_3402 = arith.constant 0 : index
    %get3A_3403 = tpu.vector_load %arg6[%get3A_3401, %get3A_3402] {strides = array<i32>} : memref<640x16xf32, #tpu.memory_space<vmem>>, vector<1x16xf32>,
    %get3A_3404 = vector.shape_cast %get3A_3403 : vector<1x16xf32> to vector<16xf32>
    %add3A_3405 = arith.addf %add3A_3399, %get3A_3404 : vector<16xf32>
    %get3A_3406 = arith.constant 532 : i32
    %get3A_3407 = arith.index_cast %get3A_3406 : i32 to index
    %get3A_3408 = arith.constant 0 : index
    %get3A_3409 = tpu.vector_load %arg6[%get3A_3407, %get3A_3408] {strides = array<i32>} : memref<640x16xf32, #tpu.memory_space<vmem>>, vector<1x16xf32>,
    %get3A_3410 = vector.shape_cast %get3A_3409 : vector<1x16xf32> to vector<16xf32>
    %add3A_3411 = arith.addf %add3A_3405, %get3A_3410 : vector<16xf32>
    %get3A_3412 = arith.constant 533 : i32
    %get3A_3413 = arith.index_cast %get3A_3412 : i32 to index
    %get3A_3414 = arith.constant 0 : index
    %get3A_3415 = tpu.vector_load %arg6[%get3A_3413, %get3A_3414] {strides = array<i32>} : memref<640x16xf32, #tpu.memory_space<vmem>>, vector<1x16xf32>,
    %get3A_3416 = vector.shape_cast %get3A_3415 : vector<1x16xf32> to vector<16xf32>
    %add3A_3417 = arith.addf %add3A_3411, %get3A_3416 : vector<16xf32>
    %get3A_3418 = arith.constant 534 : i32
    %get3A_3419 = arith.index_cast %get3A_3418 : i32 to index
    %get3A_3420 = arith.constant 0 : index
    %get3A_3421 = tpu.vector_load %arg6[%get3A_3419, %get3A_3420] {strides = array<i32>} : memref<640x16xf32, #tpu.memory_space<vmem>>, vector<1x16xf32>,
    %get3A_3422 = vector.shape_cast %get3A_3421 : vector<1x16xf32> to vector<16xf32>
    %add3A_3423 = arith.addf %add3A_3417, %get3A_3422 : vector<16xf32>
    %get3A_3424 = arith.constant 535 : i32
    %get3A_3425 = arith.index_cast %get3A_3424 : i32 to index
    %get3A_3426 = arith.constant 0 : index
    %get3A_3427 = tpu.vector_load %arg6[%get3A_3425, %get3A_3426] {strides = array<i32>} : memref<640x16xf32, #tpu.memory_space<vmem>>, vector<1x16xf32>,
    %get3A_3428 = vector.shape_cast %get3A_3427 : vector<1x16xf32> to vector<16xf32>
    %add3A_3429 = arith.addf %add3A_3423, %get3A_3428 : vector<16xf32>
    %get3A_3430 = arith.constant 536 : i32
    %get3A_3431 = arith.index_cast %get3A_3430 : i32 to index
    %get3A_3432 = arith.constant 0 : index
    %get3A_3433 = tpu.vector_load %arg6[%get3A_3431, %get3A_3432] {strides = array<i32>} : memref<640x16xf32, #tpu.memory_space<vmem>>, vector<1x16xf32>,
    %get3A_3434 = vector.shape_cast %get3A_3433 : vector<1x16xf32> to vector<16xf32>
    %add3A_3435 = arith.addf %add3A_3429, %get3A_3434 : vector<16xf32>
    %get3A_3436 = arith.constant 537 : i32
    %get3A_3437 = arith.index_cast %get3A_3436 : i32 to index
    %get3A_3438 = arith.constant 0 : index
    %get3A_3439 = tpu.vector_load %arg6[%get3A_3437, %get3A_3438] {strides = array<i32>} : memref<640x16xf32, #tpu.memory_space<vmem>>, vector<1x16xf32>,
    %get3A_3440 = vector.shape_cast %get3A_3439 : vector<1x16xf32> to vector<16xf32>
    %add3A_3441 = arith.addf %add3A_3435, %get3A_3440 : vector<16xf32>
    %get3A_3442 = arith.constant 538 : i32
    %get3A_3443 = arith.index_cast %get3A_3442 : i32 to index
    %get3A_3444 = arith.constant 0 : index
    %get3A_3445 = tpu.vector_load %arg6[%get3A_3443, %get3A_3444] {strides = array<i32>} : memref<640x16xf32, #tpu.memory_space<vmem>>, vector<1x16xf32>,
    %get3A_3446 = vector.shape_cast %get3A_3445 : vector<1x16xf32> to vector<16xf32>
    %add3A_3447 = arith.addf %add3A_3441, %get3A_3446 : vector<16xf32>
    %get3A_3448 = arith.constant 539 : i32
    %get3A_3449 = arith.index_cast %get3A_3448 : i32 to index
    %get3A_3450 = arith.constant 0 : index
    %get3A_3451 = tpu.vector_load %arg6[%get3A_3449, %get3A_3450] {strides = array<i32>} : memref<640x16xf32, #tpu.memory_space<vmem>>, vector<1x16xf32>,
    %get3A_3452 = vector.shape_cast %get3A_3451 : vector<1x16xf32> to vector<16xf32>
    %add3A_3453 = arith.addf %add3A_3447, %get3A_3452 : vector<16xf32>
    %mul3A_3454 = arith.constant 5.000000e-02 : f32
    %mul3A_3455 = vector.broadcast %mul3A_3454 : f32 to vector<16xf32>
    %mul3A_3456 = arith.mulf %add3A_3453, %mul3A_3455 : vector<16xf32>
    %swap3A_3457 = arith.constant 26 : i32
    %swap3A_3458 = arith.index_cast %swap3A_3457 : i32 to index
    %swap3A_3459 = arith.constant 0 : index
    %swap3A_3460 = tpu.vector_load %arg7[%swap3A_3458, %swap3A_3459] {strides = array<i32>} : memref<32x16xf32, #tpu.memory_space<vmem>>, vector<1x16xf32>,
    %swap3A_3461 = vector.shape_cast %swap3A_3460 : vector<1x16xf32> to vector<16xf32>
    %swap3A_3462 = vector.shape_cast %mul3A_3456 : vector<16xf32> to vector<1x16xf32>
    tpu.vector_store %arg7[%swap3A_3458, %swap3A_3459], %swap3A_3462 {strides = array<i32>} : memref<32x16xf32, #tpu.memory_space<vmem>>, vector<1x16xf32>,
    %get3A_3463 = arith.constant 540 : i32
    %get3A_3464 = arith.index_cast %get3A_3463 : i32 to index
    %get3A_3465 = arith.constant 0 : index
    %get3A_3466 = tpu.vector_load %arg6[%get3A_3464, %get3A_3465] {strides = array<i32>} : memref<640x16xf32, #tpu.memory_space<vmem>>, vector<1x16xf32>,
    %get3A_3467 = vector.shape_cast %get3A_3466 : vector<1x16xf32> to vector<16xf32>
    %get3A_3468 = arith.constant 541 : i32
    %get3A_3469 = arith.index_cast %get3A_3468 : i32 to index
    %get3A_3470 = arith.constant 0 : index
    %get3A_3471 = tpu.vector_load %arg6[%get3A_3469, %get3A_3470] {strides = array<i32>} : memref<640x16xf32, #tpu.memory_space<vmem>>, vector<1x16xf32>,
    %get3A_3472 = vector.shape_cast %get3A_3471 : vector<1x16xf32> to vector<16xf32>
    %add3A_3473 = arith.addf %get3A_3467, %get3A_3472 : vector<16xf32>
    %get3A_3474 = arith.constant 542 : i32
    %get3A_3475 = arith.index_cast %get3A_3474 : i32 to index
    %get3A_3476 = arith.constant 0 : index
    %get3A_3477 = tpu.vector_load %arg6[%get3A_3475, %get3A_3476] {strides = array<i32>} : memref<640x16xf32, #tpu.memory_space<vmem>>, vector<1x16xf32>,
    %get3A_3478 = vector.shape_cast %get3A_3477 : vector<1x16xf32> to vector<16xf32>
    %add3A_3479 = arith.addf %add3A_3473, %get3A_3478 : vector<16xf32>
    %get3A_3480 = arith.constant 543 : i32
    %get3A_3481 = arith.index_cast %get3A_3480 : i32 to index
    %get3A_3482 = arith.constant 0 : index
    %get3A_3483 = tpu.vector_load %arg6[%get3A_3481, %get3A_3482] {strides = array<i32>} : memref<640x16xf32, #tpu.memory_space<vmem>>, vector<1x16xf32>,
    %get3A_3484 = vector.shape_cast %get3A_3483 : vector<1x16xf32> to vector<16xf32>
    %add3A_3485 = arith.addf %add3A_3479, %get3A_3484 : vector<16xf32>
    %get3A_3486 = arith.constant 544 : i32
    %get3A_3487 = arith.index_cast %get3A_3486 : i32 to index
    %get3A_3488 = arith.constant 0 : index
    %get3A_3489 = tpu.vector_load %arg6[%get3A_3487, %get3A_3488] {strides = array<i32>} : memref<640x16xf32, #tpu.memory_space<vmem>>, vector<1x16xf32>,
    %get3A_3490 = vector.shape_cast %get3A_3489 : vector<1x16xf32> to vector<16xf32>
    %add3A_3491 = arith.addf %add3A_3485, %get3A_3490 : vector<16xf32>
    %get3A_3492 = arith.constant 545 : i32
    %get3A_3493 = arith.index_cast %get3A_3492 : i32 to index
    %get3A_3494 = arith.constant 0 : index
    %get3A_3495 = tpu.vector_load %arg6[%get3A_3493, %get3A_3494] {strides = array<i32>} : memref<640x16xf32, #tpu.memory_space<vmem>>, vector<1x16xf32>,
    %get3A_3496 = vector.shape_cast %get3A_3495 : vector<1x16xf32> to vector<16xf32>
    %add3A_3497 = arith.addf %add3A_3491, %get3A_3496 : vector<16xf32>
    %get3A_3498 = arith.constant 546 : i32
    %get3A_3499 = arith.index_cast %get3A_3498 : i32 to index
    %get3A_3500 = arith.constant 0 : index
    %get3A_3501 = tpu.vector_load %arg6[%get3A_3499, %get3A_3500] {strides = array<i32>} : memref<640x16xf32, #tpu.memory_space<vmem>>, vector<1x16xf32>,
    %get3A_3502 = vector.shape_cast %get3A_3501 : vector<1x16xf32> to vector<16xf32>
    %add3A_3503 = arith.addf %add3A_3497, %get3A_3502 : vector<16xf32>
    %get3A_3504 = arith.constant 547 : i32
    %get3A_3505 = arith.index_cast %get3A_3504 : i32 to index
    %get3A_3506 = arith.constant 0 : index
    %get3A_3507 = tpu.vector_load %arg6[%get3A_3505, %get3A_3506] {strides = array<i32>} : memref<640x16xf32, #tpu.memory_space<vmem>>, vector<1x16xf32>,
    %get3A_3508 = vector.shape_cast %get3A_3507 : vector<1x16xf32> to vector<16xf32>
    %add3A_3509 = arith.addf %add3A_3503, %get3A_3508 : vector<16xf32>
    %get3A_3510 = arith.constant 548 : i32
    %get3A_3511 = arith.index_cast %get3A_3510 : i32 to index
    %get3A_3512 = arith.constant 0 : index
    %get3A_3513 = tpu.vector_load %arg6[%get3A_3511, %get3A_3512] {strides = array<i32>} : memref<640x16xf32, #tpu.memory_space<vmem>>, vector<1x16xf32>,
    %get3A_3514 = vector.shape_cast %get3A_3513 : vector<1x16xf32> to vector<16xf32>
    %add3A_3515 = arith.addf %add3A_3509, %get3A_3514 : vector<16xf32>
    %get3A_3516 = arith.constant 549 : i32
    %get3A_3517 = arith.index_cast %get3A_3516 : i32 to index
    %get3A_3518 = arith.constant 0 : index
    %get3A_3519 = tpu.vector_load %arg6[%get3A_3517, %get3A_3518] {strides = array<i32>} : memref<640x16xf32, #tpu.memory_space<vmem>>, vector<1x16xf32>,
    %get3A_3520 = vector.shape_cast %get3A_3519 : vector<1x16xf32> to vector<16xf32>
    %add3A_3521 = arith.addf %add3A_3515, %get3A_3520 : vector<16xf32>
    %get3A_3522 = arith.constant 550 : i32
    %get3A_3523 = arith.index_cast %get3A_3522 : i32 to index
    %get3A_3524 = arith.constant 0 : index
    %get3A_3525 = tpu.vector_load %arg6[%get3A_3523, %get3A_3524] {strides = array<i32>} : memref<640x16xf32, #tpu.memory_space<vmem>>, vector<1x16xf32>,
    %get3A_3526 = vector.shape_cast %get3A_3525 : vector<1x16xf32> to vector<16xf32>
    %add3A_3527 = arith.addf %add3A_3521, %get3A_3526 : vector<16xf32>
    %get3A_3528 = arith.constant 551 : i32
    %get3A_3529 = arith.index_cast %get3A_3528 : i32 to index
    %get3A_3530 = arith.constant 0 : index
    %get3A_3531 = tpu.vector_load %arg6[%get3A_3529, %get3A_3530] {strides = array<i32>} : memref<640x16xf32, #tpu.memory_space<vmem>>, vector<1x16xf32>,
    %get3A_3532 = vector.shape_cast %get3A_3531 : vector<1x16xf32> to vector<16xf32>
    %add3A_3533 = arith.addf %add3A_3527, %get3A_3532 : vector<16xf32>
    %get3A_3534 = arith.constant 552 : i32
    %get3A_3535 = arith.index_cast %get3A_3534 : i32 to index
    %get3A_3536 = arith.constant 0 : index
    %get3A_3537 = tpu.vector_load %arg6[%get3A_3535, %get3A_3536] {strides = array<i32>} : memref<640x16xf32, #tpu.memory_space<vmem>>, vector<1x16xf32>,
    %get3A_3538 = vector.shape_cast %get3A_3537 : vector<1x16xf32> to vector<16xf32>
    %add3A_3539 = arith.addf %add3A_3533, %get3A_3538 : vector<16xf32>
    %get3A_3540 = arith.constant 553 : i32
    %get3A_3541 = arith.index_cast %get3A_3540 : i32 to index
    %get3A_3542 = arith.constant 0 : index
    %get3A_3543 = tpu.vector_load %arg6[%get3A_3541, %get3A_3542] {strides = array<i32>} : memref<640x16xf32, #tpu.memory_space<vmem>>, vector<1x16xf32>,
    %get3A_3544 = vector.shape_cast %get3A_3543 : vector<1x16xf32> to vector<16xf32>
    %add3A_3545 = arith.addf %add3A_3539, %get3A_3544 : vector<16xf32>
    %get3A_3546 = arith.constant 554 : i32
    %get3A_3547 = arith.index_cast %get3A_3546 : i32 to index
    %get3A_3548 = arith.constant 0 : index
    %get3A_3549 = tpu.vector_load %arg6[%get3A_3547, %get3A_3548] {strides = array<i32>} : memref<640x16xf32, #tpu.memory_space<vmem>>, vector<1x16xf32>,
    %get3A_3550 = vector.shape_cast %get3A_3549 : vector<1x16xf32> to vector<16xf32>
    %add3A_3551 = arith.addf %add3A_3545, %get3A_3550 : vector<16xf32>
    %get3A_3552 = arith.constant 555 : i32
    %get3A_3553 = arith.index_cast %get3A_3552 : i32 to index
    %get3A_3554 = arith.constant 0 : index
    %get3A_3555 = tpu.vector_load %arg6[%get3A_3553, %get3A_3554] {strides = array<i32>} : memref<640x16xf32, #tpu.memory_space<vmem>>, vector<1x16xf32>,
    %get3A_3556 = vector.shape_cast %get3A_3555 : vector<1x16xf32> to vector<16xf32>
    %add3A_3557 = arith.addf %add3A_3551, %get3A_3556 : vector<16xf32>
    %get3A_3558 = arith.constant 556 : i32
    %get3A_3559 = arith.index_cast %get3A_3558 : i32 to index
    %get3A_3560 = arith.constant 0 : index
    %get3A_3561 = tpu.vector_load %arg6[%get3A_3559, %get3A_3560] {strides = array<i32>} : memref<640x16xf32, #tpu.memory_space<vmem>>, vector<1x16xf32>,
    %get3A_3562 = vector.shape_cast %get3A_3561 : vector<1x16xf32> to vector<16xf32>
    %add3A_3563 = arith.addf %add3A_3557, %get3A_3562 : vector<16xf32>
    %get3A_3564 = arith.constant 557 : i32
    %get3A_3565 = arith.index_cast %get3A_3564 : i32 to index
    %get3A_3566 = arith.constant 0 : index
    %get3A_3567 = tpu.vector_load %arg6[%get3A_3565, %get3A_3566] {strides = array<i32>} : memref<640x16xf32, #tpu.memory_space<vmem>>, vector<1x16xf32>,
    %get3A_3568 = vector.shape_cast %get3A_3567 : vector<1x16xf32> to vector<16xf32>
    %add3A_3569 = arith.addf %add3A_3563, %get3A_3568 : vector<16xf32>
    %get3A_3570 = arith.constant 558 : i32
    %get3A_3571 = arith.index_cast %get3A_3570 : i32 to index
    %get3A_3572 = arith.constant 0 : index
    %get3A_3573 = tpu.vector_load %arg6[%get3A_3571, %get3A_3572] {strides = array<i32>} : memref<640x16xf32, #tpu.memory_space<vmem>>, vector<1x16xf32>,
    %get3A_3574 = vector.shape_cast %get3A_3573 : vector<1x16xf32> to vector<16xf32>
    %add3A_3575 = arith.addf %add3A_3569, %get3A_3574 : vector<16xf32>
    %get3A_3576 = arith.constant 559 : i32
    %get3A_3577 = arith.index_cast %get3A_3576 : i32 to index
    %get3A_3578 = arith.constant 0 : index
    %get3A_3579 = tpu.vector_load %arg6[%get3A_3577, %get3A_3578] {strides = array<i32>} : memref<640x16xf32, #tpu.memory_space<vmem>>, vector<1x16xf32>,
    %get3A_3580 = vector.shape_cast %get3A_3579 : vector<1x16xf32> to vector<16xf32>
    %add3A_3581 = arith.addf %add3A_3575, %get3A_3580 : vector<16xf32>
    %mul3A_3582 = arith.constant 5.000000e-02 : f32
    %mul3A_3583 = vector.broadcast %mul3A_3582 : f32 to vector<16xf32>
    %mul3A_3584 = arith.mulf %add3A_3581, %mul3A_3583 : vector<16xf32>
    %swap3A_3585 = arith.constant 27 : i32
    %swap3A_3586 = arith.index_cast %swap3A_3585 : i32 to index
    %swap3A_3587 = arith.constant 0 : index
    %swap3A_3588 = tpu.vector_load %arg7[%swap3A_3586, %swap3A_3587] {strides = array<i32>} : memref<32x16xf32, #tpu.memory_space<vmem>>, vector<1x16xf32>,
    %swap3A_3589 = vector.shape_cast %swap3A_3588 : vector<1x16xf32> to vector<16xf32>
    %swap3A_3590 = vector.shape_cast %mul3A_3584 : vector<16xf32> to vector<1x16xf32>
    tpu.vector_store %arg7[%swap3A_3586, %swap3A_3587], %swap3A_3590 {strides = array<i32>} : memref<32x16xf32, #tpu.memory_space<vmem>>, vector<1x16xf32>,
    %get3A_3591 = arith.constant 560 : i32
    %get3A_3592 = arith.index_cast %get3A_3591 : i32 to index
    %get3A_3593 = arith.constant 0 : index
    %get3A_3594 = tpu.vector_load %arg6[%get3A_3592, %get3A_3593] {strides = array<i32>} : memref<640x16xf32, #tpu.memory_space<vmem>>, vector<1x16xf32>,
    %get3A_3595 = vector.shape_cast %get3A_3594 : vector<1x16xf32> to vector<16xf32>
    %get3A_3596 = arith.constant 561 : i32
    %get3A_3597 = arith.index_cast %get3A_3596 : i32 to index
    %get3A_3598 = arith.constant 0 : index
    %get3A_3599 = tpu.vector_load %arg6[%get3A_3597, %get3A_3598] {strides = array<i32>} : memref<640x16xf32, #tpu.memory_space<vmem>>, vector<1x16xf32>,
    %get3A_3600 = vector.shape_cast %get3A_3599 : vector<1x16xf32> to vector<16xf32>
    %add3A_3601 = arith.addf %get3A_3595, %get3A_3600 : vector<16xf32>
    %get3A_3602 = arith.constant 562 : i32
    %get3A_3603 = arith.index_cast %get3A_3602 : i32 to index
    %get3A_3604 = arith.constant 0 : index
    %get3A_3605 = tpu.vector_load %arg6[%get3A_3603, %get3A_3604] {strides = array<i32>} : memref<640x16xf32, #tpu.memory_space<vmem>>, vector<1x16xf32>,
    %get3A_3606 = vector.shape_cast %get3A_3605 : vector<1x16xf32> to vector<16xf32>
    %add3A_3607 = arith.addf %add3A_3601, %get3A_3606 : vector<16xf32>
    %get3A_3608 = arith.constant 563 : i32
    %get3A_3609 = arith.index_cast %get3A_3608 : i32 to index
    %get3A_3610 = arith.constant 0 : index
    %get3A_3611 = tpu.vector_load %arg6[%get3A_3609, %get3A_3610] {strides = array<i32>} : memref<640x16xf32, #tpu.memory_space<vmem>>, vector<1x16xf32>,
    %get3A_3612 = vector.shape_cast %get3A_3611 : vector<1x16xf32> to vector<16xf32>
    %add3A_3613 = arith.addf %add3A_3607, %get3A_3612 : vector<16xf32>
    %get3A_3614 = arith.constant 564 : i32
    %get3A_3615 = arith.index_cast %get3A_3614 : i32 to index
    %get3A_3616 = arith.constant 0 : index
    %get3A_3617 = tpu.vector_load %arg6[%get3A_3615, %get3A_3616] {strides = array<i32>} : memref<640x16xf32, #tpu.memory_space<vmem>>, vector<1x16xf32>,
    %get3A_3618 = vector.shape_cast %get3A_3617 : vector<1x16xf32> to vector<16xf32>
    %add3A_3619 = arith.addf %add3A_3613, %get3A_3618 : vector<16xf32>
    %get3A_3620 = arith.constant 565 : i32
    %get3A_3621 = arith.index_cast %get3A_3620 : i32 to index
    %get3A_3622 = arith.constant 0 : index
    %get3A_3623 = tpu.vector_load %arg6[%get3A_3621, %get3A_3622] {strides = array<i32>} : memref<640x16xf32, #tpu.memory_space<vmem>>, vector<1x16xf32>,
    %get3A_3624 = vector.shape_cast %get3A_3623 : vector<1x16xf32> to vector<16xf32>
    %add3A_3625 = arith.addf %add3A_3619, %get3A_3624 : vector<16xf32>
    %get3A_3626 = arith.constant 566 : i32
    %get3A_3627 = arith.index_cast %get3A_3626 : i32 to index
    %get3A_3628 = arith.constant 0 : index
    %get3A_3629 = tpu.vector_load %arg6[%get3A_3627, %get3A_3628] {strides = array<i32>} : memref<640x16xf32, #tpu.memory_space<vmem>>, vector<1x16xf32>,
    %get3A_3630 = vector.shape_cast %get3A_3629 : vector<1x16xf32> to vector<16xf32>
    %add3A_3631 = arith.addf %add3A_3625, %get3A_3630 : vector<16xf32>
    %get3A_3632 = arith.constant 567 : i32
    %get3A_3633 = arith.index_cast %get3A_3632 : i32 to index
    %get3A_3634 = arith.constant 0 : index
    %get3A_3635 = tpu.vector_load %arg6[%get3A_3633, %get3A_3634] {strides = array<i32>} : memref<640x16xf32, #tpu.memory_space<vmem>>, vector<1x16xf32>,
    %get3A_3636 = vector.shape_cast %get3A_3635 : vector<1x16xf32> to vector<16xf32>
    %add3A_3637 = arith.addf %add3A_3631, %get3A_3636 : vector<16xf32>
    %get3A_3638 = arith.constant 568 : i32
    %get3A_3639 = arith.index_cast %get3A_3638 : i32 to index
    %get3A_3640 = arith.constant 0 : index
    %get3A_3641 = tpu.vector_load %arg6[%get3A_3639, %get3A_3640] {strides = array<i32>} : memref<640x16xf32, #tpu.memory_space<vmem>>, vector<1x16xf32>,
    %get3A_3642 = vector.shape_cast %get3A_3641 : vector<1x16xf32> to vector<16xf32>
    %add3A_3643 = arith.addf %add3A_3637, %get3A_3642 : vector<16xf32>
    %get3A_3644 = arith.constant 569 : i32
    %get3A_3645 = arith.index_cast %get3A_3644 : i32 to index
    %get3A_3646 = arith.constant 0 : index
    %get3A_3647 = tpu.vector_load %arg6[%get3A_3645, %get3A_3646] {strides = array<i32>} : memref<640x16xf32, #tpu.memory_space<vmem>>, vector<1x16xf32>,
    %get3A_3648 = vector.shape_cast %get3A_3647 : vector<1x16xf32> to vector<16xf32>
    %add3A_3649 = arith.addf %add3A_3643, %get3A_3648 : vector<16xf32>
    %get3A_3650 = arith.constant 570 : i32
    %get3A_3651 = arith.index_cast %get3A_3650 : i32 to index
    %get3A_3652 = arith.constant 0 : index
    %get3A_3653 = tpu.vector_load %arg6[%get3A_3651, %get3A_3652] {strides = array<i32>} : memref<640x16xf32, #tpu.memory_space<vmem>>, vector<1x16xf32>,
    %get3A_3654 = vector.shape_cast %get3A_3653 : vector<1x16xf32> to vector<16xf32>
    %add3A_3655 = arith.addf %add3A_3649, %get3A_3654 : vector<16xf32>
    %get3A_3656 = arith.constant 571 : i32
    %get3A_3657 = arith.index_cast %get3A_3656 : i32 to index
    %get3A_3658 = arith.constant 0 : index
    %get3A_3659 = tpu.vector_load %arg6[%get3A_3657, %get3A_3658] {strides = array<i32>} : memref<640x16xf32, #tpu.memory_space<vmem>>, vector<1x16xf32>,
    %get3A_3660 = vector.shape_cast %get3A_3659 : vector<1x16xf32> to vector<16xf32>
    %add3A_3661 = arith.addf %add3A_3655, %get3A_3660 : vector<16xf32>
    %get3A_3662 = arith.constant 572 : i32
    %get3A_3663 = arith.index_cast %get3A_3662 : i32 to index
    %get3A_3664 = arith.constant 0 : index
    %get3A_3665 = tpu.vector_load %arg6[%get3A_3663, %get3A_3664] {strides = array<i32>} : memref<640x16xf32, #tpu.memory_space<vmem>>, vector<1x16xf32>,
    %get3A_3666 = vector.shape_cast %get3A_3665 : vector<1x16xf32> to vector<16xf32>
    %add3A_3667 = arith.addf %add3A_3661, %get3A_3666 : vector<16xf32>
    %get3A_3668 = arith.constant 573 : i32
    %get3A_3669 = arith.index_cast %get3A_3668 : i32 to index
    %get3A_3670 = arith.constant 0 : index
    %get3A_3671 = tpu.vector_load %arg6[%get3A_3669, %get3A_3670] {strides = array<i32>} : memref<640x16xf32, #tpu.memory_space<vmem>>, vector<1x16xf32>,
    %get3A_3672 = vector.shape_cast %get3A_3671 : vector<1x16xf32> to vector<16xf32>
    %add3A_3673 = arith.addf %add3A_3667, %get3A_3672 : vector<16xf32>
    %get3A_3674 = arith.constant 574 : i32
    %get3A_3675 = arith.index_cast %get3A_3674 : i32 to index
    %get3A_3676 = arith.constant 0 : index
    %get3A_3677 = tpu.vector_load %arg6[%get3A_3675, %get3A_3676] {strides = array<i32>} : memref<640x16xf32, #tpu.memory_space<vmem>>, vector<1x16xf32>,
    %get3A_3678 = vector.shape_cast %get3A_3677 : vector<1x16xf32> to vector<16xf32>
    %add3A_3679 = arith.addf %add3A_3673, %get3A_3678 : vector<16xf32>
    %get3A_3680 = arith.constant 575 : i32
    %get3A_3681 = arith.index_cast %get3A_3680 : i32 to index
    %get3A_3682 = arith.constant 0 : index
    %get3A_3683 = tpu.vector_load %arg6[%get3A_3681, %get3A_3682] {strides = array<i32>} : memref<640x16xf32, #tpu.memory_space<vmem>>, vector<1x16xf32>,
    %get3A_3684 = vector.shape_cast %get3A_3683 : vector<1x16xf32> to vector<16xf32>
    %add3A_3685 = arith.addf %add3A_3679, %get3A_3684 : vector<16xf32>
    %get3A_3686 = arith.constant 576 : i32
    %get3A_3687 = arith.index_cast %get3A_3686 : i32 to index
    %get3A_3688 = arith.constant 0 : index
    %get3A_3689 = tpu.vector_load %arg6[%get3A_3687, %get3A_3688] {strides = array<i32>} : memref<640x16xf32, #tpu.memory_space<vmem>>, vector<1x16xf32>,
    %get3A_3690 = vector.shape_cast %get3A_3689 : vector<1x16xf32> to vector<16xf32>
    %add3A_3691 = arith.addf %add3A_3685, %get3A_3690 : vector<16xf32>
    %get3A_3692 = arith.constant 577 : i32
    %get3A_3693 = arith.index_cast %get3A_3692 : i32 to index
    %get3A_3694 = arith.constant 0 : index
    %get3A_3695 = tpu.vector_load %arg6[%get3A_3693, %get3A_3694] {strides = array<i32>} : memref<640x16xf32, #tpu.memory_space<vmem>>, vector<1x16xf32>,
    %get3A_3696 = vector.shape_cast %get3A_3695 : vector<1x16xf32> to vector<16xf32>
    %add3A_3697 = arith.addf %add3A_3691, %get3A_3696 : vector<16xf32>
    %get3A_3698 = arith.constant 578 : i32
    %get3A_3699 = arith.index_cast %get3A_3698 : i32 to index
    %get3A_3700 = arith.constant 0 : index
    %get3A_3701 = tpu.vector_load %arg6[%get3A_3699, %get3A_3700] {strides = array<i32>} : memref<640x16xf32, #tpu.memory_space<vmem>>, vector<1x16xf32>,
    %get3A_3702 = vector.shape_cast %get3A_3701 : vector<1x16xf32> to vector<16xf32>
    %add3A_3703 = arith.addf %add3A_3697, %get3A_3702 : vector<16xf32>
    %get3A_3704 = arith.constant 579 : i32
    %get3A_3705 = arith.index_cast %get3A_3704 : i32 to index
    %get3A_3706 = arith.constant 0 : index
    %get3A_3707 = tpu.vector_load %arg6[%get3A_3705, %get3A_3706] {strides = array<i32>} : memref<640x16xf32, #tpu.memory_space<vmem>>, vector<1x16xf32>,
    %get3A_3708 = vector.shape_cast %get3A_3707 : vector<1x16xf32> to vector<16xf32>
    %add3A_3709 = arith.addf %add3A_3703, %get3A_3708 : vector<16xf32>
    %mul3A_3710 = arith.constant 5.000000e-02 : f32
    %mul3A_3711 = vector.broadcast %mul3A_3710 : f32 to vector<16xf32>
    %mul3A_3712 = arith.mulf %add3A_3709, %mul3A_3711 : vector<16xf32>
    %swap3A_3713 = arith.constant 28 : i32
    %swap3A_3714 = arith.index_cast %swap3A_3713 : i32 to index
    %swap3A_3715 = arith.constant 0 : index
    %swap3A_3716 = tpu.vector_load %arg7[%swap3A_3714, %swap3A_3715] {strides = array<i32>} : memref<32x16xf32, #tpu.memory_space<vmem>>, vector<1x16xf32>,
    %swap3A_3717 = vector.shape_cast %swap3A_3716 : vector<1x16xf32> to vector<16xf32>
    %swap3A_3718 = vector.shape_cast %mul3A_3712 : vector<16xf32> to vector<1x16xf32>
    tpu.vector_store %arg7[%swap3A_3714, %swap3A_3715], %swap3A_3718 {strides = array<i32>} : memref<32x16xf32, #tpu.memory_space<vmem>>, vector<1x16xf32>,
    %get3A_3719 = arith.constant 580 : i32
    %get3A_3720 = arith.index_cast %get3A_3719 : i32 to index
    %get3A_3721 = arith.constant 0 : index
    %get3A_3722 = tpu.vector_load %arg6[%get3A_3720, %get3A_3721] {strides = array<i32>} : memref<640x16xf32, #tpu.memory_space<vmem>>, vector<1x16xf32>,
    %get3A_3723 = vector.shape_cast %get3A_3722 : vector<1x16xf32> to vector<16xf32>
    %get3A_3724 = arith.constant 581 : i32
    %get3A_3725 = arith.index_cast %get3A_3724 : i32 to index
    %get3A_3726 = arith.constant 0 : index
    %get3A_3727 = tpu.vector_load %arg6[%get3A_3725, %get3A_3726] {strides = array<i32>} : memref<640x16xf32, #tpu.memory_space<vmem>>, vector<1x16xf32>,
    %get3A_3728 = vector.shape_cast %get3A_3727 : vector<1x16xf32> to vector<16xf32>
    %add3A_3729 = arith.addf %get3A_3723, %get3A_3728 : vector<16xf32>
    %get3A_3730 = arith.constant 582 : i32
    %get3A_3731 = arith.index_cast %get3A_3730 : i32 to index
    %get3A_3732 = arith.constant 0 : index
    %get3A_3733 = tpu.vector_load %arg6[%get3A_3731, %get3A_3732] {strides = array<i32>} : memref<640x16xf32, #tpu.memory_space<vmem>>, vector<1x16xf32>,
    %get3A_3734 = vector.shape_cast %get3A_3733 : vector<1x16xf32> to vector<16xf32>
    %add3A_3735 = arith.addf %add3A_3729, %get3A_3734 : vector<16xf32>
    %get3A_3736 = arith.constant 583 : i32
    %get3A_3737 = arith.index_cast %get3A_3736 : i32 to index
    %get3A_3738 = arith.constant 0 : index
    %get3A_3739 = tpu.vector_load %arg6[%get3A_3737, %get3A_3738] {strides = array<i32>} : memref<640x16xf32, #tpu.memory_space<vmem>>, vector<1x16xf32>,
    %get3A_3740 = vector.shape_cast %get3A_3739 : vector<1x16xf32> to vector<16xf32>
    %add3A_3741 = arith.addf %add3A_3735, %get3A_3740 : vector<16xf32>
    %get3A_3742 = arith.constant 584 : i32
    %get3A_3743 = arith.index_cast %get3A_3742 : i32 to index
    %get3A_3744 = arith.constant 0 : index
    %get3A_3745 = tpu.vector_load %arg6[%get3A_3743, %get3A_3744] {strides = array<i32>} : memref<640x16xf32, #tpu.memory_space<vmem>>, vector<1x16xf32>,
    %get3A_3746 = vector.shape_cast %get3A_3745 : vector<1x16xf32> to vector<16xf32>
    %add3A_3747 = arith.addf %add3A_3741, %get3A_3746 : vector<16xf32>
    %get3A_3748 = arith.constant 585 : i32
    %get3A_3749 = arith.index_cast %get3A_3748 : i32 to index
    %get3A_3750 = arith.constant 0 : index
    %get3A_3751 = tpu.vector_load %arg6[%get3A_3749, %get3A_3750] {strides = array<i32>} : memref<640x16xf32, #tpu.memory_space<vmem>>, vector<1x16xf32>,
    %get3A_3752 = vector.shape_cast %get3A_3751 : vector<1x16xf32> to vector<16xf32>
    %add3A_3753 = arith.addf %add3A_3747, %get3A_3752 : vector<16xf32>
    %get3A_3754 = arith.constant 586 : i32
    %get3A_3755 = arith.index_cast %get3A_3754 : i32 to index
    %get3A_3756 = arith.constant 0 : index
    %get3A_3757 = tpu.vector_load %arg6[%get3A_3755, %get3A_3756] {strides = array<i32>} : memref<640x16xf32, #tpu.memory_space<vmem>>, vector<1x16xf32>,
    %get3A_3758 = vector.shape_cast %get3A_3757 : vector<1x16xf32> to vector<16xf32>
    %add3A_3759 = arith.addf %add3A_3753, %get3A_3758 : vector<16xf32>
    %get3A_3760 = arith.constant 587 : i32
    %get3A_3761 = arith.index_cast %get3A_3760 : i32 to index
    %get3A_3762 = arith.constant 0 : index
    %get3A_3763 = tpu.vector_load %arg6[%get3A_3761, %get3A_3762] {strides = array<i32>} : memref<640x16xf32, #tpu.memory_space<vmem>>, vector<1x16xf32>,
    %get3A_3764 = vector.shape_cast %get3A_3763 : vector<1x16xf32> to vector<16xf32>
    %add3A_3765 = arith.addf %add3A_3759, %get3A_3764 : vector<16xf32>
    %get3A_3766 = arith.constant 588 : i32
    %get3A_3767 = arith.index_cast %get3A_3766 : i32 to index
    %get3A_3768 = arith.constant 0 : index
    %get3A_3769 = tpu.vector_load %arg6[%get3A_3767, %get3A_3768] {strides = array<i32>} : memref<640x16xf32, #tpu.memory_space<vmem>>, vector<1x16xf32>,
    %get3A_3770 = vector.shape_cast %get3A_3769 : vector<1x16xf32> to vector<16xf32>
    %add3A_3771 = arith.addf %add3A_3765, %get3A_3770 : vector<16xf32>
    %get3A_3772 = arith.constant 589 : i32
    %get3A_3773 = arith.index_cast %get3A_3772 : i32 to index
    %get3A_3774 = arith.constant 0 : index
    %get3A_3775 = tpu.vector_load %arg6[%get3A_3773, %get3A_3774] {strides = array<i32>} : memref<640x16xf32, #tpu.memory_space<vmem>>, vector<1x16xf32>,
    %get3A_3776 = vector.shape_cast %get3A_3775 : vector<1x16xf32> to vector<16xf32>
    %add3A_3777 = arith.addf %add3A_3771, %get3A_3776 : vector<16xf32>
    %get3A_3778 = arith.constant 590 : i32
    %get3A_3779 = arith.index_cast %get3A_3778 : i32 to index
    %get3A_3780 = arith.constant 0 : index
    %get3A_3781 = tpu.vector_load %arg6[%get3A_3779, %get3A_3780] {strides = array<i32>} : memref<640x16xf32, #tpu.memory_space<vmem>>, vector<1x16xf32>,
    %get3A_3782 = vector.shape_cast %get3A_3781 : vector<1x16xf32> to vector<16xf32>
    %add3A_3783 = arith.addf %add3A_3777, %get3A_3782 : vector<16xf32>
    %get3A_3784 = arith.constant 591 : i32
    %get3A_3785 = arith.index_cast %get3A_3784 : i32 to index
    %get3A_3786 = arith.constant 0 : index
    %get3A_3787 = tpu.vector_load %arg6[%get3A_3785, %get3A_3786] {strides = array<i32>} : memref<640x16xf32, #tpu.memory_space<vmem>>, vector<1x16xf32>,
    %get3A_3788 = vector.shape_cast %get3A_3787 : vector<1x16xf32> to vector<16xf32>
    %add3A_3789 = arith.addf %add3A_3783, %get3A_3788 : vector<16xf32>
    %get3A_3790 = arith.constant 592 : i32
    %get3A_3791 = arith.index_cast %get3A_3790 : i32 to index
    %get3A_3792 = arith.constant 0 : index
    %get3A_3793 = tpu.vector_load %arg6[%get3A_3791, %get3A_3792] {strides = array<i32>} : memref<640x16xf32, #tpu.memory_space<vmem>>, vector<1x16xf32>,
    %get3A_3794 = vector.shape_cast %get3A_3793 : vector<1x16xf32> to vector<16xf32>
    %add3A_3795 = arith.addf %add3A_3789, %get3A_3794 : vector<16xf32>
    %get3A_3796 = arith.constant 593 : i32
    %get3A_3797 = arith.index_cast %get3A_3796 : i32 to index
    %get3A_3798 = arith.constant 0 : index
    %get3A_3799 = tpu.vector_load %arg6[%get3A_3797, %get3A_3798] {strides = array<i32>} : memref<640x16xf32, #tpu.memory_space<vmem>>, vector<1x16xf32>,
    %get3A_3800 = vector.shape_cast %get3A_3799 : vector<1x16xf32> to vector<16xf32>
    %add3A_3801 = arith.addf %add3A_3795, %get3A_3800 : vector<16xf32>
    %get3A_3802 = arith.constant 594 : i32
    %get3A_3803 = arith.index_cast %get3A_3802 : i32 to index
    %get3A_3804 = arith.constant 0 : index
    %get3A_3805 = tpu.vector_load %arg6[%get3A_3803, %get3A_3804] {strides = array<i32>} : memref<640x16xf32, #tpu.memory_space<vmem>>, vector<1x16xf32>,
    %get3A_3806 = vector.shape_cast %get3A_3805 : vector<1x16xf32> to vector<16xf32>
    %add3A_3807 = arith.addf %add3A_3801, %get3A_3806 : vector<16xf32>
    %get3A_3808 = arith.constant 595 : i32
    %get3A_3809 = arith.index_cast %get3A_3808 : i32 to index
    %get3A_3810 = arith.constant 0 : index
    %get3A_3811 = tpu.vector_load %arg6[%get3A_3809, %get3A_3810] {strides = array<i32>} : memref<640x16xf32, #tpu.memory_space<vmem>>, vector<1x16xf32>,
    %get3A_3812 = vector.shape_cast %get3A_3811 : vector<1x16xf32> to vector<16xf32>
    %add3A_3813 = arith.addf %add3A_3807, %get3A_3812 : vector<16xf32>
    %get3A_3814 = arith.constant 596 : i32
    %get3A_3815 = arith.index_cast %get3A_3814 : i32 to index
    %get3A_3816 = arith.constant 0 : index
    %get3A_3817 = tpu.vector_load %arg6[%get3A_3815, %get3A_3816] {strides = array<i32>} : memref<640x16xf32, #tpu.memory_space<vmem>>, vector<1x16xf32>,
    %get3A_3818 = vector.shape_cast %get3A_3817 : vector<1x16xf32> to vector<16xf32>
    %add3A_3819 = arith.addf %add3A_3813, %get3A_3818 : vector<16xf32>
    %get3A_3820 = arith.constant 597 : i32
    %get3A_3821 = arith.index_cast %get3A_3820 : i32 to index
    %get3A_3822 = arith.constant 0 : index
    %get3A_3823 = tpu.vector_load %arg6[%get3A_3821, %get3A_3822] {strides = array<i32>} : memref<640x16xf32, #tpu.memory_space<vmem>>, vector<1x16xf32>,
    %get3A_3824 = vector.shape_cast %get3A_3823 : vector<1x16xf32> to vector<16xf32>
    %add3A_3825 = arith.addf %add3A_3819, %get3A_3824 : vector<16xf32>
    %get3A_3826 = arith.constant 598 : i32
    %get3A_3827 = arith.index_cast %get3A_3826 : i32 to index
    %get3A_3828 = arith.constant 0 : index
    %get3A_3829 = tpu.vector_load %arg6[%get3A_3827, %get3A_3828] {strides = array<i32>} : memref<640x16xf32, #tpu.memory_space<vmem>>, vector<1x16xf32>,
    %get3A_3830 = vector.shape_cast %get3A_3829 : vector<1x16xf32> to vector<16xf32>
    %add3A_3831 = arith.addf %add3A_3825, %get3A_3830 : vector<16xf32>
    %get3A_3832 = arith.constant 599 : i32
    %get3A_3833 = arith.index_cast %get3A_3832 : i32 to index
    %get3A_3834 = arith.constant 0 : index
    %get3A_3835 = tpu.vector_load %arg6[%get3A_3833, %get3A_3834] {strides = array<i32>} : memref<640x16xf32, #tpu.memory_space<vmem>>, vector<1x16xf32>,
    %get3A_3836 = vector.shape_cast %get3A_3835 : vector<1x16xf32> to vector<16xf32>
    %add3A_3837 = arith.addf %add3A_3831, %get3A_3836 : vector<16xf32>
    %mul3A_3838 = arith.constant 5.000000e-02 : f32
    %mul3A_3839 = vector.broadcast %mul3A_3838 : f32 to vector<16xf32>
    %mul3A_3840 = arith.mulf %add3A_3837, %mul3A_3839 : vector<16xf32>
    %swap3A_3841 = arith.constant 29 : i32
    %swap3A_3842 = arith.index_cast %swap3A_3841 : i32 to index
    %swap3A_3843 = arith.constant 0 : index
    %swap3A_3844 = tpu.vector_load %arg7[%swap3A_3842, %swap3A_3843] {strides = array<i32>} : memref<32x16xf32, #tpu.memory_space<vmem>>, vector<1x16xf32>,
    %swap3A_3845 = vector.shape_cast %swap3A_3844 : vector<1x16xf32> to vector<16xf32>
    %swap3A_3846 = vector.shape_cast %mul3A_3840 : vector<16xf32> to vector<1x16xf32>
    tpu.vector_store %arg7[%swap3A_3842, %swap3A_3843], %swap3A_3846 {strides = array<i32>} : memref<32x16xf32, #tpu.memory_space<vmem>>, vector<1x16xf32>,
    %get3A_3847 = arith.constant 600 : i32
    %get3A_3848 = arith.index_cast %get3A_3847 : i32 to index
    %get3A_3849 = arith.constant 0 : index
    %get3A_3850 = tpu.vector_load %arg6[%get3A_3848, %get3A_3849] {strides = array<i32>} : memref<640x16xf32, #tpu.memory_space<vmem>>, vector<1x16xf32>,
    %get3A_3851 = vector.shape_cast %get3A_3850 : vector<1x16xf32> to vector<16xf32>
    %get3A_3852 = arith.constant 601 : i32
    %get3A_3853 = arith.index_cast %get3A_3852 : i32 to index
    %get3A_3854 = arith.constant 0 : index
    %get3A_3855 = tpu.vector_load %arg6[%get3A_3853, %get3A_3854] {strides = array<i32>} : memref<640x16xf32, #tpu.memory_space<vmem>>, vector<1x16xf32>,
    %get3A_3856 = vector.shape_cast %get3A_3855 : vector<1x16xf32> to vector<16xf32>
    %add3A_3857 = arith.addf %get3A_3851, %get3A_3856 : vector<16xf32>
    %get3A_3858 = arith.constant 602 : i32
    %get3A_3859 = arith.index_cast %get3A_3858 : i32 to index
    %get3A_3860 = arith.constant 0 : index
    %get3A_3861 = tpu.vector_load %arg6[%get3A_3859, %get3A_3860] {strides = array<i32>} : memref<640x16xf32, #tpu.memory_space<vmem>>, vector<1x16xf32>,
    %get3A_3862 = vector.shape_cast %get3A_3861 : vector<1x16xf32> to vector<16xf32>
    %add3A_3863 = arith.addf %add3A_3857, %get3A_3862 : vector<16xf32>
    %get3A_3864 = arith.constant 603 : i32
    %get3A_3865 = arith.index_cast %get3A_3864 : i32 to index
    %get3A_3866 = arith.constant 0 : index
    %get3A_3867 = tpu.vector_load %arg6[%get3A_3865, %get3A_3866] {strides = array<i32>} : memref<640x16xf32, #tpu.memory_space<vmem>>, vector<1x16xf32>,
    %get3A_3868 = vector.shape_cast %get3A_3867 : vector<1x16xf32> to vector<16xf32>
    %add3A_3869 = arith.addf %add3A_3863, %get3A_3868 : vector<16xf32>
    %get3A_3870 = arith.constant 604 : i32
    %get3A_3871 = arith.index_cast %get3A_3870 : i32 to index
    %get3A_3872 = arith.constant 0 : index
    %get3A_3873 = tpu.vector_load %arg6[%get3A_3871, %get3A_3872] {strides = array<i32>} : memref<640x16xf32, #tpu.memory_space<vmem>>, vector<1x16xf32>,
    %get3A_3874 = vector.shape_cast %get3A_3873 : vector<1x16xf32> to vector<16xf32>
    %add3A_3875 = arith.addf %add3A_3869, %get3A_3874 : vector<16xf32>
    %get3A_3876 = arith.constant 605 : i32
    %get3A_3877 = arith.index_cast %get3A_3876 : i32 to index
    %get3A_3878 = arith.constant 0 : index
    %get3A_3879 = tpu.vector_load %arg6[%get3A_3877, %get3A_3878] {strides = array<i32>} : memref<640x16xf32, #tpu.memory_space<vmem>>, vector<1x16xf32>,
    %get3A_3880 = vector.shape_cast %get3A_3879 : vector<1x16xf32> to vector<16xf32>
    %add3A_3881 = arith.addf %add3A_3875, %get3A_3880 : vector<16xf32>
    %get3A_3882 = arith.constant 606 : i32
    %get3A_3883 = arith.index_cast %get3A_3882 : i32 to index
    %get3A_3884 = arith.constant 0 : index
    %get3A_3885 = tpu.vector_load %arg6[%get3A_3883, %get3A_3884] {strides = array<i32>} : memref<640x16xf32, #tpu.memory_space<vmem>>, vector<1x16xf32>,
    %get3A_3886 = vector.shape_cast %get3A_3885 : vector<1x16xf32> to vector<16xf32>
    %add3A_3887 = arith.addf %add3A_3881, %get3A_3886 : vector<16xf32>
    %get3A_3888 = arith.constant 607 : i32
    %get3A_3889 = arith.index_cast %get3A_3888 : i32 to index
    %get3A_3890 = arith.constant 0 : index
    %get3A_3891 = tpu.vector_load %arg6[%get3A_3889, %get3A_3890] {strides = array<i32>} : memref<640x16xf32, #tpu.memory_space<vmem>>, vector<1x16xf32>,
    %get3A_3892 = vector.shape_cast %get3A_3891 : vector<1x16xf32> to vector<16xf32>
    %add3A_3893 = arith.addf %add3A_3887, %get3A_3892 : vector<16xf32>
    %get3A_3894 = arith.constant 608 : i32
    %get3A_3895 = arith.index_cast %get3A_3894 : i32 to index
    %get3A_3896 = arith.constant 0 : index
    %get3A_3897 = tpu.vector_load %arg6[%get3A_3895, %get3A_3896] {strides = array<i32>} : memref<640x16xf32, #tpu.memory_space<vmem>>, vector<1x16xf32>,
    %get3A_3898 = vector.shape_cast %get3A_3897 : vector<1x16xf32> to vector<16xf32>
    %add3A_3899 = arith.addf %add3A_3893, %get3A_3898 : vector<16xf32>
    %get3A_3900 = arith.constant 609 : i32
    %get3A_3901 = arith.index_cast %get3A_3900 : i32 to index
    %get3A_3902 = arith.constant 0 : index
    %get3A_3903 = tpu.vector_load %arg6[%get3A_3901, %get3A_3902] {strides = array<i32>} : memref<640x16xf32, #tpu.memory_space<vmem>>, vector<1x16xf32>,
    %get3A_3904 = vector.shape_cast %get3A_3903 : vector<1x16xf32> to vector<16xf32>
    %add3A_3905 = arith.addf %add3A_3899, %get3A_3904 : vector<16xf32>
    %get3A_3906 = arith.constant 610 : i32
    %get3A_3907 = arith.index_cast %get3A_3906 : i32 to index
    %get3A_3908 = arith.constant 0 : index
    %get3A_3909 = tpu.vector_load %arg6[%get3A_3907, %get3A_3908] {strides = array<i32>} : memref<640x16xf32, #tpu.memory_space<vmem>>, vector<1x16xf32>,
    %get3A_3910 = vector.shape_cast %get3A_3909 : vector<1x16xf32> to vector<16xf32>
    %add3A_3911 = arith.addf %add3A_3905, %get3A_3910 : vector<16xf32>
    %get3A_3912 = arith.constant 611 : i32
    %get3A_3913 = arith.index_cast %get3A_3912 : i32 to index
    %get3A_3914 = arith.constant 0 : index
    %get3A_3915 = tpu.vector_load %arg6[%get3A_3913, %get3A_3914] {strides = array<i32>} : memref<640x16xf32, #tpu.memory_space<vmem>>, vector<1x16xf32>,
    %get3A_3916 = vector.shape_cast %get3A_3915 : vector<1x16xf32> to vector<16xf32>
    %add3A_3917 = arith.addf %add3A_3911, %get3A_3916 : vector<16xf32>
    %get3A_3918 = arith.constant 612 : i32
    %get3A_3919 = arith.index_cast %get3A_3918 : i32 to index
    %get3A_3920 = arith.constant 0 : index
    %get3A_3921 = tpu.vector_load %arg6[%get3A_3919, %get3A_3920] {strides = array<i32>} : memref<640x16xf32, #tpu.memory_space<vmem>>, vector<1x16xf32>,
    %get3A_3922 = vector.shape_cast %get3A_3921 : vector<1x16xf32> to vector<16xf32>
    %add3A_3923 = arith.addf %add3A_3917, %get3A_3922 : vector<16xf32>
    %get3A_3924 = arith.constant 613 : i32
    %get3A_3925 = arith.index_cast %get3A_3924 : i32 to index
    %get3A_3926 = arith.constant 0 : index
    %get3A_3927 = tpu.vector_load %arg6[%get3A_3925, %get3A_3926] {strides = array<i32>} : memref<640x16xf32, #tpu.memory_space<vmem>>, vector<1x16xf32>,
    %get3A_3928 = vector.shape_cast %get3A_3927 : vector<1x16xf32> to vector<16xf32>
    %add3A_3929 = arith.addf %add3A_3923, %get3A_3928 : vector<16xf32>
    %get3A_3930 = arith.constant 614 : i32
    %get3A_3931 = arith.index_cast %get3A_3930 : i32 to index
    %get3A_3932 = arith.constant 0 : index
    %get3A_3933 = tpu.vector_load %arg6[%get3A_3931, %get3A_3932] {strides = array<i32>} : memref<640x16xf32, #tpu.memory_space<vmem>>, vector<1x16xf32>,
    %get3A_3934 = vector.shape_cast %get3A_3933 : vector<1x16xf32> to vector<16xf32>
    %add3A_3935 = arith.addf %add3A_3929, %get3A_3934 : vector<16xf32>
    %get3A_3936 = arith.constant 615 : i32
    %get3A_3937 = arith.index_cast %get3A_3936 : i32 to index
    %get3A_3938 = arith.constant 0 : index
    %get3A_3939 = tpu.vector_load %arg6[%get3A_3937, %get3A_3938] {strides = array<i32>} : memref<640x16xf32, #tpu.memory_space<vmem>>, vector<1x16xf32>,
    %get3A_3940 = vector.shape_cast %get3A_3939 : vector<1x16xf32> to vector<16xf32>
    %add3A_3941 = arith.addf %add3A_3935, %get3A_3940 : vector<16xf32>
    %get3A_3942 = arith.constant 616 : i32
    %get3A_3943 = arith.index_cast %get3A_3942 : i32 to index
    %get3A_3944 = arith.constant 0 : index
    %get3A_3945 = tpu.vector_load %arg6[%get3A_3943, %get3A_3944] {strides = array<i32>} : memref<640x16xf32, #tpu.memory_space<vmem>>, vector<1x16xf32>,
    %get3A_3946 = vector.shape_cast %get3A_3945 : vector<1x16xf32> to vector<16xf32>
    %add3A_3947 = arith.addf %add3A_3941, %get3A_3946 : vector<16xf32>
    %get3A_3948 = arith.constant 617 : i32
    %get3A_3949 = arith.index_cast %get3A_3948 : i32 to index
    %get3A_3950 = arith.constant 0 : index
    %get3A_3951 = tpu.vector_load %arg6[%get3A_3949, %get3A_3950] {strides = array<i32>} : memref<640x16xf32, #tpu.memory_space<vmem>>, vector<1x16xf32>,
    %get3A_3952 = vector.shape_cast %get3A_3951 : vector<1x16xf32> to vector<16xf32>
    %add3A_3953 = arith.addf %add3A_3947, %get3A_3952 : vector<16xf32>
    %get3A_3954 = arith.constant 618 : i32
    %get3A_3955 = arith.index_cast %get3A_3954 : i32 to index
    %get3A_3956 = arith.constant 0 : index
    %get3A_3957 = tpu.vector_load %arg6[%get3A_3955, %get3A_3956] {strides = array<i32>} : memref<640x16xf32, #tpu.memory_space<vmem>>, vector<1x16xf32>,
    %get3A_3958 = vector.shape_cast %get3A_3957 : vector<1x16xf32> to vector<16xf32>
    %add3A_3959 = arith.addf %add3A_3953, %get3A_3958 : vector<16xf32>
    %get3A_3960 = arith.constant 619 : i32
    %get3A_3961 = arith.index_cast %get3A_3960 : i32 to index
    %get3A_3962 = arith.constant 0 : index
    %get3A_3963 = tpu.vector_load %arg6[%get3A_3961, %get3A_3962] {strides = array<i32>} : memref<640x16xf32, #tpu.memory_space<vmem>>, vector<1x16xf32>,
    %get3A_3964 = vector.shape_cast %get3A_3963 : vector<1x16xf32> to vector<16xf32>
    %add3A_3965 = arith.addf %add3A_3959, %get3A_3964 : vector<16xf32>
    %mul3A_3966 = arith.constant 5.000000e-02 : f32
    %mul3A_3967 = vector.broadcast %mul3A_3966 : f32 to vector<16xf32>
    %mul3A_3968 = arith.mulf %add3A_3965, %mul3A_3967 : vector<16xf32>
    %swap3A_3969 = arith.constant 30 : i32
    %swap3A_3970 = arith.index_cast %swap3A_3969 : i32 to index
    %swap3A_3971 = arith.constant 0 : index
    %swap3A_3972 = tpu.vector_load %arg7[%swap3A_3970, %swap3A_3971] {strides = array<i32>} : memref<32x16xf32, #tpu.memory_space<vmem>>, vector<1x16xf32>,
    %swap3A_3973 = vector.shape_cast %swap3A_3972 : vector<1x16xf32> to vector<16xf32>
    %swap3A_3974 = vector.shape_cast %mul3A_3968 : vector<16xf32> to vector<1x16xf32>
    tpu.vector_store %arg7[%swap3A_3970, %swap3A_3971], %swap3A_3974 {strides = array<i32>} : memref<32x16xf32, #tpu.memory_space<vmem>>, vector<1x16xf32>,
    %get3A_3975 = arith.constant 620 : i32
    %get3A_3976 = arith.index_cast %get3A_3975 : i32 to index
    %get3A_3977 = arith.constant 0 : index
    %get3A_3978 = tpu.vector_load %arg6[%get3A_3976, %get3A_3977] {strides = array<i32>} : memref<640x16xf32, #tpu.memory_space<vmem>>, vector<1x16xf32>,
    %get3A_3979 = vector.shape_cast %get3A_3978 : vector<1x16xf32> to vector<16xf32>
    %get3A_3980 = arith.constant 621 : i32
    %get3A_3981 = arith.index_cast %get3A_3980 : i32 to index
    %get3A_3982 = arith.constant 0 : index
    %get3A_3983 = tpu.vector_load %arg6[%get3A_3981, %get3A_3982] {strides = array<i32>} : memref<640x16xf32, #tpu.memory_space<vmem>>, vector<1x16xf32>,
    %get3A_3984 = vector.shape_cast %get3A_3983 : vector<1x16xf32> to vector<16xf32>
    %add3A_3985 = arith.addf %get3A_3979, %get3A_3984 : vector<16xf32>
    %get3A_3986 = arith.constant 622 : i32
    %get3A_3987 = arith.index_cast %get3A_3986 : i32 to index
    %get3A_3988 = arith.constant 0 : index
    %get3A_3989 = tpu.vector_load %arg6[%get3A_3987, %get3A_3988] {strides = array<i32>} : memref<640x16xf32, #tpu.memory_space<vmem>>, vector<1x16xf32>,
    %get3A_3990 = vector.shape_cast %get3A_3989 : vector<1x16xf32> to vector<16xf32>
    %add3A_3991 = arith.addf %add3A_3985, %get3A_3990 : vector<16xf32>
    %get3A_3992 = arith.constant 623 : i32
    %get3A_3993 = arith.index_cast %get3A_3992 : i32 to index
    %get3A_3994 = arith.constant 0 : index
    %get3A_3995 = tpu.vector_load %arg6[%get3A_3993, %get3A_3994] {strides = array<i32>} : memref<640x16xf32, #tpu.memory_space<vmem>>, vector<1x16xf32>,
    %get3A_3996 = vector.shape_cast %get3A_3995 : vector<1x16xf32> to vector<16xf32>
    %add3A_3997 = arith.addf %add3A_3991, %get3A_3996 : vector<16xf32>
    %get3A_3998 = arith.constant 624 : i32
    %get3A_3999 = arith.index_cast %get3A_3998 : i32 to index
    %get3A_4000 = arith.constant 0 : index
    %get3A_4001 = tpu.vector_load %arg6[%get3A_3999, %get3A_4000] {strides = array<i32>} : memref<640x16xf32, #tpu.memory_space<vmem>>, vector<1x16xf32>,
    %get3A_4002 = vector.shape_cast %get3A_4001 : vector<1x16xf32> to vector<16xf32>
    %add3A_4003 = arith.addf %add3A_3997, %get3A_4002 : vector<16xf32>
    %get3A_4004 = arith.constant 625 : i32
    %get3A_4005 = arith.index_cast %get3A_4004 : i32 to index
    %get3A_4006 = arith.constant 0 : index
    %get3A_4007 = tpu.vector_load %arg6[%get3A_4005, %get3A_4006] {strides = array<i32>} : memref<640x16xf32, #tpu.memory_space<vmem>>, vector<1x16xf32>,
    %get3A_4008 = vector.shape_cast %get3A_4007 : vector<1x16xf32> to vector<16xf32>
    %add3A_4009 = arith.addf %add3A_4003, %get3A_4008 : vector<16xf32>
    %get3A_4010 = arith.constant 626 : i32
    %get3A_4011 = arith.index_cast %get3A_4010 : i32 to index
    %get3A_4012 = arith.constant 0 : index
    %get3A_4013 = tpu.vector_load %arg6[%get3A_4011, %get3A_4012] {strides = array<i32>} : memref<640x16xf32, #tpu.memory_space<vmem>>, vector<1x16xf32>,
    %get3A_4014 = vector.shape_cast %get3A_4013 : vector<1x16xf32> to vector<16xf32>
    %add3A_4015 = arith.addf %add3A_4009, %get3A_4014 : vector<16xf32>
    %get3A_4016 = arith.constant 627 : i32
    %get3A_4017 = arith.index_cast %get3A_4016 : i32 to index
    %get3A_4018 = arith.constant 0 : index
    %get3A_4019 = tpu.vector_load %arg6[%get3A_4017, %get3A_4018] {strides = array<i32>} : memref<640x16xf32, #tpu.memory_space<vmem>>, vector<1x16xf32>,
    %get3A_4020 = vector.shape_cast %get3A_4019 : vector<1x16xf32> to vector<16xf32>
    %add3A_4021 = arith.addf %add3A_4015, %get3A_4020 : vector<16xf32>
    %get3A_4022 = arith.constant 628 : i32
    %get3A_4023 = arith.index_cast %get3A_4022 : i32 to index
    %get3A_4024 = arith.constant 0 : index
    %get3A_4025 = tpu.vector_load %arg6[%get3A_4023, %get3A_4024] {strides = array<i32>} : memref<640x16xf32, #tpu.memory_space<vmem>>, vector<1x16xf32>,
    %get3A_4026 = vector.shape_cast %get3A_4025 : vector<1x16xf32> to vector<16xf32>
    %add3A_4027 = arith.addf %add3A_4021, %get3A_4026 : vector<16xf32>
    %get3A_4028 = arith.constant 629 : i32
    %get3A_4029 = arith.index_cast %get3A_4028 : i32 to index
    %get3A_4030 = arith.constant 0 : index
    %get3A_4031 = tpu.vector_load %arg6[%get3A_4029, %get3A_4030] {strides = array<i32>} : memref<640x16xf32, #tpu.memory_space<vmem>>, vector<1x16xf32>,
    %get3A_4032 = vector.shape_cast %get3A_4031 : vector<1x16xf32> to vector<16xf32>
    %add3A_4033 = arith.addf %add3A_4027, %get3A_4032 : vector<16xf32>
    %get3A_4034 = arith.constant 630 : i32
    %get3A_4035 = arith.index_cast %get3A_4034 : i32 to index
    %get3A_4036 = arith.constant 0 : index
    %get3A_4037 = tpu.vector_load %arg6[%get3A_4035, %get3A_4036] {strides = array<i32>} : memref<640x16xf32, #tpu.memory_space<vmem>>, vector<1x16xf32>,
    %get3A_4038 = vector.shape_cast %get3A_4037 : vector<1x16xf32> to vector<16xf32>
    %add3A_4039 = arith.addf %add3A_4033, %get3A_4038 : vector<16xf32>
    %get3A_4040 = arith.constant 631 : i32
    %get3A_4041 = arith.index_cast %get3A_4040 : i32 to index
    %get3A_4042 = arith.constant 0 : index
    %get3A_4043 = tpu.vector_load %arg6[%get3A_4041, %get3A_4042] {strides = array<i32>} : memref<640x16xf32, #tpu.memory_space<vmem>>, vector<1x16xf32>,
    %get3A_4044 = vector.shape_cast %get3A_4043 : vector<1x16xf32> to vector<16xf32>
    %add3A_4045 = arith.addf %add3A_4039, %get3A_4044 : vector<16xf32>
    %get3A_4046 = arith.constant 632 : i32
    %get3A_4047 = arith.index_cast %get3A_4046 : i32 to index
    %get3A_4048 = arith.constant 0 : index
    %get3A_4049 = tpu.vector_load %arg6[%get3A_4047, %get3A_4048] {strides = array<i32>} : memref<640x16xf32, #tpu.memory_space<vmem>>, vector<1x16xf32>,
    %get3A_4050 = vector.shape_cast %get3A_4049 : vector<1x16xf32> to vector<16xf32>
    %add3A_4051 = arith.addf %add3A_4045, %get3A_4050 : vector<16xf32>
    %get3A_4052 = arith.constant 633 : i32
    %get3A_4053 = arith.index_cast %get3A_4052 : i32 to index
    %get3A_4054 = arith.constant 0 : index
    %get3A_4055 = tpu.vector_load %arg6[%get3A_4053, %get3A_4054] {strides = array<i32>} : memref<640x16xf32, #tpu.memory_space<vmem>>, vector<1x16xf32>,
    %get3A_4056 = vector.shape_cast %get3A_4055 : vector<1x16xf32> to vector<16xf32>
    %add3A_4057 = arith.addf %add3A_4051, %get3A_4056 : vector<16xf32>
    %get3A_4058 = arith.constant 634 : i32
    %get3A_4059 = arith.index_cast %get3A_4058 : i32 to index
    %get3A_4060 = arith.constant 0 : index
    %get3A_4061 = tpu.vector_load %arg6[%get3A_4059, %get3A_4060] {strides = array<i32>} : memref<640x16xf32, #tpu.memory_space<vmem>>, vector<1x16xf32>,
    %get3A_4062 = vector.shape_cast %get3A_4061 : vector<1x16xf32> to vector<16xf32>
    %add3A_4063 = arith.addf %add3A_4057, %get3A_4062 : vector<16xf32>
    %get3A_4064 = arith.constant 635 : i32
    %get3A_4065 = arith.index_cast %get3A_4064 : i32 to index
    %get3A_4066 = arith.constant 0 : index
    %get3A_4067 = tpu.vector_load %arg6[%get3A_4065, %get3A_4066] {strides = array<i32>} : memref<640x16xf32, #tpu.memory_space<vmem>>, vector<1x16xf32>,
    %get3A_4068 = vector.shape_cast %get3A_4067 : vector<1x16xf32> to vector<16xf32>
    %add3A_4069 = arith.addf %add3A_4063, %get3A_4068 : vector<16xf32>
    %get3A_4070 = arith.constant 636 : i32
    %get3A_4071 = arith.index_cast %get3A_4070 : i32 to index
    %get3A_4072 = arith.constant 0 : index
    %get3A_4073 = tpu.vector_load %arg6[%get3A_4071, %get3A_4072] {strides = array<i32>} : memref<640x16xf32, #tpu.memory_space<vmem>>, vector<1x16xf32>,
    %get3A_4074 = vector.shape_cast %get3A_4073 : vector<1x16xf32> to vector<16xf32>
    %add3A_4075 = arith.addf %add3A_4069, %get3A_4074 : vector<16xf32>
    %get3A_4076 = arith.constant 637 : i32
    %get3A_4077 = arith.index_cast %get3A_4076 : i32 to index
    %get3A_4078 = arith.constant 0 : index
    %get3A_4079 = tpu.vector_load %arg6[%get3A_4077, %get3A_4078] {strides = array<i32>} : memref<640x16xf32, #tpu.memory_space<vmem>>, vector<1x16xf32>,
    %get3A_4080 = vector.shape_cast %get3A_4079 : vector<1x16xf32> to vector<16xf32>
    %add3A_4081 = arith.addf %add3A_4075, %get3A_4080 : vector<16xf32>
    %get3A_4082 = arith.constant 638 : i32
    %get3A_4083 = arith.index_cast %get3A_4082 : i32 to index
    %get3A_4084 = arith.constant 0 : index
    %get3A_4085 = tpu.vector_load %arg6[%get3A_4083, %get3A_4084] {strides = array<i32>} : memref<640x16xf32, #tpu.memory_space<vmem>>, vector<1x16xf32>,
    %get3A_4086 = vector.shape_cast %get3A_4085 : vector<1x16xf32> to vector<16xf32>
    %add3A_4087 = arith.addf %add3A_4081, %get3A_4086 : vector<16xf32>
    %get3A_4088 = arith.constant 639 : i32
    %get3A_4089 = arith.index_cast %get3A_4088 : i32 to index
    %get3A_4090 = arith.constant 0 : index
    %get3A_4091 = tpu.vector_load %arg6[%get3A_4089, %get3A_4090] {strides = array<i32>} : memref<640x16xf32, #tpu.memory_space<vmem>>, vector<1x16xf32>,
    %get3A_4092 = vector.shape_cast %get3A_4091 : vector<1x16xf32> to vector<16xf32>
    %add3A_4093 = arith.addf %add3A_4087, %get3A_4092 : vector<16xf32>
    %mul3A_4094 = arith.constant 5.000000e-02 : f32
    %mul3A_4095 = vector.broadcast %mul3A_4094 : f32 to vector<16xf32>
    %mul3A_4096 = arith.mulf %add3A_4093, %mul3A_4095 : vector<16xf32>
    %swap3A_4097 = arith.constant 31 : i32
    %swap3A_4098 = arith.index_cast %swap3A_4097 : i32 to index
    %swap3A_4099 = arith.constant 0 : index
    %swap3A_4100 = tpu.vector_load %arg7[%swap3A_4098, %swap3A_4099] {strides = array<i32>} : memref<32x16xf32, #tpu.memory_space<vmem>>, vector<1x16xf32>,
    %swap3A_4101 = vector.shape_cast %swap3A_4100 : vector<1x16xf32> to vector<16xf32>
    %swap3A_4102 = vector.shape_cast %mul3A_4096 : vector<16xf32> to vector<1x16xf32>
    tpu.vector_store %arg7[%swap3A_4098, %swap3A_4099], %swap3A_4102 {strides = array<i32>} : memref<32x16xf32, #tpu.memory_space<vmem>>, vector<1x16xf32>,
    "tpu.region"() ({
      %run_scoped3A = tpu.sem_alloc : memref<!tpu.dma_semaphore, #tpu.memory_space<semaphore_mem>>
      %dma_start3A_4103 = arith.constant 0 : i32
      %dma_start3A_4104 = tpu.memref_slice %arg4[%mul3A_2, %dma_start3A_4103] : memref<1024x16xf32, #tpu.memory_space<hbm>> -> memref<32x16xf32, #tpu.memory_space<hbm>>
      %dma_start3A_4105 = arith.constant 0 : i32
      %dma_start3A_4106 = tpu.memref_slice %arg4[%mul3A_2, %dma_start3A_4105] : memref<1024x16xf32, #tpu.memory_space<hbm>> -> memref<32x16xf32, #tpu.memory_space<hbm>>
      tpu.enqueue_dma source(%arg7 : memref<32x16xf32, #tpu.memory_space<vmem>>) target(%dma_start3A_4106 : memref<32x16xf32, #tpu.memory_space<hbm>>) target_semaphore(%run_scoped3A : memref<!tpu.dma_semaphore, #tpu.memory_space<semaphore_mem>>)
      %dma_wait3A_4107 = arith.constant 0 : i32
      %dma_wait3A_4108 = tpu.memref_slice %arg4[%mul3A_2, %dma_wait3A_4107] : memref<1024x16xf32, #tpu.memory_space<hbm>> -> memref<32x16xf32, #tpu.memory_space<hbm>>
      %dma_wait3A_4109 = arith.constant 0 : i32
      %dma_wait3A_4110 = tpu.memref_slice %arg4[%mul3A_2, %dma_wait3A_4109] : memref<1024x16xf32, #tpu.memory_space<hbm>> -> memref<32x16xf32, #tpu.memory_space<hbm>>
      tpu.wait_dma2 semaphore(%run_scoped3A : memref<!tpu.dma_semaphore, #tpu.memory_space<semaphore_mem>>) src(%arg7 : memref<32x16xf32, #tpu.memory_space<vmem>>) dst(%dma_wait3A_4110 : memref<32x16xf32, #tpu.memory_space<hbm>>)
      tpu.yield
    }) : () -> ()
    return
  }
}

module attributes {stable_mosaic.version = 14 : i64} {
  func.func @_proj_body(%arg0: memref<1024x16xf32, #tpu.memory_space<any>>, %arg1: memref<16x100000xf32, #tpu.memory_space<any>>, %arg2: memref<1x100000xf32, #tpu.memory_space<any>>, %arg3: memref<1024x100000xf32, #tpu.memory_space<any>>, %arg4: memref<1024x16xf32, #tpu.memory_space<vmem>>, %arg5: memref<16x100000xf32, #tpu.memory_space<vmem>>, %arg6: memref<1x100000xf32, #tpu.memory_space<vmem>>, %arg7: memref<8x1024x1408xf32, #tpu.memory_space<vmem>>, %arg8: memref<1024x32xf32, #tpu.memory_space<vmem>>, %arg9: memref<8x!tpu.dma_semaphore, #tpu.memory_space<semaphore_mem>>, %arg10: memref<!tpu.dma_semaphore, #tpu.memory_space<semaphore_mem>>, %arg11: memref<3x!tpu.dma_semaphore, #tpu.memory_space<semaphore_mem>>) attributes {dimension_semantics = [], scalar_prefetch = 0 : i64, scratch_operands = 8 : i64, tpu.core_type = #tpu.core_type<tc>} {
    %dma_start3A = arith.constant 0 : i32
    %dma_start3A_0 = tpu.memref_slice %arg11[%dma_start3A] : memref<3x!tpu.dma_semaphore, #tpu.memory_space<semaphore_mem>> -> memref<1x!tpu.dma_semaphore, #tpu.memory_space<semaphore_mem>>
    %dma_start3A_1 = tpu.memref_squeeze %dma_start3A_0 : memref<1x!tpu.dma_semaphore, #tpu.memory_space<semaphore_mem>> -> memref<!tpu.dma_semaphore, #tpu.memory_space<semaphore_mem>>
    tpu.enqueue_dma source(%arg0 : memref<1024x16xf32, #tpu.memory_space<any>>) target(%arg4 : memref<1024x16xf32, #tpu.memory_space<vmem>>) target_semaphore(%dma_start3A_1 : memref<!tpu.dma_semaphore, #tpu.memory_space<semaphore_mem>>)
    %dma_start3A_2 = arith.constant 1 : i32
    %dma_start3A_3 = tpu.memref_slice %arg11[%dma_start3A_2] : memref<3x!tpu.dma_semaphore, #tpu.memory_space<semaphore_mem>> -> memref<1x!tpu.dma_semaphore, #tpu.memory_space<semaphore_mem>>
    %dma_start3A_4 = tpu.memref_squeeze %dma_start3A_3 : memref<1x!tpu.dma_semaphore, #tpu.memory_space<semaphore_mem>> -> memref<!tpu.dma_semaphore, #tpu.memory_space<semaphore_mem>>
    tpu.enqueue_dma source(%arg1 : memref<16x100000xf32, #tpu.memory_space<any>>) target(%arg5 : memref<16x100000xf32, #tpu.memory_space<vmem>>) target_semaphore(%dma_start3A_4 : memref<!tpu.dma_semaphore, #tpu.memory_space<semaphore_mem>>)
    %dma_start3A_5 = arith.constant 2 : i32
    %dma_start3A_6 = tpu.memref_slice %arg11[%dma_start3A_5] : memref<3x!tpu.dma_semaphore, #tpu.memory_space<semaphore_mem>> -> memref<1x!tpu.dma_semaphore, #tpu.memory_space<semaphore_mem>>
    %dma_start3A_7 = tpu.memref_squeeze %dma_start3A_6 : memref<1x!tpu.dma_semaphore, #tpu.memory_space<semaphore_mem>> -> memref<!tpu.dma_semaphore, #tpu.memory_space<semaphore_mem>>
    tpu.enqueue_dma source(%arg2 : memref<1x100000xf32, #tpu.memory_space<any>>) target(%arg6 : memref<1x100000xf32, #tpu.memory_space<vmem>>) target_semaphore(%dma_start3A_7 : memref<!tpu.dma_semaphore, #tpu.memory_space<semaphore_mem>>)
    %dma_wait3A = arith.constant 0 : i32
    %dma_wait3A_8 = tpu.memref_slice %arg11[%dma_wait3A] : memref<3x!tpu.dma_semaphore, #tpu.memory_space<semaphore_mem>> -> memref<1x!tpu.dma_semaphore, #tpu.memory_space<semaphore_mem>>
    %dma_wait3A_9 = tpu.memref_squeeze %dma_wait3A_8 : memref<1x!tpu.dma_semaphore, #tpu.memory_space<semaphore_mem>> -> memref<!tpu.dma_semaphore, #tpu.memory_space<semaphore_mem>>
    tpu.wait_dma2 semaphore(%dma_wait3A_9 : memref<!tpu.dma_semaphore, #tpu.memory_space<semaphore_mem>>) src(%arg0 : memref<1024x16xf32, #tpu.memory_space<any>>) dst(%arg4 : memref<1024x16xf32, #tpu.memory_space<vmem>>)
    %dma_wait3A_10 = arith.constant 1 : i32
    %dma_wait3A_11 = tpu.memref_slice %arg11[%dma_wait3A_10] : memref<3x!tpu.dma_semaphore, #tpu.memory_space<semaphore_mem>> -> memref<1x!tpu.dma_semaphore, #tpu.memory_space<semaphore_mem>>
    %dma_wait3A_12 = tpu.memref_squeeze %dma_wait3A_11 : memref<1x!tpu.dma_semaphore, #tpu.memory_space<semaphore_mem>> -> memref<!tpu.dma_semaphore, #tpu.memory_space<semaphore_mem>>
    tpu.wait_dma2 semaphore(%dma_wait3A_12 : memref<!tpu.dma_semaphore, #tpu.memory_space<semaphore_mem>>) src(%arg1 : memref<16x100000xf32, #tpu.memory_space<any>>) dst(%arg5 : memref<16x100000xf32, #tpu.memory_space<vmem>>)
    %dma_wait3A_13 = arith.constant 2 : i32
    %dma_wait3A_14 = tpu.memref_slice %arg11[%dma_wait3A_13] : memref<3x!tpu.dma_semaphore, #tpu.memory_space<semaphore_mem>> -> memref<1x!tpu.dma_semaphore, #tpu.memory_space<semaphore_mem>>
    %dma_wait3A_15 = tpu.memref_squeeze %dma_wait3A_14 : memref<1x!tpu.dma_semaphore, #tpu.memory_space<semaphore_mem>> -> memref<!tpu.dma_semaphore, #tpu.memory_space<semaphore_mem>>
    tpu.wait_dma2 semaphore(%dma_wait3A_15 : memref<!tpu.dma_semaphore, #tpu.memory_space<semaphore_mem>>) src(%arg2 : memref<1x100000xf32, #tpu.memory_space<any>>) dst(%arg6 : memref<1x100000xf32, #tpu.memory_space<vmem>>)
    %scan3A = arith.constant 0 : i32
    %scan3A_16 = arith.constant 71 : i32
    %scan3A_17 = arith.addi %scan3A, %scan3A_16 : i32
    %scan3A_18 = arith.constant 1 : i32
    scf.for %scan3A_126 = %scan3A to %scan3A_17 step %scan3A_18  : i32 {
      %rem3A = arith.constant 8 : i32
      %rem3A_127 = arith.remsi %scan3A_126, %rem3A : i32
      %mul3A = arith.constant 1408 : i32
      %mul3A_128 = arith.muli %scan3A_126, %mul3A : i32
      %multiple_of3A = tpu.assume_multiple %mul3A_128, 128 : i32
      %ge3A = arith.constant 8 : i32
      %ge3A_129 = arith.cmpi sge, %scan3A_126, %ge3A : i32
      %convert_element_type3A = arith.extui %ge3A_129 : i1 to i32
      %cond3A = arith.constant 0 : i32
      %cond3A_130 = arith.cmpi ne, %convert_element_type3A, %cond3A : i32
      scf.if %cond3A_130 {
        %sub3A = arith.constant 8 : i32
        %sub3A_160 = arith.subi %scan3A_126, %sub3A : i32
        %mul3A_161 = arith.constant 1408 : i32
        %mul3A_162 = arith.muli %sub3A_160, %mul3A_161 : i32
        %dma_wait3A_163 = tpu.memref_slice %arg9[%rem3A_127] : memref<8x!tpu.dma_semaphore, #tpu.memory_space<semaphore_mem>> -> memref<1x!tpu.dma_semaphore, #tpu.memory_space<semaphore_mem>>
        %dma_wait3A_164 = tpu.memref_squeeze %dma_wait3A_163 : memref<1x!tpu.dma_semaphore, #tpu.memory_space<semaphore_mem>> -> memref<!tpu.dma_semaphore, #tpu.memory_space<semaphore_mem>>
        %dma_wait3A_165 = arith.constant 0 : i32
        %dma_wait3A_166 = tpu.memref_slice %arg3[%dma_wait3A_165, %mul3A_162] : memref<1024x100000xf32, #tpu.memory_space<any>> -> memref<1024x1408xf32, #tpu.memory_space<any>>
        %dma_wait3A_167 = arith.constant 0 : i32
        %dma_wait3A_168 = arith.constant 0 : i32
        %dma_wait3A_169 = tpu.memref_slice %arg7[%rem3A_127, %dma_wait3A_167, %dma_wait3A_168] : memref<8x1024x1408xf32, #tpu.memory_space<vmem>> -> memref<1x1024x1408xf32, #tpu.memory_space<vmem>>
        %dma_wait3A_170 = tpu.memref_squeeze %dma_wait3A_169 : memref<1x1024x1408xf32, #tpu.memory_space<vmem>> -> memref<1024x1408xf32, #tpu.memory_space<vmem>>
        tpu.wait_dma2 semaphore(%dma_wait3A_164 : memref<!tpu.dma_semaphore, #tpu.memory_space<semaphore_mem>>) src(%dma_wait3A_170 : memref<1024x1408xf32, #tpu.memory_space<vmem>>) dst(%dma_wait3A_166 : memref<1024x1408xf32, #tpu.memory_space<any>>)
      } else {
      }
      %get3A_131 = arith.constant 0 : index
      %get3A_132 = arith.constant 0 : index
      %get3A_133 = vector.load %arg4[%get3A_131, %get3A_132] : memref<1024x16xf32, #tpu.memory_space<vmem>>, vector<1024x16xf32>
      %get3A_134 = arith.constant 0 : index
      %get3A_135 = arith.index_cast %multiple_of3A : i32 to index
      %get3A_136 = vector.load %arg5[%get3A_134, %get3A_135] : memref<16x100000xf32, #tpu.memory_space<vmem>>, vector<16x1408xf32>
      %dot_general3A_137 = arith.constant dense<0.000000e+00> : vector<1024x1408xf32>
      %dot_general3A_138 = tpu.matmul %get3A_133, %get3A_136, %dot_general3A_137 {dimension_numbers = #tpu.dot_dimension_numbers<[1], [0], [0], [1], [0, 0, 1, 1], [], []>, transpose_lhs_hint = false} : vector<1024x16xf32>, vector<16x1408xf32>, vector<1024x1408xf32> -> vector<1024x1408xf32>
      %get3A_139 = arith.constant 0 : index
      %get3A_140 = arith.index_cast %multiple_of3A : i32 to index
      %get3A_141 = vector.load %arg6[%get3A_139, %get3A_140] : memref<1x100000xf32, #tpu.memory_space<vmem>>, vector<1x1408xf32>
      %add3A_142 = vector.broadcast %get3A_141 : vector<1x1408xf32> to vector<1024x1408xf32>
      %add3A_143 = arith.addf %dot_general3A_138, %add3A_142 : vector<1024x1408xf32>
      %swap3A_144 = arith.index_cast %rem3A_127 : i32 to index
      %swap3A_145 = arith.constant 0 : index
      %swap3A_146 = arith.constant 0 : index
      %swap3A_147 = vector.load %arg7[%swap3A_144, %swap3A_145, %swap3A_146] : memref<8x1024x1408xf32, #tpu.memory_space<vmem>>, vector<1x1024x1408xf32>
      %swap3A_148 = vector.shape_cast %swap3A_147 : vector<1x1024x1408xf32> to vector<1024x1408xf32>
      %swap3A_149 = vector.shape_cast %add3A_143 : vector<1024x1408xf32> to vector<1x1024x1408xf32>
      tpu.vector_store %arg7[%swap3A_144, %swap3A_145, %swap3A_146], %swap3A_149 {strides = array<i32>} : memref<8x1024x1408xf32, #tpu.memory_space<vmem>>, vector<1x1024x1408xf32>,
      %mul3A_150 = arith.constant 1408 : i32
      %mul3A_151 = arith.muli %scan3A_126, %mul3A_150 : i32
      %dma_start3A_152 = tpu.memref_slice %arg9[%rem3A_127] : memref<8x!tpu.dma_semaphore, #tpu.memory_space<semaphore_mem>> -> memref<1x!tpu.dma_semaphore, #tpu.memory_space<semaphore_mem>>
      %dma_start3A_153 = tpu.memref_squeeze %dma_start3A_152 : memref<1x!tpu.dma_semaphore, #tpu.memory_space<semaphore_mem>> -> memref<!tpu.dma_semaphore, #tpu.memory_space<semaphore_mem>>
      %dma_start3A_154 = arith.constant 0 : i32
      %dma_start3A_155 = tpu.memref_slice %arg3[%dma_start3A_154, %mul3A_151] : memref<1024x100000xf32, #tpu.memory_space<any>> -> memref<1024x1408xf32, #tpu.memory_space<any>>
      %dma_start3A_156 = arith.constant 0 : i32
      %dma_start3A_157 = arith.constant 0 : i32
      %dma_start3A_158 = tpu.memref_slice %arg7[%rem3A_127, %dma_start3A_156, %dma_start3A_157] : memref<8x1024x1408xf32, #tpu.memory_space<vmem>> -> memref<1x1024x1408xf32, #tpu.memory_space<vmem>>
      %dma_start3A_159 = tpu.memref_squeeze %dma_start3A_158 : memref<1x1024x1408xf32, #tpu.memory_space<vmem>> -> memref<1024x1408xf32, #tpu.memory_space<vmem>>
      tpu.enqueue_dma source(%dma_start3A_159 : memref<1024x1408xf32, #tpu.memory_space<vmem>>) target(%dma_start3A_155 : memref<1024x1408xf32, #tpu.memory_space<any>>) target_semaphore(%dma_start3A_153 : memref<!tpu.dma_semaphore, #tpu.memory_space<semaphore_mem>>)
    }
    %scan3A_19 = arith.constant 71 : i32
    %get3A = arith.constant 0 : index
    %get3A_20 = arith.constant 0 : index
    %get3A_21 = vector.load %arg4[%get3A, %get3A_20] : memref<1024x16xf32, #tpu.memory_space<vmem>>, vector<1024x16xf32>
    %get3A_22 = arith.constant 0 : index
    %get3A_23 = arith.constant 99968 : index
    %get3A_24 = vector.load %arg5[%get3A_22, %get3A_23] : memref<16x100000xf32, #tpu.memory_space<vmem>>, vector<16x32xf32>
    %dot_general3A = arith.constant dense<0.000000e+00> : vector<1024x32xf32>
    %dot_general3A_25 = tpu.matmul %get3A_21, %get3A_24, %dot_general3A {dimension_numbers = #tpu.dot_dimension_numbers<[1], [0], [0], [1], [0, 0, 1, 1], [], []>, transpose_lhs_hint = false} : vector<1024x16xf32>, vector<16x32xf32>, vector<1024x32xf32> -> vector<1024x32xf32>
    %get3A_26 = arith.constant 0 : index
    %get3A_27 = arith.constant 99968 : index
    %get3A_28 = vector.load %arg6[%get3A_26, %get3A_27] : memref<1x100000xf32, #tpu.memory_space<vmem>>, vector<1x32xf32>
    %add3A = vector.broadcast %get3A_28 : vector<1x32xf32> to vector<1024x32xf32>
    %add3A_29 = arith.addf %dot_general3A_25, %add3A : vector<1024x32xf32>
    %swap3A = arith.constant 0 : index
    %swap3A_30 = arith.constant 0 : index
    %swap3A_31 = vector.load %arg8[%swap3A, %swap3A_30] : memref<1024x32xf32, #tpu.memory_space<vmem>>, vector<1024x32xf32>
    tpu.vector_store %arg8[%swap3A, %swap3A_30], %add3A_29 {strides = array<i32>} : memref<1024x32xf32, #tpu.memory_space<vmem>>, vector<1024x32xf32>,
    %dma_start3A_32 = arith.constant 0 : i32
    %dma_start3A_33 = arith.constant 99968 : i32
    %dma_start3A_34 = tpu.memref_slice %arg3[%dma_start3A_32, %dma_start3A_33] : memref<1024x100000xf32, #tpu.memory_space<any>> -> memref<1024x32xf32, #tpu.memory_space<any>>
    tpu.enqueue_dma source(%arg8 : memref<1024x32xf32, #tpu.memory_space<vmem>>) target(%dma_start3A_34 : memref<1024x32xf32, #tpu.memory_space<any>>) target_semaphore(%arg10 : memref<!tpu.dma_semaphore, #tpu.memory_space<semaphore_mem>>)
    %dma_wait3A_35 = arith.constant 6 : i32
    %dma_wait3A_36 = arith.constant 6 : i32
    %dma_wait3A_37 = tpu.memref_slice %arg9[%dma_wait3A_36] : memref<8x!tpu.dma_semaphore, #tpu.memory_space<semaphore_mem>> -> memref<1x!tpu.dma_semaphore, #tpu.memory_space<semaphore_mem>>
    %dma_wait3A_38 = tpu.memref_squeeze %dma_wait3A_37 : memref<1x!tpu.dma_semaphore, #tpu.memory_space<semaphore_mem>> -> memref<!tpu.dma_semaphore, #tpu.memory_space<semaphore_mem>>
    %dma_wait3A_39 = arith.constant 0 : i32
    %dma_wait3A_40 = arith.constant 98560 : i32
    %dma_wait3A_41 = tpu.memref_slice %arg3[%dma_wait3A_39, %dma_wait3A_40] : memref<1024x100000xf32, #tpu.memory_space<any>> -> memref<1024x1408xf32, #tpu.memory_space<any>>
    %dma_wait3A_42 = arith.constant 0 : i32
    %dma_wait3A_43 = arith.constant 0 : i32
    %dma_wait3A_44 = tpu.memref_slice %arg7[%dma_wait3A_35, %dma_wait3A_42, %dma_wait3A_43] : memref<8x1024x1408xf32, #tpu.memory_space<vmem>> -> memref<1x1024x1408xf32, #tpu.memory_space<vmem>>
    %dma_wait3A_45 = tpu.memref_squeeze %dma_wait3A_44 : memref<1x1024x1408xf32, #tpu.memory_space<vmem>> -> memref<1024x1408xf32, #tpu.memory_space<vmem>>
    tpu.wait_dma2 semaphore(%dma_wait3A_38 : memref<!tpu.dma_semaphore, #tpu.memory_space<semaphore_mem>>) src(%dma_wait3A_45 : memref<1024x1408xf32, #tpu.memory_space<vmem>>) dst(%dma_wait3A_41 : memref<1024x1408xf32, #tpu.memory_space<any>>)
    %dma_wait3A_46 = arith.constant 5 : i32
    %dma_wait3A_47 = arith.constant 5 : i32
    %dma_wait3A_48 = tpu.memref_slice %arg9[%dma_wait3A_47] : memref<8x!tpu.dma_semaphore, #tpu.memory_space<semaphore_mem>> -> memref<1x!tpu.dma_semaphore, #tpu.memory_space<semaphore_mem>>
    %dma_wait3A_49 = tpu.memref_squeeze %dma_wait3A_48 : memref<1x!tpu.dma_semaphore, #tpu.memory_space<semaphore_mem>> -> memref<!tpu.dma_semaphore, #tpu.memory_space<semaphore_mem>>
    %dma_wait3A_50 = arith.constant 0 : i32
    %dma_wait3A_51 = arith.constant 97152 : i32
    %dma_wait3A_52 = tpu.memref_slice %arg3[%dma_wait3A_50, %dma_wait3A_51] : memref<1024x100000xf32, #tpu.memory_space<any>> -> memref<1024x1408xf32, #tpu.memory_space<any>>
    %dma_wait3A_53 = arith.constant 0 : i32
    %dma_wait3A_54 = arith.constant 0 : i32
    %dma_wait3A_55 = tpu.memref_slice %arg7[%dma_wait3A_46, %dma_wait3A_53, %dma_wait3A_54] : memref<8x1024x1408xf32, #tpu.memory_space<vmem>> -> memref<1x1024x1408xf32, #tpu.memory_space<vmem>>
    %dma_wait3A_56 = tpu.memref_squeeze %dma_wait3A_55 : memref<1x1024x1408xf32, #tpu.memory_space<vmem>> -> memref<1024x1408xf32, #tpu.memory_space<vmem>>
    tpu.wait_dma2 semaphore(%dma_wait3A_49 : memref<!tpu.dma_semaphore, #tpu.memory_space<semaphore_mem>>) src(%dma_wait3A_56 : memref<1024x1408xf32, #tpu.memory_space<vmem>>) dst(%dma_wait3A_52 : memref<1024x1408xf32, #tpu.memory_space<any>>)
    %dma_wait3A_57 = arith.constant 4 : i32
    %dma_wait3A_58 = arith.constant 4 : i32
    %dma_wait3A_59 = tpu.memref_slice %arg9[%dma_wait3A_58] : memref<8x!tpu.dma_semaphore, #tpu.memory_space<semaphore_mem>> -> memref<1x!tpu.dma_semaphore, #tpu.memory_space<semaphore_mem>>
    %dma_wait3A_60 = tpu.memref_squeeze %dma_wait3A_59 : memref<1x!tpu.dma_semaphore, #tpu.memory_space<semaphore_mem>> -> memref<!tpu.dma_semaphore, #tpu.memory_space<semaphore_mem>>
    %dma_wait3A_61 = arith.constant 0 : i32
    %dma_wait3A_62 = arith.constant 95744 : i32
    %dma_wait3A_63 = tpu.memref_slice %arg3[%dma_wait3A_61, %dma_wait3A_62] : memref<1024x100000xf32, #tpu.memory_space<any>> -> memref<1024x1408xf32, #tpu.memory_space<any>>
    %dma_wait3A_64 = arith.constant 0 : i32
    %dma_wait3A_65 = arith.constant 0 : i32
    %dma_wait3A_66 = tpu.memref_slice %arg7[%dma_wait3A_57, %dma_wait3A_64, %dma_wait3A_65] : memref<8x1024x1408xf32, #tpu.memory_space<vmem>> -> memref<1x1024x1408xf32, #tpu.memory_space<vmem>>
    %dma_wait3A_67 = tpu.memref_squeeze %dma_wait3A_66 : memref<1x1024x1408xf32, #tpu.memory_space<vmem>> -> memref<1024x1408xf32, #tpu.memory_space<vmem>>
    tpu.wait_dma2 semaphore(%dma_wait3A_60 : memref<!tpu.dma_semaphore, #tpu.memory_space<semaphore_mem>>) src(%dma_wait3A_67 : memref<1024x1408xf32, #tpu.memory_space<vmem>>) dst(%dma_wait3A_63 : memref<1024x1408xf32, #tpu.memory_space<any>>)
    %dma_wait3A_68 = arith.constant 3 : i32
    %dma_wait3A_69 = arith.constant 3 : i32
    %dma_wait3A_70 = tpu.memref_slice %arg9[%dma_wait3A_69] : memref<8x!tpu.dma_semaphore, #tpu.memory_space<semaphore_mem>> -> memref<1x!tpu.dma_semaphore, #tpu.memory_space<semaphore_mem>>
    %dma_wait3A_71 = tpu.memref_squeeze %dma_wait3A_70 : memref<1x!tpu.dma_semaphore, #tpu.memory_space<semaphore_mem>> -> memref<!tpu.dma_semaphore, #tpu.memory_space<semaphore_mem>>
    %dma_wait3A_72 = arith.constant 0 : i32
    %dma_wait3A_73 = arith.constant 94336 : i32
    %dma_wait3A_74 = tpu.memref_slice %arg3[%dma_wait3A_72, %dma_wait3A_73] : memref<1024x100000xf32, #tpu.memory_space<any>> -> memref<1024x1408xf32, #tpu.memory_space<any>>
    %dma_wait3A_75 = arith.constant 0 : i32
    %dma_wait3A_76 = arith.constant 0 : i32
    %dma_wait3A_77 = tpu.memref_slice %arg7[%dma_wait3A_68, %dma_wait3A_75, %dma_wait3A_76] : memref<8x1024x1408xf32, #tpu.memory_space<vmem>> -> memref<1x1024x1408xf32, #tpu.memory_space<vmem>>
    %dma_wait3A_78 = tpu.memref_squeeze %dma_wait3A_77 : memref<1x1024x1408xf32, #tpu.memory_space<vmem>> -> memref<1024x1408xf32, #tpu.memory_space<vmem>>
    tpu.wait_dma2 semaphore(%dma_wait3A_71 : memref<!tpu.dma_semaphore, #tpu.memory_space<semaphore_mem>>) src(%dma_wait3A_78 : memref<1024x1408xf32, #tpu.memory_space<vmem>>) dst(%dma_wait3A_74 : memref<1024x1408xf32, #tpu.memory_space<any>>)
    %dma_wait3A_79 = arith.constant 2 : i32
    %dma_wait3A_80 = arith.constant 2 : i32
    %dma_wait3A_81 = tpu.memref_slice %arg9[%dma_wait3A_80] : memref<8x!tpu.dma_semaphore, #tpu.memory_space<semaphore_mem>> -> memref<1x!tpu.dma_semaphore, #tpu.memory_space<semaphore_mem>>
    %dma_wait3A_82 = tpu.memref_squeeze %dma_wait3A_81 : memref<1x!tpu.dma_semaphore, #tpu.memory_space<semaphore_mem>> -> memref<!tpu.dma_semaphore, #tpu.memory_space<semaphore_mem>>
    %dma_wait3A_83 = arith.constant 0 : i32
    %dma_wait3A_84 = arith.constant 92928 : i32
    %dma_wait3A_85 = tpu.memref_slice %arg3[%dma_wait3A_83, %dma_wait3A_84] : memref<1024x100000xf32, #tpu.memory_space<any>> -> memref<1024x1408xf32, #tpu.memory_space<any>>
    %dma_wait3A_86 = arith.constant 0 : i32
    %dma_wait3A_87 = arith.constant 0 : i32
    %dma_wait3A_88 = tpu.memref_slice %arg7[%dma_wait3A_79, %dma_wait3A_86, %dma_wait3A_87] : memref<8x1024x1408xf32, #tpu.memory_space<vmem>> -> memref<1x1024x1408xf32, #tpu.memory_space<vmem>>
    %dma_wait3A_89 = tpu.memref_squeeze %dma_wait3A_88 : memref<1x1024x1408xf32, #tpu.memory_space<vmem>> -> memref<1024x1408xf32, #tpu.memory_space<vmem>>
    tpu.wait_dma2 semaphore(%dma_wait3A_82 : memref<!tpu.dma_semaphore, #tpu.memory_space<semaphore_mem>>) src(%dma_wait3A_89 : memref<1024x1408xf32, #tpu.memory_space<vmem>>) dst(%dma_wait3A_85 : memref<1024x1408xf32, #tpu.memory_space<any>>)
    %dma_wait3A_90 = arith.constant 1 : i32
    %dma_wait3A_91 = arith.constant 1 : i32
    %dma_wait3A_92 = tpu.memref_slice %arg9[%dma_wait3A_91] : memref<8x!tpu.dma_semaphore, #tpu.memory_space<semaphore_mem>> -> memref<1x!tpu.dma_semaphore, #tpu.memory_space<semaphore_mem>>
    %dma_wait3A_93 = tpu.memref_squeeze %dma_wait3A_92 : memref<1x!tpu.dma_semaphore, #tpu.memory_space<semaphore_mem>> -> memref<!tpu.dma_semaphore, #tpu.memory_space<semaphore_mem>>
    %dma_wait3A_94 = arith.constant 0 : i32
    %dma_wait3A_95 = arith.constant 91520 : i32
    %dma_wait3A_96 = tpu.memref_slice %arg3[%dma_wait3A_94, %dma_wait3A_95] : memref<1024x100000xf32, #tpu.memory_space<any>> -> memref<1024x1408xf32, #tpu.memory_space<any>>
    %dma_wait3A_97 = arith.constant 0 : i32
    %dma_wait3A_98 = arith.constant 0 : i32
    %dma_wait3A_99 = tpu.memref_slice %arg7[%dma_wait3A_90, %dma_wait3A_97, %dma_wait3A_98] : memref<8x1024x1408xf32, #tpu.memory_space<vmem>> -> memref<1x1024x1408xf32, #tpu.memory_space<vmem>>
    %dma_wait3A_100 = tpu.memref_squeeze %dma_wait3A_99 : memref<1x1024x1408xf32, #tpu.memory_space<vmem>> -> memref<1024x1408xf32, #tpu.memory_space<vmem>>
    tpu.wait_dma2 semaphore(%dma_wait3A_93 : memref<!tpu.dma_semaphore, #tpu.memory_space<semaphore_mem>>) src(%dma_wait3A_100 : memref<1024x1408xf32, #tpu.memory_space<vmem>>) dst(%dma_wait3A_96 : memref<1024x1408xf32, #tpu.memory_space<any>>)
    %dma_wait3A_101 = arith.constant 0 : i32
    %dma_wait3A_102 = arith.constant 0 : i32
    %dma_wait3A_103 = tpu.memref_slice %arg9[%dma_wait3A_102] : memref<8x!tpu.dma_semaphore, #tpu.memory_space<semaphore_mem>> -> memref<1x!tpu.dma_semaphore, #tpu.memory_space<semaphore_mem>>
    %dma_wait3A_104 = tpu.memref_squeeze %dma_wait3A_103 : memref<1x!tpu.dma_semaphore, #tpu.memory_space<semaphore_mem>> -> memref<!tpu.dma_semaphore, #tpu.memory_space<semaphore_mem>>
    %dma_wait3A_105 = arith.constant 0 : i32
    %dma_wait3A_106 = arith.constant 90112 : i32
    %dma_wait3A_107 = tpu.memref_slice %arg3[%dma_wait3A_105, %dma_wait3A_106] : memref<1024x100000xf32, #tpu.memory_space<any>> -> memref<1024x1408xf32, #tpu.memory_space<any>>
    %dma_wait3A_108 = arith.constant 0 : i32
    %dma_wait3A_109 = arith.constant 0 : i32
    %dma_wait3A_110 = tpu.memref_slice %arg7[%dma_wait3A_101, %dma_wait3A_108, %dma_wait3A_109] : memref<8x1024x1408xf32, #tpu.memory_space<vmem>> -> memref<1x1024x1408xf32, #tpu.memory_space<vmem>>
    %dma_wait3A_111 = tpu.memref_squeeze %dma_wait3A_110 : memref<1x1024x1408xf32, #tpu.memory_space<vmem>> -> memref<1024x1408xf32, #tpu.memory_space<vmem>>
    tpu.wait_dma2 semaphore(%dma_wait3A_104 : memref<!tpu.dma_semaphore, #tpu.memory_space<semaphore_mem>>) src(%dma_wait3A_111 : memref<1024x1408xf32, #tpu.memory_space<vmem>>) dst(%dma_wait3A_107 : memref<1024x1408xf32, #tpu.memory_space<any>>)
    %dma_wait3A_112 = arith.constant 7 : i32
    %dma_wait3A_113 = arith.constant 7 : i32
    %dma_wait3A_114 = tpu.memref_slice %arg9[%dma_wait3A_113] : memref<8x!tpu.dma_semaphore, #tpu.memory_space<semaphore_mem>> -> memref<1x!tpu.dma_semaphore, #tpu.memory_space<semaphore_mem>>
    %dma_wait3A_115 = tpu.memref_squeeze %dma_wait3A_114 : memref<1x!tpu.dma_semaphore, #tpu.memory_space<semaphore_mem>> -> memref<!tpu.dma_semaphore, #tpu.memory_space<semaphore_mem>>
    %dma_wait3A_116 = arith.constant 0 : i32
    %dma_wait3A_117 = arith.constant 88704 : i32
    %dma_wait3A_118 = tpu.memref_slice %arg3[%dma_wait3A_116, %dma_wait3A_117] : memref<1024x100000xf32, #tpu.memory_space<any>> -> memref<1024x1408xf32, #tpu.memory_space<any>>
    %dma_wait3A_119 = arith.constant 0 : i32
    %dma_wait3A_120 = arith.constant 0 : i32
    %dma_wait3A_121 = tpu.memref_slice %arg7[%dma_wait3A_112, %dma_wait3A_119, %dma_wait3A_120] : memref<8x1024x1408xf32, #tpu.memory_space<vmem>> -> memref<1x1024x1408xf32, #tpu.memory_space<vmem>>
    %dma_wait3A_122 = tpu.memref_squeeze %dma_wait3A_121 : memref<1x1024x1408xf32, #tpu.memory_space<vmem>> -> memref<1024x1408xf32, #tpu.memory_space<vmem>>
    tpu.wait_dma2 semaphore(%dma_wait3A_115 : memref<!tpu.dma_semaphore, #tpu.memory_space<semaphore_mem>>) src(%dma_wait3A_122 : memref<1024x1408xf32, #tpu.memory_space<vmem>>) dst(%dma_wait3A_118 : memref<1024x1408xf32, #tpu.memory_space<any>>)
    %dma_wait3A_123 = arith.constant 0 : i32
    %dma_wait3A_124 = arith.constant 99968 : i32
    %dma_wait3A_125 = tpu.memref_slice %arg3[%dma_wait3A_123, %dma_wait3A_124] : memref<1024x100000xf32, #tpu.memory_space<any>> -> memref<1024x32xf32, #tpu.memory_space<any>>
    tpu.wait_dma2 semaphore(%arg10 : memref<!tpu.dma_semaphore, #tpu.memory_space<semaphore_mem>>) src(%arg8 : memref<1024x32xf32, #tpu.memory_space<vmem>>) dst(%dma_wait3A_125 : memref<1024x32xf32, #tpu.memory_space<any>>)
    return
  }
}

</mosaic_0001>

<sc_bundles>
// kernel: kernel.4.cloned.1.call-start
scs
__scs_entry_jumppad:
0x0: {  	(pc) =	sbr.rel $0x88, $3  }
0x1: {  	(tag) =	ssettag $0x0;
	lr =	simm.s32 $0x1  }
0x2: {  	[smem:$0x3F9D] =	sst lr;
	_ =	strace $0xD0000000  }
0x3: {  	_ = 	snop  }
0x4: {  	_ = 	snop  }
0x5: {  	_ = 	snop  }
0x6: {  	_ = 	snop  }
0x7: {  	_ = 	snop  }
__scs_overlays_trampoline_lowered:
0x8: {  	[smem:$0x3FAC] =	sst s0  }
0x9: {  	[smem:$0x3FAD] =	sst s1  }
0xa: {  	[smem:$0x3FAE] =	sst s2  }
0xb: {  	[smem:$0x3FAF] =	sst s3  }
0xc: {  	[smem:$0x3FB0] =	sst s4  }
0xd: {  	[smem:$0x3FB1] =	sst s5  }
0xe: {  	[smem:$0x3FB2] =	sst s6  }
0xf: {  	[smem:$0x3FB3] =	sst s7  }
0x10: {  	[smem:$0x3FB4] =	sst s8  }
0x11: {  	[smem:$0x3FB5] =	sst s9;
	s0 =	simm.s32 @!p0 $0x0  }
0x12: {  	s1 =	sld [smem:$0x3F9B];
	s0 =	simm.s32 @p0 $0x1  }
0x13: {  	[smem:$0x3FB6] =	sst s0;
	s0 =	simm.s32 @!p1 $0x0  }
0x14: {  	s2 =	sld [smem:$0x3F9A];
	s0 =	simm.s32 @p1 $0x1  }
0x15: {  	[smem:$0x3FB7] =	sst s0;
	s0 =	simm.s32 @!p2 $0x0  }
0x16: {  	s3 =	sld [smem:$0x3FDB];
	s0 =	simm.s32 @p2 $0x1  }
0x17: {  	s4 =	simm.s32 $0x1BF5;
	[smem:$0x3FB9] =	sst s0  }
0x18: {  	s0 =	sld [smem:$0x3F9C];
	_ =	swait.ge [sflag:s4], $0x0  }
0x19: {  	s7 =	sld [smem:$0x3F9D]  }
0x1a: {  	s8 =	sadd.s32 $0xFFFFE003, lr  }
0x1b: {  	s9 =	sadd.s32 $0xFFFFFEF7, lr;
	s5 =	simm.s32 $0xFFFFFFFF;
	p2 =	slt.u32 s8, $0xFFFFF086  }
0x1c: {  	p1 =	slt.u32 s9, $0xF7A;
	s5 =	simm.s32 @!p2 $0x0  }
0x1d: {  	s5 =	simm.s32 @p1 $0x1;
	p0 =	seq.s32 s7, s2  }
0x1e: {  	s7 =	smul.u32 @!p0 $0xF7A, s2;
	p2 =	seq.s32 @!p0 s5, $0x0  }
0x1f: {  	s9 =	smul.u32 $0xF7A, s1;
	s8 =	simm.s32 @!p0 $0x1BF5;
	p2 =	por !p2, p0  }
0x20: {  	[sflag:s8] =	ssyncset.s32 @!p0 $0xFFFFF086;
	s6 =	sadd.s32 @!p0 s3, s7;
	s7 =	simm.s32 @!p0 $0x108  }
0x21: {  	s3 =	sadd.s32 s3, s9;
	s6 =	sadd.s32 @!p0 $0x88, s6;
	s7 =	simm.s32 @p2 $0x1082  }
0x22: {  	[simem:s7], [sflag:s8] =	dma.local @!p0 [hbm:s6], $0xF7A  }
0x23: {  	s9 =	sor.u32 $0xD0000000, s2;
	s6 =	simm.s32 $0x108;
	_ =	swait.ge @!p0 [sflag:s8], $0x0  }
0x24: {  	s3 =	sadd.s32 $0x88, s3;
	s6 =	simm.s32 @!p1 $0x1082;
	[sflag:s4] =	ssyncset.s32 $0xFFFFF086  }
0x25: {  	[simem:s6], [sflag:s4] =	dma.local [hbm:s3], $0xF7A  }
0x26: {  	[smem:$0x3F9D] =	sst s1;
	(tag) =	ssettag s2;
	_ =	strace s9  }
0x27: {  	s1 =	sld [smem:$0x3FAD]  }
0x28: {  	s2 =	sld [smem:$0x3FAE]  }
0x29: {  	s4 =	sld [smem:$0x3FB0]  }
0x2a: {  	p0 =	seq.s32 s5, $0x0;
	s5 =	sld [smem:$0x3FB1]  }
0x2b: {  	s6 =	sld [smem:$0x3FB2]  }
0x2c: {  	s7 =	sld [smem:$0x3FB3]  }
0x2d: {  	s3 =	simm.s32 $0x108;
	s8 =	sld [smem:$0x3FB4]  }
0x2e: {  	s3 =	simm.s32 @!p0 $0x1082;
	s9 =	sld [smem:$0x3FB5]  }
0x2f: {  	lr =	sadd.s32 s0, s3;
	s0 =	sld [smem:$0x3FAC]  }
0x30: {  	s3 =	sld [smem:$0x3FAF]  }
0x31: {  	[smem:$0x3FB8] =	sst s10  }
0x32: {  	s10 =	sld [smem:$0x3FB6];
	_ =	sdelay $0x3  }
0x33: {  	p0 =	seq.s32 s10, $0x1;
	s10 =	sld [smem:$0x3FB8];
	_ =	sdelay $0x3  }
0x34: {  	[smem:$0x3FB8] =	sst s10  }
0x35: {  	s10 =	sld [smem:$0x3FB7];
	_ =	sdelay $0x3  }
0x36: {  	p1 =	seq.s32 s10, $0x1;
	s10 =	sld [smem:$0x3FB8];
	_ =	sdelay $0x3  }
0x37: {  	[smem:$0x3FB8] =	sst s10  }
0x38: {  	s10 =	sld [smem:$0x3FB9]  }
0x39: {  	_ = 	snop;
	(pc) =	sbr.ind lr, $3  }
0x3a: {  	_ = 	snop  }
0x3b: {  	_ = 	snop  }
0x3c: {  	p2 =	seq.s32 s10, $0x1;
	s10 =	sld [smem:$0x3FB8]  }
0x3d: {  	_ =	shalt  }
0x3e: {  	_ =	shalt  }
0x3f: {  	_ =	shalt  }
0x40: {  	_ =	shalt  }
0x41: {  	_ =	shalt  }
0x42: {  	_ =	shalt  }
0x43: {  	_ =	shalt  }
0x44: {  	_ =	shalt  }
0x45: {  	_ =	shalt  }
0x46: {  	_ =	shalt  }
0x47: {  	_ =	shalt  }
0x48: {  	_ =	shalt  }
0x49: {  	_ =	shalt  }
0x4a: {  	_ =	shalt  }
0x4b: {  	_ =	shalt  }
0x4c: {  	_ =	shalt  }
0x4d: {  	_ =	shalt  }
0x4e: {  	_ =	shalt  }
0x4f: {  	_ =	shalt  }
0x50: {  	_ =	shalt  }
0x51: {  	_ =	shalt  }
0x52: {  	_ =	shalt  }
0x53: {  	_ =	shalt  }
0x54: {  	_ =	shalt  }
0x55: {  	_ =	shalt  }
0x56: {  	_ =	shalt  }
0x57: {  	_ =	shalt  }
0x58: {  	_ =	shalt  }
0x59: {  	_ =	shalt  }
0x5a: {  	_ =	shalt  }
0x5b: {  	_ =	shalt  }
0x5c: {  	_ =	shalt  }
0x5d: {  	_ =	shalt  }
0x5e: {  	_ =	shalt  }
0x5f: {  	_ =	shalt  }
0x60: {  	_ =	shalt  }
0x61: {  	_ =	shalt  }
0x62: {  	_ =	shalt  }
0x63: {  	_ =	shalt  }
0x64: {  	_ =	shalt  }
0x65: {  	_ =	shalt  }
0x66: {  	_ =	shalt  }
0x67: {  	_ =	shalt  }
0x68: {  	_ =	shalt  }
0x69: {  	_ =	shalt  }
0x6a: {  	_ =	shalt  }
0x6b: {  	_ =	shalt  }
0x6c: {  	_ =	shalt  }
0x6d: {  	_ =	shalt  }
0x6e: {  	_ =	shalt  }
0x6f: {  	_ =	shalt  }
0x70: {  	_ =	shalt  }
0x71: {  	_ =	shalt  }
0x72: {  	_ =	shalt  }
0x73: {  	_ =	shalt  }
0x74: {  	_ =	shalt  }
0x75: {  	_ =	shalt  }
0x76: {  	_ =	shalt  }
0x77: {  	_ =	shalt  }
0x78: {  	_ =	shalt  }
0x79: {  	_ =	shalt  }
0x7a: {  	_ =	shalt  }
0x7b: {  	_ =	shalt  }
0x7c: {  	_ =	shalt  }
0x7d: {  	_ =	shalt  }
0x7e: {  	_ =	shalt  }
0x7f: {  	_ =	shalt  }
0x80: {  	_ =	shalt  }
0x81: {  	_ =	shalt  }
0x82: {  	_ =	shalt  }
0x83: {  	_ =	shalt  }
0x84: {  	_ =	shalt  }
0x85: {  	_ =	shalt  }
0x86: {  	_ =	shalt  }
0x87: {  	_ =	shalt  }
.Lfunc_end0:
.L_simem_size_0:
called_computation_lowered:
.L_overlay_start_0:
0x88: {  	s2 =	sld [smem:$0x3FD9]  }
0x89: {  	s3 =	sld [smem:$0x3FFE];
	_ =	sdelay $0x1  }
0x8a: {  	s1 =	srdreg.scid  }
0x8b: {  	s0 =	sand.u32 $0x1, s1  }
0x8c: {  	s16 =	sshll.u32 s0, $0xA;
	s2 =	sadd.s32 s3, s2  }
0x8d: {  	s2 =	sadd.s32 s2, s16  }
0x8e: {  	[smem:$0x3FC4] =	sst s2  }
0x8f: {  	_ = 	snop  }
0x90: {  	(tm) =	ssettm $0x1  }
0x91: {  	s17 =	sld [smem:$0x3FFB];
	_ =	sdelay $0x3  }
0x92: {  	_ =	strace s17  }
0x93: {  	s2 =	sld [smem:$0x3FFC];
	_ =	sdelay $0x3  }
0x94: {  	_ =	strace s2  }
0x95: {  	s2 =	sld [smem:$0x3FFD];
	_ =	sdelay $0x3  }
0x96: {  	_ =	strace s2  }
0x97: {  	_ =	strace $0x8FFFFFFF  }
0x98: {  	s18 =	sld [smem:$0x3FDB];
	_ =	sdelay $0x1  }
0x99: {  	s19 =	simm.s32 $_scs_section_size  }
0x9a: {  	s4 =	simm.s32 $_size__tile_overlayer_lowered;
	s5 =	simm.s32 $_tile_overlayer_lowered  }
0x9b: {  	s22 =	simm.s32 $0x1BFF;
	s21 =	sshll.u32 s5, $0x1;
	s2 =	sadd.s32 s19, s18  }
0x9c: {  	s6 =	simm.s32 $0x0;
	s20 =	sshll.u32 s4, $0x1;
	s4 =	sadd.s32 s21, s2  }
0x9d: {  	[timem:s6], [sflag:s22] =	dma.local [hbm:s4], s20  }
0x9e: {  	_ =	swait.ge [sflag:s22], s20  }
0x9f: {  	s3 =	ssub.s32 $0x0, s20;
	[sflag:s22] =	ssyncset.done $0x0  }
0xa0: {  	[sflag:s22] =	ssyncadd.s32 s3;
	_ =	sdelay $0x1  }
0xa1: {  	s23 =	simm.s32 $0x1B8B  }
0xa2: {  	_ =	swait.ge [sflag:s23], $0x1  }
0xa3: {  	[sflag:s23] =	ssyncset.done $0x0  }
0xa4: {  	s25 =	simm.s32 $0x1B8E;
	s24 =	sld [smem:$0x3FFE];
	[sflag:s23] =	ssyncadd.s32 $0xFFFFFFFF  }
0xa5: {  	s26 =	simm.s32 $execute0_lowered;
	[smem:$0x3FD2] =	sst s25  }
0xa6: {  	s4 =	sshll.u32 s26, $0x1;
	_ =	strace $0x80000046;
	[dreg:$0x1] =	wrdreg $0xFFFFFFFF  }
0xa7: {  	s28 =	simm.s32 $_size_execute0_lowered;
	s2 =	sadd.s32 s2, s4;
	[dreg:$0x0] =	wrdreg $0x0  }
0xa8: {  	s4 =	sshll.u32 s28, $0x1;
	[dreg:$0x2] =	wrdreg s2  }
0xa9: {  	[dreg:$0x3] =	wrdreg s4  }
0xaa: {  	[dreg:$0x4] =	wrdreg $0xC0  }
0xab: {  	_ =	task [dreg:s6], $0x5FFFF  }
0xac: {  	[dreg:$0x1] =	wrdreg $0xFFFFFFFF  }
0xad: {  	[dreg:$0x0] =	wrdreg $0x60  }
0xae: {  	[dreg:$0x2] =	wrdreg s24  }
0xaf: {  	[dreg:$0x3] =	wrdreg $0x9  }
0xb0: {  	_ =	task.clear_ibuf [dreg:s6], $0x4FFFF;
	_ =	strace $0x90000046  }
0xb1: {  	s29 =	simm.s32 $0x9;
	_ =	strace $0x80000048  }
0xb2: {  	_ =	swait.ge [sflag:s29], $0x1  }
0xb3: {  	[sflag:s29] =	ssyncadd.s32 $0xFFFFFFFF  }
0xb4: {  	_ =	strace $0x90000048  }
0xb5: {  	_ =	sfence  }
0xb6: {  	s30 =	sld [smem:$0x0];
	_ =	sdelay $0x2  }
0xb7: {  	s31 =	sshll.u32 s1, $0xD;
	s1 =	sshrl.u32 s1, $0x2  }
0xb8: {  	s3 =	sand.u32 $0x4000, s31;
	s1 =	sadd.s32 s1, s30  }
0xb9: {  	s0 =	sor.u32 s3, s0;
	s1 =	sshll.u32 s1, $0x11  }
0xba: {  	s0 =	sor.u32 s1, s0  }
0xbb: {  	s0 =	sadd.s32 $0x8F2B, s0  }
0xbc: {  	[sflag:s0] =	ssyncadd.remote.s32 $0x1  }
0xbd: {  	_ =	sfence.sel $0xFFFF  }
0xbe: {  	[dreg:$0x0] =	wrdreg $0xFFFFFFFF;
	(pc) =	sbr.abs _section_cstart, $3  }
0xbf: {  	[dreg:$0x1] =	wrdreg $0xFFFFFFFF  }
0xc0: {  	_ =	task.clear_ibuf [dreg:s6], $0x2FFFF;
	_ =	strace $0x9FFFFFFF  }
0xc1: {  	(tm) =	ssettm $0x7FFFFFFF  }
tec
execute0_lowered:
.L_overlay_start_1:
0x0: {  	(tag) =	ssettag $0x1  }
0x1: {  	s1 =	srdreg.scid  }
0x2: {  	s0 =	stileid.u32;
	s4 =	rddreg [dreg:$0x0];
	s2 =	simm.s32 $0x0  }
0x3: {  	s9 =	simm.s32 $0x1;
	s3 =	sand.u32 $0x1, s1;
	s1 =	rddreg [dreg:$0x1]  }
0x4: {  	s10 =	simm.s32 $0x2A80;
	s31 =	sshll.u32 s0, $0x1;
	[smem:$0x7FF] =	sst s2  }
0x5: {  	s5 =	sor.u32 s3, s31;
	_ =	strace $0x80000047;
	s7 =	ssub.s32 $0x2, s3  }
0x6: {  	s6 =	smul.u32 $0x50, s5;
	s5 =	sshll.u32 s5, $0x6;
	s8 =	sshrl.u32 s7, $0x1  }
0x7: {  	s3 =	sadd.s32 $0x1000, s4;
	s5 =	sadd.s32 s5, s4;
	s7 =	ssub.s32 s7, s8  }
0x8: {  	s8 =	simm.s32 $0x280;
	s6 =	sadd.s32 s6, s4;
	s5 =	sadd.s32 $0x31E00, s5  }
0x9: {  	s4 =	sadd.s32 $0x600, s6;
	s6 =	smax.u32 s7, $0x1;
	s7 =	simm.s32 $0x2  }
.LBB2_1:
0xa: {  	[tilespmem:s2], [sflag:$0x2] =	stream.linear.gather [hbm4b:s4+s2], $0x280, $0x38;
	[tilespmem:$0x2C80] =	vst v63  }
0xb: {  	_ =	swait.ge [sflag:s7], $0x280  }
0xc: {  	[sflag:s7] =	ssyncset.done $0x0  }
0xd: {  	[sflag:s7] =	ssyncadd.s32 $0xFFFFFD80  }
0xe: {  	[tilespmem:s8], [sflag:$0x1] =	stream.indirect.gather [hbm4b:s3+s8], $0x10, s2, s8, $0xb8;
	[tilespmem:$0x2C80] =	vst v63  }
0xf: {  	_ =	swait.ge [sflag:s9], $0x2800  }
0x10: {  	[sflag:s9] =	ssyncset.done $0x0  }
0x11: {  	[sflag:s9] =	ssyncadd.s32 $0xFFFFD800  }
0x12: {  	v0 =	vld [tilespmem:$0x280]  }
0x13: {  	v21 =	vld [tilespmem:$0x290]  }
0x14: {  	v17 =	vld [tilespmem:$0x2A0]  }
0x15: {  	v20 =	vld [tilespmem:$0x2B0]  }
0x16: {  	v23 =	vld [tilespmem:$0x2C0]  }
0x17: {  	v35 =	vld [tilespmem:$0x2D0]  }
0x18: {  	v36 =	vld [tilespmem:$0x2E0]  }
0x19: {  	v37 =	vld [tilespmem:$0x2F0]  }
0x1a: {  	v38 =	vld [tilespmem:$0x300]  }
0x1b: {  	v39 =	vld [tilespmem:$0x310]  }
0x1c: {  	v1 =	vld [tilespmem:$0x320]  }
0x1d: {  	v55 =	vld [tilespmem:$0x330]  }
0x1e: {  	v56 =	vld [tilespmem:$0x340]  }
0x1f: {  	v57 =	vld [tilespmem:$0x350]  }
0x20: {  	v58 =	vld [tilespmem:$0x360]  }
0x21: {  	v59 =	vld [tilespmem:$0x370]  }
0x22: {  	v60 =	vld [tilespmem:$0x380]  }
0x23: {  	v61 =	vld [tilespmem:$0x390]  }
0x24: {  	v62 =	vld [tilespmem:$0x3A0]  }
0x25: {  	v63 =	vld [tilespmem:$0x3B0]  }
0x26: {  	v9 =	vld [tilespmem:$0x3C0]  }
0x27: {  	v18 =	vld [tilespmem:$0x3D0]  }
0x28: {  	v12 =	vld [tilespmem:$0x3E0]  }
0x29: {  	v40 =	vld [tilespmem:$0x3F0]  }
0x2a: {  	v41 =	vld [tilespmem:$0x400]  }
0x2b: {  	v42 =	vld [tilespmem:$0x410]  }
0x2c: {  	v43 =	vld [tilespmem:$0x420]  }
0x2d: {  	v44 =	vld [tilespmem:$0x430]  }
0x2e: {  	v45 =	vld [tilespmem:$0x440]  }
0x2f: {  	v46 =	vld [tilespmem:$0x450]  }
0x30: {  	v47 =	vld [tilespmem:$0x460]  }
0x31: {  	v48 =	vld [tilespmem:$0x470]  }
0x32: {  	v49 =	vld [tilespmem:$0x480]  }
0x33: {  	v4 =	vld [tilespmem:$0x490]  }
0x34: {  	v5 =	vld [tilespmem:$0x4A0]  }
0x35: {  	v6 =	vld [tilespmem:$0x4B0]  }
0x36: {  	v7 =	vld [tilespmem:$0x4C0]  }
0x37: {  	v8 =	vld [tilespmem:$0x4D0]  }
0x38: {  	v10 =	vld [tilespmem:$0x4E0]  }
0x39: {  	v11 =	vld [tilespmem:$0x4F0]  }
0x3a: {  	v14 =	vld [tilespmem:$0x510]  }
0x3b: {  	v51 =	vld [tilespmem:$0x520]  }
0x3c: {  	v52 =	vld [tilespmem:$0x530]  }
0x3d: {  	v53 =	vld [tilespmem:$0x540]  }
0x3e: {  	v54 =	vld [tilespmem:$0x550]  }
0x3f: {  	v31 =	vld [tilespmem:$0x5F0]  }
0x40: {  	v34 =	vld [tilespmem:$0x600]  }
0x41: {  	v13 =	vld [tilespmem:$0x610]  }
0x42: {  	v15 =	vld [tilespmem:$0x620]  }
0x43: {  	v16 =	vld [tilespmem:$0x630]  }
0x44: {  	v2 =	vld [tilespmem:$0x640]  }
0x45: {  	v3 =	vld [tilespmem:$0x660]  }
0x46: {  	v19 =	vld [tilespmem:$0x700]  }
0x47: {  	v22 =	vld [tilespmem:$0x710]  }
0x48: {  	v24 =	vld [tilespmem:$0x720]  }
0x49: {  	v25 =	vld [tilespmem:$0x730]  }
0x4a: {  	v26 =	vld [tilespmem:$0x740]  }
0x4b: {  	v27 =	vld [tilespmem:$0x750]  }
0x4c: {  	v28 =	vld [tilespmem:$0x760]  }
0x4d: {  	v32 =	vld [tilespmem:$0x770]  }
0x4e: {  	v30 =	vld [tilespmem:$0x780]  }
0x4f: {  	v29 =	vld [tilespmem:$0x790]  }
0x50: {  	v33 =	vld [tilespmem:$0x7A0]  }
0x51: {  	v50 =	vld [tilespmem:$0x7B0]  }
0x52: {  	[tilespmem:$0x1EE70] =	vst v11;
	v11 =	vld [tilespmem:$0x500]  }
0x53: {  	[tilespmem:$0x1ED60] =	vst v55;
	v55 =	vld [tilespmem:$0x560]  }
0x54: {  	[tilespmem:$0x1ED70] =	vst v56;
	v56 =	vld [tilespmem:$0x570]  }
0x55: {  	[tilespmem:$0x1ED80] =	vst v57;
	v57 =	vld [tilespmem:$0x580]  }
0x56: {  	[tilespmem:$0x1EDA0] =	vst v58;
	v58 =	vld [tilespmem:$0x590]  }
0x57: {  	[tilespmem:$0x1EDC0] =	vst v59;
	v59 =	vld [tilespmem:$0x5A0]  }
0x58: {  	[tilespmem:$0x1EDE0] =	vst v60;
	v60 =	vld [tilespmem:$0x5B0]  }
0x59: {  	[tilespmem:$0x1EE00] =	vst v61;
	v61 =	vld [tilespmem:$0x5C0]  }
0x5a: {  	[tilespmem:$0x1EE20] =	vst v62;
	v62 =	vld [tilespmem:$0x5D0]  }
0x5b: {  	[tilespmem:$0x1EE50] =	vst v63;
	v63 =	vld [tilespmem:$0x5E0]  }
0x5c: {  	[tilespmem:$0x1ED50] =	vst v1;
	v1 =	vld [tilespmem:$0x650]  }
0x5d: {  	[tilespmem:$0x1ED90] =	vst v4;
	v4 =	vld [tilespmem:$0x670]  }
0x5e: {  	[tilespmem:$0x1EDB0] =	vst v5;
	v5 =	vld [tilespmem:$0x680]  }
0x5f: {  	[tilespmem:$0x1EDD0] =	vst v6;
	v6 =	vld [tilespmem:$0x690]  }
0x60: {  	[tilespmem:$0x1EDF0] =	vst v7;
	v7 =	vld [tilespmem:$0x6A0]  }
0x61: {  	[tilespmem:$0x1EE10] =	vst v8;
	v8 =	vld [tilespmem:$0x6B0]  }
0x62: {  	[tilespmem:$0x1EE40] =	vst v10;
	v10 =	vld [tilespmem:$0x6C0]  }
0x63: {  	[tilespmem:$0x1EE30] =	vst v13;
	v13 =	vld [tilespmem:$0x6D0]  }
0x64: {  	[tilespmem:$0x1EE60] =	vst v15;
	v15 =	vld [tilespmem:$0x6E0]  }
0x65: {  	[tilespmem:$0x1EE80] =	vst v16;
	v16 =	vld [tilespmem:$0x6F0]  }
0x66: {  	[tilespmem:$0x1EE90] =	vst v50;
	v50 =	vld [tilespmem:$0x7C0]  }
0x67: {  	v0 =	vadd.f32 v21, v0;
	v21 =	vld [tilespmem:$0x7F0]  }
0x68: {  	v9 =	vadd.f32 v18, v9;
	v18 =	vld [tilespmem:$0x800]  }
0x69: {  	v29 =	vadd.f32 v29, v30;
	v30 =	vld [tilespmem:$0xC60]  }
0x6a: {  	v17 =	vadd.f32 v17, v0;
	v0 =	vld [tilespmem:$0x810]  }
0x6b: {  	v9 =	vadd.f32 v12, v9;
	v12 =	vld [tilespmem:$0x860]  }
0x6c: {  	v29 =	vadd.f32 v33, v29;
	v33 =	vld [tilespmem:$0xC70]  }
0x6d: {  	v9 =	vadd.f32 v40, v9;
	v40 =	vld [tilespmem:$0x840]  }
0x6e: {  	v17 =	vadd.f32 v20, v17;
	[tilespmem:$0x1EEA0] =	vst v50;
	v50 =	vld [tilespmem:$0x7D0]  }
0x6f: {  	v11 =	vadd.f32 v14, v11;
	v14 =	vld [tilespmem:$0x820]  }
0x70: {  	v1 =	vadd.f32 v1, v2;
	v2 =	vadd.f32 v23, v17;
	v17 =	vld [tilespmem:$0x850]  }
0x71: {  	v20 =	vadd.f32 v51, v11;
	v11 =	vld [tilespmem:$0x830]  }
0x72: {  	v1 =	vadd.f32 v3, v1;
	v3 =	vld [tilespmem:$0x880]  }
0x73: {  	v51 =	vld [tilespmem:$0x1EDA0]  }
0x74: {  	v2 =	vadd.f32 v35, v2;
	v35 =	vld [tilespmem:$0x870]  }
0x75: {  	v9 =	vadd.f32 v41, v9;
	v23 =	vadd.f32 v52, v20;
	v52 =	vld [tilespmem:$0x1EDB0]  }
0x76: {  	[tilespmem:$0x1EEB0] =	vst v50;
	v50 =	vld [tilespmem:$0x7E0]  }
0x77: {  	v9 =	vadd.f32 v42, v9;
	v42 =	vadd.f32 v36, v2;
	v2 =	vld [tilespmem:$0x890]  }
0x78: {  	v36 =	vld [tilespmem:$0x8F0]  }
0x79: {  	v1 =	vadd.f32 v4, v1;
	v41 =	vadd.f32 v53, v23;
	v23 =	vld [tilespmem:$0x8D0]  }
0x7a: {  	v53 =	vld [tilespmem:$0x1EDC0]  }
0x7b: {  	v1 =	vadd.f32 v5, v1;
	v5 =	vadd.f32 v37, v42;
	v37 =	vld [tilespmem:$0x910]  }
0x7c: {  	v42 =	vld [tilespmem:$0x990]  }
0x7d: {  	v9 =	vadd.f32 v43, v9;
	v6 =	vadd.f32 v6, v1;
	v1 =	vld [tilespmem:$0x8A0]  }
0x7e: {  	v4 =	vadd.f32 v54, v41;
	v41 =	vld [tilespmem:$0x970]  }
0x7f: {  	v9 =	vadd.f32 v44, v9;
	v54 =	vld [tilespmem:$0x1EDD0]  }
0x80: {  	v5 =	vadd.f32 v38, v5;
	v38 =	vld [tilespmem:$0x930]  }
0x81: {  	v9 =	vadd.f32 v45, v9;
	v45 =	vld [tilespmem:$0xBA0]  }
0x82: {  	v43 =	vadd.f32 v55, v4;
	v4 =	vld [tilespmem:$0x8B0]  }
0x83: {  	v6 =	vadd.f32 v7, v6;
	v7 =	vld [tilespmem:$0x8C0]  }
0x84: {  	[tilespmem:$0x1EEC0] =	vst v50;
	v50 =	vld [tilespmem:$0x1ED90]  }
0x85: {  	v55 =	vld [tilespmem:$0x1EDE0]  }
0x86: {  	v9 =	vadd.f32 v46, v9;
	v46 =	vld [tilespmem:$0x1ED50]  }
0x87: {  	v5 =	vadd.f32 v39, v5;
	v39 =	vld [tilespmem:$0x950]  }
0x88: {  	v6 =	vadd.f32 v8, v6;
	v8 =	vld [tilespmem:$0x8E0]  }
0x89: {  	v20 =	vadd.f32 v56, v43;
	v43 =	vld [tilespmem:$0x9B0]  }
0x8a: {  	v56 =	vld [tilespmem:$0x1EDF0]  }
0x8b: {  	v9 =	vadd.f32 v47, v9;
	v47 =	vld [tilespmem:$0x1ED60]  }
0x8c: {  	v6 =	vadd.f32 v10, v6;
	v10 =	vld [tilespmem:$0x900]  }
0x8d: {  	v20 =	vadd.f32 v57, v20;
	v57 =	vld [tilespmem:$0x1EE00]  }
0x8e: {  	v9 =	vadd.f32 v48, v9;
	v48 =	vld [tilespmem:$0x1ED70]  }
0x8f: {  	v6 =	vadd.f32 v13, v6;
	v13 =	vld [tilespmem:$0x920]  }
0x90: {  	v20 =	vadd.f32 v58, v20;
	v58 =	vld [tilespmem:$0x1EE10]  }
0x91: {  	v5 =	vadd.f32 v46, v5;
	v46 =	vld [tilespmem:$0xA70]  }
0x92: {  	v9 =	vadd.f32 v49, v9;
	v49 =	vld [tilespmem:$0x1ED80]  }
0x93: {  	v7 =	vadd.f32 v23, v7;
	v6 =	vadd.f32 v15, v6;
	v15 =	vld [tilespmem:$0x940]  }
0x94: {  	v20 =	vadd.f32 v59, v20;
	v59 =	vld [tilespmem:$0xA00]  }
0x95: {  	v7 =	vadd.f32 v8, v7;
	v5 =	vadd.f32 v47, v5;
	v47 =	vld [tilespmem:$0x1EEC0]  }
0x96: {  	v9 =	vadd.f32 v50, v9;
	v50 =	vld [tilespmem:$0x1EE60]  }
0x97: {  	v7 =	vadd.f32 v36, v7;
	v36 =	vld [tilespmem:$0xA60]  }
0x98: {  	v6 =	vadd.f32 v16, v6;
	v16 =	vld [tilespmem:$0x960]  }
0x99: {  	v20 =	vadd.f32 v60, v20;
	v60 =	vld [tilespmem:$0x1EE20]  }
0x9a: {  	v5 =	vadd.f32 v48, v5;
	v48 =	vld [tilespmem:$0xB40]  }
0x9b: {  	v9 =	vadd.f32 v52, v9;
	v52 =	vld [tilespmem:$0x1EE70]  }
0x9c: {  	v6 =	vadd.f32 v19, v6;
	v19 =	vld [tilespmem:$0x980]  }
0x9d: {  	v20 =	vadd.f32 v61, v20;
	v61 =	vld [tilespmem:$0x1EE30]  }
0x9e: {  	v5 =	vadd.f32 v49, v5;
	v49 =	vld [tilespmem:$0x1EE50]  }
0x9f: {  	v9 =	vadd.f32 v54, v9;
	v54 =	vld [tilespmem:$0x1EE80]  }
0xa0: {  	v6 =	vadd.f32 v22, v6;
	v22 =	vld [tilespmem:$0x9A0]  }
0xa1: {  	v7 =	vadd.f32 v10, v7;
	v20 =	vadd.f32 v62, v20;
	v62 =	vld [tilespmem:$0xA10]  }
0xa2: {  	v5 =	vadd.f32 v51, v5;
	v51 =	vld [tilespmem:$0xB50]  }
0xa3: {  	v7 =	vadd.f32 v37, v7;
	v44 =	vadd.f32 v56, v9;
	v9 =	vld [tilespmem:$0x9F0]  }
0xa4: {  	v56 =	vld [tilespmem:$0xA30]  }
0xa5: {  	v7 =	vadd.f32 v13, v7;
	v13 =	vld [tilespmem:$0xEB0]  }
0xa6: {  	v6 =	vadd.f32 v24, v6;
	v24 =	vld [tilespmem:$0x9C0]  }
0xa7: {  	v20 =	vadd.f32 v63, v20;
	v63 =	vld [tilespmem:$0x1EE40]  }
0xa8: {  	v5 =	vadd.f32 v53, v5;
	v53 =	vld [tilespmem:$0xA20]  }
0xa9: {  	v20 =	vadd.f32 v31, v20;
	v31 =	vld [tilespmem:$0x9D0]  }
0xaa: {  	v7 =	vadd.f32 v38, v7;
	v6 =	vadd.f32 v25, v6;
	v25 =	vld [tilespmem:$0x9E0]  }
0xab: {  	v5 =	vadd.f32 v55, v5;
	v55 =	vld [tilespmem:$0xB60]  }
0xac: {  	v7 =	vadd.f32 v15, v7;
	v15 =	vld [tilespmem:$0xDC0]  }
0xad: {  	v5 =	vadd.f32 v57, v5;
	v57 =	vld [tilespmem:$0xB70]  }
0xae: {  	v20 =	vadd.f32 v34, v20;
	v34 =	vadd.f32 v58, v44;
	v58 =	vld [tilespmem:$0xA40]  }
0xaf: {  	v6 =	vadd.f32 v26, v6;
	v26 =	vadd.f32 v62, v59;
	v59 =	vld [tilespmem:$0x1EE90]  }
0xb0: {  	v62 =	vld [tilespmem:$0x1EEA0]  }
0xb1: {  	v44 =	vld [tilespmem:$0x1EEB0]  }
0xb2: {  	v5 =	vadd.f32 v60, v5;
	v60 =	vld [tilespmem:$0xB80]  }
0xb3: {  	v20 =	vadd.f32 v61, v20;
	v61 =	vld [tilespmem:$0xA50]  }
0xb4: {  	v34 =	vadd.f32 v63, v34;
	v63 =	vld [tilespmem:$0xB90]  }
0xb5: {  	v6 =	vadd.f32 v27, v6;
	v27 =	vadd.f32 v51, v48;
	v48 =	vld [tilespmem:$0xBB0]  }
0xb6: {  	v51 =	vld [tilespmem:$0xA90]  }
0xb7: {  	v26 =	vadd.f32 v53, v26;
	v53 =	vld [tilespmem:$0xAA0]  }
0xb8: {  	v5 =	vadd.f32 v49, v5;
	v49 =	vld [tilespmem:$0xA80]  }
0xb9: {  	v20 =	vadd.f32 v50, v20;
	v50 =	vld [tilespmem:$0xBC0]  }
0xba: {  	v34 =	vadd.f32 v52, v34;
	v52 =	vld [tilespmem:$0xBD0]  }
0xbb: {  	v27 =	vadd.f32 v55, v27;
	v55 =	vld [tilespmem:$0xAB0]  }
0xbc: {  	v7 =	vadd.f32 v39, v7;
	v23 =	vadd.f32 v56, v26;
	v56 =	vld [tilespmem:$0xBF0]  }
0xbd: {  	v29 =	vadd.f32 v59, v29;
	v59 =	vld [tilespmem:$0xAD0]  }
0xbe: {  	v7 =	vadd.f32 v16, v7;
	v20 =	vadd.f32 v54, v20;
	v54 =	vld [tilespmem:$0xBE0]  }
0xbf: {  	v27 =	vadd.f32 v57, v27;
	v57 =	vld [tilespmem:$0xAC0]  }
0xc0: {  	v7 =	vadd.f32 v41, v7;
	v8 =	vadd.f32 v58, v23;
	v58 =	vld [tilespmem:$0xC00]  }
0xc1: {  	v29 =	vadd.f32 v62, v29;
	v62 =	vld [tilespmem:$0xC20]  }
0xc2: {  	v6 =	vadd.f32 v28, v6;
	v7 =	vadd.f32 v19, v7;
	v19 =	vld [tilespmem:$0xC30]  }
0xc3: {  	v5 =	vmul.f32 $5.000000070e-02, v5;
	v27 =	vadd.f32 v60, v27;
	v60 =	vld [tilespmem:$0xC10]  }
0xc4: {  	v6 =	vadd.f32 v32, v6;
	v8 =	vadd.f32 v61, v8;
	v61 =	vld [tilespmem:$0xAE0]  }
0xc5: {  	[tilespmem:$0x2A80] =	vst v5;
	v5 =	vld [tilespmem:$0xDA0]  }
0xc6: {  	v37 =	vmul.f32 $5.000000070e-02, v6;
	v6 =	vld [tilespmem:$0xDB0]  }
0xc7: {  	v7 =	vadd.f32 v42, v7;
	v42 =	vld [tilespmem:$0xC90]  }
0xc8: {  	v26 =	vadd.f32 v63, v27;
	v63 =	vld [tilespmem:$0xAF0]  }
0xc9: {  	v29 =	vadd.f32 v44, v29;
	v27 =	vld [tilespmem:$0xC50]  }
0xca: {  	v8 =	vadd.f32 v36, v8;
	v7 =	vadd.f32 v22, v7;
	v22 =	vld [tilespmem:$0xC40]  }
0xcb: {  	v28 =	vadd.f32 v47, v29;
	v47 =	vld [tilespmem:$0xCB0]  }
0xcc: {  	v23 =	vadd.f32 v45, v26;
	v8 =	vadd.f32 v46, v8;
	v45 =	vld [tilespmem:$0xE30]  }
0xcd: {  	v21 =	vadd.f32 v21, v28;
	v7 =	vadd.f32 v43, v7;
	v28 =	vld [tilespmem:$0xB20]  }
0xce: {  	v43 =	vld [tilespmem:$0xCA0];
	v23 =	vadd.f32 v48, v23;
	v8 =	vadd.f32 v49, v8  }
0xcf: {  	v49 =	vld [tilespmem:$0xC80];
	v18 =	vadd.f32 v18, v21;
	v7 =	vadd.f32 v24, v7  }
0xd0: {  	v21 =	vld [tilespmem:$0xB00];
	v10 =	vadd.f32 v50, v23;
	v8 =	vadd.f32 v51, v8  }
0xd1: {  	v23 =	vld [tilespmem:$0xB10];
	v0 =	vadd.f32 v0, v18;
	v7 =	vadd.f32 v31, v7  }
0xd2: {  	[tilespmem:$0x1F000] =	vst v13;
	v36 =	vmul.f32 $5.000000070e-02, v20;
	v51 =	vld [tilespmem:$0xCE0];
	v10 =	vadd.f32 v52, v10;
	v8 =	vadd.f32 v53, v8  }
0xd3: {  	[tilespmem:$0x2AB0] =	vst v37;
	v53 =	vld [tilespmem:$0xCF0];
	v0 =	vadd.f32 v14, v0;
	v7 =	vadd.f32 v25, v7  }
0xd4: {  	[tilespmem:$0x2AA0] =	vst v36;
	v31 =	vld [tilespmem:$0xB30];
	v10 =	vadd.f32 v54, v10  }
0xd5: {  	[tilespmem:$0x1F080] =	vst v5;
	v54 =	vld [tilespmem:$0xD00];
	v0 =	vadd.f32 v11, v0;
	v38 =	vadd.f32 v9, v7  }
0xd6: {  	[tilespmem:$0x1F0C0] =	vst v6;
	v8 =	vadd.f32 v55, v8;
	v55 =	vld [tilespmem:$0xD10]  }
0xd7: {  	[tilespmem:$0x1EED0] =	vst v51;
	v7 =	vld [tilespmem:$0xE50];
	v10 =	vadd.f32 v56, v10;
	v0 =	vadd.f32 v40, v0;
	v39 =	vmul.f32 $5.000000070e-02, v38  }
0xd8: {  	v9 =	vld [tilespmem:$0xE70];
	v8 =	vadd.f32 v57, v8;
	[tilespmem:$0x1EEE0] =	vst v53  }
0xd9: {  	v11 =	vld [tilespmem:$0xE90];
	v10 =	vadd.f32 v58, v10;
	v0 =	vadd.f32 v17, v0;
	[tilespmem:$0x2AD0] =	vst v39  }
0xda: {  	v56 =	vld [tilespmem:$0xD20];
	v8 =	vadd.f32 v59, v8;
	[tilespmem:$0x1EEF0] =	vst v54  }
0xdb: {  	v57 =	vld [tilespmem:$0xD30];
	[tilespmem:$0x1EF00] =	vst v55;
	v10 =	vadd.f32 v60, v10;
	v0 =	vadd.f32 v12, v0  }
0xdc: {  	v58 =	vld [tilespmem:$0xD40];
	v8 =	vadd.f32 v61, v8;
	[tilespmem:$0x1EF10] =	vst v7  }
0xdd: {  	v59 =	vld [tilespmem:$0xD50];
	[tilespmem:$0x1EF50] =	vst v9;
	v10 =	vadd.f32 v62, v10;
	v0 =	vadd.f32 v35, v0  }
0xde: {  	v52 =	vld [tilespmem:$0xCC0];
	[tilespmem:$0x1EFA0] =	vst v11;
	v26 =	vadd.f32 v63, v8  }
0xdf: {  	v60 =	vld [tilespmem:$0xD60];
	[tilespmem:$0x1EF20] =	vst v56;
	v10 =	vadd.f32 v19, v10;
	v0 =	vadd.f32 v3, v0  }
0xe0: {  	[tilespmem:$0x1EF40] =	vst v57;
	v12 =	vld [tilespmem:$0xEA0];
	v29 =	vadd.f32 v21, v26  }
0xe1: {  	v62 =	vld [tilespmem:$0xD70];
	v35 =	vmul.f32 $5.000000070e-02, v34;
	[tilespmem:$0x1EF60] =	vst v58;
	v10 =	vadd.f32 v22, v10;
	v0 =	vadd.f32 v2, v0  }
0xe2: {  	v63 =	vld [tilespmem:$0xD80];
	[tilespmem:$0x1EF80] =	vst v59;
	v32 =	vadd.f32 v23, v29  }
0xe3: {  	[tilespmem:$0x2A90] =	vst v35;
	v8 =	vadd.f32 v27, v10;
	v10 =	vld [tilespmem:$0xE80];
	v0 =	vadd.f32 v1, v0  }
0xe4: {  	v14 =	vld [tilespmem:$0xDD0];
	[tilespmem:$0x1EFB0] =	vst v60;
	v1 =	vadd.f32 v28, v32  }
0xe5: {  	v38 =	vld [tilespmem:$0xE20];
	[tilespmem:$0x1EFD0] =	vst v12;
	v0 =	vadd.f32 v4, v0  }
0xe6: {  	[tilespmem:$0x1EFE0] =	vst v62;
	v3 =	vadd.f32 v30, v8;
	v8 =	vld [tilespmem:$0xE60];
	v1 =	vadd.f32 v31, v1  }
0xe7: {  	v55 =	vld [tilespmem:$0xE40];
	[tilespmem:$0x1F010] =	vst v63;
	v0 =	vmul.f32 $5.000000070e-02, v0  }
0xe8: {  	v4 =	vld [tilespmem:$0xD90];
	v2 =	vadd.f32 v33, v3;
	v48 =	vmul.f32 $5.000000070e-02, v1;
	[tilespmem:$0x1EF70] =	vst v10  }
0xe9: {  	v61 =	vld [tilespmem:$0xCD0];
	[tilespmem:$0x2AC0] =	vst v0  }
0xea: {  	v19 =	vld [tilespmem:$0xDE0];
	v50 =	vmul.f32 $5.000000070e-02, v2;
	[tilespmem:$0x2AE0] =	vst v48  }
0xeb: {  	v23 =	vld [tilespmem:$0xDF0];
	[tilespmem:$0x1EF30] =	vst v8  }
0xec: {  	v27 =	vld [tilespmem:$0xE00];
	[tilespmem:$0x2AF0] =	vst v50  }
0xed: {  	v33 =	vld [tilespmem:$0xE10];
	[tilespmem:$0x1F040] =	vst v4  }
0xee: {  	v0 =	vld [tilespmem:$0xEC0]  }
0xef: {  	v62 =	vld [tilespmem:$0x1200];
	_ =	sdelay $0x4  }
0xf0: {  	[tilespmem:$0x1F200] =	vst v62;
	v62 =	vld [tilespmem:$0x1350];
	_ =	sdelay $0x4  }
0xf1: {  	[tilespmem:$0x1F250] =	vst v62;
	v62 =	vld [tilespmem:$0x14A0];
	_ =	sdelay $0x4  }
0xf2: {  	[tilespmem:$0x1F2B0] =	vst v62;
	v62 =	vld [tilespmem:$0x15E0];
	_ =	sdelay $0x4  }
0xf3: {  	[tilespmem:$0x1F2D0] =	vst v62;
	v62 =	vld [tilespmem:$0x1600];
	_ =	sdelay $0x4  }
0xf4: {  	[tilespmem:$0x1F350] =	vst v62;
	v62 =	vld [tilespmem:$0x1620];
	_ =	sdelay $0x4  }
0xf5: {  	[tilespmem:$0x1F3D0] =	vst v62;
	v62 =	vld [tilespmem:$0x1640];
	_ =	sdelay $0x4  }
0xf6: {  	[tilespmem:$0x1F450] =	vst v62;
	v62 =	vld [tilespmem:$0x1660];
	_ =	sdelay $0x4  }
0xf7: {  	[tilespmem:$0x1F4D0] =	vst v62;
	v62 =	vld [tilespmem:$0x1680];
	_ =	sdelay $0x4  }
0xf8: {  	[tilespmem:$0x1F4F0] =	vst v62;
	v62 =	vld [tilespmem:$0x16A0];
	_ =	sdelay $0x4  }
0xf9: {  	[tilespmem:$0x1F540] =	vst v62;
	v62 =	vld [tilespmem:$0x16C0];
	_ =	sdelay $0x4  }
0xfa: {  	[tilespmem:$0x1F5C0] =	vst v62;
	v62 =	vld [tilespmem:$0x16E0];
	_ =	sdelay $0x4  }
0xfb: {  	[tilespmem:$0x1F640] =	vst v62;
	v62 =	vld [tilespmem:$0x1700];
	_ =	sdelay $0x4  }
0xfc: {  	[tilespmem:$0x1F6C0] =	vst v62;
	v62 =	vld [tilespmem:$0x1720];
	_ =	sdelay $0x4  }
0xfd: {  	[tilespmem:$0x1F740] =	vst v62;
	v62 =	vld [tilespmem:$0x1740];
	_ =	sdelay $0x4  }
0xfe: {  	[tilespmem:$0x1F7C0] =	vst v62;
	v62 =	vld [tilespmem:$0x1760];
	_ =	sdelay $0x4  }
0xff: {  	[tilespmem:$0x1F840] =	vst v62;
	v62 =	vld [tilespmem:$0x1780];
	_ =	sdelay $0x4  }
0x100: {  	[tilespmem:$0x1F8C0] =	vst v62;
	v62 =	vld [tilespmem:$0x17A0];
	_ =	sdelay $0x4  }
0x101: {  	[tilespmem:$0x1F940] =	vst v62;
	v62 =	vld [tilespmem:$0x17C0];
	_ =	sdelay $0x4  }
0x102: {  	[tilespmem:$0x1F520] =	vst v62;
	v62 =	vld [tilespmem:$0x17E0];
	_ =	sdelay $0x4  }
0x103: {  	[tilespmem:$0x1F570] =	vst v62;
	v62 =	vld [tilespmem:$0x1800];
	_ =	sdelay $0x4  }
0x104: {  	[tilespmem:$0x1F5E0] =	vst v62;
	v62 =	vld [tilespmem:$0x1820];
	_ =	sdelay $0x4  }
0x105: {  	[tilespmem:$0x1F660] =	vst v62;
	v62 =	vld [tilespmem:$0x1840];
	_ =	sdelay $0x4  }
0x106: {  	[tilespmem:$0x1F6E0] =	vst v62;
	v62 =	vld [tilespmem:$0x1860];
	_ =	sdelay $0x4  }
0x107: {  	[tilespmem:$0x1F760] =	vst v62;
	v62 =	vld [tilespmem:$0x1880];
	_ =	sdelay $0x4  }
0x108: {  	[tilespmem:$0x1F7E0] =	vst v62;
	v62 =	vld [tilespmem:$0x18A0];
	_ =	sdelay $0x4  }
0x109: {  	[tilespmem:$0x1F860] =	vst v62;
	v62 =	vld [tilespmem:$0x18C0];
	_ =	sdelay $0x4  }
0x10a: {  	[tilespmem:$0x1F8E0] =	vst v62;
	v62 =	vld [tilespmem:$0x18E0];
	_ =	sdelay $0x4  }
0x10b: {  	[tilespmem:$0x1F960] =	vst v62;
	v62 =	vld [tilespmem:$0x1900];
	_ =	sdelay $0x4  }
0x10c: {  	[tilespmem:$0x1F550] =	vst v62;
	v62 =	vld [tilespmem:$0x1920];
	_ =	sdelay $0x4  }
0x10d: {  	[tilespmem:$0x1F590] =	vst v62;
	v62 =	vld [tilespmem:$0x1940];
	_ =	sdelay $0x4  }
0x10e: {  	[tilespmem:$0x1F610] =	vst v62;
	v62 =	vld [tilespmem:$0x1960];
	_ =	sdelay $0x3  }
0x10f: {  	v16 =	vld [tilespmem:$0xED0]  }
0x110: {  	[tilespmem:$0x1F690] =	vst v62;
	v62 =	vld [tilespmem:$0x1980]  }
0x111: {  	v17 =	vld [tilespmem:$0xEE0]  }
0x112: {  	v18 =	vld [tilespmem:$0xEF0]  }
0x113: {  	v6 =	vld [tilespmem:$0xF00]  }
0x114: {  	v5 =	vld [tilespmem:$0xF10]  }
0x115: {  	[tilespmem:$0x1F710] =	vst v62;
	v62 =	vld [tilespmem:$0x19A0]  }
0x116: {  	v8 =	vld [tilespmem:$0xF20]  }
0x117: {  	v10 =	vld [tilespmem:$0xF30]  }
0x118: {  	v12 =	vld [tilespmem:$0xF40]  }
0x119: {  	v60 =	vld [tilespmem:$0x11F0]  }
0x11a: {  	[tilespmem:$0x1F790] =	vst v62;
	v62 =	vld [tilespmem:$0x19C0]  }
0x11b: {  	v22 =	vld [tilespmem:$0xF60]  }
0x11c: {  	v26 =	vld [tilespmem:$0xF70]  }
0x11d: {  	v32 =	vld [tilespmem:$0xF80]  }
0x11e: {  	[tilespmem:$0x1F1D0] =	vst v60;
	v60 =	vld [tilespmem:$0x1340]  }
0x11f: {  	[tilespmem:$0x1F810] =	vst v62;
	v62 =	vld [tilespmem:$0x19E0]  }
0x120: {  	v37 =	vld [tilespmem:$0xF90]  }
0x121: {  	v44 =	vld [tilespmem:$0xFA0]  }
0x122: {  	v51 =	vld [tilespmem:$0xFB0]  }
0x123: {  	[tilespmem:$0x1F220] =	vst v60;
	v60 =	vld [tilespmem:$0x1490]  }
0x124: {  	[tilespmem:$0x1F890] =	vst v62;
	v62 =	vld [tilespmem:$0x1A00]  }
0x125: {  	v20 =	vld [tilespmem:$0xFC0]  }
0x126: {  	v21 =	vld [tilespmem:$0xFD0]  }
0x127: {  	v24 =	vld [tilespmem:$0xFE0]  }
0x128: {  	[tilespmem:$0x1F270] =	vst v60;
	v60 =	vld [tilespmem:$0x15D0]  }
0x129: {  	[tilespmem:$0x1F910] =	vst v62;
	v62 =	vld [tilespmem:$0x1A20]  }
0x12a: {  	v25 =	vld [tilespmem:$0xFF0]  }
0x12b: {  	v28 =	vld [tilespmem:$0x1000]  }
0x12c: {  	v29 =	vld [tilespmem:$0x1010]  }
0x12d: {  	[tilespmem:$0x1F290] =	vst v60;
	v60 =	vld [tilespmem:$0x15F0]  }
0x12e: {  	[tilespmem:$0x1F990] =	vst v62;
	v62 =	vld [tilespmem:$0x1A60]  }
0x12f: {  	v30 =	vld [tilespmem:$0x1020]  }
0x130: {  	v31 =	vld [tilespmem:$0x1030]  }
0x131: {  	v1 =	vld [tilespmem:$0x1040]  }
0x132: {  	[tilespmem:$0x1F310] =	vst v60;
	v60 =	vld [tilespmem:$0x1610]  }
0x133: {  	[tilespmem:$0x1F5B0] =	vst v62;
	v62 =	vld [tilespmem:$0x1A70]  }
0x134: {  	v2 =	vld [tilespmem:$0x1060]  }
0x135: {  	v3 =	vld [tilespmem:$0x1070]  }
0x136: {  	v4 =	vld [tilespmem:$0x1080]  }
0x137: {  	[tilespmem:$0x1F390] =	vst v60;
	v60 =	vld [tilespmem:$0x1630]  }
0x138: {  	[tilespmem:$0x1F5F0] =	vst v62;
	v62 =	vld [tilespmem:$0x1A80]  }
0x139: {  	v7 =	vld [tilespmem:$0x1090]  }
0x13a: {  	v9 =	vld [tilespmem:$0x10A0]  }
0x13b: {  	v11 =	vld [tilespmem:$0x10B0]  }
0x13c: {  	[tilespmem:$0x1F410] =	vst v60;
	v60 =	vld [tilespmem:$0x1650]  }
0x13d: {  	[tilespmem:$0x1F630] =	vst v62;
	v62 =	vld [tilespmem:$0x1A90]  }
0x13e: {  	v35 =	vld [tilespmem:$0x1100]  }
0x13f: {  	v40 =	vld [tilespmem:$0x1110]  }
0x140: {  	v48 =	vld [tilespmem:$0x1120]  }
0x141: {  	[tilespmem:$0x1F490] =	vst v60;
	v60 =	vld [tilespmem:$0x1670]  }
0x142: {  	[tilespmem:$0x1F670] =	vst v62;
	v62 =	vld [tilespmem:$0x1AA0]  }
0x143: {  	v58 =	vld [tilespmem:$0x1130]  }
0x144: {  	v34 =	vld [tilespmem:$0x1140]  }
0x145: {  	v36 =	vld [tilespmem:$0x1150]  }
0x146: {  	[tilespmem:$0x1F510] =	vst v60;
	v60 =	vld [tilespmem:$0x1690]  }
0x147: {  	[tilespmem:$0x1F6B0] =	vst v62;
	v62 =	vld [tilespmem:$0x1AB0]  }
0x148: {  	v39 =	vld [tilespmem:$0x1160]  }
0x149: {  	v41 =	vld [tilespmem:$0x1170]  }
0x14a: {  	v46 =	vld [tilespmem:$0x1180]  }
0x14b: {  	[tilespmem:$0x1F500] =	vst v60;
	v60 =	vld [tilespmem:$0x16B0]  }
0x14c: {  	[tilespmem:$0x1F6F0] =	vst v62;
	v62 =	vld [tilespmem:$0x1AC0]  }
0x14d: {  	v50 =	vld [tilespmem:$0x1190]  }
0x14e: {  	v53 =	vld [tilespmem:$0x11A0]  }
0x14f: {  	v54 =	vld [tilespmem:$0x11B0]  }
0x150: {  	[tilespmem:$0x1F580] =	vst v60;
	v60 =	vld [tilespmem:$0x16D0]  }
0x151: {  	[tilespmem:$0x1F730] =	vst v62;
	v62 =	vld [tilespmem:$0x1AD0]  }
0x152: {  	v56 =	vld [tilespmem:$0x11C0]  }
0x153: {  	v57 =	vld [tilespmem:$0x11D0]  }
0x154: {  	v59 =	vld [tilespmem:$0x11E0]  }
0x155: {  	[tilespmem:$0x1F600] =	vst v60;
	v60 =	vld [tilespmem:$0x16F0]  }
0x156: {  	[tilespmem:$0x1F770] =	vst v62;
	v62 =	vld [tilespmem:$0x1AE0]  }
0x157: {  	v63 =	vld [tilespmem:$0x1210]  }
0x158: {  	v13 =	vld [tilespmem:$0x1550]  }
0x159: {  	v42 =	vadd.f32 v42, v49;
	v49 =	vld [tilespmem:$0x1C90]  }
0x15a: {  	[tilespmem:$0x1F680] =	vst v60;
	v60 =	vld [tilespmem:$0x1710]  }
0x15b: {  	[tilespmem:$0x1F7B0] =	vst v62;
	v62 =	vld [tilespmem:$0x1AF0]  }
0x15c: {  	v43 =	vadd.f32 v43, v42;
	v42 =	vld [tilespmem:$0x1CB0]  }
0x15d: {  	v14 =	vadd.f32 v14, v15;
	v15 =	vld [tilespmem:$0x1EEE0]  }
0x15e: {  	[tilespmem:$0x1F0E0] =	vst v18;
	v18 =	vld [tilespmem:$0xF50]  }
0x15f: {  	[tilespmem:$0x1F700] =	vst v60;
	v60 =	vld [tilespmem:$0x1730]  }
0x160: {  	[tilespmem:$0x1F7F0] =	vst v62;
	v62 =	vld [tilespmem:$0x1B00]  }
0x161: {  	[tilespmem:$0x1F030] =	vst v0;
	v0 =	vld [tilespmem:$0x1050]  }
0x162: {  	[tilespmem:$0x1F060] =	vst v16;
	v16 =	vld [tilespmem:$0x10C0]  }
0x163: {  	[tilespmem:$0x1EFC0] =	vst v21;
	v21 =	vld [tilespmem:$0x10D0]  }
0x164: {  	[tilespmem:$0x1F780] =	vst v60;
	v60 =	vld [tilespmem:$0x1750]  }
0x165: {  	[tilespmem:$0x1F830] =	vst v62;
	v62 =	vld [tilespmem:$0x1B10]  }
0x166: {  	[tilespmem:$0x1F020] =	vst v25;
	v25 =	vld [tilespmem:$0x10E0]  }
0x167: {  	[tilespmem:$0x1F090] =	vst v29;
	v29 =	vld [tilespmem:$0x10F0]  }
0x168: {  	[tilespmem:$0x1F0A0] =	vst v17;
	v17 =	vld [tilespmem:$0x1220]  }
0x169: {  	[tilespmem:$0x1F800] =	vst v60;
	v60 =	vld [tilespmem:$0x1770]  }
0x16a: {  	[tilespmem:$0x1F870] =	vst v62;
	v62 =	vld [tilespmem:$0x1B20]  }
0x16b: {  	[tilespmem:$0x1EF90] =	vst v20;
	v20 =	vld [tilespmem:$0x1230]  }
0x16c: {  	[tilespmem:$0x1EFF0] =	vst v24;
	v24 =	vld [tilespmem:$0x1240]  }
0x16d: {  	[tilespmem:$0x1F050] =	vst v28;
	v28 =	vld [tilespmem:$0x1250]  }
0x16e: {  	[tilespmem:$0x1F880] =	vst v60;
	v60 =	vld [tilespmem:$0x1790]  }
0x16f: {  	[tilespmem:$0x1F8B0] =	vst v62;
	v62 =	vld [tilespmem:$0x1B30]  }
0x170: {  	[tilespmem:$0x1F0D0] =	vst v30;
	v30 =	vld [tilespmem:$0x1260]  }
0x171: {  	[tilespmem:$0x1F100] =	vst v31;
	v31 =	vld [tilespmem:$0x1270]  }
0x172: {  	[tilespmem:$0x1F070] =	vst v34;
	v34 =	vld [tilespmem:$0x1280]  }
0x173: {  	[tilespmem:$0x1F900] =	vst v60;
	v60 =	vld [tilespmem:$0x17B0]  }
0x174: {  	[tilespmem:$0x1F8F0] =	vst v62;
	v62 =	vld [tilespmem:$0x1B40]  }
0x175: {  	[tilespmem:$0x1F0B0] =	vst v36;
	v36 =	vld [tilespmem:$0x1290]  }
0x176: {  	[tilespmem:$0x1F0F0] =	vst v39;
	v39 =	vld [tilespmem:$0x12A0]  }
0x177: {  	[tilespmem:$0x1F130] =	vst v41;
	v41 =	vld [tilespmem:$0x12B0]  }
0x178: {  	[tilespmem:$0x1F980] =	vst v60;
	v60 =	vld [tilespmem:$0x17D0]  }
0x179: {  	[tilespmem:$0x1F930] =	vst v62;
	v62 =	vld [tilespmem:$0x1B50]  }
0x17a: {  	[tilespmem:$0x1F170] =	vst v56;
	v56 =	vld [tilespmem:$0x12C0]  }
0x17b: {  	[tilespmem:$0x1F150] =	vst v54;
	v54 =	vld [tilespmem:$0x12D0]  }
0x17c: {  	[tilespmem:$0x1F230] =	vst v63;
	v63 =	vld [tilespmem:$0x12E0]  }
0x17d: {  	[tilespmem:$0x1F530] =	vst v60;
	v60 =	vld [tilespmem:$0x17F0]  }
0x17e: {  	[tilespmem:$0x1F970] =	vst v62;
	v62 =	vld [tilespmem:$0x1B60]  }
0x17f: {  	[tilespmem:$0x1F110] =	vst v46;
	v46 =	vld [tilespmem:$0x12F0]  }
0x180: {  	[tilespmem:$0x1F120] =	vst v50;
	v50 =	vld [tilespmem:$0x1300]  }
0x181: {  	[tilespmem:$0x1F140] =	vst v53;
	v53 =	vld [tilespmem:$0x1310]  }
0x182: {  	[tilespmem:$0x1F5A0] =	vst v60;
	v60 =	vld [tilespmem:$0x1810]  }
0x183: {  	[tilespmem:$0x1F9B0] =	vst v62;
	v62 =	vld [tilespmem:$0x1B70]  }
0x184: {  	[tilespmem:$0x1F190] =	vst v57;
	v57 =	vld [tilespmem:$0x1320]  }
0x185: {  	[tilespmem:$0x1F1B0] =	vst v59;
	v59 =	vld [tilespmem:$0x1330]  }
0x186: {  	[tilespmem:$0x1FC80] =	vst v49;
	v49 =	vld [tilespmem:$0x1CD0]  }
0x187: {  	[tilespmem:$0x1F620] =	vst v60;
	v60 =	vld [tilespmem:$0x1830]  }
0x188: {  	[tilespmem:$0x1F9F0] =	vst v62;
	v62 =	vld [tilespmem:$0x1B80]  }
0x189: {  	[tilespmem:$0x1FD00] =	vst v42;
	v42 =	vld [tilespmem:$0x1EF30]  }
0x18a: {  	[tilespmem:$0x1F260] =	vst v17;
	v17 =	vld [tilespmem:$0x1360]  }
0x18b: {  	[tilespmem:$0x1F2A0] =	vst v20;
	v20 =	vld [tilespmem:$0x1370]  }
0x18c: {  	[tilespmem:$0x1F6A0] =	vst v60;
	v60 =	vld [tilespmem:$0x1850]  }
0x18d: {  	[tilespmem:$0x1F9D0] =	vst v62;
	v62 =	vld [tilespmem:$0x1B90]  }
0x18e: {  	[tilespmem:$0x1F2E0] =	vst v24;
	v24 =	vld [tilespmem:$0x1380]  }
0x18f: {  	[tilespmem:$0x1F320] =	vst v28;
	v28 =	vld [tilespmem:$0x1390]  }
0x190: {  	[tilespmem:$0x1F360] =	vst v30;
	v30 =	vld [tilespmem:$0x13A0]  }
0x191: {  	[tilespmem:$0x1F720] =	vst v60;
	v60 =	vld [tilespmem:$0x1870]  }
0x192: {  	[tilespmem:$0x1F9E0] =	vst v62;
	v62 =	vld [tilespmem:$0x1BA0]  }
0x193: {  	[tilespmem:$0x1F3A0] =	vst v31;
	v31 =	vld [tilespmem:$0x13B0]  }
0x194: {  	[tilespmem:$0x1F3E0] =	vst v34;
	v34 =	vld [tilespmem:$0x13C0]  }
0x195: {  	[tilespmem:$0x1F420] =	vst v36;
	v36 =	vld [tilespmem:$0x13D0]  }
0x196: {  	[tilespmem:$0x1F7A0] =	vst v60;
	v60 =	vld [tilespmem:$0x1890]  }
0x197: {  	[tilespmem:$0x1FA20] =	vst v62;
	v62 =	vld [tilespmem:$0x1BB0]  }
0x198: {  	[tilespmem:$0x1F460] =	vst v39;
	v39 =	vld [tilespmem:$0x13E0]  }
0x199: {  	[tilespmem:$0x1F4A0] =	vst v41;
	v41 =	vld [tilespmem:$0x13F0]  }
0x19a: {  	[tilespmem:$0x1F180] =	vst v50;
	v50 =	vld [tilespmem:$0x1440]  }
0x19b: {  	[tilespmem:$0x1F820] =	vst v60;
	v60 =	vld [tilespmem:$0x18B0]  }
0x19c: {  	[tilespmem:$0x1FA40] =	vst v62;
	v62 =	vld [tilespmem:$0x1BC0]  }
0x19d: {  	[tilespmem:$0x1F1F0] =	vst v59;
	v59 =	vld [tilespmem:$0x1450]  }
0x19e: {  	[tilespmem:$0x1F160] =	vst v46;
	v46 =	vld [tilespmem:$0x1460]  }
0x19f: {  	[tilespmem:$0x1F1A0] =	vst v53;
	v53 =	vld [tilespmem:$0x1470]  }
0x1a0: {  	[tilespmem:$0x1F8A0] =	vst v60;
	v60 =	vld [tilespmem:$0x18D0]  }
0x1a1: {  	[tilespmem:$0x1FA60] =	vst v62;
	v62 =	vld [tilespmem:$0x1BD0]  }
0x1a2: {  	[tilespmem:$0x1F1C0] =	vst v57;
	v57 =	vld [tilespmem:$0x1480]  }
0x1a3: {  	[tilespmem:$0x1FA10] =	vst v49;
	v49 =	vld [tilespmem:$0x1DB0]  }
0x1a4: {  	[tilespmem:$0x1F3C0] =	vst v31;
	v31 =	vld [tilespmem:$0x1400]  }
0x1a5: {  	[tilespmem:$0x1F920] =	vst v60;
	v60 =	vld [tilespmem:$0x18F0]  }
0x1a6: {  	[tilespmem:$0x1FA80] =	vst v62;
	v62 =	vld [tilespmem:$0x1BE0]  }
0x1a7: {  	[tilespmem:$0x1F380] =	vst v30;
	v30 =	vld [tilespmem:$0x1410]  }
0x1a8: {  	[tilespmem:$0x1F440] =	vst v36;
	v36 =	vld [tilespmem:$0x1420]  }
0x1a9: {  	[tilespmem:$0x1F4C0] =	vst v41;
	v41 =	vld [tilespmem:$0x1430]  }
0x1aa: {  	[tilespmem:$0x1F9A0] =	vst v60;
	v60 =	vld [tilespmem:$0x1910]  }
0x1ab: {  	[tilespmem:$0x1FA90] =	vst v62;
	v62 =	vld [tilespmem:$0x1BF0]  }
0x1ac: {  	[tilespmem:$0x1F280] =	vst v17;
	v17 =	vld [tilespmem:$0x14B0]  }
0x1ad: {  	[tilespmem:$0x1F2C0] =	vst v20;
	v20 =	vld [tilespmem:$0x14C0]  }
0x1ae: {  	[tilespmem:$0x1F300] =	vst v24;
	v24 =	vld [tilespmem:$0x14D0]  }
0x1af: {  	[tilespmem:$0x1F560] =	vst v60;
	v60 =	vld [tilespmem:$0x1930]  }
0x1b0: {  	[tilespmem:$0x1FAC0] =	vst v62;
	v62 =	vld [tilespmem:$0x1C00]  }
0x1b1: {  	[tilespmem:$0x1F340] =	vst v28;
	v28 =	vld [tilespmem:$0x14E0]  }
0x1b2: {  	[tilespmem:$0x1F400] =	vst v34;
	v34 =	vld [tilespmem:$0x14F0]  }
0x1b3: {  	[tilespmem:$0x1F480] =	vst v39;
	v39 =	vld [tilespmem:$0x1500]  }
0x1b4: {  	[tilespmem:$0x1F5D0] =	vst v60;
	v60 =	vld [tilespmem:$0x1950]  }
0x1b5: {  	[tilespmem:$0x1FAF0] =	vst v62;
	v62 =	vld [tilespmem:$0x1C10]  }
0x1b6: {  	[tilespmem:$0x1F1E0] =	vst v46;
	v46 =	vld [tilespmem:$0x1510]  }
0x1b7: {  	[tilespmem:$0x1F210] =	vst v53;
	v53 =	vld [tilespmem:$0x1520]  }
0x1b8: {  	[tilespmem:$0x1F240] =	vst v57;
	v57 =	vld [tilespmem:$0x1530]  }
0x1b9: {  	[tilespmem:$0x1F650] =	vst v60;
	v60 =	vld [tilespmem:$0x1970]  }
0x1ba: {  	[tilespmem:$0x1FB20] =	vst v62;
	v62 =	vld [tilespmem:$0x1C20]  }
0x1bb: {  	[tilespmem:$0x1FC40] =	vst v49;
	v49 =	vld [tilespmem:$0x1F080]  }
0x1bc: {  	[tilespmem:$0x1F2F0] =	vst v17;
	v17 =	vld [tilespmem:$0x1540]  }
0x1bd: {  	[tilespmem:$0x1F330] =	vst v20;
	v20 =	vld [tilespmem:$0x1560]  }
0x1be: {  	[tilespmem:$0x1F6D0] =	vst v60;
	v60 =	vld [tilespmem:$0x1990]  }
0x1bf: {  	v0 =	vadd.f32 v0, v1;
	[tilespmem:$0x1FB50] =	vst v62;
	v62 =	vld [tilespmem:$0x1C30]  }
0x1c0: {  	[tilespmem:$0x1F370] =	vst v24;
	v24 =	vld [tilespmem:$0x1570]  }
0x1c1: {  	v0 =	vadd.f32 v2, v0;
	[tilespmem:$0x1F3B0] =	vst v28;
	v28 =	vld [tilespmem:$0x1580]  }
0x1c2: {  	[tilespmem:$0x1F3F0] =	vst v34;
	v34 =	vld [tilespmem:$0x1590]  }
0x1c3: {  	v0 =	vadd.f32 v3, v0;
	[tilespmem:$0x1F750] =	vst v60;
	v60 =	vld [tilespmem:$0x19B0]  }
0x1c4: {  	[tilespmem:$0x1FB80] =	vst v62;
	v62 =	vld [tilespmem:$0x1C40]  }
0x1c5: {  	v0 =	vadd.f32 v4, v0;
	[tilespmem:$0x1F430] =	vst v39;
	v39 =	vld [tilespmem:$0x15A0]  }
0x1c6: {  	[tilespmem:$0x1F470] =	vst v46;
	v46 =	vld [tilespmem:$0x15B0]  }
0x1c7: {  	v0 =	vadd.f32 v7, v0;
	[tilespmem:$0x1F4E0] =	vst v57;
	v57 =	vld [tilespmem:$0x15C0]  }
0x1c8: {  	[tilespmem:$0x1F7D0] =	vst v60;
	v60 =	vld [tilespmem:$0x19D0]  }
0x1c9: {  	v0 =	vadd.f32 v9, v0;
	[tilespmem:$0x1FBB0] =	vst v62;
	v62 =	vld [tilespmem:$0x1C50]  }
0x1ca: {  	[tilespmem:$0x1F4B0] =	vst v53;
	v53 =	vld [tilespmem:$0x1A50]  }
0x1cb: {  	v9 =	vld [tilespmem:$0x1DE0];
	v0 =	vadd.f32 v11, v0  }
0x1cc: {  	v11 =	vld [tilespmem:$0x1EF90]  }
0x1cd: {  	v0 =	vadd.f32 v16, v0;
	[tilespmem:$0x1F850] =	vst v60;
	v60 =	vld [tilespmem:$0x19F0]  }
0x1ce: {  	[tilespmem:$0x1FBD0] =	vst v62;
	v62 =	vld [tilespmem:$0x1C60]  }
0x1cf: {  	v16 =	vld [tilespmem:$0x1D80];
	v0 =	vadd.f32 v21, v0  }
0x1d0: {  	[tilespmem:$0x1FCE0] =	vst v9;
	v9 =	vld [tilespmem:$0x1EB0]  }
0x1d1: {  	v21 =	vld [tilespmem:$0x1EFD0];
	v0 =	vadd.f32 v25, v0  }
0x1d2: {  	[tilespmem:$0x1F8D0] =	vst v60;
	v60 =	vld [tilespmem:$0x1A10]  }
0x1d3: {  	v0 =	vadd.f32 v29, v0;
	[tilespmem:$0x1FBF0] =	vst v62;
	v62 =	vld [tilespmem:$0x1C70]  }
0x1d4: {  	v25 =	vld [tilespmem:$0x1E20]  }
0x1d5: {  	v29 =	vld [tilespmem:$0x1F020];
	v0 =	vadd.f32 v35, v0  }
0x1d6: {  	v35 =	vld [tilespmem:$0x1E40]  }
0x1d7: {  	v0 =	vadd.f32 v40, v0;
	[tilespmem:$0x1F950] =	vst v60;
	v60 =	vld [tilespmem:$0x1A30]  }
0x1d8: {  	[tilespmem:$0x1FC20] =	vst v62;
	v62 =	vld [tilespmem:$0x1C80]  }
0x1d9: {  	v40 =	vld [tilespmem:$0x1F050];
	v0 =	vadd.f32 v48, v0  }
0x1da: {  	v48 =	vld [tilespmem:$0x1E80]  }
0x1db: {  	v5 =	vadd.f32 v5, v6;
	v0 =	vadd.f32 v58, v0;
	v58 =	vld [tilespmem:$0x1F0B0]  }
0x1dc: {  	[tilespmem:$0x1F9C0] =	vst v60;
	v60 =	vld [tilespmem:$0x1A40]  }
0x1dd: {  	v5 =	vadd.f32 v8, v5;
	[tilespmem:$0x1FC50] =	vst v62;
	v62 =	vadd.f32 v19, v14;
	v14 =	vld [tilespmem:$0x1CA0]  }
0x1de: {  	v19 =	vadd.f32 v47, v43;
	v43 =	vld [tilespmem:$0x1CC0]  }
0x1df: {  	v47 =	vadd.f32 v10, v5;
	v10 =	vld [tilespmem:$0x1D00]  }
0x1e0: {  	v6 =	vadd.f32 v23, v62;
	v62 =	vld [tilespmem:$0x1CE0]  }
0x1e1: {  	v2 =	vadd.f32 v12, v47;
	v12 =	vld [tilespmem:$0x1EED0]  }
0x1e2: {  	v1 =	vadd.f32 v52, v19;
	v19 =	vld [tilespmem:$0x1D40]  }
0x1e3: {  	v23 =	vld [tilespmem:$0x1D50]  }
0x1e4: {  	v47 =	vld [tilespmem:$0x1EF40]  }
0x1e5: {  	v52 =	vadd.f32 v27, v6;
	v6 =	vld [tilespmem:$0x1CF0]  }
0x1e6: {  	v2 =	vadd.f32 v18, v2;
	v18 =	vld [tilespmem:$0x1D30]  }
0x1e7: {  	v27 =	vld [tilespmem:$0x1EF00]  }
0x1e8: {  	v1 =	vadd.f32 v61, v1;
	v61 =	vld [tilespmem:$0x1EF60]  }
0x1e9: {  	[tilespmem:$0x1FA00] =	vst v43;
	v43 =	vld [tilespmem:$0x1D10]  }
0x1ea: {  	[tilespmem:$0x1FCC0] =	vst v14;
	v14 =	vld [tilespmem:$0x1D20]  }
0x1eb: {  	[tilespmem:$0x1FA70] =	vst v10;
	v10 =	vld [tilespmem:$0x1EF80]  }
0x1ec: {  	v2 =	vadd.f32 v22, v2;
	v22 =	vld [tilespmem:$0x1EEF0]  }
0x1ed: {  	v8 =	vadd.f32 v33, v52;
	v33 =	vld [tilespmem:$0x1EF10]  }
0x1ee: {  	v52 =	vld [tilespmem:$0x1EF50]  }
0x1ef: {  	[tilespmem:$0x1FA30] =	vst v62;
	v62 =	vld [tilespmem:$0x1DD0]  }
0x1f0: {  	v1 =	vadd.f32 v12, v1;
	v12 =	vld [tilespmem:$0x1DF0]  }
0x1f1: {  	[tilespmem:$0x1FB10] =	vst v19;
	v19 =	vld [tilespmem:$0x1EFC0]  }
0x1f2: {  	[tilespmem:$0x1FB40] =	vst v23;
	v23 =	vld [tilespmem:$0x1EFF0]  }
0x1f3: {  	v2 =	vadd.f32 v26, v2;
	v26 =	vld [tilespmem:$0x1D60]  }
0x1f4: {  	v3 =	vadd.f32 v38, v8;
	v38 =	vld [tilespmem:$0x1EF20]  }
0x1f5: {  	v8 =	vld [tilespmem:$0x1EF70]  }
0x1f6: {  	v1 =	vadd.f32 v15, v1;
	v15 =	vld [tilespmem:$0x1EFA0]  }
0x1f7: {  	[tilespmem:$0x1FAE0] =	vst v18;
	v18 =	vld [tilespmem:$0x1EFB0]  }
0x1f8: {  	v2 =	vadd.f32 v32, v2;
	v32 =	vld [tilespmem:$0x1D70];
	v1 =	vadd.f32 v22, v1  }
0x1f9: {  	[tilespmem:$0x1FAB0] =	vst v14;
	v3 =	vadd.f32 v45, v3;
	v14 =	vld [tilespmem:$0x1D90]  }
0x1fa: {  	v45 =	vld [tilespmem:$0x1DA0];
	v1 =	vadd.f32 v27, v1  }
0x1fb: {  	v22 =	vld [tilespmem:$0x1EFE0];
	v3 =	vadd.f32 v55, v3  }
0x1fc: {  	v55 =	vld [tilespmem:$0x1DC0];
	v1 =	vadd.f32 v38, v1  }
0x1fd: {  	v2 =	vadd.f32 v37, v2;
	v37 =	vld [tilespmem:$0x1E60];
	v3 =	vadd.f32 v33, v3  }
0x1fe: {  	[tilespmem:$0x1FCA0] =	vst v62;
	v62 =	vld [tilespmem:$0x1F0C0];
	v1 =	vadd.f32 v47, v1  }
0x1ff: {  	[tilespmem:$0x1FB70] =	vst v26;
	v26 =	vld [tilespmem:$0x1F000];
	v3 =	vadd.f32 v42, v3  }
0x200: {  	v27 =	vld [tilespmem:$0x1F010];
	v2 =	vadd.f32 v44, v2;
	v1 =	vadd.f32 v61, v1  }
0x201: {  	v33 =	vld [tilespmem:$0x1F030];
	v3 =	vadd.f32 v52, v3  }
0x202: {  	v44 =	vld [tilespmem:$0x1E70];
	v2 =	vadd.f32 v51, v2;
	v1 =	vadd.f32 v10, v1  }
0x203: {  	[tilespmem:$0x1FBA0] =	vst v32;
	v32 =	vld [tilespmem:$0x1E50];
	v3 =	vadd.f32 v8, v3  }
0x204: {  	v38 =	vld [tilespmem:$0x1F040];
	v2 =	vadd.f32 v11, v2;
	v1 =	vadd.f32 v18, v1  }
0x205: {  	[tilespmem:$0x1FC10] =	vst v45;
	v45 =	vld [tilespmem:$0x1F060];
	v3 =	vadd.f32 v15, v3  }
0x206: {  	v51 =	vld [tilespmem:$0x1F090];
	v2 =	vadd.f32 v19, v2;
	v1 =	vadd.f32 v22, v1  }
0x207: {  	[tilespmem:$0x1FC70] =	vst v55;
	v55 =	vld [tilespmem:$0x1F0A0];
	v3 =	vadd.f32 v21, v3  }
0x208: {  	[tilespmem:$0x1FBC0] =	vst v9;
	v52 =	vld [tilespmem:$0x1E90];
	v2 =	vadd.f32 v23, v2;
	v1 =	vadd.f32 v27, v1  }
0x209: {  	[tilespmem:$0x1FB30] =	vst v48;
	v61 =	vld [tilespmem:$0x1EA0];
	v3 =	vadd.f32 v26, v3  }
0x20a: {  	[tilespmem:$0x1FA50] =	vst v6;
	v8 =	vld [tilespmem:$0x1F0D0];
	v2 =	vadd.f32 v29, v2;
	v1 =	vadd.f32 v38, v1  }
0x20b: {  	[tilespmem:$0x1FD20] =	vst v12;
	v19 =	vld [tilespmem:$0x1F100];
	v3 =	vadd.f32 v33, v3  }
0x20c: {  	[tilespmem:$0x1FAD0] =	vst v37;
	v10 =	vld [tilespmem:$0x1F0E0];
	v2 =	vadd.f32 v40, v2;
	v1 =	vadd.f32 v49, v1  }
0x20d: {  	[tilespmem:$0x1FB00] =	vst v44;
	v18 =	vld [tilespmem:$0x1EC0];
	v3 =	vadd.f32 v45, v3  }
0x20e: {  	v12 =	vld [tilespmem:$0x1E00];
	[tilespmem:$0x1FAA0] =	vst v32;
	v2 =	vadd.f32 v51, v2;
	v1 =	vadd.f32 v62, v1  }
0x20f: {  	v42 =	vld [tilespmem:$0x1E30];
	[tilespmem:$0x1FB60] =	vst v52;
	v3 =	vadd.f32 v55, v3  }
0x210: {  	v23 =	vld [tilespmem:$0x1ED0];
	[tilespmem:$0x1FF10] =	vst v1;
	v1 =	vadd.f32 v8, v2  }
0x211: {  	v47 =	vld [tilespmem:$0x1F070];
	[tilespmem:$0x1FB90] =	vst v61;
	v2 =	vadd.f32 v10, v3  }
0x212: {  	v11 =	vld [tilespmem:$0x1E10];
	[tilespmem:$0x1FBE0] =	vst v18;
	v1 =	vadd.f32 v19, v1  }
0x213: {  	v15 =	vld [tilespmem:$0x1F0F0];
	[tilespmem:$0x1FF20] =	vst v2  }
0x214: {  	v21 =	vld [tilespmem:$0x1F110];
	[tilespmem:$0x1FF30] =	vst v1  }
0x215: {  	v22 =	vld [tilespmem:$0x1F120];
	[tilespmem:$0x1FC00] =	vst v23  }
0x216: {  	v2 =	vld [tilespmem:$0x1F130]  }
0x217: {  	v27 =	vld [tilespmem:$0x1EE0]  }
0x218: {  	v29 =	vld [tilespmem:$0x1F140]  }
0x219: {  	v30 =	vadd.f32 v30, v31;
	v31 =	vld [tilespmem:$0x1EF0]  }
0x21a: {  	v33 =	vld [tilespmem:$0x1F00]  }
0x21b: {  	v37 =	vld [tilespmem:$0x1F150]  }
0x21c: {  	v38 =	vld [tilespmem:$0x1F10]  }
0x21d: {  	v40 =	vld [tilespmem:$0x1F160]  }
0x21e: {  	v0 =	vadd.f32 v47, v0;
	v44 =	vld [tilespmem:$0x1F20]  }
0x21f: {  	v45 =	vld [tilespmem:$0x1F170]  }
0x220: {  	v0 =	vadd.f32 v58, v0;
	v47 =	vld [tilespmem:$0x1F30]  }
0x221: {  	v48 =	vld [tilespmem:$0x1F180]  }
0x222: {  	v0 =	vadd.f32 v15, v0;
	v15 =	vld [tilespmem:$0x1F40]  }
0x223: {  	v49 =	vld [tilespmem:$0x1F190]  }
0x224: {  	v58 =	vld [tilespmem:$0x1F50]  }
0x225: {  	v51 =	vld [tilespmem:$0x1F1A0]  }
0x226: {  	v62 =	vld [tilespmem:$0x1F60]  }
0x227: {  	v52 =	vld [tilespmem:$0x1F1B0]  }
0x228: {  	v26 =	vadd.f32 v54, v56;
	v54 =	vld [tilespmem:$0x1F1C0]  }
0x229: {  	v32 =	vadd.f32 v13, v17;
	v55 =	vld [tilespmem:$0x1F1D0]  }
0x22a: {  	v56 =	vld [tilespmem:$0x1F1E0]  }
0x22b: {  	v3 =	vadd.f32 v20, v32;
	v20 =	vld [tilespmem:$0x1F90]  }
0x22c: {  	v1 =	vadd.f32 v22, v21;
	v21 =	vld [tilespmem:$0x1FA0]  }
0x22d: {  	v61 =	vld [tilespmem:$0x1F200]  }
0x22e: {  	v3 =	vadd.f32 v24, v3;
	v24 =	vld [tilespmem:$0x1FB0]  }
0x22f: {  	v8 =	vld [tilespmem:$0x1F220]  }
0x230: {  	v9 =	vld [tilespmem:$0x1F230]  }
0x231: {  	v10 =	vld [tilespmem:$0x1F240]  }
0x232: {  	v13 =	vld [tilespmem:$0x1F250]  }
0x233: {  	v17 =	vld [tilespmem:$0x1F260]  }
0x234: {  	v18 =	vld [tilespmem:$0x1F270]  }
0x235: {  	v19 =	vld [tilespmem:$0x1F280]  }
0x236: {  	v22 =	vld [tilespmem:$0x1F290]  }
0x237: {  	v23 =	vld [tilespmem:$0x1F2A0]  }
0x238: {  	v3 =	vadd.f32 v28, v3;
	v28 =	vld [tilespmem:$0x1F2D0]  }
0x239: {  	v32 =	vld [tilespmem:$0x1F300]  }
0x23a: {  	v4 =	vld [tilespmem:$0x1F4F0]  }
0x23b: {  	v5 =	vld [tilespmem:$0x1F500]  }
0x23c: {  	v6 =	vld [tilespmem:$0x2130]  }
0x23d: {  	v7 =	vld [tilespmem:$0x1F510];
	v3 =	vadd.f32 v34, v3  }
0x23e: {  	v34 =	vld [tilespmem:$0x2040]  }
0x23f: {  	v3 =	vadd.f32 v39, v3;
	v39 =	vld [tilespmem:$0x2050]  }
0x240: {  	v0 =	vadd.f32 v2, v0;
	v2 =	vadd.f32 v36, v30;
	v30 =	vld [tilespmem:$0x1F80]  }
0x241: {  	[tilespmem:$0x1FC30] =	vst v27;
	v27 =	vld [tilespmem:$0x1F2C0]  }
0x242: {  	v1 =	vadd.f32 v29, v1;
	v29 =	vld [tilespmem:$0x1F2E0]  }
0x243: {  	[tilespmem:$0x1FC60] =	vst v31;
	v31 =	vld [tilespmem:$0x1F2F0]  }
0x244: {  	v3 =	vadd.f32 v46, v3;
	v46 =	vld [tilespmem:$0x2030]  }
0x245: {  	[tilespmem:$0x1FC90] =	vst v33;
	v33 =	vld [tilespmem:$0x1F310]  }
0x246: {  	v36 =	vld [tilespmem:$0x1F320]  }
0x247: {  	[tilespmem:$0x1FCD0] =	vst v38;
	v38 =	vld [tilespmem:$0x1F330]  }
0x248: {  	[tilespmem:$0x1FD10] =	vst v44;
	v44 =	vld [tilespmem:$0x1F350]  }
0x249: {  	[tilespmem:$0x1FD40] =	vst v47;
	v47 =	vld [tilespmem:$0x1F360]  }
0x24a: {  	v58 =	vadd.f32 v58, v15;
	v15 =	vld [tilespmem:$0x1FA40]  }
0x24b: {  	[tilespmem:$0x1FCB0] =	vst v34;
	v34 =	vld [tilespmem:$0x1F460]  }
0x24c: {  	[tilespmem:$0x1FF40] =	vst v0;
	v0 =	vadd.f32 v63, v26;
	v63 =	vld [tilespmem:$0x1F210]  }
0x24d: {  	v1 =	vadd.f32 v37, v1;
	v37 =	vld [tilespmem:$0x1FC0]  }
0x24e: {  	v26 =	vld [tilespmem:$0x1F2B0]  }
0x24f: {  	v2 =	vadd.f32 v41, v2;
	v41 =	vld [tilespmem:$0x1F340]  }
0x250: {  	v3 =	vadd.f32 v57, v3;
	v57 =	vld [tilespmem:$0x2080]  }
0x251: {  	[tilespmem:$0x1FCF0] =	vst v39;
	v39 =	vld [tilespmem:$0x1F480]  }
0x252: {  	v0 =	vadd.f32 v40, v0;
	v40 =	vld [tilespmem:$0x1FD0]  }
0x253: {  	v1 =	vadd.f32 v45, v1;
	v45 =	vld [tilespmem:$0x2060]  }
0x254: {  	v2 =	vadd.f32 v50, v2;
	v50 =	vld [tilespmem:$0x1F380]  }
0x255: {  	v3 =	vadd.f32 v22, v3;
	v22 =	vld [tilespmem:$0x1F400]  }
0x256: {  	v2 =	vadd.f32 v59, v2;
	v59 =	vld [tilespmem:$0x1F1F0]  }
0x257: {  	v0 =	vadd.f32 v48, v0;
	v48 =	vld [tilespmem:$0x1F370]  }
0x258: {  	v1 =	vadd.f32 v49, v1;
	v49 =	vld [tilespmem:$0x2070]  }
0x259: {  	v3 =	vadd.f32 v28, v3;
	v28 =	vld [tilespmem:$0x1F430]  }
0x25a: {  	[tilespmem:$0x1FD50] =	vst v57;
	v57 =	vld [tilespmem:$0x2120]  }
0x25b: {  	v1 =	vadd.f32 v52, v1;
	v52 =	vld [tilespmem:$0x1F70]  }
0x25c: {  	v2 =	vadd.f32 v56, v2;
	v56 =	vld [tilespmem:$0x2000]  }
0x25d: {  	v0 =	vadd.f32 v51, v0;
	v51 =	vld [tilespmem:$0x2020]  }
0x25e: {  	v3 =	vadd.f32 v33, v3;
	v33 =	vld [tilespmem:$0x20E0]  }
0x25f: {  	[tilespmem:$0x1FD30] =	vst v45;
	v45 =	vld [tilespmem:$0x1F4A0]  }
0x260: {  	v0 =	vadd.f32 v54, v0;
	v54 =	vld [tilespmem:$0x2010]  }
0x261: {  	v1 =	vadd.f32 v55, v1;
	v55 =	vld [tilespmem:$0x1F390]  }
0x262: {  	v2 =	vadd.f32 v63, v2;
	v63 =	vld [tilespmem:$0x1F3A0]  }
0x263: {  	v3 =	vadd.f32 v44, v3;
	v44 =	vld [tilespmem:$0x2100]  }
0x264: {  	[tilespmem:$0x1FD60] =	vst v49;
	v49 =	vld [tilespmem:$0x2110]  }
0x265: {  	v1 =	vadd.f32 v61, v1;
	v61 =	vld [tilespmem:$0x1FE0]  }
0x266: {  	v0 =	vadd.f32 v59, v0;
	v59 =	vld [tilespmem:$0x1FF0]  }
0x267: {  	v2 =	vadd.f32 v10, v2;
	v10 =	vld [tilespmem:$0x1F3D0]  }
0x268: {  	[tilespmem:$0x1FDF0] =	vst v57;
	v57 =	vld [tilespmem:$0x1F650]  }
0x269: {  	[tilespmem:$0x1FDB0] =	vst v33;
	v33 =	vld [tilespmem:$0x2180]  }
0x26a: {  	v0 =	vadd.f32 v8, v0;
	v8 =	vld [tilespmem:$0x1F3B0]  }
0x26b: {  	v1 =	vadd.f32 v9, v1;
	v9 =	vld [tilespmem:$0x1F3C0]  }
0x26c: {  	v2 =	vadd.f32 v18, v2;
	v18 =	vld [tilespmem:$0x1F3F0]  }
0x26d: {  	v3 =	vadd.f32 v55, v3;
	v55 =	vld [tilespmem:$0x1F4D0]  }
0x26e: {  	[tilespmem:$0x1FDD0] =	vst v44;
	v44 =	vld [tilespmem:$0x21A0]  }
0x26f: {  	v0 =	vadd.f32 v13, v0;
	v13 =	vld [tilespmem:$0x20A0]  }
0x270: {  	v1 =	vadd.f32 v17, v1;
	v17 =	vld [tilespmem:$0x1F3E0]  }
0x271: {  	v2 =	vadd.f32 v26, v2;
	v26 =	vld [tilespmem:$0x20C0]  }
0x272: {  	[tilespmem:$0x1FDE0] =	vst v49;
	v49 =	vld [tilespmem:$0x21B0]  }
0x273: {  	v3 =	vadd.f32 v10, v3;
	v10 =	vld [tilespmem:$0x2140]  }
0x274: {  	v0 =	vadd.f32 v19, v0;
	v19 =	vld [tilespmem:$0x20B0]  }
0x275: {  	v1 =	vadd.f32 v23, v1;
	v23 =	vld [tilespmem:$0x1F410]  }
0x276: {  	v2 =	vadd.f32 v31, v2;
	v31 =	vld [tilespmem:$0x1F440]  }
0x277: {  	[tilespmem:$0x1FE90] =	vst v33;
	v33 =	vld [tilespmem:$0x1F760]  }
0x278: {  	v0 =	vadd.f32 v27, v0;
	v27 =	vld [tilespmem:$0x1F420]  }
0x279: {  	v1 =	vadd.f32 v29, v1;
	v29 =	vld [tilespmem:$0x20D0]  }
0x27a: {  	v2 =	vadd.f32 v38, v2;
	v38 =	vld [tilespmem:$0x20F0]  }
0x27b: {  	[tilespmem:$0x1FED0] =	vst v44;
	v44 =	vld [tilespmem:$0x21F0]  }
0x27c: {  	[tilespmem:$0x1FD70] =	vst v13;
	v13 =	vld [tilespmem:$0x1F540]  }
0x27d: {  	[tilespmem:$0x1FD90] =	vst v26;
	v26 =	vld [tilespmem:$0x2160]  }
0x27e: {  	[tilespmem:$0x1FEF0] =	vst v49;
	v49 =	vld [tilespmem:$0x2210]  }
0x27f: {  	v2 =	vadd.f32 v48, v2;
	v48 =	vld [tilespmem:$0x2090]  }
0x280: {  	v0 =	vadd.f32 v32, v0;
	v32 =	vld [tilespmem:$0x1F450]  }
0x281: {  	v1 =	vadd.f32 v36, v1;
	v36 =	vld [tilespmem:$0x1F470]  }
0x282: {  	[tilespmem:$0x1FE10] =	vst v10;
	v10 =	vld [tilespmem:$0x1F6A0]  }
0x283: {  	[tilespmem:$0x1FD80] =	vst v19;
	v19 =	vld [tilespmem:$0x2150]  }
0x284: {  	v3 =	vadd.f32 v23, v3;
	v23 =	vadd.f32 v53, v60;
	v53 =	vld [tilespmem:$0x1F630]  }
0x285: {  	v60 =	vld [tilespmem:$0x1F660]  }
0x286: {  	v0 =	vadd.f32 v41, v0;
	v41 =	vld [tilespmem:$0x1F490]  }
0x287: {  	v1 =	vadd.f32 v47, v1;
	v47 =	vld [tilespmem:$0x1F4B0]  }
0x288: {  	v2 =	vadd.f32 v8, v2;
	v8 =	vld [tilespmem:$0x1F520]  }
0x289: {  	[tilespmem:$0x1FDA0] =	vst v29;
	v29 =	vld [tilespmem:$0x2170]  }
0x28a: {  	[tilespmem:$0x1FDC0] =	vst v38;
	v38 =	vld [tilespmem:$0x2190]  }
0x28b: {  	v0 =	vadd.f32 v50, v0;
	v50 =	vld [tilespmem:$0x1F4C0]  }
0x28c: {  	v1 =	vadd.f32 v63, v1;
	v63 =	vld [tilespmem:$0x1F4E0]  }
0x28d: {  	v2 =	vadd.f32 v18, v2;
	v18 =	vld [tilespmem:$0x1F560]  }
0x28e: {  	[tilespmem:$0x1FE50] =	vst v26;
	v26 =	vld [tilespmem:$0x1F710]  }
0x28f: {  	v3 =	vadd.f32 v32, v3;
	v32 =	vld [tilespmem:$0x1F5B0]  }
0x290: {  	v0 =	vadd.f32 v9, v0;
	v9 =	vld [tilespmem:$0x1F530]  }
0x291: {  	v1 =	vadd.f32 v17, v1;
	v17 =	vld [tilespmem:$0x1F550]  }
0x292: {  	v2 =	vadd.f32 v28, v2;
	v28 =	vld [tilespmem:$0x1F590]  }
0x293: {  	[tilespmem:$0x1FE30] =	vst v19;
	v19 =	vld [tilespmem:$0x1F6E0]  }
0x294: {  	v3 =	vadd.f32 v41, v3;
	v41 =	vld [tilespmem:$0x1F5F0]  }
0x295: {  	v0 =	vadd.f32 v22, v0;
	v22 =	vld [tilespmem:$0x1F570]  }
0x296: {  	v1 =	vadd.f32 v27, v1;
	v27 =	vld [tilespmem:$0x1F580]  }
0x297: {  	v2 =	vadd.f32 v36, v2;
	v36 =	vld [tilespmem:$0x1F5D0]  }
0x298: {  	[tilespmem:$0x1FE70] =	vst v29;
	v29 =	vld [tilespmem:$0x1F740]  }
0x299: {  	[tilespmem:$0x1FEB0] =	vst v38;
	v38 =	vld [tilespmem:$0x1F780]  }
0x29a: {  	v0 =	vadd.f32 v31, v0;
	v1 =	vadd.f32 v34, v1;
	v31 =	vld [tilespmem:$0x1F5A0]  }
0x29b: {  	v34 =	vld [tilespmem:$0x1F5C0]  }
0x29c: {  	v0 =	vadd.f32 v39, v0;
	v1 =	vadd.f32 v45, v1;
	v39 =	vld [tilespmem:$0x1F5E0]  }
0x29d: {  	v45 =	vld [tilespmem:$0x1F600]  }
0x29e: {  	[tilespmem:$0x1FF50] =	vst v1;
	v1 =	vadd.f32 v47, v2;
	v47 =	vld [tilespmem:$0x1F610]  }
0x29f: {  	v0 =	vadd.f32 v50, v0;
	v50 =	vld [tilespmem:$0x1F620]  }
0x2a0: {  	v2 =	vadd.f32 v18, v17;
	v17 =	vld [tilespmem:$0x1F6C0]  }
0x2a1: {  	v18 =	vld [tilespmem:$0x1F6D0]  }
0x2a2: {  	[tilespmem:$0x1FF60] =	vst v0;
	v0 =	vadd.f32 v55, v3;
	v55 =	vld [tilespmem:$0x1F640]  }
0x2a3: {  	v3 =	vadd.f32 v32, v23;
	v32 =	vld [tilespmem:$0x21D0]  }
0x2a4: {  	v1 =	vadd.f32 v63, v1;
	v63 =	vld [tilespmem:$0x1F670]  }
0x2a5: {  	v2 =	vadd.f32 v28, v2;
	v23 =	vld [tilespmem:$0x1F700]  }
0x2a6: {  	v28 =	vld [tilespmem:$0x1F730]  }
0x2a7: {  	v0 =	vadd.f32 v7, v0;
	v2 =	vadd.f32 v36, v2;
	v36 =	vld [tilespmem:$0x1F770]  }
0x2a8: {  	[tilespmem:$0x1FF70] =	vst v1;
	v3 =	vadd.f32 v41, v3;
	v41 =	vld [tilespmem:$0x1F790]  }
0x2a9: {  	v1 =	vadd.f32 v5, v4;
	[tilespmem:$0x1FF80] =	vst v0;
	v0 =	vadd.f32 v9, v8;
	v8 =	vld [tilespmem:$0x1F680]  }
0x2aa: {  	v9 =	vld [tilespmem:$0x1F690]  }
0x2ab: {  	v1 =	vadd.f32 v13, v1;
	v13 =	vld [tilespmem:$0x1F6B0]  }
0x2ac: {  	v2 =	vadd.f32 v47, v2;
	v47 =	vld [tilespmem:$0x2200]  }
0x2ad: {  	v3 =	vadd.f32 v53, v3;
	v53 =	vld [tilespmem:$0x2230]  }
0x2ae: {  	v0 =	vadd.f32 v22, v0;
	v22 =	vld [tilespmem:$0x1F6F0]  }
0x2af: {  	v1 =	vadd.f32 v27, v1;
	v27 =	vld [tilespmem:$0x1F720]  }
0x2b0: {  	v2 =	vadd.f32 v57, v2;
	v57 =	vld [tilespmem:$0x2250]  }
0x2b1: {  	v3 =	vadd.f32 v63, v3;
	v63 =	vld [tilespmem:$0x2270]  }
0x2b2: {  	v1 =	vadd.f32 v34, v1;
	v34 =	vld [tilespmem:$0x21E0]  }
0x2b3: {  	v0 =	vadd.f32 v31, v0;
	v31 =	vld [tilespmem:$0x1F750]  }
0x2b4: {  	v2 =	vadd.f32 v9, v2;
	v9 =	vld [tilespmem:$0x2280]  }
0x2b5: {  	v3 =	vadd.f32 v13, v3;
	v13 =	vld [tilespmem:$0x1F7D0]  }
0x2b6: {  	v0 =	vadd.f32 v39, v0;
	v39 =	vld [tilespmem:$0x21C0]  }
0x2b7: {  	v1 =	vadd.f32 v45, v1;
	v45 =	vld [tilespmem:$0x1F7A0]  }
0x2b8: {  	v2 =	vadd.f32 v18, v2;
	v18 =	vld [tilespmem:$0x1F7E0]  }
0x2b9: {  	v3 =	vadd.f32 v22, v3;
	v22 =	vld [tilespmem:$0x22A0]  }
0x2ba: {  	v0 =	vadd.f32 v50, v0;
	v50 =	vld [tilespmem:$0x2220]  }
0x2bb: {  	v1 =	vadd.f32 v55, v1;
	v55 =	vld [tilespmem:$0x2240]  }
0x2bc: {  	v2 =	vadd.f32 v26, v2;
	v26 =	vld [tilespmem:$0x1F810]  }
0x2bd: {  	v3 =	vadd.f32 v28, v3;
	v28 =	vld [tilespmem:$0x1F820]  }
0x2be: {  	v0 =	vadd.f32 v60, v0;
	v60 =	vld [tilespmem:$0x2260]  }
0x2bf: {  	v1 =	vadd.f32 v8, v1;
	v8 =	vld [tilespmem:$0x1F7B0]  }
0x2c0: {  	[tilespmem:$0x1FE20] =	vst v9;
	v9 =	vld [tilespmem:$0x1F880]  }
0x2c1: {  	v2 =	vadd.f32 v31, v2;
	v31 =	vld [tilespmem:$0x22C0]  }
0x2c2: {  	v3 =	vadd.f32 v36, v3;
	v36 =	vld [tilespmem:$0x1F850]  }
0x2c3: {  	v0 =	vadd.f32 v10, v0;
	v10 =	vld [tilespmem:$0x1F7C0]  }
0x2c4: {  	v1 =	vadd.f32 v17, v1;
	v17 =	vld [tilespmem:$0x2290]  }
0x2c5: {  	[tilespmem:$0x1FE60] =	vst v22;
	v22 =	vld [tilespmem:$0x1F8D0]  }
0x2c6: {  	v2 =	vadd.f32 v41, v2;
	v41 =	vld [tilespmem:$0x1F860]  }
0x2c7: {  	v0 =	vadd.f32 v19, v0;
	v19 =	vld [tilespmem:$0x1F7F0]  }
0x2c8: {  	v1 =	vadd.f32 v23, v1;
	v23 =	vld [tilespmem:$0x1F800]  }
0x2c9: {  	v3 =	vadd.f32 v8, v3;
	v8 =	vld [tilespmem:$0x22E0]  }
0x2ca: {  	v2 =	vadd.f32 v13, v2;
	v13 =	vld [tilespmem:$0x22F0]  }
0x2cb: {  	v0 =	vadd.f32 v27, v0;
	v27 =	vld [tilespmem:$0x22B0]  }
0x2cc: {  	v1 =	vadd.f32 v29, v1;
	v29 =	vld [tilespmem:$0x1F830]  }
0x2cd: {  	[tilespmem:$0x1FE40] =	vst v17;
	v17 =	vld [tilespmem:$0x1F8A0]  }
0x2ce: {  	v2 =	vadd.f32 v26, v2;
	v26 =	vld [tilespmem:$0x1F8E0]  }
0x2cf: {  	v0 =	vadd.f32 v33, v0;
	v33 =	vld [tilespmem:$0x1F840]  }
0x2d0: {  	v1 =	vadd.f32 v38, v1;
	v38 =	vld [tilespmem:$0x22D0]  }
0x2d1: {  	v3 =	vadd.f32 v19, v3;
	v19 =	vld [tilespmem:$0x1F8C0]  }
0x2d2: {  	v2 =	vadd.f32 v36, v2;
	v36 =	vld [tilespmem:$0x1F920]  }
0x2d3: {  	v0 =	vadd.f32 v45, v0;
	v45 =	vld [tilespmem:$0x1F870]  }
0x2d4: {  	v1 =	vadd.f32 v10, v1;
	v10 =	vld [tilespmem:$0x1F890]  }
0x2d5: {  	[tilespmem:$0x1FEE0] =	vst v8;
	v8 =	vld [tilespmem:$0x1FA00]  }
0x2d6: {  	[tilespmem:$0x1FE80] =	vst v27;
	v27 =	vld [tilespmem:$0x1F8F0]  }
0x2d7: {  	v3 =	vadd.f32 v29, v3;
	v29 =	vld [tilespmem:$0x1F900]  }
0x2d8: {  	v0 =	vadd.f32 v18, v0;
	v1 =	vadd.f32 v23, v1;
	v18 =	vld [tilespmem:$0x1F8B0]  }
0x2d9: {  	[tilespmem:$0x1FEC0] =	vst v38;
	v38 =	vld [tilespmem:$0x1F930]  }
0x2da: {  	v1 =	vadd.f32 v33, v1;
	v33 =	vld [tilespmem:$0x1F910]  }
0x2db: {  	v0 =	vadd.f32 v28, v0;
	v3 =	vadd.f32 v45, v3;
	v45 =	vld [tilespmem:$0x2310]  }
0x2dc: {  	v2 =	vadd.f32 v10, v2;
	v10 =	vld [tilespmem:$0x1F970]  }
0x2dd: {  	v0 =	vadd.f32 v41, v0;
	v41 =	vld [tilespmem:$0x1F940]  }
0x2de: {  	v1 =	vadd.f32 v9, v1;
	v9 =	vld [tilespmem:$0x1F960]  }
0x2df: {  	v12 =	vadd.f32 v11, v12;
	v3 =	vadd.f32 v18, v3;
	v18 =	vld [tilespmem:$0x2320]  }
0x2e0: {  	v23 =	vadd.f32 v22, v2;
	v22 =	vld [tilespmem:$0x2340]  }
0x2e1: {  	v2 =	vadd.f32 v25, v12;
	v25 =	vld [tilespmem:$0x1FA50]  }
0x2e2: {  	v12 =	vld [tilespmem:$0x1FB40]  }
0x2e3: {  	v0 =	vadd.f32 v17, v0;
	v17 =	vld [tilespmem:$0x2300]  }
0x2e4: {  	v4 =	vadd.f32 v19, v1;
	v19 =	vld [tilespmem:$0x2330]  }
0x2e5: {  	v5 =	vadd.f32 v33, v23;
	v23 =	vld [tilespmem:$0x2350]  }
0x2e6: {  	v33 =	vld [tilespmem:$0x1F990]  }
0x2e7: {  	v28 =	vadd.f32 v27, v3;
	v27 =	vld [tilespmem:$0x2370]  }
0x2e8: {  	v2 =	vadd.f32 v42, v2;
	v42 =	vld [tilespmem:$0x2410]  }
0x2e9: {  	v3 =	vld [tilespmem:$0x2440]  }
0x2ea: {  	[tilespmem:$0x1FEA0] =	vst v31;
	v31 =	vadd.f32 v29, v4;
	v4 =	vld [tilespmem:$0x1F950]  }
0x2eb: {  	v0 =	vadd.f32 v26, v0;
	v26 =	vld [tilespmem:$0x2360]  }
0x2ec: {  	v29 =	vld [tilespmem:$0x2380]  }
0x2ed: {  	[tilespmem:$0x1FE00] =	vst v6;
	v6 =	vadd.f32 v38, v28;
	v38 =	vld [tilespmem:$0x1F9A0]  }
0x2ee: {  	v28 =	vadd.f32 v62, v58;
	v62 =	vld [tilespmem:$0x23E0]  }
0x2ef: {  	v58 =	vld [tilespmem:$0x1FA60]  }
0x2f0: {  	v2 =	vadd.f32 v35, v2;
	v35 =	vld [tilespmem:$0x2450]  }
0x2f1: {  	v7 =	vadd.f32 v41, v31;
	v31 =	vld [tilespmem:$0x1F980]  }
0x2f2: {  	v41 =	vld [tilespmem:$0x1F9B0]  }
0x2f3: {  	[tilespmem:$0x1FF00] =	vst v13;
	v13 =	vadd.f32 v10, v6;
	v6 =	vld [tilespmem:$0x1F9E0]  }
0x2f4: {  	v0 =	vadd.f32 v36, v0;
	v10 =	vld [tilespmem:$0x1FA20]  }
0x2f5: {  	v17 =	vadd.f32 v45, v17;
	v45 =	vld [tilespmem:$0x1FD80]  }
0x2f6: {  	v0 =	vadd.f32 v9, v0;
	v9 =	vld [tilespmem:$0x1FA10]  }
0x2f7: {  	v5 =	vadd.f32 v4, v5;
	v4 =	vld [tilespmem:$0x1F9C0]  }
0x2f8: {  	v17 =	vadd.f32 v18, v17;
	v18 =	vld [tilespmem:$0x2650]  }
0x2f9: {  	v0 =	vadd.f32 v38, v0;
	v38 =	vld [tilespmem:$0x23C0]  }
0x2fa: {  	v3 =	vadd.f32 v35, v3;
	v35 =	vld [tilespmem:$0x1FD90]  }
0x2fb: {  	v36 =	vadd.f32 v33, v5;
	v5 =	vld [tilespmem:$0x1F9D0]  }
0x2fc: {  	v1 =	vadd.f32 v31, v7;
	v31 =	vld [tilespmem:$0x2390]  }
0x2fd: {  	v7 =	vld [tilespmem:$0x1F9F0]  }
0x2fe: {  	v33 =	vld [tilespmem:$0x23A0]  }
0x2ff: {  	[tilespmem:$0x1FFA0] =	vst v0;
	v0 =	vadd.f32 v41, v13;
	v13 =	vld [tilespmem:$0x1FA30]  }
0x300: {  	v41 =	vld [tilespmem:$0x23D0]  }
0x301: {  	[tilespmem:$0x1FF90] =	vst v1;
	v1 =	vadd.f32 v4, v36;
	v36 =	vld [tilespmem:$0x23B0]  }
0x302: {  	v4 =	vld [tilespmem:$0x2460]  }
0x303: {  	[tilespmem:$0x1FFB0] =	vst v1;
	v1 =	vadd.f32 v6, v5;
	v6 =	vld [tilespmem:$0x1FA70]  }
0x304: {  	v0 =	vadd.f32 v7, v0;
	v7 =	vld [tilespmem:$0x1FA80]  }
0x305: {  	v5 =	vld [tilespmem:$0x2480]  }
0x306: {  	[tilespmem:$0x1FFC0] =	vst v0;
	v0 =	vadd.f32 v9, v8;
	v1 =	vadd.f32 v10, v1;
	v8 =	vld [tilespmem:$0x1FA90]  }
0x307: {  	v9 =	vld [tilespmem:$0x1FAA0]  }
0x308: {  	v10 =	vld [tilespmem:$0x1FAB0];
	v1 =	vadd.f32 v15, v1  }
0x309: {  	v0 =	vadd.f32 v13, v0;
	v13 =	vld [tilespmem:$0x1FAC0]  }
0x30a: {  	v1 =	vadd.f32 v58, v1;
	v58 =	vld [tilespmem:$0x23F0]  }
0x30b: {  	v0 =	vadd.f32 v25, v0;
	v25 =	vadd.f32 v52, v28;
	v52 =	vld [tilespmem:$0x2400]  }
0x30c: {  	v28 =	vld [tilespmem:$0x1FAE0]  }
0x30d: {  	v2 =	vadd.f32 v9, v2;
	v9 =	vld [tilespmem:$0x1FB10]  }
0x30e: {  	v30 =	vadd.f32 v30, v25;
	v25 =	vld [tilespmem:$0x2420]  }
0x30f: {  	v0 =	vadd.f32 v6, v0;
	v6 =	vld [tilespmem:$0x2490]  }
0x310: {  	v1 =	vadd.f32 v7, v1;
	v7 =	vld [tilespmem:$0x24A0]  }
0x311: {  	v0 =	vadd.f32 v43, v0;
	v43 =	vld [tilespmem:$0x2430]  }
0x312: {  	v11 =	vadd.f32 v20, v30;
	v20 =	vld [tilespmem:$0x1FAD0]  }
0x313: {  	v30 =	vld [tilespmem:$0x1FAF0]  }
0x314: {  	v1 =	vadd.f32 v8, v1;
	v8 =	vld [tilespmem:$0x1FB00]  }
0x315: {  	v0 =	vadd.f32 v10, v0;
	v10 =	vld [tilespmem:$0x1FB20]  }
0x316: {  	v15 =	vadd.f32 v21, v11;
	v11 =	vld [tilespmem:$0x1FB30]  }
0x317: {  	v1 =	vadd.f32 v13, v1;
	v13 =	vld [tilespmem:$0x1FB50]  }
0x318: {  	v21 =	vld [tilespmem:$0x1FB70]  }
0x319: {  	v0 =	vadd.f32 v28, v0;
	v28 =	vld [tilespmem:$0x2470]  }
0x31a: {  	v15 =	vadd.f32 v24, v15;
	v24 =	vld [tilespmem:$0x1FB80]  }
0x31b: {  	v2 =	vadd.f32 v20, v2;
	v20 =	vld [tilespmem:$0x1FB60]  }
0x31c: {  	v1 =	vadd.f32 v30, v1;
	v30 =	vld [tilespmem:$0x1FB90]  }
0x31d: {  	v15 =	vadd.f32 v37, v15;
	v37 =	vld [tilespmem:$0x24B0]  }
0x31e: {  	v0 =	vadd.f32 v9, v0;
	v9 =	vld [tilespmem:$0x24D0]  }
0x31f: {  	v2 =	vadd.f32 v8, v2;
	v8 =	vld [tilespmem:$0x24C0]  }
0x320: {  	v1 =	vadd.f32 v10, v1;
	v10 =	vld [tilespmem:$0x24E0]  }
0x321: {  	v15 =	vadd.f32 v40, v15;
	v40 =	vld [tilespmem:$0x1FBA0]  }
0x322: {  	v0 =	vadd.f32 v12, v0;
	v12 =	vld [tilespmem:$0x1FBB0]  }
0x323: {  	v1 =	vadd.f32 v13, v1;
	v13 =	vld [tilespmem:$0x1FBC0];
	v15 =	vadd.f32 v61, v15  }
0x324: {  	v2 =	vadd.f32 v11, v2;
	v11 =	vld [tilespmem:$0x24F0];
	v0 =	vadd.f32 v21, v0  }
0x325: {  	v21 =	vld [tilespmem:$0x1FBE0];
	v15 =	vadd.f32 v59, v15  }
0x326: {  	v61 =	vld [tilespmem:$0x1FC40];
	v2 =	vadd.f32 v20, v2;
	v0 =	vadd.f32 v40, v0  }
0x327: {  	v40 =	vld [tilespmem:$0x1FC10];
	v15 =	vadd.f32 v56, v15  }
0x328: {  	v20 =	vld [tilespmem:$0x1FBD0];
	v2 =	vadd.f32 v30, v2;
	v0 =	vadd.f32 v16, v0  }
0x329: {  	v1 =	vadd.f32 v24, v1;
	v30 =	vld [tilespmem:$0x1FC00];
	v15 =	vadd.f32 v54, v15  }
0x32a: {  	v24 =	vld [tilespmem:$0x1FBF0];
	v2 =	vadd.f32 v13, v2;
	v0 =	vadd.f32 v14, v0  }
0x32b: {  	v1 =	vadd.f32 v12, v1;
	v15 =	vadd.f32 v51, v15;
	v51 =	vld [tilespmem:$0x1FC70]  }
0x32c: {  	v56 =	vld [tilespmem:$0x1FC20];
	v2 =	vadd.f32 v21, v2;
	v0 =	vadd.f32 v40, v0  }
0x32d: {  	v59 =	vld [tilespmem:$0x1FC30];
	v1 =	vadd.f32 v20, v1  }
0x32e: {  	v2 =	vadd.f32 v30, v2;
	v30 =	vld [tilespmem:$0x1FC50];
	v0 =	vadd.f32 v61, v0  }
0x32f: {  	v3 =	vadd.f32 v4, v3;
	v1 =	vadd.f32 v24, v1;
	v40 =	vld [tilespmem:$0x1FC60]  }
0x330: {  	v20 =	vadd.f32 v51, v0;
	v51 =	vld [tilespmem:$0x1FCB0]  }
0x331: {  	v3 =	vadd.f32 v28, v3;
	v28 =	vld [tilespmem:$0x2660];
	v1 =	vadd.f32 v56, v1  }
0x332: {  	v56 =	vadd.f32 v46, v15;
	v46 =	vld [tilespmem:$0x1FCA0];
	v2 =	vadd.f32 v59, v2  }
0x333: {  	v61 =	vld [tilespmem:$0x1FC80]  }
0x334: {  	v2 =	vadd.f32 v40, v2;
	v40 =	vld [tilespmem:$0x1FC90]  }
0x335: {  	v1 =	vadd.f32 v30, v1;
	v30 =	vadd.f32 v51, v56;
	v56 =	vld [tilespmem:$0x1FCC0]  }
0x336: {  	v3 =	vadd.f32 v5, v3;
	v51 =	vld [tilespmem:$0x1FCE0]  }
0x337: {  	v12 =	vld [tilespmem:$0x2500]  }
0x338: {  	v3 =	vadd.f32 v6, v3;
	v6 =	vld [tilespmem:$0x27C0];
	v1 =	vadd.f32 v61, v1  }
0x339: {  	v13 =	vld [tilespmem:$0x2510];
	v2 =	vadd.f32 v40, v2;
	v40 =	vadd.f32 v46, v20  }
0x33a: {  	v1 =	vadd.f32 v56, v1;
	v56 =	vld [tilespmem:$0x1FCF0]  }
0x33b: {  	v40 =	vadd.f32 v51, v40;
	v51 =	vld [tilespmem:$0x1FD00]  }
0x33c: {  	v16 =	vld [tilespmem:$0x2530]  }
0x33d: {  	v3 =	vadd.f32 v7, v3;
	v54 =	vld [tilespmem:$0x2570]  }
0x33e: {  	v61 =	vld [tilespmem:$0x1FCD0]  }
0x33f: {  	v14 =	vld [tilespmem:$0x2520];
	v3 =	vadd.f32 v37, v3  }
0x340: {  	v46 =	vadd.f32 v56, v30;
	v30 =	vadd.f32 v51, v1;
	v51 =	vld [tilespmem:$0x1FD10]  }
0x341: {  	v21 =	vld [tilespmem:$0x2550];
	v3 =	vadd.f32 v8, v3  }
0x342: {  	v37 =	vld [tilespmem:$0x2700]  }
0x343: {  	v24 =	vld [tilespmem:$0x2540];
	v3 =	vadd.f32 v9, v3;
	v2 =	vadd.f32 v61, v2  }
0x344: {  	v8 =	vld [tilespmem:$0x1FE60]  }
0x345: {  	v3 =	vadd.f32 v10, v3;
	v1 =	vadd.f32 v51, v2;
	v2 =	vld [tilespmem:$0x1FD20]  }
0x346: {  	v15 =	vld [tilespmem:$0x2580]  }
0x347: {  	v59 =	vld [tilespmem:$0x2560];
	v3 =	vadd.f32 v11, v3  }
0x348: {  	v9 =	vld [tilespmem:$0x1FE70]  }
0x349: {  	v0 =	vld [tilespmem:$0x2590];
	v3 =	vadd.f32 v12, v3  }
0x34a: {  	v2 =	vadd.f32 v2, v40;
	v40 =	vld [tilespmem:$0x1FD30]  }
0x34b: {  	v10 =	vld [tilespmem:$0x27A0];
	v3 =	vadd.f32 v13, v3  }
0x34c: {  	v11 =	vld [tilespmem:$0x2760]  }
0x34d: {  	v12 =	vld [tilespmem:$0x2780];
	v3 =	vadd.f32 v14, v3  }
0x34e: {  	v20 =	vld [tilespmem:$0x25A0]  }
0x34f: {  	v3 =	vadd.f32 v16, v3;
	[tilespmem:$0x1FFD0] =	vst v2;
	v2 =	vadd.f32 v40, v46;
	v40 =	vld [tilespmem:$0x1FD40]  }
0x350: {  	v61 =	vld [tilespmem:$0x25B0]  }
0x351: {  	v0 =	vadd.f32 v0, v15;
	v13 =	vld [tilespmem:$0x1FE80];
	v3 =	vadd.f32 v24, v3  }
0x352: {  	v14 =	vld [tilespmem:$0x1FE90]  }
0x353: {  	v0 =	vadd.f32 v20, v0;
	v3 =	vadd.f32 v21, v3;
	v56 =	vld [tilespmem:$0x25C0]  }
0x354: {  	v1 =	vadd.f32 v40, v1;
	v40 =	vld [tilespmem:$0x1FD50]  }
0x355: {  	v0 =	vadd.f32 v61, v0;
	v61 =	vld [tilespmem:$0x1FF40];
	v3 =	vadd.f32 v59, v3  }
0x356: {  	v51 =	vld [tilespmem:$0x25D0]  }
0x357: {  	v3 =	vadd.f32 v54, v3;
	v54 =	vld [tilespmem:$0x28B0]  }
0x358: {  	v46 =	vld [tilespmem:$0x25E0]  }
0x359: {  	v0 =	vadd.f32 v56, v0;
	[tilespmem:$0x1FFE0] =	vst v1;
	v1 =	vadd.f32 v48, v40;
	v40 =	vld [tilespmem:$0x1FD60]  }
0x35a: {  	v48 =	vld [tilespmem:$0x25F0]  }
0x35b: {  	v56 =	vld [tilespmem:$0x29F0];
	v0 =	vadd.f32 v51, v0  }
0x35c: {  	v51 =	vld [tilespmem:$0x29D0]  }
0x35d: {  	v0 =	vadd.f32 v46, v0;
	v46 =	vld [tilespmem:$0x29B0]  }
0x35e: {  	v2 =	vadd.f32 v40, v2;
	v40 =	vld [tilespmem:$0x2600]  }
0x35f: {  	v0 =	vadd.f32 v48, v0;
	v48 =	vld [tilespmem:$0x29C0]  }
0x360: {  	[tilespmem:$0x1FFF0] =	vst v2;
	v2 =	vadd.f32 v32, v39;
	v39 =	vld [tilespmem:$0x1FD70]  }
0x361: {  	v32 =	vld [tilespmem:$0x2620]  }
0x362: {  	v2 =	vadd.f32 v34, v2;
	v34 =	vld [tilespmem:$0x2640]  }
0x363: {  	v0 =	vadd.f32 v40, v0;
	v40 =	vld [tilespmem:$0x1FFA0]  }
0x364: {  	v2 =	vadd.f32 v44, v2;
	v44 =	vadd.f32 v19, v17;
	v19 =	vld [tilespmem:$0x1FDB0]  }
0x365: {  	v17 =	vld [tilespmem:$0x26A0]  }
0x366: {  	v1 =	vadd.f32 v39, v1;
	v39 =	vld [tilespmem:$0x2610]  }
0x367: {  	v2 =	vadd.f32 v47, v2;
	v47 =	vld [tilespmem:$0x1FDA0]  }
0x368: {  	v4 =	vadd.f32 v22, v44;
	v44 =	vld [tilespmem:$0x2670]  }
0x369: {  	v22 =	vld [tilespmem:$0x2680]  }
0x36a: {  	v1 =	vadd.f32 v45, v1;
	v45 =	vld [tilespmem:$0x2630]  }
0x36b: {  	v4 =	vadd.f32 v23, v4;
	v23 =	vld [tilespmem:$0x1FDC0]  }
0x36c: {  	v2 =	vadd.f32 v49, v2;
	v49 =	vld [tilespmem:$0x1FDF0]  }
0x36d: {  	v1 =	vadd.f32 v35, v1;
	v35 =	vld [tilespmem:$0x2690]  }
0x36e: {  	v4 =	vadd.f32 v26, v4;
	v26 =	vld [tilespmem:$0x1FDD0]  }
0x36f: {  	v2 =	vadd.f32 v50, v2;
	v50 =	vld [tilespmem:$0x1FE00]  }
0x370: {  	v0 =	vadd.f32 v39, v0;
	v39 =	vld [tilespmem:$0x2A30]  }
0x371: {  	v1 =	vadd.f32 v47, v1;
	v47 =	vld [tilespmem:$0x1FDE0]  }
0x372: {  	v4 =	vadd.f32 v27, v4;
	v27 =	vld [tilespmem:$0x26E0]  }
0x373: {  	v2 =	vadd.f32 v53, v2;
	v53 =	vld [tilespmem:$0x1FE10]  }
0x374: {  	v0 =	vadd.f32 v32, v0;
	v32 =	vld [tilespmem:$0x28E0]  }
0x375: {  	v1 =	vadd.f32 v19, v1;
	v19 =	vld [tilespmem:$0x26B0]  }
0x376: {  	v4 =	vadd.f32 v29, v4;
	v29 =	vld [tilespmem:$0x26F0]  }
0x377: {  	v2 =	vadd.f32 v55, v2;
	v55 =	vld [tilespmem:$0x1FE20]  }
0x378: {  	v0 =	vadd.f32 v45, v0;
	v45 =	vld [tilespmem:$0x1FFC0]  }
0x379: {  	v1 =	vadd.f32 v23, v1;
	v23 =	vld [tilespmem:$0x26C0]  }
0x37a: {  	v4 =	vadd.f32 v31, v4;
	v31 =	vld [tilespmem:$0x2710]  }
0x37b: {  	v2 =	vadd.f32 v57, v2;
	v57 =	vld [tilespmem:$0x1FE30]  }
0x37c: {  	v0 =	vadd.f32 v34, v0;
	v34 =	vld [tilespmem:$0x2A20]  }
0x37d: {  	v1 =	vadd.f32 v26, v1;
	v26 =	vld [tilespmem:$0x26D0]  }
0x37e: {  	v4 =	vadd.f32 v33, v4;
	v33 =	vld [tilespmem:$0x2730]  }
0x37f: {  	v2 =	vadd.f32 v60, v2;
	v60 =	vld [tilespmem:$0x1FE40]  }
0x380: {  	v1 =	vadd.f32 v47, v1;
	v47 =	vld [tilespmem:$0x2720]  }
0x381: {  	v4 =	vadd.f32 v36, v4;
	v36 =	vld [tilespmem:$0x2750]  }
0x382: {  	v0 =	vadd.f32 v18, v0;
	v2 =	vadd.f32 v63, v2;
	v63 =	vld [tilespmem:$0x1FE50]  }
0x383: {  	v1 =	vadd.f32 v49, v1;
	v49 =	vld [tilespmem:$0x2740]  }
0x384: {  	v0 =	vadd.f32 v28, v0;
	v4 =	vadd.f32 v38, v4;
	v38 =	vld [tilespmem:$0x2770]  }
0x385: {  	v2 =	vadd.f32 v55, v2;
	v55 =	vld [tilespmem:$0x1FEB0]  }
0x386: {  	v0 =	vadd.f32 v44, v0;
	v44 =	vld [tilespmem:$0x2A40]  }
0x387: {  	v1 =	vadd.f32 v50, v1;
	v4 =	vadd.f32 v41, v4;
	v41 =	vld [tilespmem:$0x2790]  }
0x388: {  	v23 =	vadd.f32 v26, v23;
	v2 =	vadd.f32 v60, v2;
	v60 =	vld [tilespmem:$0x2810]  }
0x389: {  	v1 =	vadd.f32 v53, v1;
	v53 =	vld [tilespmem:$0x1FEA0]  }
0x38a: {  	v59 =	vadd.f32 v27, v23;
	v2 =	vadd.f32 v8, v2;
	v8 =	vld [tilespmem:$0x27B0]  }
0x38b: {  	v4 =	vadd.f32 v62, v4;
	v62 =	vld [tilespmem:$0x1FEE0]  }
0x38c: {  	v20 =	vadd.f32 v29, v59;
	v29 =	vld [tilespmem:$0x2990]  }
0x38d: {  	v59 =	vld [tilespmem:$0x1FF30]  }
0x38e: {  	v1 =	vadd.f32 v57, v1;
	v57 =	vld [tilespmem:$0x1FEC0]  }
0x38f: {  	v5 =	vadd.f32 v13, v2;
	v2 =	vld [tilespmem:$0x27D0]  }
0x390: {  	v13 =	vld [tilespmem:$0x2800]  }
0x391: {  	v4 =	vadd.f32 v58, v4;
	v58 =	vld [tilespmem:$0x1FED0]  }
0x392: {  	v20 =	vadd.f32 v37, v20;
	v37 =	vld [tilespmem:$0x2860];
	v1 =	vadd.f32 v63, v1  }
0x393: {  	v63 =	vld [tilespmem:$0x2940]  }
0x394: {  	v4 =	vadd.f32 v52, v4;
	v52 =	vld [tilespmem:$0x1FF00];
	v1 =	vadd.f32 v9, v1  }
0x395: {  	v5 =	vadd.f32 v53, v5;
	v53 =	vld [tilespmem:$0x2820]  }
0x396: {  	v20 =	vadd.f32 v31, v20;
	v31 =	vld [tilespmem:$0x1FF60];
	v50 =	vadd.f32 v14, v1  }
0x397: {  	v9 =	vld [tilespmem:$0x27F0]  }
0x398: {  	v7 =	vadd.f32 v55, v50;
	v50 =	vld [tilespmem:$0x2950]  }
0x399: {  	v4 =	vadd.f32 v42, v4;
	v42 =	vld [tilespmem:$0x1FEF0]  }
0x39a: {  	v55 =	vld [tilespmem:$0x2960]  }
0x39b: {  	v5 =	vadd.f32 v57, v5;
	v57 =	vld [tilespmem:$0x2830]  }
0x39c: {  	v13 =	vadd.f32 v60, v13;
	v7 =	vadd.f32 v58, v7;
	v58 =	vld [tilespmem:$0x2970]  }
0x39d: {  	v60 =	vld [tilespmem:$0x2840];
	v16 =	vadd.f32 v50, v63  }
0x39e: {  	v5 =	vadd.f32 v62, v5;
	v62 =	vld [tilespmem:$0x2980];
	v13 =	vadd.f32 v53, v13  }
0x39f: {  	v63 =	vld [tilespmem:$0x2850];
	v15 =	vadd.f32 v55, v16  }
0x3a0: {  	v20 =	vadd.f32 v47, v20;
	v47 =	vld [tilespmem:$0x2880];
	v13 =	vadd.f32 v57, v13  }
0x3a1: {  	v1 =	vld [tilespmem:$0x27E0];
	v4 =	vadd.f32 v25, v4;
	v14 =	vadd.f32 v58, v15  }
0x3a2: {  	v7 =	vadd.f32 v42, v7;
	v13 =	vadd.f32 v60, v13;
	v42 =	vld [tilespmem:$0x29A0]  }
0x3a3: {  	v4 =	vadd.f32 v43, v4;
	v43 =	vld [tilespmem:$0x2870];
	v14 =	vadd.f32 v62, v14  }
0x3a4: {  	v20 =	vadd.f32 v33, v20;
	v33 =	vld [tilespmem:$0x1FF70];
	v13 =	vadd.f32 v63, v13  }
0x3a5: {  	v0 =	vadd.f32 v22, v0;
	v53 =	vld [tilespmem:$0x29E0];
	v14 =	vadd.f32 v29, v14  }
0x3a6: {  	v5 =	vadd.f32 v52, v5;
	v52 =	vld [tilespmem:$0x28A0];
	v13 =	vadd.f32 v37, v13  }
0x3a7: {  	v0 =	vadd.f32 v35, v0;
	v50 =	vld [tilespmem:$0x2890];
	v14 =	vadd.f32 v42, v14  }
0x3a8: {  	v20 =	vadd.f32 v49, v20;
	v49 =	vld [tilespmem:$0x2A50];
	v13 =	vadd.f32 v43, v13  }
0x3a9: {  	v0 =	vadd.f32 v17, v0;
	v57 =	vld [tilespmem:$0x1FF20];
	v14 =	vadd.f32 v46, v14  }
0x3aa: {  	v20 =	vadd.f32 v36, v20;
	v36 =	vld [tilespmem:$0x1FF80];
	v13 =	vadd.f32 v47, v13  }
0x3ab: {  	v0 =	vadd.f32 v19, v0;
	v60 =	vld [tilespmem:$0x2A00];
	v14 =	vadd.f32 v48, v14  }
0x3ac: {  	v3 =	vmul.f32 $5.000000070e-02, v3;
	v11 =	vadd.f32 v11, v20;
	v55 =	vld [tilespmem:$0x1FF10];
	v13 =	vadd.f32 v50, v13  }
0x3ad: {  	v0 =	vmul.f32 $5.000000070e-02, v0;
	v58 =	vld [tilespmem:$0x28C0];
	v14 =	vadd.f32 v51, v14  }
0x3ae: {  	[tilespmem:$0x2C30] =	vst v3;
	v5 =	vmul.f32 $5.000000070e-02, v5;
	v11 =	vadd.f32 v38, v11;
	v38 =	vld [tilespmem:$0x1FF90];
	v13 =	vadd.f32 v52, v13  }
0x3af: {  	[tilespmem:$0x2C40] =	vst v0;
	v4 =	vmul.f32 $5.000000070e-02, v4;
	v62 =	vld [tilespmem:$0x28D0];
	v14 =	vadd.f32 v53, v14  }
0x3b0: {  	v18 =	vmul.f32 $5.000000070e-02, v33;
	[tilespmem:$0x2C10] =	vst v5;
	v11 =	vadd.f32 v12, v11;
	v29 =	vld [tilespmem:$0x2A10];
	v13 =	vadd.f32 v54, v13  }
0x3b1: {  	[tilespmem:$0x2C20] =	vst v4;
	v20 =	vmul.f32 $5.000000070e-02, v57;
	v57 =	vld [tilespmem:$0x2930];
	v14 =	vadd.f32 v56, v14  }
0x3b2: {  	[tilespmem:$0x2B60] =	vst v18;
	v7 =	vmul.f32 $5.000000070e-02, v7;
	v63 =	vld [tilespmem:$0x1FF50];
	v11 =	vadd.f32 v41, v11;
	v13 =	vadd.f32 v58, v13  }
0x3b3: {  	[tilespmem:$0x2B10] =	vst v20;
	v20 =	vmul.f32 $5.000000070e-02, v61;
	v12 =	vmul.f32 $5.000000070e-02, v31;
	v37 =	vld [tilespmem:$0x28F0];
	v14 =	vadd.f32 v60, v14  }
0x3b4: {  	[tilespmem:$0x2C00] =	vst v7;
	v25 =	vmul.f32 $5.000000070e-02, v55;
	v55 =	vld [tilespmem:$0x1FFF0];
	v10 =	vadd.f32 v10, v11;
	v13 =	vadd.f32 v62, v13  }
0x3b5: {  	[tilespmem:$0x2B50] =	vst v12;
	v12 =	vmul.f32 $5.000000070e-02, v36;
	v42 =	vld [tilespmem:$0x2900];
	v41 =	vadd.f32 v29, v14  }
0x3b6: {  	[tilespmem:$0x2B30] =	vst v20;
	v43 =	vld [tilespmem:$0x1FFB0];
	v8 =	vadd.f32 v8, v10;
	v13 =	vadd.f32 v32, v13  }
0x3b7: {  	v18 =	vmul.f32 $5.000000070e-02, v38;
	[tilespmem:$0x2B70] =	vst v12;
	v47 =	vld [tilespmem:$0x2910];
	v46 =	vadd.f32 v34, v41  }
0x3b8: {  	v11 =	vmul.f32 $5.000000070e-02, v40;
	[tilespmem:$0x2B00] =	vst v25;
	v6 =	vadd.f32 v6, v8;
	v50 =	vld [tilespmem:$0x1FFD0];
	v13 =	vadd.f32 v37, v13  }
0x3b9: {  	v25 =	vmul.f32 $5.000000070e-02, v59;
	[tilespmem:$0x2B80] =	vst v18;
	v52 =	vld [tilespmem:$0x2920];
	v51 =	vadd.f32 v39, v46  }
0x3ba: {  	[tilespmem:$0x2B90] =	vst v11;
	v10 =	vmul.f32 $5.000000070e-02, v45;
	v2 =	vadd.f32 v2, v6;
	v54 =	vld [tilespmem:$0x2A60];
	v13 =	vadd.f32 v42, v13  }
0x3bb: {  	[tilespmem:$0x2B20] =	vst v25;
	v25 =	vmul.f32 $5.000000070e-02, v63;
	v53 =	vld [tilespmem:$0x1FFE0];
	v56 =	vadd.f32 v44, v51  }
0x3bc: {  	[tilespmem:$0x2BB0] =	vst v10;
	v15 =	vmul.f32 $5.000000070e-02, v43;
	v1 =	vadd.f32 v1, v2;
	v58 =	vld [tilespmem:$0x2A70];
	v12 =	vadd.f32 v47, v13  }
0x3bd: {  	[tilespmem:$0x2B40] =	vst v25;
	v48 =	vmul.f32 $5.000000070e-02, v30;
	v59 =	vadd.f32 v49, v56  }
0x3be: {  	v6 =	vmul.f32 $5.000000070e-02, v55;
	[tilespmem:$0x2BA0] =	vst v15;
	v1 =	vadd.f32 v9, v1;
	v60 =	vadd.f32 v52, v12  }
0x3bf: {  	[tilespmem:$0x2BC0] =	vst v48;
	v8 =	vmul.f32 $5.000000070e-02, v50;
	v2 =	vadd.f32 v54, v59  }
0x3c0: {  	[tilespmem:$0x2BF0] =	vst v6;
	v1 =	vmul.f32 $5.000000070e-02, v1;
	v61 =	vadd.f32 v57, v60  }
0x3c1: {  	[tilespmem:$0x2BD0] =	vst v8;
	v15 =	vmul.f32 $5.000000070e-02, v53;
	v2 =	vadd.f32 v58, v2  }
0x3c2: {  	[tilespmem:$0x2C50] =	vst v1;
	v62 =	vmul.f32 $5.000000070e-02, v61  }
0x3c3: {  	[tilespmem:$0x2BE0] =	vst v15;
	v63 =	vmul.f32 $5.000000070e-02, v2  }
0x3c4: {  	p0 =	sne.s32 s6, $0x1;
	[tilespmem:$0x2C60] =	vst v62  }
.Ltmp0:
0x3c5: {  	[tilespmem:$0x2C70] =	vst v63;
	(pc) =	sbr.rel @p0 .LBB2_1-.Ltmp0, $4  }
0x3c6: {  	[hbm4b:s5+s2] =	stream.linear.scatter [tilespmem:s10], [sflag:$0x2], $0x200, $0x38;
	[tilespmem:$0x2C80] =	vst v63  }
0x3c7: {  	_ =	swait.ge [sflag:s7], $0x200  }
0x3c8: {  	[sflag:s7] =	ssyncset.done $0x0  }
0x3c9: {  	s6 =	sadd.s32 $0xFFFFFFFF, s6;
	[sflag:s7] =	ssyncadd.s32 $0xFFFFFE00  }
0x3ca: {  	_ =	sfence.sel $0x180000  }
0x3cb: {  	[bflag:$0x0] =	sbarrier.arrive $0xFFFF  }
0x3cc: {  	p0 =	sne.s32 s0, $0x0;
	_ =	strace $0x90000047  }
0x3cd: {  	s0 =	sadd.s32 @!p0 $0x100000, s1;
	[bflag:$0x2] =	sbarrier.arrive $0xFFFF  }
0x3ce: {  	[sflag:s0] =	ssyncadd.tile.s32 @!p0 $0x1;
	_ =	shalt  }
.Lfunc_end2:
_tile_overlayer_lowered:
.L_overlay_start_2:
0x3cf: {  	(tag) =	ssettag $0x2  }
0x3d0: {  	s0 =	rddreg [dreg:$0x0];
	s2 =	stileid.u32  }
0x3d1: {  	s1 =	rddreg [dreg:$0x1];
	p0 =	sne.s32 s2, $0x0  }
0x3d2: {  	s3 =	rddreg [dreg:$0x2];
	[bflag:$0x3] =	sbarrier.arrive $0xFFFF;
	s2 =	simm.s32 @!p0 $0x1C02  }
0x3d3: {  	[timem:s3], [sflag:s2] =	dma.local @!p0 [hbm:s0], s1  }
0x3d4: {  	s0 =	simm.s32 @!p0 $0x2  }
0x3d5: {  	_ =	swait.ge @!p0 [sflag:s0], s1  }
0x3d6: {  	s1 =	ssub.s32 @!p0 $0x0, s1;
	[sflag:s0] =	ssyncset.done @!p0 $0x0  }
0x3d7: {  	[sflag:s0] =	ssyncadd.s32 @!p0 s1  }
0x3d8: {  	[bflag:$0x3] =	sbarrier.arrive $0xFFFF  }
0x3d9: {  	_ =	shalt  }

</sc_bundles>
